<compile_context>
chip_gen: v7x
topology: tpu7x:2x2x1
jax: 0.10.2.dev20260603
libtpu: 0.0.44.dev20260713+nightly
codegen_flags: <defaults>
</compile_context>

<pallas_src>
import jax
import jax.numpy as jnp
from jax import lax
from jax.experimental import pallas as pl
from jax.experimental.pallas import tpu as pltpu
from jax.experimental.pallas import tpu_sc as plsc

KNN_K = 16
NQ = 4096
NP = 50000
EMBED = 64
OUTC = 6 + EMBED + 3 + 3

NC = 2
NS = 16
NW = NC * NS
QPW = NQ // NW
CHUNK = 2000
NCH = NP // CHUNK
VPC = CHUNK // 16
QG = 4
NGRP = QPW // QG
BQ = 32
NBC = QPW // BQ
BROWS = BQ * KNN_K

_INF = float("inf")

_GDN = lax.GatherDimensionNumbers(
    offset_dims=(), collapsed_slice_dims=(0,), start_index_map=(0,))


def _permute(v, idx):
    return lax.gather(v, idx[:, None], dimension_numbers=_GDN,
                      slice_sizes=(1,),
                      mode=lax.GatherScatterMode.PROMISE_IN_BOUNDS)


def _lane_min_scalar(v):
    ln = jnp.arange(16, dtype=jnp.int32)
    for s in (8, 4, 2, 1):
        v = jnp.minimum(v, _permute(v, ln ^ s))
    return v[0]


def _rnd_bf16(v):
    t = v * jnp.float32(65537.0)
    return t - (t - v)


def _merge(tk, ti, dv, cbase):
    ln = jnp.arange(16, dtype=jnp.int32)
    lm1 = jnp.maximum(ln - 1, 0)
    lane0 = ln == 0
    for l in range(16):
        dl = dv[l]
        dlb = jnp.full((16,), dl)
        ilb = jnp.full((16,), cbase + l, jnp.int32)
        tksh = jnp.where(lane0, -_INF, _permute(tk, lm1))
        tish = _permute(ti, lm1)
        c = tk <= dlb
        cs = tksh <= dlb
        tk = jnp.where(c, tk, jnp.where(cs, dlb, tksh))
        ti = jnp.where(c, ti, jnp.where(cs, ilb, tish))
    return tk, ti


def _sc_body(pxh, pyh, pzh, pph, qah, qsh, camh,
             at0, at1, at2, at3, at4, at5, at6, at7, at8, embh,
             fea_h, side_h,
             pxc, pyc, pzc, ppc, qtmpa, qtmpb, camtmp,
             tkd, tki, attv, embv, sidev, sem):
    cid = lax.axis_index("c")
    sid = lax.axis_index("s")
    wid = sid * NC + cid
    q0 = wid * QPW

    pltpu.sync_copy(qah.at[pl.ds(q0 * 4, QPW * 4)], qtmpa)
    pltpu.sync_copy(qsh.at[pl.ds(q0 * 16, QPW * 16)], qtmpb)
    pltpu.sync_copy(camh, camtmp)

    def _init(i, carry):
        tkd[pl.ds(i * 16, 16)] = jnp.full((16,), _INF, jnp.float32)
        tki[pl.ds(i * 16, 16)] = jnp.zeros((16,), jnp.int32)
        return carry
    lax.fori_loop(0, QPW, _init, 0)

    def _chunk(c, carry):
        base = c * CHUNK
        pltpu.sync_copy(pxh.at[pl.ds(base, CHUNK)], pxc)
        pltpu.sync_copy(pyh.at[pl.ds(base, CHUNK)], pyc)
        pltpu.sync_copy(pzh.at[pl.ds(base, CHUNK)], pzc)
        pltpu.sync_copy(pph.at[pl.ds(base, CHUNK)], ppc)

        def _group(g, gcarry):
            qi0 = g * QG
            qgv = qtmpa[pl.ds(g * 16, 16)]
            ths = []
            qs = []
            for k in range(QG):
                qi = qi0 + k
                ths.append(tkd[pl.ds(qi * 16, 16)][15])
                qs.append((qgv[4 * k], qgv[4 * k + 1], qgv[4 * k + 2],
                           qgv[4 * k + 3]))

            inf16 = jnp.full((16,), _INF, jnp.float32)

            def _scan_vreg(o, ths_c):
                pxv = pxc[pl.ds(o, 16)]
                pyv = pyc[pl.ds(o, 16)]
                pzv = pzc[pl.ds(o, 16)]
                ppv = ppc[pl.ds(o, 16)]
                dvs = []
                dmin = None
                for k in range(QG):
                    qx, qy, qz, qqv = qs[k]
                    dot = (qx * pxv + qy * pyv) + qz * pzv
                    dvv = (qqv + ppv) - (dot + dot)
                    dvs.append(dvv)
                    delta = dvv - ths_c[k]
                    dmin = delta if dmin is None else jnp.minimum(dmin, delta)
                return dvs, dmin

            def _merge_vreg(ths_c, dvs, dmin, cb):
                def _do(_):
                    outs = []
                    for k in range(QG):
                        qi = qi0 + k
                        tk = tkd[pl.ds(qi * 16, 16)]
                        ti = tki[pl.ds(qi * 16, 16)]
                        tk2, ti2 = _merge(tk, ti, dvs[k], cb)
                        tkd[pl.ds(qi * 16, 16)] = tk2
                        tki[pl.ds(qi * 16, 16)] = ti2
                        outs.append(tk2[15])
                    return tuple(outs)

                def _skip(_):
                    return tuple(ths_c)

                return lax.cond(_lane_min_scalar(dmin) < 0.0, _do, _skip, 0)

            MAC = 5

            def _mac(mj, ths_c):
                o0 = mj * (MAC * 16)
                acc = None
                for u in range(MAC):
                    _, dmin_u = _scan_vreg(o0 + u * 16, ths_c)
                    acc = dmin_u if acc is None else jnp.minimum(acc, dmin_u)

                def _do(_):
                    def _w(w, outs):
                        ow = o0 + w * 16
                        dvs_w, dmin_w = _scan_vreg(ow, outs)
                        return _merge_vreg(outs, dvs_w, dmin_w, base + ow)
                    return lax.fori_loop(0, MAC, _w, tuple(ths_c))

                def _nochk(_):
                    return tuple(ths_c)

                return lax.cond(_lane_min_scalar(acc) < 0.0, _do, _nochk, 0)

            lax.fori_loop(0, VPC // MAC, _mac, tuple(ths))
            return gcarry
        lax.fori_loop(0, NGRP, _group, 0)
        return carry
    lax.fori_loop(0, NCH, _chunk, 0)

    camv = camtmp[pl.ds(0, 16)]
    cam_s = [camv[i] for i in range(12)]

    def _bc(b, carry):
        aths = (at0, at1, at2, at3, at4, at5, at6, at7, at8)
        cps = []
        for k in range(NBC):
            g = b * 4 + k
            idxr = tki.at[pl.ds(g * 128, 128)]
            cps.append(pltpu.async_copy(
                embh.at[idxr], embv.at[pl.ds(k * 128, 128)], sem))
            for a in range(9):
                cps.append(pltpu.async_copy(
                    aths[a].at[idxr],
                    attv.at[pl.ds(a * BROWS + k * 128, 128)], sem))
        for cp in cps:
            cp.wait()

        def _grp(t, gcarry):
            qi = b * BQ + t
            lr = t * 16
            ax = attv[pl.ds(lr, 16)]
            ay = attv[pl.ds(BROWS + lr, 16)]
            az = attv[pl.ds(2 * BROWS + lr, 16)]
            vq = qtmpb[pl.ds(qi * 16, 16)]
            qox = vq[0]
            qoy = vq[1]
            qoz = vq[2]
            qlxz = vq[3]
            qlyz = vq[4]
            qlz = vq[5]
            tx = _rnd_bf16(ax - cam_s[9])
            ty = _rnd_bf16(ay - cam_s[10])
            tz = _rnd_bf16(az - cam_s[11])
            xc = (tx * cam_s[0] + ty * cam_s[3]) + tz * cam_s[6]
            yc = (tx * cam_s[1] + ty * cam_s[4]) + tz * cam_s[7]
            zc = (tx * cam_s[2] + ty * cam_s[5]) + tz * cam_s[8]
            xp = xc / zc
            yp = yc / zc
            sidev[pl.ds(lr, 16)] = ax - qox
            sidev[pl.ds(BROWS + lr, 16)] = ay - qoy
            sidev[pl.ds(2 * BROWS + lr, 16)] = az - qoz
            sidev[pl.ds(3 * BROWS + lr, 16)] = xp * zc - qlxz
            sidev[pl.ds(4 * BROWS + lr, 16)] = yp * zc - qlyz
            sidev[pl.ds(5 * BROWS + lr, 16)] = zc - qlz
            for a in range(6):
                sidev[pl.ds((6 + a) * BROWS + lr, 16)] = (
                    attv[pl.ds((3 + a) * BROWS + lr, 16)])
            return gcarry
        lax.fori_loop(0, BQ, _grp, 0)

        gbase = wid * (QPW * KNN_K) + b * BROWS
        pltpu.sync_copy(embv, fea_h.at[pl.ds(gbase, BROWS)])
        for c in range(12):
            pltpu.sync_copy(
                sidev.at[pl.ds(c * BROWS, BROWS)],
                side_h.at[pl.ds(c * (NQ * KNN_K) + gbase, BROWS)])
        return carry
    lax.fori_loop(0, NBC, _bc, 0)


def kernel(query_points, query_points_local, xyz_fov, points_embedding_fov,
           points_color_fov, points_dir_fov, camrotc2w, campos):
    f32 = jnp.float32
    bar = jax.lax.optimization_barrier
    q = query_points[0]
    qpl = query_points_local[0]
    qq = jnp.sum(q * q, axis=-1)
    pp = jnp.sum(xyz_fov * xyz_fov, axis=-1)
    qb = bar(q.astype(jnp.bfloat16)).astype(f32)
    pb = bar(xyz_fov.astype(jnp.bfloat16)).astype(f32)
    rotb = bar(camrotc2w.astype(jnp.bfloat16)).astype(f32)
    qa = jnp.concatenate([qb, qq[:, None]], axis=-1).reshape(-1)
    qs = jnp.stack([q[:, 0], q[:, 1], q[:, 2],
                    qpl[:, 0] * qpl[:, 2], qpl[:, 1] * qpl[:, 2],
                    qpl[:, 2]], axis=-1)
    qs = jnp.pad(qs, ((0, 0), (0, 10))).reshape(-1)
    cam = jnp.concatenate([rotb.reshape(9), campos,
                           jnp.zeros((4,), f32)])
    atts = (xyz_fov[:, 0], xyz_fov[:, 1], xyz_fov[:, 2],
            points_color_fov[:, 0], points_color_fov[:, 1],
            points_color_fov[:, 2],
            points_dir_fov[:, 0], points_dir_fov[:, 1],
            points_dir_fov[:, 2])

    mesh = plsc.VectorSubcoreMesh(core_axis_name="c", subcore_axis_name="s")
    sc = pl.kernel(
        _sc_body,
        mesh=mesh,
        compiler_params=pltpu.CompilerParams(use_tc_tiling_on_sc=False),
        out_type=(
            jax.ShapeDtypeStruct((NQ * KNN_K, EMBED), f32),
            jax.ShapeDtypeStruct((12 * NQ * KNN_K,), f32),
        ),
        scratch_types=[
            pltpu.VMEM((CHUNK,), f32),
            pltpu.VMEM((CHUNK,), f32),
            pltpu.VMEM((CHUNK,), f32),
            pltpu.VMEM((CHUNK,), f32),
            pltpu.VMEM((QPW * 4,), f32),
            pltpu.VMEM((QPW * 16,), f32),
            pltpu.VMEM((16,), f32),
            pltpu.VMEM((QPW * 16,), f32),
            pltpu.VMEM((QPW * 16,), jnp.int32),
            pltpu.VMEM((9 * BROWS,), f32),
            pltpu.VMEM((BROWS, EMBED), f32),
            pltpu.VMEM((12 * BROWS,), f32),
            pltpu.SemaphoreType.DMA,
        ],
    )
    fea, side = sc(pb[:, 0], pb[:, 1], pb[:, 2], pp, qa, qs, cam, *atts,
                   points_embedding_fov)
    fea = fea.reshape(1, NQ, KNN_K, EMBED)
    side_t = side.reshape(12, NQ * KNN_K).T.reshape(1, NQ, KNN_K, 12)
    return jnp.concatenate([side_t[..., 0:6], fea, side_t[..., 6:12]],
                           axis=-1)

# --- scband reference (transcript-rebuilt; emitter-appended) ---
"""Pipeline reference for scband-neural-points-ray-marching-65566970740743 (READ-ONLY COPY).

The authoritative reference and input builder live on the scoring server;
editing this copy changes nothing except your own understanding.
"""

import jax, jax.numpy as jnp
import numpy as np

KNN_K = 16
NQ = 4096
NP = 50000
EMBED_DIM = 64


def w2pers(point_xyz, camrotc2w, campos):
    # world -> camera -> perspective coords, as in Point-NeRF style w2pers
    xyz = jnp.matmul(point_xyz - campos[None, :], camrotc2w)  # [N,3]
    x_pers = xyz[:, 0] / xyz[:, 2]
    y_pers = xyz[:, 1] / xyz[:, 2]
    z_pers = xyz[:, 2]
    return jnp.stack([x_pers, y_pers, z_pers], axis=-1)


def setup_inputs(seed: int = 0):
    key = jax.random.key(seed)
    ks = jax.random.split(key, 8)
    query_points = jax.random.normal(ks[0], (1, NQ, 3), dtype=jnp.float32)
    query_points_local = jax.random.normal(ks[1], (1, NQ, 3), dtype=jnp.float32) + 2.0
    xyz_fov = jax.random.normal(ks[2], (NP, 3), dtype=jnp.float32) * 2.0
    points_embedding_fov = jax.random.normal(ks[3], (NP, EMBED_DIM), dtype=jnp.float32)
    points_color_fov = jax.random.uniform(ks[4], (NP, 3), dtype=jnp.float32)
    points_dir_fov = jax.random.normal(ks[5], (NP, 3), dtype=jnp.float32)
    rng = np.random.RandomState(0)
    q_mat, _ = np.linalg.qr(rng.randn(3, 3))
    camrotc2w = jnp.asarray(q_mat, dtype=jnp.float32)
    campos = jax.random.normal(ks[7], (3,), dtype=jnp.float32) * 0.1 + jnp.array([0.0, 0.0, 5.0], dtype=jnp.float32)
    return {
        'query_points': query_points,
        'query_points_local': query_points_local,
        'xyz_fov': xyz_fov,
        'points_embedding_fov': points_embedding_fov,
        'points_color_fov': points_color_fov,
        'points_dir_fov': points_dir_fov,
        'camrotc2w': camrotc2w,
        'campos': campos,
    }


def reference(query_points, query_points_local, xyz_fov, points_embedding_fov,
              points_color_fov, points_dir_fov, camrotc2w, campos):
    # ---- brute-force knn_points(p1=query_points, p2=xyz_fov, K=KNN_K) ----
    q = query_points[0]  # [NQ, 3]
    d_sq = (jnp.sum(q * q, axis=-1, keepdims=True)
            + jnp.sum(xyz_fov * xyz_fov, axis=-1)[None, :]
            - 2.0 * jnp.matmul(q, xyz_fov.T))  # [NQ, NP]
    neg_d, assign_index = jax.lax.top_k(-d_sq, KNN_K)  # [NQ, K]
    # ---- gather neighbor attributes (SparseCore-friendly gathers) ----
    ref_xyz = jnp.take(xyz_fov, assign_index, axis=0)              # [NQ, K, 3]
    ref_fea = jnp.take(points_embedding_fov, assign_index, axis=0)  # [NQ, K, E]
    ref_col = jnp.take(points_color_fov, assign_index, axis=0)      # [NQ, K, 3]
    ref_dir = jnp.take(points_dir_fov, assign_index, axis=0)        # [NQ, K, 3]
    # ---- perspective-space neighbor coords ----
    ref_xyz_pers = w2pers(ref_xyz.reshape(-1, 3), camrotc2w, campos).reshape(1, NQ, KNN_K, 3)
    ref_xyz_b = ref_xyz[None, ...]  # [1, NQ, K, 3]
    # ---- relative distance features (faithful to forward) ----
    xdist = ref_xyz_pers[..., 0] * ref_xyz_pers[..., 2] - query_points_local[:, :, None, 0] * query_points_local[:, :, None, 2]
    ydist = ref_xyz_pers[..., 1] * ref_xyz_pers[..., 2] - query_points_local[:, :, None, 1] * query_points_local[:, :, None, 2]
    zdist = ref_xyz_pers[..., 2] - query_points_local[:, :, None, 2]
    dists = jnp.stack([xdist, ydist, zdist], axis=-1)  # [1, NQ, K, 3]
    dists = jnp.concatenate([ref_xyz_b - query_points[:, :, None, :], dists], axis=-1)  # [1, NQ, K, 6]
    out = jnp.concatenate([dists, ref_fea[None, ...], ref_col[None, ...], ref_dir[None, ...]], axis=-1)  # [1, NQ, K, 6+E+3+3]
    return out

if __name__ == "__main__":
    import jax
    _d = setup_inputs()
    print(jax.jit(kernel)(*tuple(_d.values())))

</pallas_src>

<mosaic_0001>
#map = affine_map<(d0, d1) -> (0)>
#map1 = affine_map<(d0, d1) -> (0, 0)>
module attributes {stable_mosaic.version = 14 : i64} {
  func.func @_sc_body(%arg0: i32, %arg1: i32, %arg2: memref<50000xf32, #tpu.memory_space<hbm>>, %arg3: memref<50000xf32, #tpu.memory_space<hbm>>, %arg4: memref<50000xf32, #tpu.memory_space<hbm>>, %arg5: memref<50000xf32, #tpu.memory_space<hbm>>, %arg6: memref<16384xf32, #tpu.memory_space<hbm>>, %arg7: memref<65536xf32, #tpu.memory_space<hbm>>, %arg8: memref<16xf32, #tpu.memory_space<hbm>>, %arg9: memref<50000xf32, #tpu.memory_space<hbm>>, %arg10: memref<50000xf32, #tpu.memory_space<hbm>>, %arg11: memref<50000xf32, #tpu.memory_space<hbm>>, %arg12: memref<50000xf32, #tpu.memory_space<hbm>>, %arg13: memref<50000xf32, #tpu.memory_space<hbm>>, %arg14: memref<50000xf32, #tpu.memory_space<hbm>>, %arg15: memref<50000xf32, #tpu.memory_space<hbm>>, %arg16: memref<50000xf32, #tpu.memory_space<hbm>>, %arg17: memref<50000xf32, #tpu.memory_space<hbm>>, %arg18: memref<50000x64xf32, #tpu.memory_space<hbm>>, %arg19: memref<65536x64xf32, #tpu.memory_space<hbm>>, %arg20: memref<786432xf32, #tpu.memory_space<hbm>>, %arg21: memref<2000xf32, #tpu.memory_space<vmem>>, %arg22: memref<2000xf32, #tpu.memory_space<vmem>>, %arg23: memref<2000xf32, #tpu.memory_space<vmem>>, %arg24: memref<2000xf32, #tpu.memory_space<vmem>>, %arg25: memref<512xf32, #tpu.memory_space<vmem>>, %arg26: memref<2048xf32, #tpu.memory_space<vmem>>, %arg27: memref<16xf32, #tpu.memory_space<vmem>>, %arg28: memref<2048xf32, #tpu.memory_space<vmem>>, %arg29: memref<2048xi32, #tpu.memory_space<vmem>>, %arg30: memref<4608xf32, #tpu.memory_space<vmem>>, %arg31: memref<512x64xf32, #tpu.memory_space<vmem>>, %arg32: memref<6144xf32, #tpu.memory_space<vmem>>, %arg33: memref<!tpu.dma_semaphore, #tpu.memory_space<semaphore_mem>>) attributes {dimension_semantics = [#tpu.dimension_semantics<core_parallel>, #tpu.dimension_semantics<subcore_parallel>], iteration_bounds = array<i64: 2, 16>, scalar_prefetch = 0 : i64, scratch_operands = 13 : i64, tpu.core_type = #tpu.core_type<sc_vector_subcore>, window_params = [{transform_indices = #map}, {transform_indices = #map}, {transform_indices = #map}, {transform_indices = #map}, {transform_indices = #map}, {transform_indices = #map}, {transform_indices = #map}, {transform_indices = #map}, {transform_indices = #map}, {transform_indices = #map}, {transform_indices = #map}, {transform_indices = #map}, {transform_indices = #map}, {transform_indices = #map}, {transform_indices = #map}, {transform_indices = #map}, {transform_indices = #map1}, {transform_indices = #map1}, {transform_indices = #map}]} {
    %mul3A = arith.constant 2 : i32
    %mul3A_0 = arith.muli %arg1, %mul3A : i32
    %add3A = arith.addi %mul3A_0, %arg0 : i32
    %mul3A_1 = arith.constant 128 : i32
    %mul3A_2 = arith.muli %add3A, %mul3A_1 : i32
    %mul3A_3 = arith.constant 4 : i32
    %mul3A_4 = arith.muli %mul3A_2, %mul3A_3 : i32
    "tpu.region"() ({
      %run_scoped3A = tpu.sem_alloc : memref<!tpu.dma_semaphore, #tpu.memory_space<semaphore_mem>>
      %dma_start3A = tpu.memref_slice %arg6[%mul3A_4] : memref<16384xf32, #tpu.memory_space<hbm>> -> memref<512xf32, #tpu.memory_space<hbm>>
      %dma_start3A_48 = tpu.memref_slice %arg6[%mul3A_4] : memref<16384xf32, #tpu.memory_space<hbm>> -> memref<512xf32, #tpu.memory_space<hbm>>
      tpu.enqueue_dma source(%dma_start3A_48 : memref<512xf32, #tpu.memory_space<hbm>>) target(%arg25 : memref<512xf32, #tpu.memory_space<vmem>>) target_semaphore(%run_scoped3A : memref<!tpu.dma_semaphore, #tpu.memory_space<semaphore_mem>>)
      %dma_wait3A = tpu.memref_slice %arg6[%mul3A_4] : memref<16384xf32, #tpu.memory_space<hbm>> -> memref<512xf32, #tpu.memory_space<hbm>>
      %dma_wait3A_49 = tpu.memref_slice %arg6[%mul3A_4] : memref<16384xf32, #tpu.memory_space<hbm>> -> memref<512xf32, #tpu.memory_space<hbm>>
      tpu.wait_dma2 semaphore(%run_scoped3A : memref<!tpu.dma_semaphore, #tpu.memory_space<semaphore_mem>>) src(%dma_wait3A_49 : memref<512xf32, #tpu.memory_space<hbm>>) dst(%arg25 : memref<512xf32, #tpu.memory_space<vmem>>)
      tpu.yield
    }) : () -> ()
    %mul3A_5 = arith.constant 16 : i32
    %mul3A_6 = arith.muli %mul3A_2, %mul3A_5 : i32
    "tpu.region"() ({
      %run_scoped3A = tpu.sem_alloc : memref<!tpu.dma_semaphore, #tpu.memory_space<semaphore_mem>>
      %dma_start3A = tpu.memref_slice %arg7[%mul3A_6] : memref<65536xf32, #tpu.memory_space<hbm>> -> memref<2048xf32, #tpu.memory_space<hbm>>
      %dma_start3A_48 = tpu.memref_slice %arg7[%mul3A_6] : memref<65536xf32, #tpu.memory_space<hbm>> -> memref<2048xf32, #tpu.memory_space<hbm>>
      tpu.enqueue_dma source(%dma_start3A_48 : memref<2048xf32, #tpu.memory_space<hbm>>) target(%arg26 : memref<2048xf32, #tpu.memory_space<vmem>>) target_semaphore(%run_scoped3A : memref<!tpu.dma_semaphore, #tpu.memory_space<semaphore_mem>>)
      %dma_wait3A = tpu.memref_slice %arg7[%mul3A_6] : memref<65536xf32, #tpu.memory_space<hbm>> -> memref<2048xf32, #tpu.memory_space<hbm>>
      %dma_wait3A_49 = tpu.memref_slice %arg7[%mul3A_6] : memref<65536xf32, #tpu.memory_space<hbm>> -> memref<2048xf32, #tpu.memory_space<hbm>>
      tpu.wait_dma2 semaphore(%run_scoped3A : memref<!tpu.dma_semaphore, #tpu.memory_space<semaphore_mem>>) src(%dma_wait3A_49 : memref<2048xf32, #tpu.memory_space<hbm>>) dst(%arg26 : memref<2048xf32, #tpu.memory_space<vmem>>)
      tpu.yield
    }) : () -> ()
    "tpu.region"() ({
      %run_scoped3A = tpu.sem_alloc : memref<!tpu.dma_semaphore, #tpu.memory_space<semaphore_mem>>
      tpu.enqueue_dma source(%arg8 : memref<16xf32, #tpu.memory_space<hbm>>) target(%arg27 : memref<16xf32, #tpu.memory_space<vmem>>) target_semaphore(%run_scoped3A : memref<!tpu.dma_semaphore, #tpu.memory_space<semaphore_mem>>)
      tpu.wait_dma2 semaphore(%run_scoped3A : memref<!tpu.dma_semaphore, #tpu.memory_space<semaphore_mem>>) src(%arg8 : memref<16xf32, #tpu.memory_space<hbm>>) dst(%arg27 : memref<16xf32, #tpu.memory_space<vmem>>)
      tpu.yield
    }) : () -> ()
    %scan3A = arith.constant 0 : i32
    %scan3A_7 = arith.constant 0 : i32
    %scan3A_8 = arith.constant 128 : i32
    %scan3A_9 = arith.addi %scan3A_7, %scan3A_8 : i32
    %scan3A_10 = arith.constant 1 : i32
    scf.for %scan3A_48 = %scan3A_7 to %scan3A_9 step %scan3A_10  : i32 {
      %broadcast_in_dim3A = arith.constant 0x7F800000 : f32
      %broadcast_in_dim3A_49 = vector.broadcast %broadcast_in_dim3A : f32 to vector<16xf32>
      %mul3A_50 = arith.constant 16 : i32
      %mul3A_51 = arith.muli %scan3A_48, %mul3A_50 : i32
      %swap3A = arith.index_cast %mul3A_51 : i32 to index
      %swap3A_52 = tpu.vector_load %arg28[%swap3A] {strides = array<i32>} : memref<2048xf32, #tpu.memory_space<vmem>>, vector<16xf32>,
      %swap3A_53 = vector.shape_cast %swap3A_52 : vector<16xf32> to vector<16xf32>
      %swap3A_54 = vector.shape_cast %broadcast_in_dim3A_49 : vector<16xf32> to vector<16xf32>
      tpu.vector_store %arg28[%swap3A], %swap3A_54 {strides = array<i32>} : memref<2048xf32, #tpu.memory_space<vmem>>, vector<16xf32>,
      %broadcast_in_dim3A_55 = arith.constant 0 : i32
      %broadcast_in_dim3A_56 = vector.broadcast %broadcast_in_dim3A_55 : i32 to vector<16xi32>
      %mul3A_57 = arith.constant 16 : i32
      %mul3A_58 = arith.muli %scan3A_48, %mul3A_57 : i32
      %swap3A_59 = arith.index_cast %mul3A_58 : i32 to index
      %swap3A_60 = tpu.vector_load %arg29[%swap3A_59] {strides = array<i32>} : memref<2048xi32, #tpu.memory_space<vmem>>, vector<16xi32>,
      %swap3A_61 = vector.shape_cast %swap3A_60 : vector<16xi32> to vector<16xi32>
      %swap3A_62 = vector.shape_cast %broadcast_in_dim3A_56 : vector<16xi32> to vector<16xi32>
      tpu.vector_store %arg29[%swap3A_59], %swap3A_62 {strides = array<i32>} : memref<2048xi32, #tpu.memory_space<vmem>>, vector<16xi32>,
    }
    %scan3A_11 = arith.constant 128 : i32
    %scan3A_12 = arith.constant 0 : i32
    %scan3A_13 = arith.constant 0 : i32
    %scan3A_14 = arith.constant 25 : i32
    %scan3A_15 = arith.addi %scan3A_13, %scan3A_14 : i32
    %scan3A_16 = arith.constant 1 : i32
    scf.for %scan3A_48 = %scan3A_13 to %scan3A_15 step %scan3A_16  : i32 {
      %mul3A_49 = arith.constant 2000 : i32
      %mul3A_50 = arith.muli %scan3A_48, %mul3A_49 : i32
      "tpu.region"() ({
        %run_scoped3A = tpu.sem_alloc : memref<!tpu.dma_semaphore, #tpu.memory_space<semaphore_mem>>
        %dma_start3A = tpu.memref_slice %arg2[%mul3A_50] : memref<50000xf32, #tpu.memory_space<hbm>> -> memref<2000xf32, #tpu.memory_space<hbm>>
        %dma_start3A_57 = tpu.memref_slice %arg2[%mul3A_50] : memref<50000xf32, #tpu.memory_space<hbm>> -> memref<2000xf32, #tpu.memory_space<hbm>>
        tpu.enqueue_dma source(%dma_start3A_57 : memref<2000xf32, #tpu.memory_space<hbm>>) target(%arg21 : memref<2000xf32, #tpu.memory_space<vmem>>) target_semaphore(%run_scoped3A : memref<!tpu.dma_semaphore, #tpu.memory_space<semaphore_mem>>)
        %dma_wait3A = tpu.memref_slice %arg2[%mul3A_50] : memref<50000xf32, #tpu.memory_space<hbm>> -> memref<2000xf32, #tpu.memory_space<hbm>>
        %dma_wait3A_58 = tpu.memref_slice %arg2[%mul3A_50] : memref<50000xf32, #tpu.memory_space<hbm>> -> memref<2000xf32, #tpu.memory_space<hbm>>
        tpu.wait_dma2 semaphore(%run_scoped3A : memref<!tpu.dma_semaphore, #tpu.memory_space<semaphore_mem>>) src(%dma_wait3A_58 : memref<2000xf32, #tpu.memory_space<hbm>>) dst(%arg21 : memref<2000xf32, #tpu.memory_space<vmem>>)
        tpu.yield
      }) : () -> ()
      "tpu.region"() ({
        %run_scoped3A = tpu.sem_alloc : memref<!tpu.dma_semaphore, #tpu.memory_space<semaphore_mem>>
        %dma_start3A = tpu.memref_slice %arg3[%mul3A_50] : memref<50000xf32, #tpu.memory_space<hbm>> -> memref<2000xf32, #tpu.memory_space<hbm>>
        %dma_start3A_57 = tpu.memref_slice %arg3[%mul3A_50] : memref<50000xf32, #tpu.memory_space<hbm>> -> memref<2000xf32, #tpu.memory_space<hbm>>
        tpu.enqueue_dma source(%dma_start3A_57 : memref<2000xf32, #tpu.memory_space<hbm>>) target(%arg22 : memref<2000xf32, #tpu.memory_space<vmem>>) target_semaphore(%run_scoped3A : memref<!tpu.dma_semaphore, #tpu.memory_space<semaphore_mem>>)
        %dma_wait3A = tpu.memref_slice %arg3[%mul3A_50] : memref<50000xf32, #tpu.memory_space<hbm>> -> memref<2000xf32, #tpu.memory_space<hbm>>
        %dma_wait3A_58 = tpu.memref_slice %arg3[%mul3A_50] : memref<50000xf32, #tpu.memory_space<hbm>> -> memref<2000xf32, #tpu.memory_space<hbm>>
        tpu.wait_dma2 semaphore(%run_scoped3A : memref<!tpu.dma_semaphore, #tpu.memory_space<semaphore_mem>>) src(%dma_wait3A_58 : memref<2000xf32, #tpu.memory_space<hbm>>) dst(%arg22 : memref<2000xf32, #tpu.memory_space<vmem>>)
        tpu.yield
      }) : () -> ()
      "tpu.region"() ({
        %run_scoped3A = tpu.sem_alloc : memref<!tpu.dma_semaphore, #tpu.memory_space<semaphore_mem>>
        %dma_start3A = tpu.memref_slice %arg4[%mul3A_50] : memref<50000xf32, #tpu.memory_space<hbm>> -> memref<2000xf32, #tpu.memory_space<hbm>>
        %dma_start3A_57 = tpu.memref_slice %arg4[%mul3A_50] : memref<50000xf32, #tpu.memory_space<hbm>> -> memref<2000xf32, #tpu.memory_space<hbm>>
        tpu.enqueue_dma source(%dma_start3A_57 : memref<2000xf32, #tpu.memory_space<hbm>>) target(%arg23 : memref<2000xf32, #tpu.memory_space<vmem>>) target_semaphore(%run_scoped3A : memref<!tpu.dma_semaphore, #tpu.memory_space<semaphore_mem>>)
        %dma_wait3A = tpu.memref_slice %arg4[%mul3A_50] : memref<50000xf32, #tpu.memory_space<hbm>> -> memref<2000xf32, #tpu.memory_space<hbm>>
        %dma_wait3A_58 = tpu.memref_slice %arg4[%mul3A_50] : memref<50000xf32, #tpu.memory_space<hbm>> -> memref<2000xf32, #tpu.memory_space<hbm>>
        tpu.wait_dma2 semaphore(%run_scoped3A : memref<!tpu.dma_semaphore, #tpu.memory_space<semaphore_mem>>) src(%dma_wait3A_58 : memref<2000xf32, #tpu.memory_space<hbm>>) dst(%arg23 : memref<2000xf32, #tpu.memory_space<vmem>>)
        tpu.yield
      }) : () -> ()
      "tpu.region"() ({
        %run_scoped3A = tpu.sem_alloc : memref<!tpu.dma_semaphore, #tpu.memory_space<semaphore_mem>>
        %dma_start3A = tpu.memref_slice %arg5[%mul3A_50] : memref<50000xf32, #tpu.memory_space<hbm>> -> memref<2000xf32, #tpu.memory_space<hbm>>
        %dma_start3A_57 = tpu.memref_slice %arg5[%mul3A_50] : memref<50000xf32, #tpu.memory_space<hbm>> -> memref<2000xf32, #tpu.memory_space<hbm>>
        tpu.enqueue_dma source(%dma_start3A_57 : memref<2000xf32, #tpu.memory_space<hbm>>) target(%arg24 : memref<2000xf32, #tpu.memory_space<vmem>>) target_semaphore(%run_scoped3A : memref<!tpu.dma_semaphore, #tpu.memory_space<semaphore_mem>>)
        %dma_wait3A = tpu.memref_slice %arg5[%mul3A_50] : memref<50000xf32, #tpu.memory_space<hbm>> -> memref<2000xf32, #tpu.memory_space<hbm>>
        %dma_wait3A_58 = tpu.memref_slice %arg5[%mul3A_50] : memref<50000xf32, #tpu.memory_space<hbm>> -> memref<2000xf32, #tpu.memory_space<hbm>>
        tpu.wait_dma2 semaphore(%run_scoped3A : memref<!tpu.dma_semaphore, #tpu.memory_space<semaphore_mem>>) src(%dma_wait3A_58 : memref<2000xf32, #tpu.memory_space<hbm>>) dst(%arg24 : memref<2000xf32, #tpu.memory_space<vmem>>)
        tpu.yield
      }) : () -> ()
      %scan3A_51 = arith.constant 0 : i32
      %scan3A_52 = arith.constant 0 : i32
      %scan3A_53 = arith.constant 32 : i32
      %scan3A_54 = arith.addi %scan3A_52, %scan3A_53 : i32
      %scan3A_55 = arith.constant 1 : i32
      scf.for %scan3A_57 = %scan3A_52 to %scan3A_54 step %scan3A_55  : i32 {
        %mul3A_58 = arith.constant 4 : i32
        %mul3A_59 = arith.muli %scan3A_57, %mul3A_58 : i32
        %mul3A_60 = arith.constant 16 : i32
        %mul3A_61 = arith.muli %scan3A_57, %mul3A_60 : i32
        %get3A_62 = arith.index_cast %mul3A_61 : i32 to index
        %get3A_63 = tpu.vector_load %arg25[%get3A_62] {strides = array<i32>} : memref<512xf32, #tpu.memory_space<vmem>>, vector<16xf32>,
        %get3A_64 = vector.shape_cast %get3A_63 : vector<16xf32> to vector<16xf32>
        %add3A_65 = arith.constant 0 : i32
        %add3A_66 = arith.addi %mul3A_59, %add3A_65 : i32
        %mul3A_67 = arith.constant 16 : i32
        %mul3A_68 = arith.muli %add3A_66, %mul3A_67 : i32
        %get3A_69 = arith.index_cast %mul3A_68 : i32 to index
        %get3A_70 = tpu.vector_load %arg28[%get3A_69] {strides = array<i32>} : memref<2048xf32, #tpu.memory_space<vmem>>, vector<16xf32>,
        %get3A_71 = vector.shape_cast %get3A_70 : vector<16xf32> to vector<16xf32>
        %slice3A_72 = vector.extract_strided_slice %get3A_71 {offsets = [15], sizes = [1], strides = [1]} : vector<16xf32> to vector<1xf32>
        %squeeze3A_73 = vector.extract %slice3A_72[0] : f32 from vector<1xf32>
        %slice3A_74 = vector.extract_strided_slice %get3A_64 {offsets = [0], sizes = [1], strides = [1]} : vector<16xf32> to vector<1xf32>
        %squeeze3A_75 = vector.extract %slice3A_74[0] : f32 from vector<1xf32>
        %slice3A_76 = vector.extract_strided_slice %get3A_64 {offsets = [1], sizes = [1], strides = [1]} : vector<16xf32> to vector<1xf32>
        %squeeze3A_77 = vector.extract %slice3A_76[0] : f32 from vector<1xf32>
        %slice3A_78 = vector.extract_strided_slice %get3A_64 {offsets = [2], sizes = [1], strides = [1]} : vector<16xf32> to vector<1xf32>
        %squeeze3A_79 = vector.extract %slice3A_78[0] : f32 from vector<1xf32>
        %slice3A_80 = vector.extract_strided_slice %get3A_64 {offsets = [3], sizes = [1], strides = [1]} : vector<16xf32> to vector<1xf32>
        %squeeze3A_81 = vector.extract %slice3A_80[0] : f32 from vector<1xf32>
        %add3A_82 = arith.constant 1 : i32
        %add3A_83 = arith.addi %mul3A_59, %add3A_82 : i32
        %mul3A_84 = arith.constant 16 : i32
        %mul3A_85 = arith.muli %add3A_83, %mul3A_84 : i32
        %get3A_86 = arith.index_cast %mul3A_85 : i32 to index
        %get3A_87 = tpu.vector_load %arg28[%get3A_86] {strides = array<i32>} : memref<2048xf32, #tpu.memory_space<vmem>>, vector<16xf32>,
        %get3A_88 = vector.shape_cast %get3A_87 : vector<16xf32> to vector<16xf32>
        %slice3A_89 = vector.extract_strided_slice %get3A_88 {offsets = [15], sizes = [1], strides = [1]} : vector<16xf32> to vector<1xf32>
        %squeeze3A_90 = vector.extract %slice3A_89[0] : f32 from vector<1xf32>
        %slice3A_91 = vector.extract_strided_slice %get3A_64 {offsets = [4], sizes = [1], strides = [1]} : vector<16xf32> to vector<1xf32>
        %squeeze3A_92 = vector.extract %slice3A_91[0] : f32 from vector<1xf32>
        %slice3A_93 = vector.extract_strided_slice %get3A_64 {offsets = [5], sizes = [1], strides = [1]} : vector<16xf32> to vector<1xf32>
        %squeeze3A_94 = vector.extract %slice3A_93[0] : f32 from vector<1xf32>
        %slice3A_95 = vector.extract_strided_slice %get3A_64 {offsets = [6], sizes = [1], strides = [1]} : vector<16xf32> to vector<1xf32>
        %squeeze3A_96 = vector.extract %slice3A_95[0] : f32 from vector<1xf32>
        %slice3A_97 = vector.extract_strided_slice %get3A_64 {offsets = [7], sizes = [1], strides = [1]} : vector<16xf32> to vector<1xf32>
        %squeeze3A_98 = vector.extract %slice3A_97[0] : f32 from vector<1xf32>
        %add3A_99 = arith.constant 2 : i32
        %add3A_100 = arith.addi %mul3A_59, %add3A_99 : i32
        %mul3A_101 = arith.constant 16 : i32
        %mul3A_102 = arith.muli %add3A_100, %mul3A_101 : i32
        %get3A_103 = arith.index_cast %mul3A_102 : i32 to index
        %get3A_104 = tpu.vector_load %arg28[%get3A_103] {strides = array<i32>} : memref<2048xf32, #tpu.memory_space<vmem>>, vector<16xf32>,
        %get3A_105 = vector.shape_cast %get3A_104 : vector<16xf32> to vector<16xf32>
        %slice3A_106 = vector.extract_strided_slice %get3A_105 {offsets = [15], sizes = [1], strides = [1]} : vector<16xf32> to vector<1xf32>
        %squeeze3A_107 = vector.extract %slice3A_106[0] : f32 from vector<1xf32>
        %slice3A_108 = vector.extract_strided_slice %get3A_64 {offsets = [8], sizes = [1], strides = [1]} : vector<16xf32> to vector<1xf32>
        %squeeze3A_109 = vector.extract %slice3A_108[0] : f32 from vector<1xf32>
        %slice3A_110 = vector.extract_strided_slice %get3A_64 {offsets = [9], sizes = [1], strides = [1]} : vector<16xf32> to vector<1xf32>
        %squeeze3A_111 = vector.extract %slice3A_110[0] : f32 from vector<1xf32>
        %slice3A_112 = vector.extract_strided_slice %get3A_64 {offsets = [10], sizes = [1], strides = [1]} : vector<16xf32> to vector<1xf32>
        %squeeze3A_113 = vector.extract %slice3A_112[0] : f32 from vector<1xf32>
        %slice3A_114 = vector.extract_strided_slice %get3A_64 {offsets = [11], sizes = [1], strides = [1]} : vector<16xf32> to vector<1xf32>
        %squeeze3A_115 = vector.extract %slice3A_114[0] : f32 from vector<1xf32>
        %add3A_116 = arith.constant 3 : i32
        %add3A_117 = arith.addi %mul3A_59, %add3A_116 : i32
        %mul3A_118 = arith.constant 16 : i32
        %mul3A_119 = arith.muli %add3A_117, %mul3A_118 : i32
        %get3A_120 = arith.index_cast %mul3A_119 : i32 to index
        %get3A_121 = tpu.vector_load %arg28[%get3A_120] {strides = array<i32>} : memref<2048xf32, #tpu.memory_space<vmem>>, vector<16xf32>,
        %get3A_122 = vector.shape_cast %get3A_121 : vector<16xf32> to vector<16xf32>
        %slice3A_123 = vector.extract_strided_slice %get3A_122 {offsets = [15], sizes = [1], strides = [1]} : vector<16xf32> to vector<1xf32>
        %squeeze3A_124 = vector.extract %slice3A_123[0] : f32 from vector<1xf32>
        %slice3A_125 = vector.extract_strided_slice %get3A_64 {offsets = [12], sizes = [1], strides = [1]} : vector<16xf32> to vector<1xf32>
        %squeeze3A_126 = vector.extract %slice3A_125[0] : f32 from vector<1xf32>
        %slice3A_127 = vector.extract_strided_slice %get3A_64 {offsets = [13], sizes = [1], strides = [1]} : vector<16xf32> to vector<1xf32>
        %squeeze3A_128 = vector.extract %slice3A_127[0] : f32 from vector<1xf32>
        %slice3A_129 = vector.extract_strided_slice %get3A_64 {offsets = [14], sizes = [1], strides = [1]} : vector<16xf32> to vector<1xf32>
        %squeeze3A_130 = vector.extract %slice3A_129[0] : f32 from vector<1xf32>
        %slice3A_131 = vector.extract_strided_slice %get3A_64 {offsets = [15], sizes = [1], strides = [1]} : vector<16xf32> to vector<1xf32>
        %squeeze3A_132 = vector.extract %slice3A_131[0] : f32 from vector<1xf32>
        %broadcast_in_dim3A = arith.constant 0x7F800000 : f32
        %broadcast_in_dim3A_133 = vector.broadcast %broadcast_in_dim3A : f32 to vector<16xf32>
        %scan3A_134 = arith.constant 0 : i32
        %scan3A_135 = arith.constant 25 : i32
        %scan3A_136 = arith.addi %scan3A_134, %scan3A_135 : i32
        %scan3A_137 = arith.constant 1 : i32
        %scan3A_138:4 = scf.for %scan3A_140 = %scan3A_134 to %scan3A_136 step %scan3A_137 iter_args(%scan3A_141 = %squeeze3A_73, %scan3A_142 = %squeeze3A_90, %scan3A_143 = %squeeze3A_107, %scan3A_144 = %squeeze3A_124) -> (f32, f32, f32, f32)  : i32 {
          %mul3A_145 = arith.constant 80 : i32
          %mul3A_146 = arith.muli %scan3A_140, %mul3A_145 : i32
          %add3A_147 = arith.constant 0 : i32
          %add3A_148 = arith.addi %mul3A_146, %add3A_147 : i32
          %get3A_149 = arith.index_cast %add3A_148 : i32 to index
          %get3A_150 = tpu.vector_load %arg21[%get3A_149] {strides = array<i32>} : memref<2000xf32, #tpu.memory_space<vmem>>, vector<16xf32>,
          %get3A_151 = vector.shape_cast %get3A_150 : vector<16xf32> to vector<16xf32>
          %get3A_152 = arith.index_cast %add3A_148 : i32 to index
          %get3A_153 = tpu.vector_load %arg22[%get3A_152] {strides = array<i32>} : memref<2000xf32, #tpu.memory_space<vmem>>, vector<16xf32>,
          %get3A_154 = vector.shape_cast %get3A_153 : vector<16xf32> to vector<16xf32>
          %get3A_155 = arith.index_cast %add3A_148 : i32 to index
          %get3A_156 = tpu.vector_load %arg23[%get3A_155] {strides = array<i32>} : memref<2000xf32, #tpu.memory_space<vmem>>, vector<16xf32>,
          %get3A_157 = vector.shape_cast %get3A_156 : vector<16xf32> to vector<16xf32>
          %get3A_158 = arith.index_cast %add3A_148 : i32 to index
          %get3A_159 = tpu.vector_load %arg24[%get3A_158] {strides = array<i32>} : memref<2000xf32, #tpu.memory_space<vmem>>, vector<16xf32>,
          %get3A_160 = vector.shape_cast %get3A_159 : vector<16xf32> to vector<16xf32>
          %mul3A_161 = vector.broadcast %squeeze3A_75 : f32 to vector<16xf32>
          %mul3A_162 = arith.mulf %mul3A_161, %get3A_151 : vector<16xf32>
          %mul3A_163 = vector.broadcast %squeeze3A_77 : f32 to vector<16xf32>
          %mul3A_164 = arith.mulf %mul3A_163, %get3A_154 : vector<16xf32>
          %add3A_165 = arith.addf %mul3A_162, %mul3A_164 : vector<16xf32>
          %mul3A_166 = vector.broadcast %squeeze3A_79 : f32 to vector<16xf32>
          %mul3A_167 = arith.mulf %mul3A_166, %get3A_157 : vector<16xf32>
          %add3A_168 = arith.addf %add3A_165, %mul3A_167 : vector<16xf32>
          %add3A_169 = vector.broadcast %squeeze3A_81 : f32 to vector<16xf32>
          %add3A_170 = arith.addf %add3A_169, %get3A_160 : vector<16xf32>
          %add3A_171 = arith.addf %add3A_168, %add3A_168 : vector<16xf32>
          %sub3A = arith.subf %add3A_170, %add3A_171 : vector<16xf32>
          %sub3A_172 = vector.broadcast %scan3A_141 : f32 to vector<16xf32>
          %sub3A_173 = arith.subf %sub3A, %sub3A_172 : vector<16xf32>
          %mul3A_174 = vector.broadcast %squeeze3A_92 : f32 to vector<16xf32>
          %mul3A_175 = arith.mulf %mul3A_174, %get3A_151 : vector<16xf32>
          %mul3A_176 = vector.broadcast %squeeze3A_94 : f32 to vector<16xf32>
          %mul3A_177 = arith.mulf %mul3A_176, %get3A_154 : vector<16xf32>
          %add3A_178 = arith.addf %mul3A_175, %mul3A_177 : vector<16xf32>
          %mul3A_179 = vector.broadcast %squeeze3A_96 : f32 to vector<16xf32>
          %mul3A_180 = arith.mulf %mul3A_179, %get3A_157 : vector<16xf32>
          %add3A_181 = arith.addf %add3A_178, %mul3A_180 : vector<16xf32>
          %add3A_182 = vector.broadcast %squeeze3A_98 : f32 to vector<16xf32>
          %add3A_183 = arith.addf %add3A_182, %get3A_160 : vector<16xf32>
          %add3A_184 = arith.addf %add3A_181, %add3A_181 : vector<16xf32>
          %sub3A_185 = arith.subf %add3A_183, %add3A_184 : vector<16xf32>
          %sub3A_186 = vector.broadcast %scan3A_142 : f32 to vector<16xf32>
          %sub3A_187 = arith.subf %sub3A_185, %sub3A_186 : vector<16xf32>
          %min3A = arith.minimumf %sub3A_173, %sub3A_187 : vector<16xf32>
          %mul3A_188 = vector.broadcast %squeeze3A_109 : f32 to vector<16xf32>
          %mul3A_189 = arith.mulf %mul3A_188, %get3A_151 : vector<16xf32>
          %mul3A_190 = vector.broadcast %squeeze3A_111 : f32 to vector<16xf32>
          %mul3A_191 = arith.mulf %mul3A_190, %get3A_154 : vector<16xf32>
          %add3A_192 = arith.addf %mul3A_189, %mul3A_191 : vector<16xf32>
          %mul3A_193 = vector.broadcast %squeeze3A_113 : f32 to vector<16xf32>
          %mul3A_194 = arith.mulf %mul3A_193, %get3A_157 : vector<16xf32>
          %add3A_195 = arith.addf %add3A_192, %mul3A_194 : vector<16xf32>
          %add3A_196 = vector.broadcast %squeeze3A_115 : f32 to vector<16xf32>
          %add3A_197 = arith.addf %add3A_196, %get3A_160 : vector<16xf32>
          %add3A_198 = arith.addf %add3A_195, %add3A_195 : vector<16xf32>
          %sub3A_199 = arith.subf %add3A_197, %add3A_198 : vector<16xf32>
          %sub3A_200 = vector.broadcast %scan3A_143 : f32 to vector<16xf32>
          %sub3A_201 = arith.subf %sub3A_199, %sub3A_200 : vector<16xf32>
          %min3A_202 = arith.minimumf %min3A, %sub3A_201 : vector<16xf32>
          %mul3A_203 = vector.broadcast %squeeze3A_126 : f32 to vector<16xf32>
          %mul3A_204 = arith.mulf %mul3A_203, %get3A_151 : vector<16xf32>
          %mul3A_205 = vector.broadcast %squeeze3A_128 : f32 to vector<16xf32>
          %mul3A_206 = arith.mulf %mul3A_205, %get3A_154 : vector<16xf32>
          %add3A_207 = arith.addf %mul3A_204, %mul3A_206 : vector<16xf32>
          %mul3A_208 = vector.broadcast %squeeze3A_130 : f32 to vector<16xf32>
          %mul3A_209 = arith.mulf %mul3A_208, %get3A_157 : vector<16xf32>
          %add3A_210 = arith.addf %add3A_207, %mul3A_209 : vector<16xf32>
          %add3A_211 = vector.broadcast %squeeze3A_132 : f32 to vector<16xf32>
          %add3A_212 = arith.addf %add3A_211, %get3A_160 : vector<16xf32>
          %add3A_213 = arith.addf %add3A_210, %add3A_210 : vector<16xf32>
          %sub3A_214 = arith.subf %add3A_212, %add3A_213 : vector<16xf32>
          %sub3A_215 = vector.broadcast %scan3A_144 : f32 to vector<16xf32>
          %sub3A_216 = arith.subf %sub3A_214, %sub3A_215 : vector<16xf32>
          %min3A_217 = arith.minimumf %min3A_202, %sub3A_216 : vector<16xf32>
          %add3A_218 = arith.constant 16 : i32
          %add3A_219 = arith.addi %mul3A_146, %add3A_218 : i32
          %get3A_220 = arith.index_cast %add3A_219 : i32 to index
          %get3A_221 = tpu.vector_load %arg21[%get3A_220] {strides = array<i32>} : memref<2000xf32, #tpu.memory_space<vmem>>, vector<16xf32>,
          %get3A_222 = vector.shape_cast %get3A_221 : vector<16xf32> to vector<16xf32>
          %get3A_223 = arith.index_cast %add3A_219 : i32 to index
          %get3A_224 = tpu.vector_load %arg22[%get3A_223] {strides = array<i32>} : memref<2000xf32, #tpu.memory_space<vmem>>, vector<16xf32>,
          %get3A_225 = vector.shape_cast %get3A_224 : vector<16xf32> to vector<16xf32>
          %get3A_226 = arith.index_cast %add3A_219 : i32 to index
          %get3A_227 = tpu.vector_load %arg23[%get3A_226] {strides = array<i32>} : memref<2000xf32, #tpu.memory_space<vmem>>, vector<16xf32>,
          %get3A_228 = vector.shape_cast %get3A_227 : vector<16xf32> to vector<16xf32>
          %get3A_229 = arith.index_cast %add3A_219 : i32 to index
          %get3A_230 = tpu.vector_load %arg24[%get3A_229] {strides = array<i32>} : memref<2000xf32, #tpu.memory_space<vmem>>, vector<16xf32>,
          %get3A_231 = vector.shape_cast %get3A_230 : vector<16xf32> to vector<16xf32>
          %mul3A_232 = vector.broadcast %squeeze3A_75 : f32 to vector<16xf32>
          %mul3A_233 = arith.mulf %mul3A_232, %get3A_222 : vector<16xf32>
          %mul3A_234 = vector.broadcast %squeeze3A_77 : f32 to vector<16xf32>
          %mul3A_235 = arith.mulf %mul3A_234, %get3A_225 : vector<16xf32>
          %add3A_236 = arith.addf %mul3A_233, %mul3A_235 : vector<16xf32>
          %mul3A_237 = vector.broadcast %squeeze3A_79 : f32 to vector<16xf32>
          %mul3A_238 = arith.mulf %mul3A_237, %get3A_228 : vector<16xf32>
          %add3A_239 = arith.addf %add3A_236, %mul3A_238 : vector<16xf32>
          %add3A_240 = vector.broadcast %squeeze3A_81 : f32 to vector<16xf32>
          %add3A_241 = arith.addf %add3A_240, %get3A_231 : vector<16xf32>
          %add3A_242 = arith.addf %add3A_239, %add3A_239 : vector<16xf32>
          %sub3A_243 = arith.subf %add3A_241, %add3A_242 : vector<16xf32>
          %sub3A_244 = vector.broadcast %scan3A_141 : f32 to vector<16xf32>
          %sub3A_245 = arith.subf %sub3A_243, %sub3A_244 : vector<16xf32>
          %mul3A_246 = vector.broadcast %squeeze3A_92 : f32 to vector<16xf32>
          %mul3A_247 = arith.mulf %mul3A_246, %get3A_222 : vector<16xf32>
          %mul3A_248 = vector.broadcast %squeeze3A_94 : f32 to vector<16xf32>
          %mul3A_249 = arith.mulf %mul3A_248, %get3A_225 : vector<16xf32>
          %add3A_250 = arith.addf %mul3A_247, %mul3A_249 : vector<16xf32>
          %mul3A_251 = vector.broadcast %squeeze3A_96 : f32 to vector<16xf32>
          %mul3A_252 = arith.mulf %mul3A_251, %get3A_228 : vector<16xf32>
          %add3A_253 = arith.addf %add3A_250, %mul3A_252 : vector<16xf32>
          %add3A_254 = vector.broadcast %squeeze3A_98 : f32 to vector<16xf32>
          %add3A_255 = arith.addf %add3A_254, %get3A_231 : vector<16xf32>
          %add3A_256 = arith.addf %add3A_253, %add3A_253 : vector<16xf32>
          %sub3A_257 = arith.subf %add3A_255, %add3A_256 : vector<16xf32>
          %sub3A_258 = vector.broadcast %scan3A_142 : f32 to vector<16xf32>
          %sub3A_259 = arith.subf %sub3A_257, %sub3A_258 : vector<16xf32>
          %min3A_260 = arith.minimumf %sub3A_245, %sub3A_259 : vector<16xf32>
          %mul3A_261 = vector.broadcast %squeeze3A_109 : f32 to vector<16xf32>
          %mul3A_262 = arith.mulf %mul3A_261, %get3A_222 : vector<16xf32>
          %mul3A_263 = vector.broadcast %squeeze3A_111 : f32 to vector<16xf32>
          %mul3A_264 = arith.mulf %mul3A_263, %get3A_225 : vector<16xf32>
          %add3A_265 = arith.addf %mul3A_262, %mul3A_264 : vector<16xf32>
          %mul3A_266 = vector.broadcast %squeeze3A_113 : f32 to vector<16xf32>
          %mul3A_267 = arith.mulf %mul3A_266, %get3A_228 : vector<16xf32>
          %add3A_268 = arith.addf %add3A_265, %mul3A_267 : vector<16xf32>
          %add3A_269 = vector.broadcast %squeeze3A_115 : f32 to vector<16xf32>
          %add3A_270 = arith.addf %add3A_269, %get3A_231 : vector<16xf32>
          %add3A_271 = arith.addf %add3A_268, %add3A_268 : vector<16xf32>
          %sub3A_272 = arith.subf %add3A_270, %add3A_271 : vector<16xf32>
          %sub3A_273 = vector.broadcast %scan3A_143 : f32 to vector<16xf32>
          %sub3A_274 = arith.subf %sub3A_272, %sub3A_273 : vector<16xf32>
          %min3A_275 = arith.minimumf %min3A_260, %sub3A_274 : vector<16xf32>
          %mul3A_276 = vector.broadcast %squeeze3A_126 : f32 to vector<16xf32>
          %mul3A_277 = arith.mulf %mul3A_276, %get3A_222 : vector<16xf32>
          %mul3A_278 = vector.broadcast %squeeze3A_128 : f32 to vector<16xf32>
          %mul3A_279 = arith.mulf %mul3A_278, %get3A_225 : vector<16xf32>
          %add3A_280 = arith.addf %mul3A_277, %mul3A_279 : vector<16xf32>
          %mul3A_281 = vector.broadcast %squeeze3A_130 : f32 to vector<16xf32>
          %mul3A_282 = arith.mulf %mul3A_281, %get3A_228 : vector<16xf32>
          %add3A_283 = arith.addf %add3A_280, %mul3A_282 : vector<16xf32>
          %add3A_284 = vector.broadcast %squeeze3A_132 : f32 to vector<16xf32>
          %add3A_285 = arith.addf %add3A_284, %get3A_231 : vector<16xf32>
          %add3A_286 = arith.addf %add3A_283, %add3A_283 : vector<16xf32>
          %sub3A_287 = arith.subf %add3A_285, %add3A_286 : vector<16xf32>
          %sub3A_288 = vector.broadcast %scan3A_144 : f32 to vector<16xf32>
          %sub3A_289 = arith.subf %sub3A_287, %sub3A_288 : vector<16xf32>
          %min3A_290 = arith.minimumf %min3A_275, %sub3A_289 : vector<16xf32>
          %min3A_291 = arith.minimumf %min3A_217, %min3A_290 : vector<16xf32>
          %add3A_292 = arith.constant 32 : i32
          %add3A_293 = arith.addi %mul3A_146, %add3A_292 : i32
          %get3A_294 = arith.index_cast %add3A_293 : i32 to index
          %get3A_295 = tpu.vector_load %arg21[%get3A_294] {strides = array<i32>} : memref<2000xf32, #tpu.memory_space<vmem>>, vector<16xf32>,
          %get3A_296 = vector.shape_cast %get3A_295 : vector<16xf32> to vector<16xf32>
          %get3A_297 = arith.index_cast %add3A_293 : i32 to index
          %get3A_298 = tpu.vector_load %arg22[%get3A_297] {strides = array<i32>} : memref<2000xf32, #tpu.memory_space<vmem>>, vector<16xf32>,
          %get3A_299 = vector.shape_cast %get3A_298 : vector<16xf32> to vector<16xf32>
          %get3A_300 = arith.index_cast %add3A_293 : i32 to index
          %get3A_301 = tpu.vector_load %arg23[%get3A_300] {strides = array<i32>} : memref<2000xf32, #tpu.memory_space<vmem>>, vector<16xf32>,
          %get3A_302 = vector.shape_cast %get3A_301 : vector<16xf32> to vector<16xf32>
          %get3A_303 = arith.index_cast %add3A_293 : i32 to index
          %get3A_304 = tpu.vector_load %arg24[%get3A_303] {strides = array<i32>} : memref<2000xf32, #tpu.memory_space<vmem>>, vector<16xf32>,
          %get3A_305 = vector.shape_cast %get3A_304 : vector<16xf32> to vector<16xf32>
          %mul3A_306 = vector.broadcast %squeeze3A_75 : f32 to vector<16xf32>
          %mul3A_307 = arith.mulf %mul3A_306, %get3A_296 : vector<16xf32>
          %mul3A_308 = vector.broadcast %squeeze3A_77 : f32 to vector<16xf32>
          %mul3A_309 = arith.mulf %mul3A_308, %get3A_299 : vector<16xf32>
          %add3A_310 = arith.addf %mul3A_307, %mul3A_309 : vector<16xf32>
          %mul3A_311 = vector.broadcast %squeeze3A_79 : f32 to vector<16xf32>
          %mul3A_312 = arith.mulf %mul3A_311, %get3A_302 : vector<16xf32>
          %add3A_313 = arith.addf %add3A_310, %mul3A_312 : vector<16xf32>
          %add3A_314 = vector.broadcast %squeeze3A_81 : f32 to vector<16xf32>
          %add3A_315 = arith.addf %add3A_314, %get3A_305 : vector<16xf32>
          %add3A_316 = arith.addf %add3A_313, %add3A_313 : vector<16xf32>
          %sub3A_317 = arith.subf %add3A_315, %add3A_316 : vector<16xf32>
          %sub3A_318 = vector.broadcast %scan3A_141 : f32 to vector<16xf32>
          %sub3A_319 = arith.subf %sub3A_317, %sub3A_318 : vector<16xf32>
          %mul3A_320 = vector.broadcast %squeeze3A_92 : f32 to vector<16xf32>
          %mul3A_321 = arith.mulf %mul3A_320, %get3A_296 : vector<16xf32>
          %mul3A_322 = vector.broadcast %squeeze3A_94 : f32 to vector<16xf32>
          %mul3A_323 = arith.mulf %mul3A_322, %get3A_299 : vector<16xf32>
          %add3A_324 = arith.addf %mul3A_321, %mul3A_323 : vector<16xf32>
          %mul3A_325 = vector.broadcast %squeeze3A_96 : f32 to vector<16xf32>
          %mul3A_326 = arith.mulf %mul3A_325, %get3A_302 : vector<16xf32>
          %add3A_327 = arith.addf %add3A_324, %mul3A_326 : vector<16xf32>
          %add3A_328 = vector.broadcast %squeeze3A_98 : f32 to vector<16xf32>
          %add3A_329 = arith.addf %add3A_328, %get3A_305 : vector<16xf32>
          %add3A_330 = arith.addf %add3A_327, %add3A_327 : vector<16xf32>
          %sub3A_331 = arith.subf %add3A_329, %add3A_330 : vector<16xf32>
          %sub3A_332 = vector.broadcast %scan3A_142 : f32 to vector<16xf32>
          %sub3A_333 = arith.subf %sub3A_331, %sub3A_332 : vector<16xf32>
          %min3A_334 = arith.minimumf %sub3A_319, %sub3A_333 : vector<16xf32>
          %mul3A_335 = vector.broadcast %squeeze3A_109 : f32 to vector<16xf32>
          %mul3A_336 = arith.mulf %mul3A_335, %get3A_296 : vector<16xf32>
          %mul3A_337 = vector.broadcast %squeeze3A_111 : f32 to vector<16xf32>
          %mul3A_338 = arith.mulf %mul3A_337, %get3A_299 : vector<16xf32>
          %add3A_339 = arith.addf %mul3A_336, %mul3A_338 : vector<16xf32>
          %mul3A_340 = vector.broadcast %squeeze3A_113 : f32 to vector<16xf32>
          %mul3A_341 = arith.mulf %mul3A_340, %get3A_302 : vector<16xf32>
          %add3A_342 = arith.addf %add3A_339, %mul3A_341 : vector<16xf32>
          %add3A_343 = vector.broadcast %squeeze3A_115 : f32 to vector<16xf32>
          %add3A_344 = arith.addf %add3A_343, %get3A_305 : vector<16xf32>
          %add3A_345 = arith.addf %add3A_342, %add3A_342 : vector<16xf32>
          %sub3A_346 = arith.subf %add3A_344, %add3A_345 : vector<16xf32>
          %sub3A_347 = vector.broadcast %scan3A_143 : f32 to vector<16xf32>
          %sub3A_348 = arith.subf %sub3A_346, %sub3A_347 : vector<16xf32>
          %min3A_349 = arith.minimumf %min3A_334, %sub3A_348 : vector<16xf32>
          %mul3A_350 = vector.broadcast %squeeze3A_126 : f32 to vector<16xf32>
          %mul3A_351 = arith.mulf %mul3A_350, %get3A_296 : vector<16xf32>
          %mul3A_352 = vector.broadcast %squeeze3A_128 : f32 to vector<16xf32>
          %mul3A_353 = arith.mulf %mul3A_352, %get3A_299 : vector<16xf32>
          %add3A_354 = arith.addf %mul3A_351, %mul3A_353 : vector<16xf32>
          %mul3A_355 = vector.broadcast %squeeze3A_130 : f32 to vector<16xf32>
          %mul3A_356 = arith.mulf %mul3A_355, %get3A_302 : vector<16xf32>
          %add3A_357 = arith.addf %add3A_354, %mul3A_356 : vector<16xf32>
          %add3A_358 = vector.broadcast %squeeze3A_132 : f32 to vector<16xf32>
          %add3A_359 = arith.addf %add3A_358, %get3A_305 : vector<16xf32>
          %add3A_360 = arith.addf %add3A_357, %add3A_357 : vector<16xf32>
          %sub3A_361 = arith.subf %add3A_359, %add3A_360 : vector<16xf32>
          %sub3A_362 = vector.broadcast %scan3A_144 : f32 to vector<16xf32>
          %sub3A_363 = arith.subf %sub3A_361, %sub3A_362 : vector<16xf32>
          %min3A_364 = arith.minimumf %min3A_349, %sub3A_363 : vector<16xf32>
          %min3A_365 = arith.minimumf %min3A_291, %min3A_364 : vector<16xf32>
          %add3A_366 = arith.constant 48 : i32
          %add3A_367 = arith.addi %mul3A_146, %add3A_366 : i32
          %get3A_368 = arith.index_cast %add3A_367 : i32 to index
          %get3A_369 = tpu.vector_load %arg21[%get3A_368] {strides = array<i32>} : memref<2000xf32, #tpu.memory_space<vmem>>, vector<16xf32>,
          %get3A_370 = vector.shape_cast %get3A_369 : vector<16xf32> to vector<16xf32>
          %get3A_371 = arith.index_cast %add3A_367 : i32 to index
          %get3A_372 = tpu.vector_load %arg22[%get3A_371] {strides = array<i32>} : memref<2000xf32, #tpu.memory_space<vmem>>, vector<16xf32>,
          %get3A_373 = vector.shape_cast %get3A_372 : vector<16xf32> to vector<16xf32>
          %get3A_374 = arith.index_cast %add3A_367 : i32 to index
          %get3A_375 = tpu.vector_load %arg23[%get3A_374] {strides = array<i32>} : memref<2000xf32, #tpu.memory_space<vmem>>, vector<16xf32>,
          %get3A_376 = vector.shape_cast %get3A_375 : vector<16xf32> to vector<16xf32>
          %get3A_377 = arith.index_cast %add3A_367 : i32 to index
          %get3A_378 = tpu.vector_load %arg24[%get3A_377] {strides = array<i32>} : memref<2000xf32, #tpu.memory_space<vmem>>, vector<16xf32>,
          %get3A_379 = vector.shape_cast %get3A_378 : vector<16xf32> to vector<16xf32>
          %mul3A_380 = vector.broadcast %squeeze3A_75 : f32 to vector<16xf32>
          %mul3A_381 = arith.mulf %mul3A_380, %get3A_370 : vector<16xf32>
          %mul3A_382 = vector.broadcast %squeeze3A_77 : f32 to vector<16xf32>
          %mul3A_383 = arith.mulf %mul3A_382, %get3A_373 : vector<16xf32>
          %add3A_384 = arith.addf %mul3A_381, %mul3A_383 : vector<16xf32>
          %mul3A_385 = vector.broadcast %squeeze3A_79 : f32 to vector<16xf32>
          %mul3A_386 = arith.mulf %mul3A_385, %get3A_376 : vector<16xf32>
          %add3A_387 = arith.addf %add3A_384, %mul3A_386 : vector<16xf32>
          %add3A_388 = vector.broadcast %squeeze3A_81 : f32 to vector<16xf32>
          %add3A_389 = arith.addf %add3A_388, %get3A_379 : vector<16xf32>
          %add3A_390 = arith.addf %add3A_387, %add3A_387 : vector<16xf32>
          %sub3A_391 = arith.subf %add3A_389, %add3A_390 : vector<16xf32>
          %sub3A_392 = vector.broadcast %scan3A_141 : f32 to vector<16xf32>
          %sub3A_393 = arith.subf %sub3A_391, %sub3A_392 : vector<16xf32>
          %mul3A_394 = vector.broadcast %squeeze3A_92 : f32 to vector<16xf32>
          %mul3A_395 = arith.mulf %mul3A_394, %get3A_370 : vector<16xf32>
          %mul3A_396 = vector.broadcast %squeeze3A_94 : f32 to vector<16xf32>
          %mul3A_397 = arith.mulf %mul3A_396, %get3A_373 : vector<16xf32>
          %add3A_398 = arith.addf %mul3A_395, %mul3A_397 : vector<16xf32>
          %mul3A_399 = vector.broadcast %squeeze3A_96 : f32 to vector<16xf32>
          %mul3A_400 = arith.mulf %mul3A_399, %get3A_376 : vector<16xf32>
          %add3A_401 = arith.addf %add3A_398, %mul3A_400 : vector<16xf32>
          %add3A_402 = vector.broadcast %squeeze3A_98 : f32 to vector<16xf32>
          %add3A_403 = arith.addf %add3A_402, %get3A_379 : vector<16xf32>
          %add3A_404 = arith.addf %add3A_401, %add3A_401 : vector<16xf32>
          %sub3A_405 = arith.subf %add3A_403, %add3A_404 : vector<16xf32>
          %sub3A_406 = vector.broadcast %scan3A_142 : f32 to vector<16xf32>
          %sub3A_407 = arith.subf %sub3A_405, %sub3A_406 : vector<16xf32>
          %min3A_408 = arith.minimumf %sub3A_393, %sub3A_407 : vector<16xf32>
          %mul3A_409 = vector.broadcast %squeeze3A_109 : f32 to vector<16xf32>
          %mul3A_410 = arith.mulf %mul3A_409, %get3A_370 : vector<16xf32>
          %mul3A_411 = vector.broadcast %squeeze3A_111 : f32 to vector<16xf32>
          %mul3A_412 = arith.mulf %mul3A_411, %get3A_373 : vector<16xf32>
          %add3A_413 = arith.addf %mul3A_410, %mul3A_412 : vector<16xf32>
          %mul3A_414 = vector.broadcast %squeeze3A_113 : f32 to vector<16xf32>
          %mul3A_415 = arith.mulf %mul3A_414, %get3A_376 : vector<16xf32>
          %add3A_416 = arith.addf %add3A_413, %mul3A_415 : vector<16xf32>
          %add3A_417 = vector.broadcast %squeeze3A_115 : f32 to vector<16xf32>
          %add3A_418 = arith.addf %add3A_417, %get3A_379 : vector<16xf32>
          %add3A_419 = arith.addf %add3A_416, %add3A_416 : vector<16xf32>
          %sub3A_420 = arith.subf %add3A_418, %add3A_419 : vector<16xf32>
          %sub3A_421 = vector.broadcast %scan3A_143 : f32 to vector<16xf32>
          %sub3A_422 = arith.subf %sub3A_420, %sub3A_421 : vector<16xf32>
          %min3A_423 = arith.minimumf %min3A_408, %sub3A_422 : vector<16xf32>
          %mul3A_424 = vector.broadcast %squeeze3A_126 : f32 to vector<16xf32>
          %mul3A_425 = arith.mulf %mul3A_424, %get3A_370 : vector<16xf32>
          %mul3A_426 = vector.broadcast %squeeze3A_128 : f32 to vector<16xf32>
          %mul3A_427 = arith.mulf %mul3A_426, %get3A_373 : vector<16xf32>
          %add3A_428 = arith.addf %mul3A_425, %mul3A_427 : vector<16xf32>
          %mul3A_429 = vector.broadcast %squeeze3A_130 : f32 to vector<16xf32>
          %mul3A_430 = arith.mulf %mul3A_429, %get3A_376 : vector<16xf32>
          %add3A_431 = arith.addf %add3A_428, %mul3A_430 : vector<16xf32>
          %add3A_432 = vector.broadcast %squeeze3A_132 : f32 to vector<16xf32>
          %add3A_433 = arith.addf %add3A_432, %get3A_379 : vector<16xf32>
          %add3A_434 = arith.addf %add3A_431, %add3A_431 : vector<16xf32>
          %sub3A_435 = arith.subf %add3A_433, %add3A_434 : vector<16xf32>
          %sub3A_436 = vector.broadcast %scan3A_144 : f32 to vector<16xf32>
          %sub3A_437 = arith.subf %sub3A_435, %sub3A_436 : vector<16xf32>
          %min3A_438 = arith.minimumf %min3A_423, %sub3A_437 : vector<16xf32>
          %min3A_439 = arith.minimumf %min3A_365, %min3A_438 : vector<16xf32>
          %add3A_440 = arith.constant 64 : i32
          %add3A_441 = arith.addi %mul3A_146, %add3A_440 : i32
          %get3A_442 = arith.index_cast %add3A_441 : i32 to index
          %get3A_443 = tpu.vector_load %arg21[%get3A_442] {strides = array<i32>} : memref<2000xf32, #tpu.memory_space<vmem>>, vector<16xf32>,
          %get3A_444 = vector.shape_cast %get3A_443 : vector<16xf32> to vector<16xf32>
          %get3A_445 = arith.index_cast %add3A_441 : i32 to index
          %get3A_446 = tpu.vector_load %arg22[%get3A_445] {strides = array<i32>} : memref<2000xf32, #tpu.memory_space<vmem>>, vector<16xf32>,
          %get3A_447 = vector.shape_cast %get3A_446 : vector<16xf32> to vector<16xf32>
          %get3A_448 = arith.index_cast %add3A_441 : i32 to index
          %get3A_449 = tpu.vector_load %arg23[%get3A_448] {strides = array<i32>} : memref<2000xf32, #tpu.memory_space<vmem>>, vector<16xf32>,
          %get3A_450 = vector.shape_cast %get3A_449 : vector<16xf32> to vector<16xf32>
          %get3A_451 = arith.index_cast %add3A_441 : i32 to index
          %get3A_452 = tpu.vector_load %arg24[%get3A_451] {strides = array<i32>} : memref<2000xf32, #tpu.memory_space<vmem>>, vector<16xf32>,
          %get3A_453 = vector.shape_cast %get3A_452 : vector<16xf32> to vector<16xf32>
          %mul3A_454 = vector.broadcast %squeeze3A_75 : f32 to vector<16xf32>
          %mul3A_455 = arith.mulf %mul3A_454, %get3A_444 : vector<16xf32>
          %mul3A_456 = vector.broadcast %squeeze3A_77 : f32 to vector<16xf32>
          %mul3A_457 = arith.mulf %mul3A_456, %get3A_447 : vector<16xf32>
          %add3A_458 = arith.addf %mul3A_455, %mul3A_457 : vector<16xf32>
          %mul3A_459 = vector.broadcast %squeeze3A_79 : f32 to vector<16xf32>
          %mul3A_460 = arith.mulf %mul3A_459, %get3A_450 : vector<16xf32>
          %add3A_461 = arith.addf %add3A_458, %mul3A_460 : vector<16xf32>
          %add3A_462 = vector.broadcast %squeeze3A_81 : f32 to vector<16xf32>
          %add3A_463 = arith.addf %add3A_462, %get3A_453 : vector<16xf32>
          %add3A_464 = arith.addf %add3A_461, %add3A_461 : vector<16xf32>
          %sub3A_465 = arith.subf %add3A_463, %add3A_464 : vector<16xf32>
          %sub3A_466 = vector.broadcast %scan3A_141 : f32 to vector<16xf32>
          %sub3A_467 = arith.subf %sub3A_465, %sub3A_466 : vector<16xf32>
          %mul3A_468 = vector.broadcast %squeeze3A_92 : f32 to vector<16xf32>
          %mul3A_469 = arith.mulf %mul3A_468, %get3A_444 : vector<16xf32>
          %mul3A_470 = vector.broadcast %squeeze3A_94 : f32 to vector<16xf32>
          %mul3A_471 = arith.mulf %mul3A_470, %get3A_447 : vector<16xf32>
          %add3A_472 = arith.addf %mul3A_469, %mul3A_471 : vector<16xf32>
          %mul3A_473 = vector.broadcast %squeeze3A_96 : f32 to vector<16xf32>
          %mul3A_474 = arith.mulf %mul3A_473, %get3A_450 : vector<16xf32>
          %add3A_475 = arith.addf %add3A_472, %mul3A_474 : vector<16xf32>
          %add3A_476 = vector.broadcast %squeeze3A_98 : f32 to vector<16xf32>
          %add3A_477 = arith.addf %add3A_476, %get3A_453 : vector<16xf32>
          %add3A_478 = arith.addf %add3A_475, %add3A_475 : vector<16xf32>
          %sub3A_479 = arith.subf %add3A_477, %add3A_478 : vector<16xf32>
          %sub3A_480 = vector.broadcast %scan3A_142 : f32 to vector<16xf32>
          %sub3A_481 = arith.subf %sub3A_479, %sub3A_480 : vector<16xf32>
          %min3A_482 = arith.minimumf %sub3A_467, %sub3A_481 : vector<16xf32>
          %mul3A_483 = vector.broadcast %squeeze3A_109 : f32 to vector<16xf32>
          %mul3A_484 = arith.mulf %mul3A_483, %get3A_444 : vector<16xf32>
          %mul3A_485 = vector.broadcast %squeeze3A_111 : f32 to vector<16xf32>
          %mul3A_486 = arith.mulf %mul3A_485, %get3A_447 : vector<16xf32>
          %add3A_487 = arith.addf %mul3A_484, %mul3A_486 : vector<16xf32>
          %mul3A_488 = vector.broadcast %squeeze3A_113 : f32 to vector<16xf32>
          %mul3A_489 = arith.mulf %mul3A_488, %get3A_450 : vector<16xf32>
          %add3A_490 = arith.addf %add3A_487, %mul3A_489 : vector<16xf32>
          %add3A_491 = vector.broadcast %squeeze3A_115 : f32 to vector<16xf32>
          %add3A_492 = arith.addf %add3A_491, %get3A_453 : vector<16xf32>
          %add3A_493 = arith.addf %add3A_490, %add3A_490 : vector<16xf32>
          %sub3A_494 = arith.subf %add3A_492, %add3A_493 : vector<16xf32>
          %sub3A_495 = vector.broadcast %scan3A_143 : f32 to vector<16xf32>
          %sub3A_496 = arith.subf %sub3A_494, %sub3A_495 : vector<16xf32>
          %min3A_497 = arith.minimumf %min3A_482, %sub3A_496 : vector<16xf32>
          %mul3A_498 = vector.broadcast %squeeze3A_126 : f32 to vector<16xf32>
          %mul3A_499 = arith.mulf %mul3A_498, %get3A_444 : vector<16xf32>
          %mul3A_500 = vector.broadcast %squeeze3A_128 : f32 to vector<16xf32>
          %mul3A_501 = arith.mulf %mul3A_500, %get3A_447 : vector<16xf32>
          %add3A_502 = arith.addf %mul3A_499, %mul3A_501 : vector<16xf32>
          %mul3A_503 = vector.broadcast %squeeze3A_130 : f32 to vector<16xf32>
          %mul3A_504 = arith.mulf %mul3A_503, %get3A_450 : vector<16xf32>
          %add3A_505 = arith.addf %add3A_502, %mul3A_504 : vector<16xf32>
          %add3A_506 = vector.broadcast %squeeze3A_132 : f32 to vector<16xf32>
          %add3A_507 = arith.addf %add3A_506, %get3A_453 : vector<16xf32>
          %add3A_508 = arith.addf %add3A_505, %add3A_505 : vector<16xf32>
          %sub3A_509 = arith.subf %add3A_507, %add3A_508 : vector<16xf32>
          %sub3A_510 = vector.broadcast %scan3A_144 : f32 to vector<16xf32>
          %sub3A_511 = arith.subf %sub3A_509, %sub3A_510 : vector<16xf32>
          %min3A_512 = arith.minimumf %min3A_497, %sub3A_511 : vector<16xf32>
          %min3A_513 = arith.minimumf %min3A_439, %min3A_512 : vector<16xf32>
          %iota3A = tpu.iota {dimensions = array<i32: 0>} : vector<16xi32>
          %xor3A = arith.constant 8 : i32
          %xor3A_514 = vector.broadcast %xor3A : i32 to vector<16xi32>
          %xor3A_515 = arith.xori %iota3A, %xor3A_514 : vector<16xi32>
          %broadcast_in_dim3A_516 = vector.shape_cast %xor3A_515 : vector<16xi32> to vector<16x1xi32>
          %gather3A = vector.shape_cast %broadcast_in_dim3A_516 : vector<16x1xi32> to vector<16xi32>
          %gather3A_517 = tpu.dynamic_gather %min3A_513[%gather3A] in [0] : vector<16xf32>, vector<16xi32> -> vector<16xf32>
          %min3A_518 = arith.minimumf %min3A_513, %gather3A_517 : vector<16xf32>
          %xor3A_519 = arith.constant 4 : i32
          %xor3A_520 = vector.broadcast %xor3A_519 : i32 to vector<16xi32>
          %xor3A_521 = arith.xori %iota3A, %xor3A_520 : vector<16xi32>
          %broadcast_in_dim3A_522 = vector.shape_cast %xor3A_521 : vector<16xi32> to vector<16x1xi32>
          %gather3A_523 = vector.shape_cast %broadcast_in_dim3A_522 : vector<16x1xi32> to vector<16xi32>
          %gather3A_524 = tpu.dynamic_gather %min3A_518[%gather3A_523] in [0] : vector<16xf32>, vector<16xi32> -> vector<16xf32>
          %min3A_525 = arith.minimumf %min3A_518, %gather3A_524 : vector<16xf32>
          %xor3A_526 = arith.constant 2 : i32
          %xor3A_527 = vector.broadcast %xor3A_526 : i32 to vector<16xi32>
          %xor3A_528 = arith.xori %iota3A, %xor3A_527 : vector<16xi32>
          %broadcast_in_dim3A_529 = vector.shape_cast %xor3A_528 : vector<16xi32> to vector<16x1xi32>
          %gather3A_530 = vector.shape_cast %broadcast_in_dim3A_529 : vector<16x1xi32> to vector<16xi32>
          %gather3A_531 = tpu.dynamic_gather %min3A_525[%gather3A_530] in [0] : vector<16xf32>, vector<16xi32> -> vector<16xf32>
          %min3A_532 = arith.minimumf %min3A_525, %gather3A_531 : vector<16xf32>
          %xor3A_533 = arith.constant 1 : i32
          %xor3A_534 = vector.broadcast %xor3A_533 : i32 to vector<16xi32>
          %xor3A_535 = arith.xori %iota3A, %xor3A_534 : vector<16xi32>
          %broadcast_in_dim3A_536 = vector.shape_cast %xor3A_535 : vector<16xi32> to vector<16x1xi32>
          %gather3A_537 = vector.shape_cast %broadcast_in_dim3A_536 : vector<16x1xi32> to vector<16xi32>
          %gather3A_538 = tpu.dynamic_gather %min3A_532[%gather3A_537] in [0] : vector<16xf32>, vector<16xi32> -> vector<16xf32>
          %min3A_539 = arith.minimumf %min3A_532, %gather3A_538 : vector<16xf32>
          %slice3A_540 = vector.extract_strided_slice %min3A_539 {offsets = [0], sizes = [1], strides = [1]} : vector<16xf32> to vector<1xf32>
          %squeeze3A_541 = vector.extract %slice3A_540[0] : f32 from vector<1xf32>
          %lt3A = arith.constant 0.000000e+00 : f32
          %lt3A_542 = arith.cmpf olt, %squeeze3A_541, %lt3A : f32
          %convert_element_type3A = arith.extui %lt3A_542 : i1 to i32
          %cond3A = arith.constant 0 : i32
          %cond3A_543 = arith.constant 0 : i32
          %cond3A_544 = arith.cmpi ne, %convert_element_type3A, %cond3A_543 : i32
          %cond3A_545:4 = scf.if %cond3A_544 -> (f32, f32, f32, f32) {
            %scan3A_546 = arith.constant 0 : i32
            %scan3A_547 = arith.constant 5 : i32
            %scan3A_548 = arith.addi %scan3A_546, %scan3A_547 : i32
            %scan3A_549 = arith.constant 1 : i32
            %scan3A_550:4 = scf.for %scan3A_552 = %scan3A_546 to %scan3A_548 step %scan3A_549 iter_args(%scan3A_553 = %scan3A_141, %scan3A_554 = %scan3A_142, %scan3A_555 = %scan3A_143, %scan3A_556 = %scan3A_144) -> (f32, f32, f32, f32)  : i32 {
              %mul3A_557 = arith.constant 16 : i32
              %mul3A_558 = arith.muli %scan3A_552, %mul3A_557 : i32
              %add3A_559 = arith.addi %mul3A_146, %mul3A_558 : i32
              %get3A_560 = arith.index_cast %add3A_559 : i32 to index
              %get3A_561 = tpu.vector_load %arg21[%get3A_560] {strides = array<i32>} : memref<2000xf32, #tpu.memory_space<vmem>>, vector<16xf32>,
              %get3A_562 = vector.shape_cast %get3A_561 : vector<16xf32> to vector<16xf32>
              %get3A_563 = arith.index_cast %add3A_559 : i32 to index
              %get3A_564 = tpu.vector_load %arg22[%get3A_563] {strides = array<i32>} : memref<2000xf32, #tpu.memory_space<vmem>>, vector<16xf32>,
              %get3A_565 = vector.shape_cast %get3A_564 : vector<16xf32> to vector<16xf32>
              %get3A_566 = arith.index_cast %add3A_559 : i32 to index
              %get3A_567 = tpu.vector_load %arg23[%get3A_566] {strides = array<i32>} : memref<2000xf32, #tpu.memory_space<vmem>>, vector<16xf32>,
              %get3A_568 = vector.shape_cast %get3A_567 : vector<16xf32> to vector<16xf32>
              %get3A_569 = arith.index_cast %add3A_559 : i32 to index
              %get3A_570 = tpu.vector_load %arg24[%get3A_569] {strides = array<i32>} : memref<2000xf32, #tpu.memory_space<vmem>>, vector<16xf32>,
              %get3A_571 = vector.shape_cast %get3A_570 : vector<16xf32> to vector<16xf32>
              %mul3A_572 = vector.broadcast %squeeze3A_75 : f32 to vector<16xf32>
              %mul3A_573 = arith.mulf %mul3A_572, %get3A_562 : vector<16xf32>
              %mul3A_574 = vector.broadcast %squeeze3A_77 : f32 to vector<16xf32>
              %mul3A_575 = arith.mulf %mul3A_574, %get3A_565 : vector<16xf32>
              %add3A_576 = arith.addf %mul3A_573, %mul3A_575 : vector<16xf32>
              %mul3A_577 = vector.broadcast %squeeze3A_79 : f32 to vector<16xf32>
              %mul3A_578 = arith.mulf %mul3A_577, %get3A_568 : vector<16xf32>
              %add3A_579 = arith.addf %add3A_576, %mul3A_578 : vector<16xf32>
              %add3A_580 = vector.broadcast %squeeze3A_81 : f32 to vector<16xf32>
              %add3A_581 = arith.addf %add3A_580, %get3A_571 : vector<16xf32>
              %add3A_582 = arith.addf %add3A_579, %add3A_579 : vector<16xf32>
              %sub3A_583 = arith.subf %add3A_581, %add3A_582 : vector<16xf32>
              %sub3A_584 = vector.broadcast %scan3A_553 : f32 to vector<16xf32>
              %sub3A_585 = arith.subf %sub3A_583, %sub3A_584 : vector<16xf32>
              %mul3A_586 = vector.broadcast %squeeze3A_92 : f32 to vector<16xf32>
              %mul3A_587 = arith.mulf %mul3A_586, %get3A_562 : vector<16xf32>
              %mul3A_588 = vector.broadcast %squeeze3A_94 : f32 to vector<16xf32>
              %mul3A_589 = arith.mulf %mul3A_588, %get3A_565 : vector<16xf32>
              %add3A_590 = arith.addf %mul3A_587, %mul3A_589 : vector<16xf32>
              %mul3A_591 = vector.broadcast %squeeze3A_96 : f32 to vector<16xf32>
              %mul3A_592 = arith.mulf %mul3A_591, %get3A_568 : vector<16xf32>
              %add3A_593 = arith.addf %add3A_590, %mul3A_592 : vector<16xf32>
              %add3A_594 = vector.broadcast %squeeze3A_98 : f32 to vector<16xf32>
              %add3A_595 = arith.addf %add3A_594, %get3A_571 : vector<16xf32>
              %add3A_596 = arith.addf %add3A_593, %add3A_593 : vector<16xf32>
              %sub3A_597 = arith.subf %add3A_595, %add3A_596 : vector<16xf32>
              %sub3A_598 = vector.broadcast %scan3A_554 : f32 to vector<16xf32>
              %sub3A_599 = arith.subf %sub3A_597, %sub3A_598 : vector<16xf32>
              %min3A_600 = arith.minimumf %sub3A_585, %sub3A_599 : vector<16xf32>
              %mul3A_601 = vector.broadcast %squeeze3A_109 : f32 to vector<16xf32>
              %mul3A_602 = arith.mulf %mul3A_601, %get3A_562 : vector<16xf32>
              %mul3A_603 = vector.broadcast %squeeze3A_111 : f32 to vector<16xf32>
              %mul3A_604 = arith.mulf %mul3A_603, %get3A_565 : vector<16xf32>
              %add3A_605 = arith.addf %mul3A_602, %mul3A_604 : vector<16xf32>
              %mul3A_606 = vector.broadcast %squeeze3A_113 : f32 to vector<16xf32>
              %mul3A_607 = arith.mulf %mul3A_606, %get3A_568 : vector<16xf32>
              %add3A_608 = arith.addf %add3A_605, %mul3A_607 : vector<16xf32>
              %add3A_609 = vector.broadcast %squeeze3A_115 : f32 to vector<16xf32>
              %add3A_610 = arith.addf %add3A_609, %get3A_571 : vector<16xf32>
              %add3A_611 = arith.addf %add3A_608, %add3A_608 : vector<16xf32>
              %sub3A_612 = arith.subf %add3A_610, %add3A_611 : vector<16xf32>
              %sub3A_613 = vector.broadcast %scan3A_555 : f32 to vector<16xf32>
              %sub3A_614 = arith.subf %sub3A_612, %sub3A_613 : vector<16xf32>
              %min3A_615 = arith.minimumf %min3A_600, %sub3A_614 : vector<16xf32>
              %mul3A_616 = vector.broadcast %squeeze3A_126 : f32 to vector<16xf32>
              %mul3A_617 = arith.mulf %mul3A_616, %get3A_562 : vector<16xf32>
              %mul3A_618 = vector.broadcast %squeeze3A_128 : f32 to vector<16xf32>
              %mul3A_619 = arith.mulf %mul3A_618, %get3A_565 : vector<16xf32>
              %add3A_620 = arith.addf %mul3A_617, %mul3A_619 : vector<16xf32>
              %mul3A_621 = vector.broadcast %squeeze3A_130 : f32 to vector<16xf32>
              %mul3A_622 = arith.mulf %mul3A_621, %get3A_568 : vector<16xf32>
              %add3A_623 = arith.addf %add3A_620, %mul3A_622 : vector<16xf32>
              %add3A_624 = vector.broadcast %squeeze3A_132 : f32 to vector<16xf32>
              %add3A_625 = arith.addf %add3A_624, %get3A_571 : vector<16xf32>
              %add3A_626 = arith.addf %add3A_623, %add3A_623 : vector<16xf32>
              %sub3A_627 = arith.subf %add3A_625, %add3A_626 : vector<16xf32>
              %sub3A_628 = vector.broadcast %scan3A_556 : f32 to vector<16xf32>
              %sub3A_629 = arith.subf %sub3A_627, %sub3A_628 : vector<16xf32>
              %min3A_630 = arith.minimumf %min3A_615, %sub3A_629 : vector<16xf32>
              %add3A_631 = arith.addi %mul3A_50, %add3A_559 : i32
              %iota3A_632 = tpu.iota {dimensions = array<i32: 0>} : vector<16xi32>
              %xor3A_633 = arith.constant 8 : i32
              %xor3A_634 = vector.broadcast %xor3A_633 : i32 to vector<16xi32>
              %xor3A_635 = arith.xori %iota3A_632, %xor3A_634 : vector<16xi32>
              %broadcast_in_dim3A_636 = vector.shape_cast %xor3A_635 : vector<16xi32> to vector<16x1xi32>
              %gather3A_637 = vector.shape_cast %broadcast_in_dim3A_636 : vector<16x1xi32> to vector<16xi32>
              %gather3A_638 = tpu.dynamic_gather %min3A_630[%gather3A_637] in [0] : vector<16xf32>, vector<16xi32> -> vector<16xf32>
              %min3A_639 = arith.minimumf %min3A_630, %gather3A_638 : vector<16xf32>
              %xor3A_640 = arith.constant 4 : i32
              %xor3A_641 = vector.broadcast %xor3A_640 : i32 to vector<16xi32>
              %xor3A_642 = arith.xori %iota3A_632, %xor3A_641 : vector<16xi32>
              %broadcast_in_dim3A_643 = vector.shape_cast %xor3A_642 : vector<16xi32> to vector<16x1xi32>
              %gather3A_644 = vector.shape_cast %broadcast_in_dim3A_643 : vector<16x1xi32> to vector<16xi32>
              %gather3A_645 = tpu.dynamic_gather %min3A_639[%gather3A_644] in [0] : vector<16xf32>, vector<16xi32> -> vector<16xf32>
              %min3A_646 = arith.minimumf %min3A_639, %gather3A_645 : vector<16xf32>
              %xor3A_647 = arith.constant 2 : i32
              %xor3A_648 = vector.broadcast %xor3A_647 : i32 to vector<16xi32>
              %xor3A_649 = arith.xori %iota3A_632, %xor3A_648 : vector<16xi32>
              %broadcast_in_dim3A_650 = vector.shape_cast %xor3A_649 : vector<16xi32> to vector<16x1xi32>
              %gather3A_651 = vector.shape_cast %broadcast_in_dim3A_650 : vector<16x1xi32> to vector<16xi32>
              %gather3A_652 = tpu.dynamic_gather %min3A_646[%gather3A_651] in [0] : vector<16xf32>, vector<16xi32> -> vector<16xf32>
              %min3A_653 = arith.minimumf %min3A_646, %gather3A_652 : vector<16xf32>
              %xor3A_654 = arith.constant 1 : i32
              %xor3A_655 = vector.broadcast %xor3A_654 : i32 to vector<16xi32>
              %xor3A_656 = arith.xori %iota3A_632, %xor3A_655 : vector<16xi32>
              %broadcast_in_dim3A_657 = vector.shape_cast %xor3A_656 : vector<16xi32> to vector<16x1xi32>
              %gather3A_658 = vector.shape_cast %broadcast_in_dim3A_657 : vector<16x1xi32> to vector<16xi32>
              %gather3A_659 = tpu.dynamic_gather %min3A_653[%gather3A_658] in [0] : vector<16xf32>, vector<16xi32> -> vector<16xf32>
              %min3A_660 = arith.minimumf %min3A_653, %gather3A_659 : vector<16xf32>
              %slice3A_661 = vector.extract_strided_slice %min3A_660 {offsets = [0], sizes = [1], strides = [1]} : vector<16xf32> to vector<1xf32>
              %squeeze3A_662 = vector.extract %slice3A_661[0] : f32 from vector<1xf32>
              %lt3A_663 = arith.constant 0.000000e+00 : f32
              %lt3A_664 = arith.cmpf olt, %squeeze3A_662, %lt3A_663 : f32
              %convert_element_type3A_665 = arith.extui %lt3A_664 : i1 to i32
              %cond3A_666 = arith.constant 0 : i32
              %cond3A_667 = arith.constant 0 : i32
              %cond3A_668 = arith.cmpi ne, %convert_element_type3A_665, %cond3A_667 : i32
              %cond3A_669:4 = scf.if %cond3A_668 -> (f32, f32, f32, f32) {
                %add3A_670 = arith.constant 0 : i32
                %add3A_671 = arith.addi %mul3A_59, %add3A_670 : i32
                %mul3A_672 = arith.constant 16 : i32
                %mul3A_673 = arith.muli %add3A_671, %mul3A_672 : i32
                %get3A_674 = arith.index_cast %mul3A_673 : i32 to index
                %get3A_675 = tpu.vector_load %arg28[%get3A_674] {strides = array<i32>} : memref<2048xf32, #tpu.memory_space<vmem>>, vector<16xf32>,
                %get3A_676 = vector.shape_cast %get3A_675 : vector<16xf32> to vector<16xf32>
                %mul3A_677 = arith.constant 16 : i32
                %mul3A_678 = arith.muli %add3A_671, %mul3A_677 : i32
                %get3A_679 = arith.index_cast %mul3A_678 : i32 to index
                %get3A_680 = tpu.vector_load %arg29[%get3A_679] {strides = array<i32>} : memref<2048xi32, #tpu.memory_space<vmem>>, vector<16xi32>,
                %get3A_681 = vector.shape_cast %get3A_680 : vector<16xi32> to vector<16xi32>
                %iota3A_682 = tpu.iota {dimensions = array<i32: 0>} : vector<16xi32>
                %sub3A_683 = arith.constant 1 : i32
                %sub3A_684 = vector.broadcast %sub3A_683 : i32 to vector<16xi32>
                %sub3A_685 = arith.subi %iota3A_682, %sub3A_684 : vector<16xi32>
                %max3A = arith.constant 0 : i32
                %max3A_686 = vector.broadcast %max3A : i32 to vector<16xi32>
                %max3A_687 = arith.maxsi %sub3A_685, %max3A_686 : vector<16xi32>
                %eq3A = arith.constant 0 : i32
                %eq3A_688 = vector.broadcast %eq3A : i32 to vector<16xi32>
                %eq3A_689 = arith.cmpi eq, %iota3A_682, %eq3A_688 : vector<16xi32>
                %slice3A_690 = vector.extract_strided_slice %sub3A_583 {offsets = [0], sizes = [1], strides = [1]} : vector<16xf32> to vector<1xf32>
                %squeeze3A_691 = vector.extract %slice3A_690[0] : f32 from vector<1xf32>
                %broadcast_in_dim3A_692 = vector.broadcast %squeeze3A_691 : f32 to vector<16xf32>
                %add3A_693 = arith.constant 0 : i32
                %add3A_694 = arith.addi %add3A_631, %add3A_693 : i32
                %broadcast_in_dim3A_695 = vector.broadcast %add3A_694 : i32 to vector<16xi32>
                %broadcast_in_dim3A_696 = vector.shape_cast %max3A_687 : vector<16xi32> to vector<16x1xi32>
                %gather3A_697 = vector.shape_cast %broadcast_in_dim3A_696 : vector<16x1xi32> to vector<16xi32>
                %gather3A_698 = tpu.dynamic_gather %get3A_676[%gather3A_697] in [0] : vector<16xf32>, vector<16xi32> -> vector<16xf32>
                %jit3A = arith.constant 0xFF800000 : f32
                %broadcast_in_dim3A_699 = vector.broadcast %jit3A : f32 to vector<16xf32>
                %select_n3A = arith.select %eq3A_689, %broadcast_in_dim3A_699, %gather3A_698 : vector<16xi1>, vector<16xf32>
                %broadcast_in_dim3A_700 = vector.shape_cast %max3A_687 : vector<16xi32> to vector<16x1xi32>
                %gather3A_701 = vector.shape_cast %broadcast_in_dim3A_700 : vector<16x1xi32> to vector<16xi32>
                %gather3A_702 = tpu.dynamic_gather %get3A_681[%gather3A_701] in [0] : vector<16xi32>, vector<16xi32> -> vector<16xi32>
                %le3A = arith.cmpf ole, %get3A_676, %broadcast_in_dim3A_692 : vector<16xf32>
                %le3A_703 = arith.cmpf ole, %select_n3A, %broadcast_in_dim3A_692 : vector<16xf32>
                %select_n3A_704 = arith.select %le3A_703, %broadcast_in_dim3A_692, %select_n3A : vector<16xi1>, vector<16xf32>
                %select_n3A_705 = arith.select %le3A, %get3A_676, %select_n3A_704 : vector<16xi1>, vector<16xf32>
                %select_n3A_706 = arith.select %le3A_703, %broadcast_in_dim3A_695, %gather3A_702 : vector<16xi1>, vector<16xi32>
                %select_n3A_707 = arith.select %le3A, %get3A_681, %select_n3A_706 : vector<16xi1>, vector<16xi32>
                %slice3A_708 = vector.extract_strided_slice %sub3A_583 {offsets = [1], sizes = [1], strides = [1]} : vector<16xf32> to vector<1xf32>
                %squeeze3A_709 = vector.extract %slice3A_708[0] : f32 from vector<1xf32>
                %broadcast_in_dim3A_710 = vector.broadcast %squeeze3A_709 : f32 to vector<16xf32>
                %add3A_711 = arith.constant 1 : i32
                %add3A_712 = arith.addi %add3A_631, %add3A_711 : i32
                %broadcast_in_dim3A_713 = vector.broadcast %add3A_712 : i32 to vector<16xi32>
                %broadcast_in_dim3A_714 = vector.shape_cast %max3A_687 : vector<16xi32> to vector<16x1xi32>
                %gather3A_715 = vector.shape_cast %broadcast_in_dim3A_714 : vector<16x1xi32> to vector<16xi32>
                %gather3A_716 = tpu.dynamic_gather %select_n3A_705[%gather3A_715] in [0] : vector<16xf32>, vector<16xi32> -> vector<16xf32>
                %jit3A_717 = arith.constant 0xFF800000 : f32
                %broadcast_in_dim3A_718 = vector.broadcast %jit3A_717 : f32 to vector<16xf32>
                %select_n3A_719 = arith.select %eq3A_689, %broadcast_in_dim3A_718, %gather3A_716 : vector<16xi1>, vector<16xf32>
                %broadcast_in_dim3A_720 = vector.shape_cast %max3A_687 : vector<16xi32> to vector<16x1xi32>
                %gather3A_721 = vector.shape_cast %broadcast_in_dim3A_720 : vector<16x1xi32> to vector<16xi32>
                %gather3A_722 = tpu.dynamic_gather %select_n3A_707[%gather3A_721] in [0] : vector<16xi32>, vector<16xi32> -> vector<16xi32>
                %le3A_723 = arith.cmpf ole, %select_n3A_705, %broadcast_in_dim3A_710 : vector<16xf32>
                %le3A_724 = arith.cmpf ole, %select_n3A_719, %broadcast_in_dim3A_710 : vector<16xf32>
                %select_n3A_725 = arith.select %le3A_724, %broadcast_in_dim3A_710, %select_n3A_719 : vector<16xi1>, vector<16xf32>
                %select_n3A_726 = arith.select %le3A_723, %select_n3A_705, %select_n3A_725 : vector<16xi1>, vector<16xf32>
                %select_n3A_727 = arith.select %le3A_724, %broadcast_in_dim3A_713, %gather3A_722 : vector<16xi1>, vector<16xi32>
                %select_n3A_728 = arith.select %le3A_723, %select_n3A_707, %select_n3A_727 : vector<16xi1>, vector<16xi32>
                %slice3A_729 = vector.extract_strided_slice %sub3A_583 {offsets = [2], sizes = [1], strides = [1]} : vector<16xf32> to vector<1xf32>
                %squeeze3A_730 = vector.extract %slice3A_729[0] : f32 from vector<1xf32>
                %broadcast_in_dim3A_731 = vector.broadcast %squeeze3A_730 : f32 to vector<16xf32>
                %add3A_732 = arith.constant 2 : i32
                %add3A_733 = arith.addi %add3A_631, %add3A_732 : i32
                %broadcast_in_dim3A_734 = vector.broadcast %add3A_733 : i32 to vector<16xi32>
                %broadcast_in_dim3A_735 = vector.shape_cast %max3A_687 : vector<16xi32> to vector<16x1xi32>
                %gather3A_736 = vector.shape_cast %broadcast_in_dim3A_735 : vector<16x1xi32> to vector<16xi32>
                %gather3A_737 = tpu.dynamic_gather %select_n3A_726[%gather3A_736] in [0] : vector<16xf32>, vector<16xi32> -> vector<16xf32>
                %jit3A_738 = arith.constant 0xFF800000 : f32
                %broadcast_in_dim3A_739 = vector.broadcast %jit3A_738 : f32 to vector<16xf32>
                %select_n3A_740 = arith.select %eq3A_689, %broadcast_in_dim3A_739, %gather3A_737 : vector<16xi1>, vector<16xf32>
                %broadcast_in_dim3A_741 = vector.shape_cast %max3A_687 : vector<16xi32> to vector<16x1xi32>
                %gather3A_742 = vector.shape_cast %broadcast_in_dim3A_741 : vector<16x1xi32> to vector<16xi32>
                %gather3A_743 = tpu.dynamic_gather %select_n3A_728[%gather3A_742] in [0] : vector<16xi32>, vector<16xi32> -> vector<16xi32>
                %le3A_744 = arith.cmpf ole, %select_n3A_726, %broadcast_in_dim3A_731 : vector<16xf32>
                %le3A_745 = arith.cmpf ole, %select_n3A_740, %broadcast_in_dim3A_731 : vector<16xf32>
                %select_n3A_746 = arith.select %le3A_745, %broadcast_in_dim3A_731, %select_n3A_740 : vector<16xi1>, vector<16xf32>
                %select_n3A_747 = arith.select %le3A_744, %select_n3A_726, %select_n3A_746 : vector<16xi1>, vector<16xf32>
                %select_n3A_748 = arith.select %le3A_745, %broadcast_in_dim3A_734, %gather3A_743 : vector<16xi1>, vector<16xi32>
                %select_n3A_749 = arith.select %le3A_744, %select_n3A_728, %select_n3A_748 : vector<16xi1>, vector<16xi32>
                %slice3A_750 = vector.extract_strided_slice %sub3A_583 {offsets = [3], sizes = [1], strides = [1]} : vector<16xf32> to vector<1xf32>
                %squeeze3A_751 = vector.extract %slice3A_750[0] : f32 from vector<1xf32>
                %broadcast_in_dim3A_752 = vector.broadcast %squeeze3A_751 : f32 to vector<16xf32>
                %add3A_753 = arith.constant 3 : i32
                %add3A_754 = arith.addi %add3A_631, %add3A_753 : i32
                %broadcast_in_dim3A_755 = vector.broadcast %add3A_754 : i32 to vector<16xi32>
                %broadcast_in_dim3A_756 = vector.shape_cast %max3A_687 : vector<16xi32> to vector<16x1xi32>
                %gather3A_757 = vector.shape_cast %broadcast_in_dim3A_756 : vector<16x1xi32> to vector<16xi32>
                %gather3A_758 = tpu.dynamic_gather %select_n3A_747[%gather3A_757] in [0] : vector<16xf32>, vector<16xi32> -> vector<16xf32>
                %jit3A_759 = arith.constant 0xFF800000 : f32
                %broadcast_in_dim3A_760 = vector.broadcast %jit3A_759 : f32 to vector<16xf32>
                %select_n3A_761 = arith.select %eq3A_689, %broadcast_in_dim3A_760, %gather3A_758 : vector<16xi1>, vector<16xf32>
                %broadcast_in_dim3A_762 = vector.shape_cast %max3A_687 : vector<16xi32> to vector<16x1xi32>
                %gather3A_763 = vector.shape_cast %broadcast_in_dim3A_762 : vector<16x1xi32> to vector<16xi32>
                %gather3A_764 = tpu.dynamic_gather %select_n3A_749[%gather3A_763] in [0] : vector<16xi32>, vector<16xi32> -> vector<16xi32>
                %le3A_765 = arith.cmpf ole, %select_n3A_747, %broadcast_in_dim3A_752 : vector<16xf32>
                %le3A_766 = arith.cmpf ole, %select_n3A_761, %broadcast_in_dim3A_752 : vector<16xf32>
                %select_n3A_767 = arith.select %le3A_766, %broadcast_in_dim3A_752, %select_n3A_761 : vector<16xi1>, vector<16xf32>
                %select_n3A_768 = arith.select %le3A_765, %select_n3A_747, %select_n3A_767 : vector<16xi1>, vector<16xf32>
                %select_n3A_769 = arith.select %le3A_766, %broadcast_in_dim3A_755, %gather3A_764 : vector<16xi1>, vector<16xi32>
                %select_n3A_770 = arith.select %le3A_765, %select_n3A_749, %select_n3A_769 : vector<16xi1>, vector<16xi32>
                %slice3A_771 = vector.extract_strided_slice %sub3A_583 {offsets = [4], sizes = [1], strides = [1]} : vector<16xf32> to vector<1xf32>
                %squeeze3A_772 = vector.extract %slice3A_771[0] : f32 from vector<1xf32>
                %broadcast_in_dim3A_773 = vector.broadcast %squeeze3A_772 : f32 to vector<16xf32>
                %add3A_774 = arith.constant 4 : i32
                %add3A_775 = arith.addi %add3A_631, %add3A_774 : i32
                %broadcast_in_dim3A_776 = vector.broadcast %add3A_775 : i32 to vector<16xi32>
                %broadcast_in_dim3A_777 = vector.shape_cast %max3A_687 : vector<16xi32> to vector<16x1xi32>
                %gather3A_778 = vector.shape_cast %broadcast_in_dim3A_777 : vector<16x1xi32> to vector<16xi32>
                %gather3A_779 = tpu.dynamic_gather %select_n3A_768[%gather3A_778] in [0] : vector<16xf32>, vector<16xi32> -> vector<16xf32>
                %jit3A_780 = arith.constant 0xFF800000 : f32
                %broadcast_in_dim3A_781 = vector.broadcast %jit3A_780 : f32 to vector<16xf32>
                %select_n3A_782 = arith.select %eq3A_689, %broadcast_in_dim3A_781, %gather3A_779 : vector<16xi1>, vector<16xf32>
                %broadcast_in_dim3A_783 = vector.shape_cast %max3A_687 : vector<16xi32> to vector<16x1xi32>
                %gather3A_784 = vector.shape_cast %broadcast_in_dim3A_783 : vector<16x1xi32> to vector<16xi32>
                %gather3A_785 = tpu.dynamic_gather %select_n3A_770[%gather3A_784] in [0] : vector<16xi32>, vector<16xi32> -> vector<16xi32>
                %le3A_786 = arith.cmpf ole, %select_n3A_768, %broadcast_in_dim3A_773 : vector<16xf32>
                %le3A_787 = arith.cmpf ole, %select_n3A_782, %broadcast_in_dim3A_773 : vector<16xf32>
                %select_n3A_788 = arith.select %le3A_787, %broadcast_in_dim3A_773, %select_n3A_782 : vector<16xi1>, vector<16xf32>
                %select_n3A_789 = arith.select %le3A_786, %select_n3A_768, %select_n3A_788 : vector<16xi1>, vector<16xf32>
                %select_n3A_790 = arith.select %le3A_787, %broadcast_in_dim3A_776, %gather3A_785 : vector<16xi1>, vector<16xi32>
                %select_n3A_791 = arith.select %le3A_786, %select_n3A_770, %select_n3A_790 : vector<16xi1>, vector<16xi32>
                %slice3A_792 = vector.extract_strided_slice %sub3A_583 {offsets = [5], sizes = [1], strides = [1]} : vector<16xf32> to vector<1xf32>
                %squeeze3A_793 = vector.extract %slice3A_792[0] : f32 from vector<1xf32>
                %broadcast_in_dim3A_794 = vector.broadcast %squeeze3A_793 : f32 to vector<16xf32>
                %add3A_795 = arith.constant 5 : i32
                %add3A_796 = arith.addi %add3A_631, %add3A_795 : i32
                %broadcast_in_dim3A_797 = vector.broadcast %add3A_796 : i32 to vector<16xi32>
                %broadcast_in_dim3A_798 = vector.shape_cast %max3A_687 : vector<16xi32> to vector<16x1xi32>
                %gather3A_799 = vector.shape_cast %broadcast_in_dim3A_798 : vector<16x1xi32> to vector<16xi32>
                %gather3A_800 = tpu.dynamic_gather %select_n3A_789[%gather3A_799] in [0] : vector<16xf32>, vector<16xi32> -> vector<16xf32>
                %jit3A_801 = arith.constant 0xFF800000 : f32
                %broadcast_in_dim3A_802 = vector.broadcast %jit3A_801 : f32 to vector<16xf32>
                %select_n3A_803 = arith.select %eq3A_689, %broadcast_in_dim3A_802, %gather3A_800 : vector<16xi1>, vector<16xf32>
                %broadcast_in_dim3A_804 = vector.shape_cast %max3A_687 : vector<16xi32> to vector<16x1xi32>
                %gather3A_805 = vector.shape_cast %broadcast_in_dim3A_804 : vector<16x1xi32> to vector<16xi32>
                %gather3A_806 = tpu.dynamic_gather %select_n3A_791[%gather3A_805] in [0] : vector<16xi32>, vector<16xi32> -> vector<16xi32>
                %le3A_807 = arith.cmpf ole, %select_n3A_789, %broadcast_in_dim3A_794 : vector<16xf32>
                %le3A_808 = arith.cmpf ole, %select_n3A_803, %broadcast_in_dim3A_794 : vector<16xf32>
                %select_n3A_809 = arith.select %le3A_808, %broadcast_in_dim3A_794, %select_n3A_803 : vector<16xi1>, vector<16xf32>
                %select_n3A_810 = arith.select %le3A_807, %select_n3A_789, %select_n3A_809 : vector<16xi1>, vector<16xf32>
                %select_n3A_811 = arith.select %le3A_808, %broadcast_in_dim3A_797, %gather3A_806 : vector<16xi1>, vector<16xi32>
                %select_n3A_812 = arith.select %le3A_807, %select_n3A_791, %select_n3A_811 : vector<16xi1>, vector<16xi32>
                %slice3A_813 = vector.extract_strided_slice %sub3A_583 {offsets = [6], sizes = [1], strides = [1]} : vector<16xf32> to vector<1xf32>
                %squeeze3A_814 = vector.extract %slice3A_813[0] : f32 from vector<1xf32>
                %broadcast_in_dim3A_815 = vector.broadcast %squeeze3A_814 : f32 to vector<16xf32>
                %add3A_816 = arith.constant 6 : i32
                %add3A_817 = arith.addi %add3A_631, %add3A_816 : i32
                %broadcast_in_dim3A_818 = vector.broadcast %add3A_817 : i32 to vector<16xi32>
                %broadcast_in_dim3A_819 = vector.shape_cast %max3A_687 : vector<16xi32> to vector<16x1xi32>
                %gather3A_820 = vector.shape_cast %broadcast_in_dim3A_819 : vector<16x1xi32> to vector<16xi32>
                %gather3A_821 = tpu.dynamic_gather %select_n3A_810[%gather3A_820] in [0] : vector<16xf32>, vector<16xi32> -> vector<16xf32>
                %jit3A_822 = arith.constant 0xFF800000 : f32
                %broadcast_in_dim3A_823 = vector.broadcast %jit3A_822 : f32 to vector<16xf32>
                %select_n3A_824 = arith.select %eq3A_689, %broadcast_in_dim3A_823, %gather3A_821 : vector<16xi1>, vector<16xf32>
                %broadcast_in_dim3A_825 = vector.shape_cast %max3A_687 : vector<16xi32> to vector<16x1xi32>
                %gather3A_826 = vector.shape_cast %broadcast_in_dim3A_825 : vector<16x1xi32> to vector<16xi32>
                %gather3A_827 = tpu.dynamic_gather %select_n3A_812[%gather3A_826] in [0] : vector<16xi32>, vector<16xi32> -> vector<16xi32>
                %le3A_828 = arith.cmpf ole, %select_n3A_810, %broadcast_in_dim3A_815 : vector<16xf32>
                %le3A_829 = arith.cmpf ole, %select_n3A_824, %broadcast_in_dim3A_815 : vector<16xf32>
                %select_n3A_830 = arith.select %le3A_829, %broadcast_in_dim3A_815, %select_n3A_824 : vector<16xi1>, vector<16xf32>
                %select_n3A_831 = arith.select %le3A_828, %select_n3A_810, %select_n3A_830 : vector<16xi1>, vector<16xf32>
                %select_n3A_832 = arith.select %le3A_829, %broadcast_in_dim3A_818, %gather3A_827 : vector<16xi1>, vector<16xi32>
                %select_n3A_833 = arith.select %le3A_828, %select_n3A_812, %select_n3A_832 : vector<16xi1>, vector<16xi32>
                %slice3A_834 = vector.extract_strided_slice %sub3A_583 {offsets = [7], sizes = [1], strides = [1]} : vector<16xf32> to vector<1xf32>
                %squeeze3A_835 = vector.extract %slice3A_834[0] : f32 from vector<1xf32>
                %broadcast_in_dim3A_836 = vector.broadcast %squeeze3A_835 : f32 to vector<16xf32>
                %add3A_837 = arith.constant 7 : i32
                %add3A_838 = arith.addi %add3A_631, %add3A_837 : i32
                %broadcast_in_dim3A_839 = vector.broadcast %add3A_838 : i32 to vector<16xi32>
                %broadcast_in_dim3A_840 = vector.shape_cast %max3A_687 : vector<16xi32> to vector<16x1xi32>
                %gather3A_841 = vector.shape_cast %broadcast_in_dim3A_840 : vector<16x1xi32> to vector<16xi32>
                %gather3A_842 = tpu.dynamic_gather %select_n3A_831[%gather3A_841] in [0] : vector<16xf32>, vector<16xi32> -> vector<16xf32>
                %jit3A_843 = arith.constant 0xFF800000 : f32
                %broadcast_in_dim3A_844 = vector.broadcast %jit3A_843 : f32 to vector<16xf32>
                %select_n3A_845 = arith.select %eq3A_689, %broadcast_in_dim3A_844, %gather3A_842 : vector<16xi1>, vector<16xf32>
                %broadcast_in_dim3A_846 = vector.shape_cast %max3A_687 : vector<16xi32> to vector<16x1xi32>
                %gather3A_847 = vector.shape_cast %broadcast_in_dim3A_846 : vector<16x1xi32> to vector<16xi32>
                %gather3A_848 = tpu.dynamic_gather %select_n3A_833[%gather3A_847] in [0] : vector<16xi32>, vector<16xi32> -> vector<16xi32>
                %le3A_849 = arith.cmpf ole, %select_n3A_831, %broadcast_in_dim3A_836 : vector<16xf32>
                %le3A_850 = arith.cmpf ole, %select_n3A_845, %broadcast_in_dim3A_836 : vector<16xf32>
                %select_n3A_851 = arith.select %le3A_850, %broadcast_in_dim3A_836, %select_n3A_845 : vector<16xi1>, vector<16xf32>
                %select_n3A_852 = arith.select %le3A_849, %select_n3A_831, %select_n3A_851 : vector<16xi1>, vector<16xf32>
                %select_n3A_853 = arith.select %le3A_850, %broadcast_in_dim3A_839, %gather3A_848 : vector<16xi1>, vector<16xi32>
                %select_n3A_854 = arith.select %le3A_849, %select_n3A_833, %select_n3A_853 : vector<16xi1>, vector<16xi32>
                %slice3A_855 = vector.extract_strided_slice %sub3A_583 {offsets = [8], sizes = [1], strides = [1]} : vector<16xf32> to vector<1xf32>
                %squeeze3A_856 = vector.extract %slice3A_855[0] : f32 from vector<1xf32>
                %broadcast_in_dim3A_857 = vector.broadcast %squeeze3A_856 : f32 to vector<16xf32>
                %add3A_858 = arith.constant 8 : i32
                %add3A_859 = arith.addi %add3A_631, %add3A_858 : i32
                %broadcast_in_dim3A_860 = vector.broadcast %add3A_859 : i32 to vector<16xi32>
                %broadcast_in_dim3A_861 = vector.shape_cast %max3A_687 : vector<16xi32> to vector<16x1xi32>
                %gather3A_862 = vector.shape_cast %broadcast_in_dim3A_861 : vector<16x1xi32> to vector<16xi32>
                %gather3A_863 = tpu.dynamic_gather %select_n3A_852[%gather3A_862] in [0] : vector<16xf32>, vector<16xi32> -> vector<16xf32>
                %jit3A_864 = arith.constant 0xFF800000 : f32
                %broadcast_in_dim3A_865 = vector.broadcast %jit3A_864 : f32 to vector<16xf32>
                %select_n3A_866 = arith.select %eq3A_689, %broadcast_in_dim3A_865, %gather3A_863 : vector<16xi1>, vector<16xf32>
                %broadcast_in_dim3A_867 = vector.shape_cast %max3A_687 : vector<16xi32> to vector<16x1xi32>
                %gather3A_868 = vector.shape_cast %broadcast_in_dim3A_867 : vector<16x1xi32> to vector<16xi32>
                %gather3A_869 = tpu.dynamic_gather %select_n3A_854[%gather3A_868] in [0] : vector<16xi32>, vector<16xi32> -> vector<16xi32>
                %le3A_870 = arith.cmpf ole, %select_n3A_852, %broadcast_in_dim3A_857 : vector<16xf32>
                %le3A_871 = arith.cmpf ole, %select_n3A_866, %broadcast_in_dim3A_857 : vector<16xf32>
                %select_n3A_872 = arith.select %le3A_871, %broadcast_in_dim3A_857, %select_n3A_866 : vector<16xi1>, vector<16xf32>
                %select_n3A_873 = arith.select %le3A_870, %select_n3A_852, %select_n3A_872 : vector<16xi1>, vector<16xf32>
                %select_n3A_874 = arith.select %le3A_871, %broadcast_in_dim3A_860, %gather3A_869 : vector<16xi1>, vector<16xi32>
                %select_n3A_875 = arith.select %le3A_870, %select_n3A_854, %select_n3A_874 : vector<16xi1>, vector<16xi32>
                %slice3A_876 = vector.extract_strided_slice %sub3A_583 {offsets = [9], sizes = [1], strides = [1]} : vector<16xf32> to vector<1xf32>
                %squeeze3A_877 = vector.extract %slice3A_876[0] : f32 from vector<1xf32>
                %broadcast_in_dim3A_878 = vector.broadcast %squeeze3A_877 : f32 to vector<16xf32>
                %add3A_879 = arith.constant 9 : i32
                %add3A_880 = arith.addi %add3A_631, %add3A_879 : i32
                %broadcast_in_dim3A_881 = vector.broadcast %add3A_880 : i32 to vector<16xi32>
                %broadcast_in_dim3A_882 = vector.shape_cast %max3A_687 : vector<16xi32> to vector<16x1xi32>
                %gather3A_883 = vector.shape_cast %broadcast_in_dim3A_882 : vector<16x1xi32> to vector<16xi32>
                %gather3A_884 = tpu.dynamic_gather %select_n3A_873[%gather3A_883] in [0] : vector<16xf32>, vector<16xi32> -> vector<16xf32>
                %jit3A_885 = arith.constant 0xFF800000 : f32
                %broadcast_in_dim3A_886 = vector.broadcast %jit3A_885 : f32 to vector<16xf32>
                %select_n3A_887 = arith.select %eq3A_689, %broadcast_in_dim3A_886, %gather3A_884 : vector<16xi1>, vector<16xf32>
                %broadcast_in_dim3A_888 = vector.shape_cast %max3A_687 : vector<16xi32> to vector<16x1xi32>
                %gather3A_889 = vector.shape_cast %broadcast_in_dim3A_888 : vector<16x1xi32> to vector<16xi32>
                %gather3A_890 = tpu.dynamic_gather %select_n3A_875[%gather3A_889] in [0] : vector<16xi32>, vector<16xi32> -> vector<16xi32>
                %le3A_891 = arith.cmpf ole, %select_n3A_873, %broadcast_in_dim3A_878 : vector<16xf32>
                %le3A_892 = arith.cmpf ole, %select_n3A_887, %broadcast_in_dim3A_878 : vector<16xf32>
                %select_n3A_893 = arith.select %le3A_892, %broadcast_in_dim3A_878, %select_n3A_887 : vector<16xi1>, vector<16xf32>
                %select_n3A_894 = arith.select %le3A_891, %select_n3A_873, %select_n3A_893 : vector<16xi1>, vector<16xf32>
                %select_n3A_895 = arith.select %le3A_892, %broadcast_in_dim3A_881, %gather3A_890 : vector<16xi1>, vector<16xi32>
                %select_n3A_896 = arith.select %le3A_891, %select_n3A_875, %select_n3A_895 : vector<16xi1>, vector<16xi32>
                %slice3A_897 = vector.extract_strided_slice %sub3A_583 {offsets = [10], sizes = [1], strides = [1]} : vector<16xf32> to vector<1xf32>
                %squeeze3A_898 = vector.extract %slice3A_897[0] : f32 from vector<1xf32>
                %broadcast_in_dim3A_899 = vector.broadcast %squeeze3A_898 : f32 to vector<16xf32>
                %add3A_900 = arith.constant 10 : i32
                %add3A_901 = arith.addi %add3A_631, %add3A_900 : i32
                %broadcast_in_dim3A_902 = vector.broadcast %add3A_901 : i32 to vector<16xi32>
                %broadcast_in_dim3A_903 = vector.shape_cast %max3A_687 : vector<16xi32> to vector<16x1xi32>
                %gather3A_904 = vector.shape_cast %broadcast_in_dim3A_903 : vector<16x1xi32> to vector<16xi32>
                %gather3A_905 = tpu.dynamic_gather %select_n3A_894[%gather3A_904] in [0] : vector<16xf32>, vector<16xi32> -> vector<16xf32>
                %jit3A_906 = arith.constant 0xFF800000 : f32
                %broadcast_in_dim3A_907 = vector.broadcast %jit3A_906 : f32 to vector<16xf32>
                %select_n3A_908 = arith.select %eq3A_689, %broadcast_in_dim3A_907, %gather3A_905 : vector<16xi1>, vector<16xf32>
                %broadcast_in_dim3A_909 = vector.shape_cast %max3A_687 : vector<16xi32> to vector<16x1xi32>
                %gather3A_910 = vector.shape_cast %broadcast_in_dim3A_909 : vector<16x1xi32> to vector<16xi32>
                %gather3A_911 = tpu.dynamic_gather %select_n3A_896[%gather3A_910] in [0] : vector<16xi32>, vector<16xi32> -> vector<16xi32>
                %le3A_912 = arith.cmpf ole, %select_n3A_894, %broadcast_in_dim3A_899 : vector<16xf32>
                %le3A_913 = arith.cmpf ole, %select_n3A_908, %broadcast_in_dim3A_899 : vector<16xf32>
                %select_n3A_914 = arith.select %le3A_913, %broadcast_in_dim3A_899, %select_n3A_908 : vector<16xi1>, vector<16xf32>
                %select_n3A_915 = arith.select %le3A_912, %select_n3A_894, %select_n3A_914 : vector<16xi1>, vector<16xf32>
                %select_n3A_916 = arith.select %le3A_913, %broadcast_in_dim3A_902, %gather3A_911 : vector<16xi1>, vector<16xi32>
                %select_n3A_917 = arith.select %le3A_912, %select_n3A_896, %select_n3A_916 : vector<16xi1>, vector<16xi32>
                %slice3A_918 = vector.extract_strided_slice %sub3A_583 {offsets = [11], sizes = [1], strides = [1]} : vector<16xf32> to vector<1xf32>
                %squeeze3A_919 = vector.extract %slice3A_918[0] : f32 from vector<1xf32>
                %broadcast_in_dim3A_920 = vector.broadcast %squeeze3A_919 : f32 to vector<16xf32>
                %add3A_921 = arith.constant 11 : i32
                %add3A_922 = arith.addi %add3A_631, %add3A_921 : i32
                %broadcast_in_dim3A_923 = vector.broadcast %add3A_922 : i32 to vector<16xi32>
                %broadcast_in_dim3A_924 = vector.shape_cast %max3A_687 : vector<16xi32> to vector<16x1xi32>
                %gather3A_925 = vector.shape_cast %broadcast_in_dim3A_924 : vector<16x1xi32> to vector<16xi32>
                %gather3A_926 = tpu.dynamic_gather %select_n3A_915[%gather3A_925] in [0] : vector<16xf32>, vector<16xi32> -> vector<16xf32>
                %jit3A_927 = arith.constant 0xFF800000 : f32
                %broadcast_in_dim3A_928 = vector.broadcast %jit3A_927 : f32 to vector<16xf32>
                %select_n3A_929 = arith.select %eq3A_689, %broadcast_in_dim3A_928, %gather3A_926 : vector<16xi1>, vector<16xf32>
                %broadcast_in_dim3A_930 = vector.shape_cast %max3A_687 : vector<16xi32> to vector<16x1xi32>
                %gather3A_931 = vector.shape_cast %broadcast_in_dim3A_930 : vector<16x1xi32> to vector<16xi32>
                %gather3A_932 = tpu.dynamic_gather %select_n3A_917[%gather3A_931] in [0] : vector<16xi32>, vector<16xi32> -> vector<16xi32>
                %le3A_933 = arith.cmpf ole, %select_n3A_915, %broadcast_in_dim3A_920 : vector<16xf32>
                %le3A_934 = arith.cmpf ole, %select_n3A_929, %broadcast_in_dim3A_920 : vector<16xf32>
                %select_n3A_935 = arith.select %le3A_934, %broadcast_in_dim3A_920, %select_n3A_929 : vector<16xi1>, vector<16xf32>
                %select_n3A_936 = arith.select %le3A_933, %select_n3A_915, %select_n3A_935 : vector<16xi1>, vector<16xf32>
                %select_n3A_937 = arith.select %le3A_934, %broadcast_in_dim3A_923, %gather3A_932 : vector<16xi1>, vector<16xi32>
                %select_n3A_938 = arith.select %le3A_933, %select_n3A_917, %select_n3A_937 : vector<16xi1>, vector<16xi32>
                %slice3A_939 = vector.extract_strided_slice %sub3A_583 {offsets = [12], sizes = [1], strides = [1]} : vector<16xf32> to vector<1xf32>
                %squeeze3A_940 = vector.extract %slice3A_939[0] : f32 from vector<1xf32>
                %broadcast_in_dim3A_941 = vector.broadcast %squeeze3A_940 : f32 to vector<16xf32>
                %add3A_942 = arith.constant 12 : i32
                %add3A_943 = arith.addi %add3A_631, %add3A_942 : i32
                %broadcast_in_dim3A_944 = vector.broadcast %add3A_943 : i32 to vector<16xi32>
                %broadcast_in_dim3A_945 = vector.shape_cast %max3A_687 : vector<16xi32> to vector<16x1xi32>
                %gather3A_946 = vector.shape_cast %broadcast_in_dim3A_945 : vector<16x1xi32> to vector<16xi32>
                %gather3A_947 = tpu.dynamic_gather %select_n3A_936[%gather3A_946] in [0] : vector<16xf32>, vector<16xi32> -> vector<16xf32>
                %jit3A_948 = arith.constant 0xFF800000 : f32
                %broadcast_in_dim3A_949 = vector.broadcast %jit3A_948 : f32 to vector<16xf32>
                %select_n3A_950 = arith.select %eq3A_689, %broadcast_in_dim3A_949, %gather3A_947 : vector<16xi1>, vector<16xf32>
                %broadcast_in_dim3A_951 = vector.shape_cast %max3A_687 : vector<16xi32> to vector<16x1xi32>
                %gather3A_952 = vector.shape_cast %broadcast_in_dim3A_951 : vector<16x1xi32> to vector<16xi32>
                %gather3A_953 = tpu.dynamic_gather %select_n3A_938[%gather3A_952] in [0] : vector<16xi32>, vector<16xi32> -> vector<16xi32>
                %le3A_954 = arith.cmpf ole, %select_n3A_936, %broadcast_in_dim3A_941 : vector<16xf32>
                %le3A_955 = arith.cmpf ole, %select_n3A_950, %broadcast_in_dim3A_941 : vector<16xf32>
                %select_n3A_956 = arith.select %le3A_955, %broadcast_in_dim3A_941, %select_n3A_950 : vector<16xi1>, vector<16xf32>
                %select_n3A_957 = arith.select %le3A_954, %select_n3A_936, %select_n3A_956 : vector<16xi1>, vector<16xf32>
                %select_n3A_958 = arith.select %le3A_955, %broadcast_in_dim3A_944, %gather3A_953 : vector<16xi1>, vector<16xi32>
                %select_n3A_959 = arith.select %le3A_954, %select_n3A_938, %select_n3A_958 : vector<16xi1>, vector<16xi32>
                %slice3A_960 = vector.extract_strided_slice %sub3A_583 {offsets = [13], sizes = [1], strides = [1]} : vector<16xf32> to vector<1xf32>
                %squeeze3A_961 = vector.extract %slice3A_960[0] : f32 from vector<1xf32>
                %broadcast_in_dim3A_962 = vector.broadcast %squeeze3A_961 : f32 to vector<16xf32>
                %add3A_963 = arith.constant 13 : i32
                %add3A_964 = arith.addi %add3A_631, %add3A_963 : i32
                %broadcast_in_dim3A_965 = vector.broadcast %add3A_964 : i32 to vector<16xi32>
                %broadcast_in_dim3A_966 = vector.shape_cast %max3A_687 : vector<16xi32> to vector<16x1xi32>
                %gather3A_967 = vector.shape_cast %broadcast_in_dim3A_966 : vector<16x1xi32> to vector<16xi32>
                %gather3A_968 = tpu.dynamic_gather %select_n3A_957[%gather3A_967] in [0] : vector<16xf32>, vector<16xi32> -> vector<16xf32>
                %jit3A_969 = arith.constant 0xFF800000 : f32
                %broadcast_in_dim3A_970 = vector.broadcast %jit3A_969 : f32 to vector<16xf32>
                %select_n3A_971 = arith.select %eq3A_689, %broadcast_in_dim3A_970, %gather3A_968 : vector<16xi1>, vector<16xf32>
                %broadcast_in_dim3A_972 = vector.shape_cast %max3A_687 : vector<16xi32> to vector<16x1xi32>
                %gather3A_973 = vector.shape_cast %broadcast_in_dim3A_972 : vector<16x1xi32> to vector<16xi32>
                %gather3A_974 = tpu.dynamic_gather %select_n3A_959[%gather3A_973] in [0] : vector<16xi32>, vector<16xi32> -> vector<16xi32>
                %le3A_975 = arith.cmpf ole, %select_n3A_957, %broadcast_in_dim3A_962 : vector<16xf32>
                %le3A_976 = arith.cmpf ole, %select_n3A_971, %broadcast_in_dim3A_962 : vector<16xf32>
                %select_n3A_977 = arith.select %le3A_976, %broadcast_in_dim3A_962, %select_n3A_971 : vector<16xi1>, vector<16xf32>
                %select_n3A_978 = arith.select %le3A_975, %select_n3A_957, %select_n3A_977 : vector<16xi1>, vector<16xf32>
                %select_n3A_979 = arith.select %le3A_976, %broadcast_in_dim3A_965, %gather3A_974 : vector<16xi1>, vector<16xi32>
                %select_n3A_980 = arith.select %le3A_975, %select_n3A_959, %select_n3A_979 : vector<16xi1>, vector<16xi32>
                %slice3A_981 = vector.extract_strided_slice %sub3A_583 {offsets = [14], sizes = [1], strides = [1]} : vector<16xf32> to vector<1xf32>
                %squeeze3A_982 = vector.extract %slice3A_981[0] : f32 from vector<1xf32>
                %broadcast_in_dim3A_983 = vector.broadcast %squeeze3A_982 : f32 to vector<16xf32>
                %add3A_984 = arith.constant 14 : i32
                %add3A_985 = arith.addi %add3A_631, %add3A_984 : i32
                %broadcast_in_dim3A_986 = vector.broadcast %add3A_985 : i32 to vector<16xi32>
                %broadcast_in_dim3A_987 = vector.shape_cast %max3A_687 : vector<16xi32> to vector<16x1xi32>
                %gather3A_988 = vector.shape_cast %broadcast_in_dim3A_987 : vector<16x1xi32> to vector<16xi32>
                %gather3A_989 = tpu.dynamic_gather %select_n3A_978[%gather3A_988] in [0] : vector<16xf32>, vector<16xi32> -> vector<16xf32>
                %jit3A_990 = arith.constant 0xFF800000 : f32
                %broadcast_in_dim3A_991 = vector.broadcast %jit3A_990 : f32 to vector<16xf32>
                %select_n3A_992 = arith.select %eq3A_689, %broadcast_in_dim3A_991, %gather3A_989 : vector<16xi1>, vector<16xf32>
                %broadcast_in_dim3A_993 = vector.shape_cast %max3A_687 : vector<16xi32> to vector<16x1xi32>
                %gather3A_994 = vector.shape_cast %broadcast_in_dim3A_993 : vector<16x1xi32> to vector<16xi32>
                %gather3A_995 = tpu.dynamic_gather %select_n3A_980[%gather3A_994] in [0] : vector<16xi32>, vector<16xi32> -> vector<16xi32>
                %le3A_996 = arith.cmpf ole, %select_n3A_978, %broadcast_in_dim3A_983 : vector<16xf32>
                %le3A_997 = arith.cmpf ole, %select_n3A_992, %broadcast_in_dim3A_983 : vector<16xf32>
                %select_n3A_998 = arith.select %le3A_997, %broadcast_in_dim3A_983, %select_n3A_992 : vector<16xi1>, vector<16xf32>
                %select_n3A_999 = arith.select %le3A_996, %select_n3A_978, %select_n3A_998 : vector<16xi1>, vector<16xf32>
                %select_n3A_1000 = arith.select %le3A_997, %broadcast_in_dim3A_986, %gather3A_995 : vector<16xi1>, vector<16xi32>
                %select_n3A_1001 = arith.select %le3A_996, %select_n3A_980, %select_n3A_1000 : vector<16xi1>, vector<16xi32>
                %slice3A_1002 = vector.extract_strided_slice %sub3A_583 {offsets = [15], sizes = [1], strides = [1]} : vector<16xf32> to vector<1xf32>
                %squeeze3A_1003 = vector.extract %slice3A_1002[0] : f32 from vector<1xf32>
                %broadcast_in_dim3A_1004 = vector.broadcast %squeeze3A_1003 : f32 to vector<16xf32>
                %add3A_1005 = arith.constant 15 : i32
                %add3A_1006 = arith.addi %add3A_631, %add3A_1005 : i32
                %broadcast_in_dim3A_1007 = vector.broadcast %add3A_1006 : i32 to vector<16xi32>
                %broadcast_in_dim3A_1008 = vector.shape_cast %max3A_687 : vector<16xi32> to vector<16x1xi32>
                %gather3A_1009 = vector.shape_cast %broadcast_in_dim3A_1008 : vector<16x1xi32> to vector<16xi32>
                %gather3A_1010 = tpu.dynamic_gather %select_n3A_999[%gather3A_1009] in [0] : vector<16xf32>, vector<16xi32> -> vector<16xf32>
                %jit3A_1011 = arith.constant 0xFF800000 : f32
                %broadcast_in_dim3A_1012 = vector.broadcast %jit3A_1011 : f32 to vector<16xf32>
                %select_n3A_1013 = arith.select %eq3A_689, %broadcast_in_dim3A_1012, %gather3A_1010 : vector<16xi1>, vector<16xf32>
                %broadcast_in_dim3A_1014 = vector.shape_cast %max3A_687 : vector<16xi32> to vector<16x1xi32>
                %gather3A_1015 = vector.shape_cast %broadcast_in_dim3A_1014 : vector<16x1xi32> to vector<16xi32>
                %gather3A_1016 = tpu.dynamic_gather %select_n3A_1001[%gather3A_1015] in [0] : vector<16xi32>, vector<16xi32> -> vector<16xi32>
                %le3A_1017 = arith.cmpf ole, %select_n3A_999, %broadcast_in_dim3A_1004 : vector<16xf32>
                %le3A_1018 = arith.cmpf ole, %select_n3A_1013, %broadcast_in_dim3A_1004 : vector<16xf32>
                %select_n3A_1019 = arith.select %le3A_1018, %broadcast_in_dim3A_1004, %select_n3A_1013 : vector<16xi1>, vector<16xf32>
                %select_n3A_1020 = arith.select %le3A_1017, %select_n3A_999, %select_n3A_1019 : vector<16xi1>, vector<16xf32>
                %select_n3A_1021 = arith.select %le3A_1018, %broadcast_in_dim3A_1007, %gather3A_1016 : vector<16xi1>, vector<16xi32>
                %select_n3A_1022 = arith.select %le3A_1017, %select_n3A_1001, %select_n3A_1021 : vector<16xi1>, vector<16xi32>
                %mul3A_1023 = arith.constant 16 : i32
                %mul3A_1024 = arith.muli %add3A_671, %mul3A_1023 : i32
                %swap3A = arith.index_cast %mul3A_1024 : i32 to index
                %swap3A_1025 = tpu.vector_load %arg28[%swap3A] {strides = array<i32>} : memref<2048xf32, #tpu.memory_space<vmem>>, vector<16xf32>,
                %swap3A_1026 = vector.shape_cast %swap3A_1025 : vector<16xf32> to vector<16xf32>
                %swap3A_1027 = vector.shape_cast %select_n3A_1020 : vector<16xf32> to vector<16xf32>
                tpu.vector_store %arg28[%swap3A], %swap3A_1027 {strides = array<i32>} : memref<2048xf32, #tpu.memory_space<vmem>>, vector<16xf32>,
                %mul3A_1028 = arith.constant 16 : i32
                %mul3A_1029 = arith.muli %add3A_671, %mul3A_1028 : i32
                %swap3A_1030 = arith.index_cast %mul3A_1029 : i32 to index
                %swap3A_1031 = tpu.vector_load %arg29[%swap3A_1030] {strides = array<i32>} : memref<2048xi32, #tpu.memory_space<vmem>>, vector<16xi32>,
                %swap3A_1032 = vector.shape_cast %swap3A_1031 : vector<16xi32> to vector<16xi32>
                %swap3A_1033 = vector.shape_cast %select_n3A_1022 : vector<16xi32> to vector<16xi32>
                tpu.vector_store %arg29[%swap3A_1030], %swap3A_1033 {strides = array<i32>} : memref<2048xi32, #tpu.memory_space<vmem>>, vector<16xi32>,
                %slice3A_1034 = vector.extract_strided_slice %select_n3A_1020 {offsets = [15], sizes = [1], strides = [1]} : vector<16xf32> to vector<1xf32>
                %squeeze3A_1035 = vector.extract %slice3A_1034[0] : f32 from vector<1xf32>
                %add3A_1036 = arith.constant 1 : i32
                %add3A_1037 = arith.addi %mul3A_59, %add3A_1036 : i32
                %mul3A_1038 = arith.constant 16 : i32
                %mul3A_1039 = arith.muli %add3A_1037, %mul3A_1038 : i32
                %get3A_1040 = arith.index_cast %mul3A_1039 : i32 to index
                %get3A_1041 = tpu.vector_load %arg28[%get3A_1040] {strides = array<i32>} : memref<2048xf32, #tpu.memory_space<vmem>>, vector<16xf32>,
                %get3A_1042 = vector.shape_cast %get3A_1041 : vector<16xf32> to vector<16xf32>
                %mul3A_1043 = arith.constant 16 : i32
                %mul3A_1044 = arith.muli %add3A_1037, %mul3A_1043 : i32
                %get3A_1045 = arith.index_cast %mul3A_1044 : i32 to index
                %get3A_1046 = tpu.vector_load %arg29[%get3A_1045] {strides = array<i32>} : memref<2048xi32, #tpu.memory_space<vmem>>, vector<16xi32>,
                %get3A_1047 = vector.shape_cast %get3A_1046 : vector<16xi32> to vector<16xi32>
                %iota3A_1048 = tpu.iota {dimensions = array<i32: 0>} : vector<16xi32>
                %sub3A_1049 = arith.constant 1 : i32
                %sub3A_1050 = vector.broadcast %sub3A_1049 : i32 to vector<16xi32>
                %sub3A_1051 = arith.subi %iota3A_1048, %sub3A_1050 : vector<16xi32>
                %max3A_1052 = arith.constant 0 : i32
                %max3A_1053 = vector.broadcast %max3A_1052 : i32 to vector<16xi32>
                %max3A_1054 = arith.maxsi %sub3A_1051, %max3A_1053 : vector<16xi32>
                %eq3A_1055 = arith.constant 0 : i32
                %eq3A_1056 = vector.broadcast %eq3A_1055 : i32 to vector<16xi32>
                %eq3A_1057 = arith.cmpi eq, %iota3A_1048, %eq3A_1056 : vector<16xi32>
                %slice3A_1058 = vector.extract_strided_slice %sub3A_597 {offsets = [0], sizes = [1], strides = [1]} : vector<16xf32> to vector<1xf32>
                %squeeze3A_1059 = vector.extract %slice3A_1058[0] : f32 from vector<1xf32>
                %broadcast_in_dim3A_1060 = vector.broadcast %squeeze3A_1059 : f32 to vector<16xf32>
                %add3A_1061 = arith.constant 0 : i32
                %add3A_1062 = arith.addi %add3A_631, %add3A_1061 : i32
                %broadcast_in_dim3A_1063 = vector.broadcast %add3A_1062 : i32 to vector<16xi32>
                %broadcast_in_dim3A_1064 = vector.shape_cast %max3A_1054 : vector<16xi32> to vector<16x1xi32>
                %gather3A_1065 = vector.shape_cast %broadcast_in_dim3A_1064 : vector<16x1xi32> to vector<16xi32>
                %gather3A_1066 = tpu.dynamic_gather %get3A_1042[%gather3A_1065] in [0] : vector<16xf32>, vector<16xi32> -> vector<16xf32>
                %jit3A_1067 = arith.constant 0xFF800000 : f32
                %broadcast_in_dim3A_1068 = vector.broadcast %jit3A_1067 : f32 to vector<16xf32>
                %select_n3A_1069 = arith.select %eq3A_1057, %broadcast_in_dim3A_1068, %gather3A_1066 : vector<16xi1>, vector<16xf32>
                %broadcast_in_dim3A_1070 = vector.shape_cast %max3A_1054 : vector<16xi32> to vector<16x1xi32>
                %gather3A_1071 = vector.shape_cast %broadcast_in_dim3A_1070 : vector<16x1xi32> to vector<16xi32>
                %gather3A_1072 = tpu.dynamic_gather %get3A_1047[%gather3A_1071] in [0] : vector<16xi32>, vector<16xi32> -> vector<16xi32>
                %le3A_1073 = arith.cmpf ole, %get3A_1042, %broadcast_in_dim3A_1060 : vector<16xf32>
                %le3A_1074 = arith.cmpf ole, %select_n3A_1069, %broadcast_in_dim3A_1060 : vector<16xf32>
                %select_n3A_1075 = arith.select %le3A_1074, %broadcast_in_dim3A_1060, %select_n3A_1069 : vector<16xi1>, vector<16xf32>
                %select_n3A_1076 = arith.select %le3A_1073, %get3A_1042, %select_n3A_1075 : vector<16xi1>, vector<16xf32>
                %select_n3A_1077 = arith.select %le3A_1074, %broadcast_in_dim3A_1063, %gather3A_1072 : vector<16xi1>, vector<16xi32>
                %select_n3A_1078 = arith.select %le3A_1073, %get3A_1047, %select_n3A_1077 : vector<16xi1>, vector<16xi32>
                %slice3A_1079 = vector.extract_strided_slice %sub3A_597 {offsets = [1], sizes = [1], strides = [1]} : vector<16xf32> to vector<1xf32>
                %squeeze3A_1080 = vector.extract %slice3A_1079[0] : f32 from vector<1xf32>
                %broadcast_in_dim3A_1081 = vector.broadcast %squeeze3A_1080 : f32 to vector<16xf32>
                %add3A_1082 = arith.constant 1 : i32
                %add3A_1083 = arith.addi %add3A_631, %add3A_1082 : i32
                %broadcast_in_dim3A_1084 = vector.broadcast %add3A_1083 : i32 to vector<16xi32>
                %broadcast_in_dim3A_1085 = vector.shape_cast %max3A_1054 : vector<16xi32> to vector<16x1xi32>
                %gather3A_1086 = vector.shape_cast %broadcast_in_dim3A_1085 : vector<16x1xi32> to vector<16xi32>
                %gather3A_1087 = tpu.dynamic_gather %select_n3A_1076[%gather3A_1086] in [0] : vector<16xf32>, vector<16xi32> -> vector<16xf32>
                %jit3A_1088 = arith.constant 0xFF800000 : f32
                %broadcast_in_dim3A_1089 = vector.broadcast %jit3A_1088 : f32 to vector<16xf32>
                %select_n3A_1090 = arith.select %eq3A_1057, %broadcast_in_dim3A_1089, %gather3A_1087 : vector<16xi1>, vector<16xf32>
                %broadcast_in_dim3A_1091 = vector.shape_cast %max3A_1054 : vector<16xi32> to vector<16x1xi32>
                %gather3A_1092 = vector.shape_cast %broadcast_in_dim3A_1091 : vector<16x1xi32> to vector<16xi32>
                %gather3A_1093 = tpu.dynamic_gather %select_n3A_1078[%gather3A_1092] in [0] : vector<16xi32>, vector<16xi32> -> vector<16xi32>
                %le3A_1094 = arith.cmpf ole, %select_n3A_1076, %broadcast_in_dim3A_1081 : vector<16xf32>
                %le3A_1095 = arith.cmpf ole, %select_n3A_1090, %broadcast_in_dim3A_1081 : vector<16xf32>
                %select_n3A_1096 = arith.select %le3A_1095, %broadcast_in_dim3A_1081, %select_n3A_1090 : vector<16xi1>, vector<16xf32>
                %select_n3A_1097 = arith.select %le3A_1094, %select_n3A_1076, %select_n3A_1096 : vector<16xi1>, vector<16xf32>
                %select_n3A_1098 = arith.select %le3A_1095, %broadcast_in_dim3A_1084, %gather3A_1093 : vector<16xi1>, vector<16xi32>
                %select_n3A_1099 = arith.select %le3A_1094, %select_n3A_1078, %select_n3A_1098 : vector<16xi1>, vector<16xi32>
                %slice3A_1100 = vector.extract_strided_slice %sub3A_597 {offsets = [2], sizes = [1], strides = [1]} : vector<16xf32> to vector<1xf32>
                %squeeze3A_1101 = vector.extract %slice3A_1100[0] : f32 from vector<1xf32>
                %broadcast_in_dim3A_1102 = vector.broadcast %squeeze3A_1101 : f32 to vector<16xf32>
                %add3A_1103 = arith.constant 2 : i32
                %add3A_1104 = arith.addi %add3A_631, %add3A_1103 : i32
                %broadcast_in_dim3A_1105 = vector.broadcast %add3A_1104 : i32 to vector<16xi32>
                %broadcast_in_dim3A_1106 = vector.shape_cast %max3A_1054 : vector<16xi32> to vector<16x1xi32>
                %gather3A_1107 = vector.shape_cast %broadcast_in_dim3A_1106 : vector<16x1xi32> to vector<16xi32>
                %gather3A_1108 = tpu.dynamic_gather %select_n3A_1097[%gather3A_1107] in [0] : vector<16xf32>, vector<16xi32> -> vector<16xf32>
                %jit3A_1109 = arith.constant 0xFF800000 : f32
                %broadcast_in_dim3A_1110 = vector.broadcast %jit3A_1109 : f32 to vector<16xf32>
                %select_n3A_1111 = arith.select %eq3A_1057, %broadcast_in_dim3A_1110, %gather3A_1108 : vector<16xi1>, vector<16xf32>
                %broadcast_in_dim3A_1112 = vector.shape_cast %max3A_1054 : vector<16xi32> to vector<16x1xi32>
                %gather3A_1113 = vector.shape_cast %broadcast_in_dim3A_1112 : vector<16x1xi32> to vector<16xi32>
                %gather3A_1114 = tpu.dynamic_gather %select_n3A_1099[%gather3A_1113] in [0] : vector<16xi32>, vector<16xi32> -> vector<16xi32>
                %le3A_1115 = arith.cmpf ole, %select_n3A_1097, %broadcast_in_dim3A_1102 : vector<16xf32>
                %le3A_1116 = arith.cmpf ole, %select_n3A_1111, %broadcast_in_dim3A_1102 : vector<16xf32>
                %select_n3A_1117 = arith.select %le3A_1116, %broadcast_in_dim3A_1102, %select_n3A_1111 : vector<16xi1>, vector<16xf32>
                %select_n3A_1118 = arith.select %le3A_1115, %select_n3A_1097, %select_n3A_1117 : vector<16xi1>, vector<16xf32>
                %select_n3A_1119 = arith.select %le3A_1116, %broadcast_in_dim3A_1105, %gather3A_1114 : vector<16xi1>, vector<16xi32>
                %select_n3A_1120 = arith.select %le3A_1115, %select_n3A_1099, %select_n3A_1119 : vector<16xi1>, vector<16xi32>
                %slice3A_1121 = vector.extract_strided_slice %sub3A_597 {offsets = [3], sizes = [1], strides = [1]} : vector<16xf32> to vector<1xf32>
                %squeeze3A_1122 = vector.extract %slice3A_1121[0] : f32 from vector<1xf32>
                %broadcast_in_dim3A_1123 = vector.broadcast %squeeze3A_1122 : f32 to vector<16xf32>
                %add3A_1124 = arith.constant 3 : i32
                %add3A_1125 = arith.addi %add3A_631, %add3A_1124 : i32
                %broadcast_in_dim3A_1126 = vector.broadcast %add3A_1125 : i32 to vector<16xi32>
                %broadcast_in_dim3A_1127 = vector.shape_cast %max3A_1054 : vector<16xi32> to vector<16x1xi32>
                %gather3A_1128 = vector.shape_cast %broadcast_in_dim3A_1127 : vector<16x1xi32> to vector<16xi32>
                %gather3A_1129 = tpu.dynamic_gather %select_n3A_1118[%gather3A_1128] in [0] : vector<16xf32>, vector<16xi32> -> vector<16xf32>
                %jit3A_1130 = arith.constant 0xFF800000 : f32
                %broadcast_in_dim3A_1131 = vector.broadcast %jit3A_1130 : f32 to vector<16xf32>
                %select_n3A_1132 = arith.select %eq3A_1057, %broadcast_in_dim3A_1131, %gather3A_1129 : vector<16xi1>, vector<16xf32>
                %broadcast_in_dim3A_1133 = vector.shape_cast %max3A_1054 : vector<16xi32> to vector<16x1xi32>
                %gather3A_1134 = vector.shape_cast %broadcast_in_dim3A_1133 : vector<16x1xi32> to vector<16xi32>
                %gather3A_1135 = tpu.dynamic_gather %select_n3A_1120[%gather3A_1134] in [0] : vector<16xi32>, vector<16xi32> -> vector<16xi32>
                %le3A_1136 = arith.cmpf ole, %select_n3A_1118, %broadcast_in_dim3A_1123 : vector<16xf32>
                %le3A_1137 = arith.cmpf ole, %select_n3A_1132, %broadcast_in_dim3A_1123 : vector<16xf32>
                %select_n3A_1138 = arith.select %le3A_1137, %broadcast_in_dim3A_1123, %select_n3A_1132 : vector<16xi1>, vector<16xf32>
                %select_n3A_1139 = arith.select %le3A_1136, %select_n3A_1118, %select_n3A_1138 : vector<16xi1>, vector<16xf32>
                %select_n3A_1140 = arith.select %le3A_1137, %broadcast_in_dim3A_1126, %gather3A_1135 : vector<16xi1>, vector<16xi32>
                %select_n3A_1141 = arith.select %le3A_1136, %select_n3A_1120, %select_n3A_1140 : vector<16xi1>, vector<16xi32>
                %slice3A_1142 = vector.extract_strided_slice %sub3A_597 {offsets = [4], sizes = [1], strides = [1]} : vector<16xf32> to vector<1xf32>
                %squeeze3A_1143 = vector.extract %slice3A_1142[0] : f32 from vector<1xf32>
                %broadcast_in_dim3A_1144 = vector.broadcast %squeeze3A_1143 : f32 to vector<16xf32>
                %add3A_1145 = arith.constant 4 : i32
                %add3A_1146 = arith.addi %add3A_631, %add3A_1145 : i32
                %broadcast_in_dim3A_1147 = vector.broadcast %add3A_1146 : i32 to vector<16xi32>
                %broadcast_in_dim3A_1148 = vector.shape_cast %max3A_1054 : vector<16xi32> to vector<16x1xi32>
                %gather3A_1149 = vector.shape_cast %broadcast_in_dim3A_1148 : vector<16x1xi32> to vector<16xi32>
                %gather3A_1150 = tpu.dynamic_gather %select_n3A_1139[%gather3A_1149] in [0] : vector<16xf32>, vector<16xi32> -> vector<16xf32>
                %jit3A_1151 = arith.constant 0xFF800000 : f32
                %broadcast_in_dim3A_1152 = vector.broadcast %jit3A_1151 : f32 to vector<16xf32>
                %select_n3A_1153 = arith.select %eq3A_1057, %broadcast_in_dim3A_1152, %gather3A_1150 : vector<16xi1>, vector<16xf32>
                %broadcast_in_dim3A_1154 = vector.shape_cast %max3A_1054 : vector<16xi32> to vector<16x1xi32>
                %gather3A_1155 = vector.shape_cast %broadcast_in_dim3A_1154 : vector<16x1xi32> to vector<16xi32>
                %gather3A_1156 = tpu.dynamic_gather %select_n3A_1141[%gather3A_1155] in [0] : vector<16xi32>, vector<16xi32> -> vector<16xi32>
                %le3A_1157 = arith.cmpf ole, %select_n3A_1139, %broadcast_in_dim3A_1144 : vector<16xf32>
                %le3A_1158 = arith.cmpf ole, %select_n3A_1153, %broadcast_in_dim3A_1144 : vector<16xf32>
                %select_n3A_1159 = arith.select %le3A_1158, %broadcast_in_dim3A_1144, %select_n3A_1153 : vector<16xi1>, vector<16xf32>
                %select_n3A_1160 = arith.select %le3A_1157, %select_n3A_1139, %select_n3A_1159 : vector<16xi1>, vector<16xf32>
                %select_n3A_1161 = arith.select %le3A_1158, %broadcast_in_dim3A_1147, %gather3A_1156 : vector<16xi1>, vector<16xi32>
                %select_n3A_1162 = arith.select %le3A_1157, %select_n3A_1141, %select_n3A_1161 : vector<16xi1>, vector<16xi32>
                %slice3A_1163 = vector.extract_strided_slice %sub3A_597 {offsets = [5], sizes = [1], strides = [1]} : vector<16xf32> to vector<1xf32>
                %squeeze3A_1164 = vector.extract %slice3A_1163[0] : f32 from vector<1xf32>
                %broadcast_in_dim3A_1165 = vector.broadcast %squeeze3A_1164 : f32 to vector<16xf32>
                %add3A_1166 = arith.constant 5 : i32
                %add3A_1167 = arith.addi %add3A_631, %add3A_1166 : i32
                %broadcast_in_dim3A_1168 = vector.broadcast %add3A_1167 : i32 to vector<16xi32>
                %broadcast_in_dim3A_1169 = vector.shape_cast %max3A_1054 : vector<16xi32> to vector<16x1xi32>
                %gather3A_1170 = vector.shape_cast %broadcast_in_dim3A_1169 : vector<16x1xi32> to vector<16xi32>
                %gather3A_1171 = tpu.dynamic_gather %select_n3A_1160[%gather3A_1170] in [0] : vector<16xf32>, vector<16xi32> -> vector<16xf32>
                %jit3A_1172 = arith.constant 0xFF800000 : f32
                %broadcast_in_dim3A_1173 = vector.broadcast %jit3A_1172 : f32 to vector<16xf32>
                %select_n3A_1174 = arith.select %eq3A_1057, %broadcast_in_dim3A_1173, %gather3A_1171 : vector<16xi1>, vector<16xf32>
                %broadcast_in_dim3A_1175 = vector.shape_cast %max3A_1054 : vector<16xi32> to vector<16x1xi32>
                %gather3A_1176 = vector.shape_cast %broadcast_in_dim3A_1175 : vector<16x1xi32> to vector<16xi32>
                %gather3A_1177 = tpu.dynamic_gather %select_n3A_1162[%gather3A_1176] in [0] : vector<16xi32>, vector<16xi32> -> vector<16xi32>
                %le3A_1178 = arith.cmpf ole, %select_n3A_1160, %broadcast_in_dim3A_1165 : vector<16xf32>
                %le3A_1179 = arith.cmpf ole, %select_n3A_1174, %broadcast_in_dim3A_1165 : vector<16xf32>
                %select_n3A_1180 = arith.select %le3A_1179, %broadcast_in_dim3A_1165, %select_n3A_1174 : vector<16xi1>, vector<16xf32>
                %select_n3A_1181 = arith.select %le3A_1178, %select_n3A_1160, %select_n3A_1180 : vector<16xi1>, vector<16xf32>
                %select_n3A_1182 = arith.select %le3A_1179, %broadcast_in_dim3A_1168, %gather3A_1177 : vector<16xi1>, vector<16xi32>
                %select_n3A_1183 = arith.select %le3A_1178, %select_n3A_1162, %select_n3A_1182 : vector<16xi1>, vector<16xi32>
                %slice3A_1184 = vector.extract_strided_slice %sub3A_597 {offsets = [6], sizes = [1], strides = [1]} : vector<16xf32> to vector<1xf32>
                %squeeze3A_1185 = vector.extract %slice3A_1184[0] : f32 from vector<1xf32>
                %broadcast_in_dim3A_1186 = vector.broadcast %squeeze3A_1185 : f32 to vector<16xf32>
                %add3A_1187 = arith.constant 6 : i32
                %add3A_1188 = arith.addi %add3A_631, %add3A_1187 : i32
                %broadcast_in_dim3A_1189 = vector.broadcast %add3A_1188 : i32 to vector<16xi32>
                %broadcast_in_dim3A_1190 = vector.shape_cast %max3A_1054 : vector<16xi32> to vector<16x1xi32>
                %gather3A_1191 = vector.shape_cast %broadcast_in_dim3A_1190 : vector<16x1xi32> to vector<16xi32>
                %gather3A_1192 = tpu.dynamic_gather %select_n3A_1181[%gather3A_1191] in [0] : vector<16xf32>, vector<16xi32> -> vector<16xf32>
                %jit3A_1193 = arith.constant 0xFF800000 : f32
                %broadcast_in_dim3A_1194 = vector.broadcast %jit3A_1193 : f32 to vector<16xf32>
                %select_n3A_1195 = arith.select %eq3A_1057, %broadcast_in_dim3A_1194, %gather3A_1192 : vector<16xi1>, vector<16xf32>
                %broadcast_in_dim3A_1196 = vector.shape_cast %max3A_1054 : vector<16xi32> to vector<16x1xi32>
                %gather3A_1197 = vector.shape_cast %broadcast_in_dim3A_1196 : vector<16x1xi32> to vector<16xi32>
                %gather3A_1198 = tpu.dynamic_gather %select_n3A_1183[%gather3A_1197] in [0] : vector<16xi32>, vector<16xi32> -> vector<16xi32>
                %le3A_1199 = arith.cmpf ole, %select_n3A_1181, %broadcast_in_dim3A_1186 : vector<16xf32>
                %le3A_1200 = arith.cmpf ole, %select_n3A_1195, %broadcast_in_dim3A_1186 : vector<16xf32>
                %select_n3A_1201 = arith.select %le3A_1200, %broadcast_in_dim3A_1186, %select_n3A_1195 : vector<16xi1>, vector<16xf32>
                %select_n3A_1202 = arith.select %le3A_1199, %select_n3A_1181, %select_n3A_1201 : vector<16xi1>, vector<16xf32>
                %select_n3A_1203 = arith.select %le3A_1200, %broadcast_in_dim3A_1189, %gather3A_1198 : vector<16xi1>, vector<16xi32>
                %select_n3A_1204 = arith.select %le3A_1199, %select_n3A_1183, %select_n3A_1203 : vector<16xi1>, vector<16xi32>
                %slice3A_1205 = vector.extract_strided_slice %sub3A_597 {offsets = [7], sizes = [1], strides = [1]} : vector<16xf32> to vector<1xf32>
                %squeeze3A_1206 = vector.extract %slice3A_1205[0] : f32 from vector<1xf32>
                %broadcast_in_dim3A_1207 = vector.broadcast %squeeze3A_1206 : f32 to vector<16xf32>
                %add3A_1208 = arith.constant 7 : i32
                %add3A_1209 = arith.addi %add3A_631, %add3A_1208 : i32
                %broadcast_in_dim3A_1210 = vector.broadcast %add3A_1209 : i32 to vector<16xi32>
                %broadcast_in_dim3A_1211 = vector.shape_cast %max3A_1054 : vector<16xi32> to vector<16x1xi32>
                %gather3A_1212 = vector.shape_cast %broadcast_in_dim3A_1211 : vector<16x1xi32> to vector<16xi32>
                %gather3A_1213 = tpu.dynamic_gather %select_n3A_1202[%gather3A_1212] in [0] : vector<16xf32>, vector<16xi32> -> vector<16xf32>
                %jit3A_1214 = arith.constant 0xFF800000 : f32
                %broadcast_in_dim3A_1215 = vector.broadcast %jit3A_1214 : f32 to vector<16xf32>
                %select_n3A_1216 = arith.select %eq3A_1057, %broadcast_in_dim3A_1215, %gather3A_1213 : vector<16xi1>, vector<16xf32>
                %broadcast_in_dim3A_1217 = vector.shape_cast %max3A_1054 : vector<16xi32> to vector<16x1xi32>
                %gather3A_1218 = vector.shape_cast %broadcast_in_dim3A_1217 : vector<16x1xi32> to vector<16xi32>
                %gather3A_1219 = tpu.dynamic_gather %select_n3A_1204[%gather3A_1218] in [0] : vector<16xi32>, vector<16xi32> -> vector<16xi32>
                %le3A_1220 = arith.cmpf ole, %select_n3A_1202, %broadcast_in_dim3A_1207 : vector<16xf32>
                %le3A_1221 = arith.cmpf ole, %select_n3A_1216, %broadcast_in_dim3A_1207 : vector<16xf32>
                %select_n3A_1222 = arith.select %le3A_1221, %broadcast_in_dim3A_1207, %select_n3A_1216 : vector<16xi1>, vector<16xf32>
                %select_n3A_1223 = arith.select %le3A_1220, %select_n3A_1202, %select_n3A_1222 : vector<16xi1>, vector<16xf32>
                %select_n3A_1224 = arith.select %le3A_1221, %broadcast_in_dim3A_1210, %gather3A_1219 : vector<16xi1>, vector<16xi32>
                %select_n3A_1225 = arith.select %le3A_1220, %select_n3A_1204, %select_n3A_1224 : vector<16xi1>, vector<16xi32>
                %slice3A_1226 = vector.extract_strided_slice %sub3A_597 {offsets = [8], sizes = [1], strides = [1]} : vector<16xf32> to vector<1xf32>
                %squeeze3A_1227 = vector.extract %slice3A_1226[0] : f32 from vector<1xf32>
                %broadcast_in_dim3A_1228 = vector.broadcast %squeeze3A_1227 : f32 to vector<16xf32>
                %add3A_1229 = arith.constant 8 : i32
                %add3A_1230 = arith.addi %add3A_631, %add3A_1229 : i32
                %broadcast_in_dim3A_1231 = vector.broadcast %add3A_1230 : i32 to vector<16xi32>
                %broadcast_in_dim3A_1232 = vector.shape_cast %max3A_1054 : vector<16xi32> to vector<16x1xi32>
                %gather3A_1233 = vector.shape_cast %broadcast_in_dim3A_1232 : vector<16x1xi32> to vector<16xi32>
                %gather3A_1234 = tpu.dynamic_gather %select_n3A_1223[%gather3A_1233] in [0] : vector<16xf32>, vector<16xi32> -> vector<16xf32>
                %jit3A_1235 = arith.constant 0xFF800000 : f32
                %broadcast_in_dim3A_1236 = vector.broadcast %jit3A_1235 : f32 to vector<16xf32>
                %select_n3A_1237 = arith.select %eq3A_1057, %broadcast_in_dim3A_1236, %gather3A_1234 : vector<16xi1>, vector<16xf32>
                %broadcast_in_dim3A_1238 = vector.shape_cast %max3A_1054 : vector<16xi32> to vector<16x1xi32>
                %gather3A_1239 = vector.shape_cast %broadcast_in_dim3A_1238 : vector<16x1xi32> to vector<16xi32>
                %gather3A_1240 = tpu.dynamic_gather %select_n3A_1225[%gather3A_1239] in [0] : vector<16xi32>, vector<16xi32> -> vector<16xi32>
                %le3A_1241 = arith.cmpf ole, %select_n3A_1223, %broadcast_in_dim3A_1228 : vector<16xf32>
                %le3A_1242 = arith.cmpf ole, %select_n3A_1237, %broadcast_in_dim3A_1228 : vector<16xf32>
                %select_n3A_1243 = arith.select %le3A_1242, %broadcast_in_dim3A_1228, %select_n3A_1237 : vector<16xi1>, vector<16xf32>
                %select_n3A_1244 = arith.select %le3A_1241, %select_n3A_1223, %select_n3A_1243 : vector<16xi1>, vector<16xf32>
                %select_n3A_1245 = arith.select %le3A_1242, %broadcast_in_dim3A_1231, %gather3A_1240 : vector<16xi1>, vector<16xi32>
                %select_n3A_1246 = arith.select %le3A_1241, %select_n3A_1225, %select_n3A_1245 : vector<16xi1>, vector<16xi32>
                %slice3A_1247 = vector.extract_strided_slice %sub3A_597 {offsets = [9], sizes = [1], strides = [1]} : vector<16xf32> to vector<1xf32>
                %squeeze3A_1248 = vector.extract %slice3A_1247[0] : f32 from vector<1xf32>
                %broadcast_in_dim3A_1249 = vector.broadcast %squeeze3A_1248 : f32 to vector<16xf32>
                %add3A_1250 = arith.constant 9 : i32
                %add3A_1251 = arith.addi %add3A_631, %add3A_1250 : i32
                %broadcast_in_dim3A_1252 = vector.broadcast %add3A_1251 : i32 to vector<16xi32>
                %broadcast_in_dim3A_1253 = vector.shape_cast %max3A_1054 : vector<16xi32> to vector<16x1xi32>
                %gather3A_1254 = vector.shape_cast %broadcast_in_dim3A_1253 : vector<16x1xi32> to vector<16xi32>
                %gather3A_1255 = tpu.dynamic_gather %select_n3A_1244[%gather3A_1254] in [0] : vector<16xf32>, vector<16xi32> -> vector<16xf32>
                %jit3A_1256 = arith.constant 0xFF800000 : f32
                %broadcast_in_dim3A_1257 = vector.broadcast %jit3A_1256 : f32 to vector<16xf32>
                %select_n3A_1258 = arith.select %eq3A_1057, %broadcast_in_dim3A_1257, %gather3A_1255 : vector<16xi1>, vector<16xf32>
                %broadcast_in_dim3A_1259 = vector.shape_cast %max3A_1054 : vector<16xi32> to vector<16x1xi32>
                %gather3A_1260 = vector.shape_cast %broadcast_in_dim3A_1259 : vector<16x1xi32> to vector<16xi32>
                %gather3A_1261 = tpu.dynamic_gather %select_n3A_1246[%gather3A_1260] in [0] : vector<16xi32>, vector<16xi32> -> vector<16xi32>
                %le3A_1262 = arith.cmpf ole, %select_n3A_1244, %broadcast_in_dim3A_1249 : vector<16xf32>
                %le3A_1263 = arith.cmpf ole, %select_n3A_1258, %broadcast_in_dim3A_1249 : vector<16xf32>
                %select_n3A_1264 = arith.select %le3A_1263, %broadcast_in_dim3A_1249, %select_n3A_1258 : vector<16xi1>, vector<16xf32>
                %select_n3A_1265 = arith.select %le3A_1262, %select_n3A_1244, %select_n3A_1264 : vector<16xi1>, vector<16xf32>
                %select_n3A_1266 = arith.select %le3A_1263, %broadcast_in_dim3A_1252, %gather3A_1261 : vector<16xi1>, vector<16xi32>
                %select_n3A_1267 = arith.select %le3A_1262, %select_n3A_1246, %select_n3A_1266 : vector<16xi1>, vector<16xi32>
                %slice3A_1268 = vector.extract_strided_slice %sub3A_597 {offsets = [10], sizes = [1], strides = [1]} : vector<16xf32> to vector<1xf32>
                %squeeze3A_1269 = vector.extract %slice3A_1268[0] : f32 from vector<1xf32>
                %broadcast_in_dim3A_1270 = vector.broadcast %squeeze3A_1269 : f32 to vector<16xf32>
                %add3A_1271 = arith.constant 10 : i32
                %add3A_1272 = arith.addi %add3A_631, %add3A_1271 : i32
                %broadcast_in_dim3A_1273 = vector.broadcast %add3A_1272 : i32 to vector<16xi32>
                %broadcast_in_dim3A_1274 = vector.shape_cast %max3A_1054 : vector<16xi32> to vector<16x1xi32>
                %gather3A_1275 = vector.shape_cast %broadcast_in_dim3A_1274 : vector<16x1xi32> to vector<16xi32>
                %gather3A_1276 = tpu.dynamic_gather %select_n3A_1265[%gather3A_1275] in [0] : vector<16xf32>, vector<16xi32> -> vector<16xf32>
                %jit3A_1277 = arith.constant 0xFF800000 : f32
                %broadcast_in_dim3A_1278 = vector.broadcast %jit3A_1277 : f32 to vector<16xf32>
                %select_n3A_1279 = arith.select %eq3A_1057, %broadcast_in_dim3A_1278, %gather3A_1276 : vector<16xi1>, vector<16xf32>
                %broadcast_in_dim3A_1280 = vector.shape_cast %max3A_1054 : vector<16xi32> to vector<16x1xi32>
                %gather3A_1281 = vector.shape_cast %broadcast_in_dim3A_1280 : vector<16x1xi32> to vector<16xi32>
                %gather3A_1282 = tpu.dynamic_gather %select_n3A_1267[%gather3A_1281] in [0] : vector<16xi32>, vector<16xi32> -> vector<16xi32>
                %le3A_1283 = arith.cmpf ole, %select_n3A_1265, %broadcast_in_dim3A_1270 : vector<16xf32>
                %le3A_1284 = arith.cmpf ole, %select_n3A_1279, %broadcast_in_dim3A_1270 : vector<16xf32>
                %select_n3A_1285 = arith.select %le3A_1284, %broadcast_in_dim3A_1270, %select_n3A_1279 : vector<16xi1>, vector<16xf32>
                %select_n3A_1286 = arith.select %le3A_1283, %select_n3A_1265, %select_n3A_1285 : vector<16xi1>, vector<16xf32>
                %select_n3A_1287 = arith.select %le3A_1284, %broadcast_in_dim3A_1273, %gather3A_1282 : vector<16xi1>, vector<16xi32>
                %select_n3A_1288 = arith.select %le3A_1283, %select_n3A_1267, %select_n3A_1287 : vector<16xi1>, vector<16xi32>
                %slice3A_1289 = vector.extract_strided_slice %sub3A_597 {offsets = [11], sizes = [1], strides = [1]} : vector<16xf32> to vector<1xf32>
                %squeeze3A_1290 = vector.extract %slice3A_1289[0] : f32 from vector<1xf32>
                %broadcast_in_dim3A_1291 = vector.broadcast %squeeze3A_1290 : f32 to vector<16xf32>
                %add3A_1292 = arith.constant 11 : i32
                %add3A_1293 = arith.addi %add3A_631, %add3A_1292 : i32
                %broadcast_in_dim3A_1294 = vector.broadcast %add3A_1293 : i32 to vector<16xi32>
                %broadcast_in_dim3A_1295 = vector.shape_cast %max3A_1054 : vector<16xi32> to vector<16x1xi32>
                %gather3A_1296 = vector.shape_cast %broadcast_in_dim3A_1295 : vector<16x1xi32> to vector<16xi32>
                %gather3A_1297 = tpu.dynamic_gather %select_n3A_1286[%gather3A_1296] in [0] : vector<16xf32>, vector<16xi32> -> vector<16xf32>
                %jit3A_1298 = arith.constant 0xFF800000 : f32
                %broadcast_in_dim3A_1299 = vector.broadcast %jit3A_1298 : f32 to vector<16xf32>
                %select_n3A_1300 = arith.select %eq3A_1057, %broadcast_in_dim3A_1299, %gather3A_1297 : vector<16xi1>, vector<16xf32>
                %broadcast_in_dim3A_1301 = vector.shape_cast %max3A_1054 : vector<16xi32> to vector<16x1xi32>
                %gather3A_1302 = vector.shape_cast %broadcast_in_dim3A_1301 : vector<16x1xi32> to vector<16xi32>
                %gather3A_1303 = tpu.dynamic_gather %select_n3A_1288[%gather3A_1302] in [0] : vector<16xi32>, vector<16xi32> -> vector<16xi32>
                %le3A_1304 = arith.cmpf ole, %select_n3A_1286, %broadcast_in_dim3A_1291 : vector<16xf32>
                %le3A_1305 = arith.cmpf ole, %select_n3A_1300, %broadcast_in_dim3A_1291 : vector<16xf32>
                %select_n3A_1306 = arith.select %le3A_1305, %broadcast_in_dim3A_1291, %select_n3A_1300 : vector<16xi1>, vector<16xf32>
                %select_n3A_1307 = arith.select %le3A_1304, %select_n3A_1286, %select_n3A_1306 : vector<16xi1>, vector<16xf32>
                %select_n3A_1308 = arith.select %le3A_1305, %broadcast_in_dim3A_1294, %gather3A_1303 : vector<16xi1>, vector<16xi32>
                %select_n3A_1309 = arith.select %le3A_1304, %select_n3A_1288, %select_n3A_1308 : vector<16xi1>, vector<16xi32>
                %slice3A_1310 = vector.extract_strided_slice %sub3A_597 {offsets = [12], sizes = [1], strides = [1]} : vector<16xf32> to vector<1xf32>
                %squeeze3A_1311 = vector.extract %slice3A_1310[0] : f32 from vector<1xf32>
                %broadcast_in_dim3A_1312 = vector.broadcast %squeeze3A_1311 : f32 to vector<16xf32>
                %add3A_1313 = arith.constant 12 : i32
                %add3A_1314 = arith.addi %add3A_631, %add3A_1313 : i32
                %broadcast_in_dim3A_1315 = vector.broadcast %add3A_1314 : i32 to vector<16xi32>
                %broadcast_in_dim3A_1316 = vector.shape_cast %max3A_1054 : vector<16xi32> to vector<16x1xi32>
                %gather3A_1317 = vector.shape_cast %broadcast_in_dim3A_1316 : vector<16x1xi32> to vector<16xi32>
                %gather3A_1318 = tpu.dynamic_gather %select_n3A_1307[%gather3A_1317] in [0] : vector<16xf32>, vector<16xi32> -> vector<16xf32>
                %jit3A_1319 = arith.constant 0xFF800000 : f32
                %broadcast_in_dim3A_1320 = vector.broadcast %jit3A_1319 : f32 to vector<16xf32>
                %select_n3A_1321 = arith.select %eq3A_1057, %broadcast_in_dim3A_1320, %gather3A_1318 : vector<16xi1>, vector<16xf32>
                %broadcast_in_dim3A_1322 = vector.shape_cast %max3A_1054 : vector<16xi32> to vector<16x1xi32>
                %gather3A_1323 = vector.shape_cast %broadcast_in_dim3A_1322 : vector<16x1xi32> to vector<16xi32>
                %gather3A_1324 = tpu.dynamic_gather %select_n3A_1309[%gather3A_1323] in [0] : vector<16xi32>, vector<16xi32> -> vector<16xi32>
                %le3A_1325 = arith.cmpf ole, %select_n3A_1307, %broadcast_in_dim3A_1312 : vector<16xf32>
                %le3A_1326 = arith.cmpf ole, %select_n3A_1321, %broadcast_in_dim3A_1312 : vector<16xf32>
                %select_n3A_1327 = arith.select %le3A_1326, %broadcast_in_dim3A_1312, %select_n3A_1321 : vector<16xi1>, vector<16xf32>
                %select_n3A_1328 = arith.select %le3A_1325, %select_n3A_1307, %select_n3A_1327 : vector<16xi1>, vector<16xf32>
                %select_n3A_1329 = arith.select %le3A_1326, %broadcast_in_dim3A_1315, %gather3A_1324 : vector<16xi1>, vector<16xi32>
                %select_n3A_1330 = arith.select %le3A_1325, %select_n3A_1309, %select_n3A_1329 : vector<16xi1>, vector<16xi32>
                %slice3A_1331 = vector.extract_strided_slice %sub3A_597 {offsets = [13], sizes = [1], strides = [1]} : vector<16xf32> to vector<1xf32>
                %squeeze3A_1332 = vector.extract %slice3A_1331[0] : f32 from vector<1xf32>
                %broadcast_in_dim3A_1333 = vector.broadcast %squeeze3A_1332 : f32 to vector<16xf32>
                %add3A_1334 = arith.constant 13 : i32
                %add3A_1335 = arith.addi %add3A_631, %add3A_1334 : i32
                %broadcast_in_dim3A_1336 = vector.broadcast %add3A_1335 : i32 to vector<16xi32>
                %broadcast_in_dim3A_1337 = vector.shape_cast %max3A_1054 : vector<16xi32> to vector<16x1xi32>
                %gather3A_1338 = vector.shape_cast %broadcast_in_dim3A_1337 : vector<16x1xi32> to vector<16xi32>
                %gather3A_1339 = tpu.dynamic_gather %select_n3A_1328[%gather3A_1338] in [0] : vector<16xf32>, vector<16xi32> -> vector<16xf32>
                %jit3A_1340 = arith.constant 0xFF800000 : f32
                %broadcast_in_dim3A_1341 = vector.broadcast %jit3A_1340 : f32 to vector<16xf32>
                %select_n3A_1342 = arith.select %eq3A_1057, %broadcast_in_dim3A_1341, %gather3A_1339 : vector<16xi1>, vector<16xf32>
                %broadcast_in_dim3A_1343 = vector.shape_cast %max3A_1054 : vector<16xi32> to vector<16x1xi32>
                %gather3A_1344 = vector.shape_cast %broadcast_in_dim3A_1343 : vector<16x1xi32> to vector<16xi32>
                %gather3A_1345 = tpu.dynamic_gather %select_n3A_1330[%gather3A_1344] in [0] : vector<16xi32>, vector<16xi32> -> vector<16xi32>
                %le3A_1346 = arith.cmpf ole, %select_n3A_1328, %broadcast_in_dim3A_1333 : vector<16xf32>
                %le3A_1347 = arith.cmpf ole, %select_n3A_1342, %broadcast_in_dim3A_1333 : vector<16xf32>
                %select_n3A_1348 = arith.select %le3A_1347, %broadcast_in_dim3A_1333, %select_n3A_1342 : vector<16xi1>, vector<16xf32>
                %select_n3A_1349 = arith.select %le3A_1346, %select_n3A_1328, %select_n3A_1348 : vector<16xi1>, vector<16xf32>
                %select_n3A_1350 = arith.select %le3A_1347, %broadcast_in_dim3A_1336, %gather3A_1345 : vector<16xi1>, vector<16xi32>
                %select_n3A_1351 = arith.select %le3A_1346, %select_n3A_1330, %select_n3A_1350 : vector<16xi1>, vector<16xi32>
                %slice3A_1352 = vector.extract_strided_slice %sub3A_597 {offsets = [14], sizes = [1], strides = [1]} : vector<16xf32> to vector<1xf32>
                %squeeze3A_1353 = vector.extract %slice3A_1352[0] : f32 from vector<1xf32>
                %broadcast_in_dim3A_1354 = vector.broadcast %squeeze3A_1353 : f32 to vector<16xf32>
                %add3A_1355 = arith.constant 14 : i32
                %add3A_1356 = arith.addi %add3A_631, %add3A_1355 : i32
                %broadcast_in_dim3A_1357 = vector.broadcast %add3A_1356 : i32 to vector<16xi32>
                %broadcast_in_dim3A_1358 = vector.shape_cast %max3A_1054 : vector<16xi32> to vector<16x1xi32>
                %gather3A_1359 = vector.shape_cast %broadcast_in_dim3A_1358 : vector<16x1xi32> to vector<16xi32>
                %gather3A_1360 = tpu.dynamic_gather %select_n3A_1349[%gather3A_1359] in [0] : vector<16xf32>, vector<16xi32> -> vector<16xf32>
                %jit3A_1361 = arith.constant 0xFF800000 : f32
                %broadcast_in_dim3A_1362 = vector.broadcast %jit3A_1361 : f32 to vector<16xf32>
                %select_n3A_1363 = arith.select %eq3A_1057, %broadcast_in_dim3A_1362, %gather3A_1360 : vector<16xi1>, vector<16xf32>
                %broadcast_in_dim3A_1364 = vector.shape_cast %max3A_1054 : vector<16xi32> to vector<16x1xi32>
                %gather3A_1365 = vector.shape_cast %broadcast_in_dim3A_1364 : vector<16x1xi32> to vector<16xi32>
                %gather3A_1366 = tpu.dynamic_gather %select_n3A_1351[%gather3A_1365] in [0] : vector<16xi32>, vector<16xi32> -> vector<16xi32>
                %le3A_1367 = arith.cmpf ole, %select_n3A_1349, %broadcast_in_dim3A_1354 : vector<16xf32>
                %le3A_1368 = arith.cmpf ole, %select_n3A_1363, %broadcast_in_dim3A_1354 : vector<16xf32>
                %select_n3A_1369 = arith.select %le3A_1368, %broadcast_in_dim3A_1354, %select_n3A_1363 : vector<16xi1>, vector<16xf32>
                %select_n3A_1370 = arith.select %le3A_1367, %select_n3A_1349, %select_n3A_1369 : vector<16xi1>, vector<16xf32>
                %select_n3A_1371 = arith.select %le3A_1368, %broadcast_in_dim3A_1357, %gather3A_1366 : vector<16xi1>, vector<16xi32>
                %select_n3A_1372 = arith.select %le3A_1367, %select_n3A_1351, %select_n3A_1371 : vector<16xi1>, vector<16xi32>
                %slice3A_1373 = vector.extract_strided_slice %sub3A_597 {offsets = [15], sizes = [1], strides = [1]} : vector<16xf32> to vector<1xf32>
                %squeeze3A_1374 = vector.extract %slice3A_1373[0] : f32 from vector<1xf32>
                %broadcast_in_dim3A_1375 = vector.broadcast %squeeze3A_1374 : f32 to vector<16xf32>
                %add3A_1376 = arith.constant 15 : i32
                %add3A_1377 = arith.addi %add3A_631, %add3A_1376 : i32
                %broadcast_in_dim3A_1378 = vector.broadcast %add3A_1377 : i32 to vector<16xi32>
                %broadcast_in_dim3A_1379 = vector.shape_cast %max3A_1054 : vector<16xi32> to vector<16x1xi32>
                %gather3A_1380 = vector.shape_cast %broadcast_in_dim3A_1379 : vector<16x1xi32> to vector<16xi32>
                %gather3A_1381 = tpu.dynamic_gather %select_n3A_1370[%gather3A_1380] in [0] : vector<16xf32>, vector<16xi32> -> vector<16xf32>
                %jit3A_1382 = arith.constant 0xFF800000 : f32
                %broadcast_in_dim3A_1383 = vector.broadcast %jit3A_1382 : f32 to vector<16xf32>
                %select_n3A_1384 = arith.select %eq3A_1057, %broadcast_in_dim3A_1383, %gather3A_1381 : vector<16xi1>, vector<16xf32>
                %broadcast_in_dim3A_1385 = vector.shape_cast %max3A_1054 : vector<16xi32> to vector<16x1xi32>
                %gather3A_1386 = vector.shape_cast %broadcast_in_dim3A_1385 : vector<16x1xi32> to vector<16xi32>
                %gather3A_1387 = tpu.dynamic_gather %select_n3A_1372[%gather3A_1386] in [0] : vector<16xi32>, vector<16xi32> -> vector<16xi32>
                %le3A_1388 = arith.cmpf ole, %select_n3A_1370, %broadcast_in_dim3A_1375 : vector<16xf32>
                %le3A_1389 = arith.cmpf ole, %select_n3A_1384, %broadcast_in_dim3A_1375 : vector<16xf32>
                %select_n3A_1390 = arith.select %le3A_1389, %broadcast_in_dim3A_1375, %select_n3A_1384 : vector<16xi1>, vector<16xf32>
                %select_n3A_1391 = arith.select %le3A_1388, %select_n3A_1370, %select_n3A_1390 : vector<16xi1>, vector<16xf32>
                %select_n3A_1392 = arith.select %le3A_1389, %broadcast_in_dim3A_1378, %gather3A_1387 : vector<16xi1>, vector<16xi32>
                %select_n3A_1393 = arith.select %le3A_1388, %select_n3A_1372, %select_n3A_1392 : vector<16xi1>, vector<16xi32>
                %mul3A_1394 = arith.constant 16 : i32
                %mul3A_1395 = arith.muli %add3A_1037, %mul3A_1394 : i32
                %swap3A_1396 = arith.index_cast %mul3A_1395 : i32 to index
                %swap3A_1397 = tpu.vector_load %arg28[%swap3A_1396] {strides = array<i32>} : memref<2048xf32, #tpu.memory_space<vmem>>, vector<16xf32>,
                %swap3A_1398 = vector.shape_cast %swap3A_1397 : vector<16xf32> to vector<16xf32>
                %swap3A_1399 = vector.shape_cast %select_n3A_1391 : vector<16xf32> to vector<16xf32>
                tpu.vector_store %arg28[%swap3A_1396], %swap3A_1399 {strides = array<i32>} : memref<2048xf32, #tpu.memory_space<vmem>>, vector<16xf32>,
                %mul3A_1400 = arith.constant 16 : i32
                %mul3A_1401 = arith.muli %add3A_1037, %mul3A_1400 : i32
                %swap3A_1402 = arith.index_cast %mul3A_1401 : i32 to index
                %swap3A_1403 = tpu.vector_load %arg29[%swap3A_1402] {strides = array<i32>} : memref<2048xi32, #tpu.memory_space<vmem>>, vector<16xi32>,
                %swap3A_1404 = vector.shape_cast %swap3A_1403 : vector<16xi32> to vector<16xi32>
                %swap3A_1405 = vector.shape_cast %select_n3A_1393 : vector<16xi32> to vector<16xi32>
                tpu.vector_store %arg29[%swap3A_1402], %swap3A_1405 {strides = array<i32>} : memref<2048xi32, #tpu.memory_space<vmem>>, vector<16xi32>,
                %slice3A_1406 = vector.extract_strided_slice %select_n3A_1391 {offsets = [15], sizes = [1], strides = [1]} : vector<16xf32> to vector<1xf32>
                %squeeze3A_1407 = vector.extract %slice3A_1406[0] : f32 from vector<1xf32>
                %add3A_1408 = arith.constant 2 : i32
                %add3A_1409 = arith.addi %mul3A_59, %add3A_1408 : i32
                %mul3A_1410 = arith.constant 16 : i32
                %mul3A_1411 = arith.muli %add3A_1409, %mul3A_1410 : i32
                %get3A_1412 = arith.index_cast %mul3A_1411 : i32 to index
                %get3A_1413 = tpu.vector_load %arg28[%get3A_1412] {strides = array<i32>} : memref<2048xf32, #tpu.memory_space<vmem>>, vector<16xf32>,
                %get3A_1414 = vector.shape_cast %get3A_1413 : vector<16xf32> to vector<16xf32>
                %mul3A_1415 = arith.constant 16 : i32
                %mul3A_1416 = arith.muli %add3A_1409, %mul3A_1415 : i32
                %get3A_1417 = arith.index_cast %mul3A_1416 : i32 to index
                %get3A_1418 = tpu.vector_load %arg29[%get3A_1417] {strides = array<i32>} : memref<2048xi32, #tpu.memory_space<vmem>>, vector<16xi32>,
                %get3A_1419 = vector.shape_cast %get3A_1418 : vector<16xi32> to vector<16xi32>
                %iota3A_1420 = tpu.iota {dimensions = array<i32: 0>} : vector<16xi32>
                %sub3A_1421 = arith.constant 1 : i32
                %sub3A_1422 = vector.broadcast %sub3A_1421 : i32 to vector<16xi32>
                %sub3A_1423 = arith.subi %iota3A_1420, %sub3A_1422 : vector<16xi32>
                %max3A_1424 = arith.constant 0 : i32
                %max3A_1425 = vector.broadcast %max3A_1424 : i32 to vector<16xi32>
                %max3A_1426 = arith.maxsi %sub3A_1423, %max3A_1425 : vector<16xi32>
                %eq3A_1427 = arith.constant 0 : i32
                %eq3A_1428 = vector.broadcast %eq3A_1427 : i32 to vector<16xi32>
                %eq3A_1429 = arith.cmpi eq, %iota3A_1420, %eq3A_1428 : vector<16xi32>
                %slice3A_1430 = vector.extract_strided_slice %sub3A_612 {offsets = [0], sizes = [1], strides = [1]} : vector<16xf32> to vector<1xf32>
                %squeeze3A_1431 = vector.extract %slice3A_1430[0] : f32 from vector<1xf32>
                %broadcast_in_dim3A_1432 = vector.broadcast %squeeze3A_1431 : f32 to vector<16xf32>
                %add3A_1433 = arith.constant 0 : i32
                %add3A_1434 = arith.addi %add3A_631, %add3A_1433 : i32
                %broadcast_in_dim3A_1435 = vector.broadcast %add3A_1434 : i32 to vector<16xi32>
                %broadcast_in_dim3A_1436 = vector.shape_cast %max3A_1426 : vector<16xi32> to vector<16x1xi32>
                %gather3A_1437 = vector.shape_cast %broadcast_in_dim3A_1436 : vector<16x1xi32> to vector<16xi32>
                %gather3A_1438 = tpu.dynamic_gather %get3A_1414[%gather3A_1437] in [0] : vector<16xf32>, vector<16xi32> -> vector<16xf32>
                %jit3A_1439 = arith.constant 0xFF800000 : f32
                %broadcast_in_dim3A_1440 = vector.broadcast %jit3A_1439 : f32 to vector<16xf32>
                %select_n3A_1441 = arith.select %eq3A_1429, %broadcast_in_dim3A_1440, %gather3A_1438 : vector<16xi1>, vector<16xf32>
                %broadcast_in_dim3A_1442 = vector.shape_cast %max3A_1426 : vector<16xi32> to vector<16x1xi32>
                %gather3A_1443 = vector.shape_cast %broadcast_in_dim3A_1442 : vector<16x1xi32> to vector<16xi32>
                %gather3A_1444 = tpu.dynamic_gather %get3A_1419[%gather3A_1443] in [0] : vector<16xi32>, vector<16xi32> -> vector<16xi32>
                %le3A_1445 = arith.cmpf ole, %get3A_1414, %broadcast_in_dim3A_1432 : vector<16xf32>
                %le3A_1446 = arith.cmpf ole, %select_n3A_1441, %broadcast_in_dim3A_1432 : vector<16xf32>
                %select_n3A_1447 = arith.select %le3A_1446, %broadcast_in_dim3A_1432, %select_n3A_1441 : vector<16xi1>, vector<16xf32>
                %select_n3A_1448 = arith.select %le3A_1445, %get3A_1414, %select_n3A_1447 : vector<16xi1>, vector<16xf32>
                %select_n3A_1449 = arith.select %le3A_1446, %broadcast_in_dim3A_1435, %gather3A_1444 : vector<16xi1>, vector<16xi32>
                %select_n3A_1450 = arith.select %le3A_1445, %get3A_1419, %select_n3A_1449 : vector<16xi1>, vector<16xi32>
                %slice3A_1451 = vector.extract_strided_slice %sub3A_612 {offsets = [1], sizes = [1], strides = [1]} : vector<16xf32> to vector<1xf32>
                %squeeze3A_1452 = vector.extract %slice3A_1451[0] : f32 from vector<1xf32>
                %broadcast_in_dim3A_1453 = vector.broadcast %squeeze3A_1452 : f32 to vector<16xf32>
                %add3A_1454 = arith.constant 1 : i32
                %add3A_1455 = arith.addi %add3A_631, %add3A_1454 : i32
                %broadcast_in_dim3A_1456 = vector.broadcast %add3A_1455 : i32 to vector<16xi32>
                %broadcast_in_dim3A_1457 = vector.shape_cast %max3A_1426 : vector<16xi32> to vector<16x1xi32>
                %gather3A_1458 = vector.shape_cast %broadcast_in_dim3A_1457 : vector<16x1xi32> to vector<16xi32>
                %gather3A_1459 = tpu.dynamic_gather %select_n3A_1448[%gather3A_1458] in [0] : vector<16xf32>, vector<16xi32> -> vector<16xf32>
                %jit3A_1460 = arith.constant 0xFF800000 : f32
                %broadcast_in_dim3A_1461 = vector.broadcast %jit3A_1460 : f32 to vector<16xf32>
                %select_n3A_1462 = arith.select %eq3A_1429, %broadcast_in_dim3A_1461, %gather3A_1459 : vector<16xi1>, vector<16xf32>
                %broadcast_in_dim3A_1463 = vector.shape_cast %max3A_1426 : vector<16xi32> to vector<16x1xi32>
                %gather3A_1464 = vector.shape_cast %broadcast_in_dim3A_1463 : vector<16x1xi32> to vector<16xi32>
                %gather3A_1465 = tpu.dynamic_gather %select_n3A_1450[%gather3A_1464] in [0] : vector<16xi32>, vector<16xi32> -> vector<16xi32>
                %le3A_1466 = arith.cmpf ole, %select_n3A_1448, %broadcast_in_dim3A_1453 : vector<16xf32>
                %le3A_1467 = arith.cmpf ole, %select_n3A_1462, %broadcast_in_dim3A_1453 : vector<16xf32>
                %select_n3A_1468 = arith.select %le3A_1467, %broadcast_in_dim3A_1453, %select_n3A_1462 : vector<16xi1>, vector<16xf32>
                %select_n3A_1469 = arith.select %le3A_1466, %select_n3A_1448, %select_n3A_1468 : vector<16xi1>, vector<16xf32>
                %select_n3A_1470 = arith.select %le3A_1467, %broadcast_in_dim3A_1456, %gather3A_1465 : vector<16xi1>, vector<16xi32>
                %select_n3A_1471 = arith.select %le3A_1466, %select_n3A_1450, %select_n3A_1470 : vector<16xi1>, vector<16xi32>
                %slice3A_1472 = vector.extract_strided_slice %sub3A_612 {offsets = [2], sizes = [1], strides = [1]} : vector<16xf32> to vector<1xf32>
                %squeeze3A_1473 = vector.extract %slice3A_1472[0] : f32 from vector<1xf32>
                %broadcast_in_dim3A_1474 = vector.broadcast %squeeze3A_1473 : f32 to vector<16xf32>
                %add3A_1475 = arith.constant 2 : i32
                %add3A_1476 = arith.addi %add3A_631, %add3A_1475 : i32
                %broadcast_in_dim3A_1477 = vector.broadcast %add3A_1476 : i32 to vector<16xi32>
                %broadcast_in_dim3A_1478 = vector.shape_cast %max3A_1426 : vector<16xi32> to vector<16x1xi32>
                %gather3A_1479 = vector.shape_cast %broadcast_in_dim3A_1478 : vector<16x1xi32> to vector<16xi32>
                %gather3A_1480 = tpu.dynamic_gather %select_n3A_1469[%gather3A_1479] in [0] : vector<16xf32>, vector<16xi32> -> vector<16xf32>
                %jit3A_1481 = arith.constant 0xFF800000 : f32
                %broadcast_in_dim3A_1482 = vector.broadcast %jit3A_1481 : f32 to vector<16xf32>
                %select_n3A_1483 = arith.select %eq3A_1429, %broadcast_in_dim3A_1482, %gather3A_1480 : vector<16xi1>, vector<16xf32>
                %broadcast_in_dim3A_1484 = vector.shape_cast %max3A_1426 : vector<16xi32> to vector<16x1xi32>
                %gather3A_1485 = vector.shape_cast %broadcast_in_dim3A_1484 : vector<16x1xi32> to vector<16xi32>
                %gather3A_1486 = tpu.dynamic_gather %select_n3A_1471[%gather3A_1485] in [0] : vector<16xi32>, vector<16xi32> -> vector<16xi32>
                %le3A_1487 = arith.cmpf ole, %select_n3A_1469, %broadcast_in_dim3A_1474 : vector<16xf32>
                %le3A_1488 = arith.cmpf ole, %select_n3A_1483, %broadcast_in_dim3A_1474 : vector<16xf32>
                %select_n3A_1489 = arith.select %le3A_1488, %broadcast_in_dim3A_1474, %select_n3A_1483 : vector<16xi1>, vector<16xf32>
                %select_n3A_1490 = arith.select %le3A_1487, %select_n3A_1469, %select_n3A_1489 : vector<16xi1>, vector<16xf32>
                %select_n3A_1491 = arith.select %le3A_1488, %broadcast_in_dim3A_1477, %gather3A_1486 : vector<16xi1>, vector<16xi32>
                %select_n3A_1492 = arith.select %le3A_1487, %select_n3A_1471, %select_n3A_1491 : vector<16xi1>, vector<16xi32>
                %slice3A_1493 = vector.extract_strided_slice %sub3A_612 {offsets = [3], sizes = [1], strides = [1]} : vector<16xf32> to vector<1xf32>
                %squeeze3A_1494 = vector.extract %slice3A_1493[0] : f32 from vector<1xf32>
                %broadcast_in_dim3A_1495 = vector.broadcast %squeeze3A_1494 : f32 to vector<16xf32>
                %add3A_1496 = arith.constant 3 : i32
                %add3A_1497 = arith.addi %add3A_631, %add3A_1496 : i32
                %broadcast_in_dim3A_1498 = vector.broadcast %add3A_1497 : i32 to vector<16xi32>
                %broadcast_in_dim3A_1499 = vector.shape_cast %max3A_1426 : vector<16xi32> to vector<16x1xi32>
                %gather3A_1500 = vector.shape_cast %broadcast_in_dim3A_1499 : vector<16x1xi32> to vector<16xi32>
                %gather3A_1501 = tpu.dynamic_gather %select_n3A_1490[%gather3A_1500] in [0] : vector<16xf32>, vector<16xi32> -> vector<16xf32>
                %jit3A_1502 = arith.constant 0xFF800000 : f32
                %broadcast_in_dim3A_1503 = vector.broadcast %jit3A_1502 : f32 to vector<16xf32>
                %select_n3A_1504 = arith.select %eq3A_1429, %broadcast_in_dim3A_1503, %gather3A_1501 : vector<16xi1>, vector<16xf32>
                %broadcast_in_dim3A_1505 = vector.shape_cast %max3A_1426 : vector<16xi32> to vector<16x1xi32>
                %gather3A_1506 = vector.shape_cast %broadcast_in_dim3A_1505 : vector<16x1xi32> to vector<16xi32>
                %gather3A_1507 = tpu.dynamic_gather %select_n3A_1492[%gather3A_1506] in [0] : vector<16xi32>, vector<16xi32> -> vector<16xi32>
                %le3A_1508 = arith.cmpf ole, %select_n3A_1490, %broadcast_in_dim3A_1495 : vector<16xf32>
                %le3A_1509 = arith.cmpf ole, %select_n3A_1504, %broadcast_in_dim3A_1495 : vector<16xf32>
                %select_n3A_1510 = arith.select %le3A_1509, %broadcast_in_dim3A_1495, %select_n3A_1504 : vector<16xi1>, vector<16xf32>
                %select_n3A_1511 = arith.select %le3A_1508, %select_n3A_1490, %select_n3A_1510 : vector<16xi1>, vector<16xf32>
                %select_n3A_1512 = arith.select %le3A_1509, %broadcast_in_dim3A_1498, %gather3A_1507 : vector<16xi1>, vector<16xi32>
                %select_n3A_1513 = arith.select %le3A_1508, %select_n3A_1492, %select_n3A_1512 : vector<16xi1>, vector<16xi32>
                %slice3A_1514 = vector.extract_strided_slice %sub3A_612 {offsets = [4], sizes = [1], strides = [1]} : vector<16xf32> to vector<1xf32>
                %squeeze3A_1515 = vector.extract %slice3A_1514[0] : f32 from vector<1xf32>
                %broadcast_in_dim3A_1516 = vector.broadcast %squeeze3A_1515 : f32 to vector<16xf32>
                %add3A_1517 = arith.constant 4 : i32
                %add3A_1518 = arith.addi %add3A_631, %add3A_1517 : i32
                %broadcast_in_dim3A_1519 = vector.broadcast %add3A_1518 : i32 to vector<16xi32>
                %broadcast_in_dim3A_1520 = vector.shape_cast %max3A_1426 : vector<16xi32> to vector<16x1xi32>
                %gather3A_1521 = vector.shape_cast %broadcast_in_dim3A_1520 : vector<16x1xi32> to vector<16xi32>
                %gather3A_1522 = tpu.dynamic_gather %select_n3A_1511[%gather3A_1521] in [0] : vector<16xf32>, vector<16xi32> -> vector<16xf32>
                %jit3A_1523 = arith.constant 0xFF800000 : f32
                %broadcast_in_dim3A_1524 = vector.broadcast %jit3A_1523 : f32 to vector<16xf32>
                %select_n3A_1525 = arith.select %eq3A_1429, %broadcast_in_dim3A_1524, %gather3A_1522 : vector<16xi1>, vector<16xf32>
                %broadcast_in_dim3A_1526 = vector.shape_cast %max3A_1426 : vector<16xi32> to vector<16x1xi32>
                %gather3A_1527 = vector.shape_cast %broadcast_in_dim3A_1526 : vector<16x1xi32> to vector<16xi32>
                %gather3A_1528 = tpu.dynamic_gather %select_n3A_1513[%gather3A_1527] in [0] : vector<16xi32>, vector<16xi32> -> vector<16xi32>
                %le3A_1529 = arith.cmpf ole, %select_n3A_1511, %broadcast_in_dim3A_1516 : vector<16xf32>
                %le3A_1530 = arith.cmpf ole, %select_n3A_1525, %broadcast_in_dim3A_1516 : vector<16xf32>
                %select_n3A_1531 = arith.select %le3A_1530, %broadcast_in_dim3A_1516, %select_n3A_1525 : vector<16xi1>, vector<16xf32>
                %select_n3A_1532 = arith.select %le3A_1529, %select_n3A_1511, %select_n3A_1531 : vector<16xi1>, vector<16xf32>
                %select_n3A_1533 = arith.select %le3A_1530, %broadcast_in_dim3A_1519, %gather3A_1528 : vector<16xi1>, vector<16xi32>
                %select_n3A_1534 = arith.select %le3A_1529, %select_n3A_1513, %select_n3A_1533 : vector<16xi1>, vector<16xi32>
                %slice3A_1535 = vector.extract_strided_slice %sub3A_612 {offsets = [5], sizes = [1], strides = [1]} : vector<16xf32> to vector<1xf32>
                %squeeze3A_1536 = vector.extract %slice3A_1535[0] : f32 from vector<1xf32>
                %broadcast_in_dim3A_1537 = vector.broadcast %squeeze3A_1536 : f32 to vector<16xf32>
                %add3A_1538 = arith.constant 5 : i32
                %add3A_1539 = arith.addi %add3A_631, %add3A_1538 : i32
                %broadcast_in_dim3A_1540 = vector.broadcast %add3A_1539 : i32 to vector<16xi32>
                %broadcast_in_dim3A_1541 = vector.shape_cast %max3A_1426 : vector<16xi32> to vector<16x1xi32>
                %gather3A_1542 = vector.shape_cast %broadcast_in_dim3A_1541 : vector<16x1xi32> to vector<16xi32>
                %gather3A_1543 = tpu.dynamic_gather %select_n3A_1532[%gather3A_1542] in [0] : vector<16xf32>, vector<16xi32> -> vector<16xf32>
                %jit3A_1544 = arith.constant 0xFF800000 : f32
                %broadcast_in_dim3A_1545 = vector.broadcast %jit3A_1544 : f32 to vector<16xf32>
                %select_n3A_1546 = arith.select %eq3A_1429, %broadcast_in_dim3A_1545, %gather3A_1543 : vector<16xi1>, vector<16xf32>
                %broadcast_in_dim3A_1547 = vector.shape_cast %max3A_1426 : vector<16xi32> to vector<16x1xi32>
                %gather3A_1548 = vector.shape_cast %broadcast_in_dim3A_1547 : vector<16x1xi32> to vector<16xi32>
                %gather3A_1549 = tpu.dynamic_gather %select_n3A_1534[%gather3A_1548] in [0] : vector<16xi32>, vector<16xi32> -> vector<16xi32>
                %le3A_1550 = arith.cmpf ole, %select_n3A_1532, %broadcast_in_dim3A_1537 : vector<16xf32>
                %le3A_1551 = arith.cmpf ole, %select_n3A_1546, %broadcast_in_dim3A_1537 : vector<16xf32>
                %select_n3A_1552 = arith.select %le3A_1551, %broadcast_in_dim3A_1537, %select_n3A_1546 : vector<16xi1>, vector<16xf32>
                %select_n3A_1553 = arith.select %le3A_1550, %select_n3A_1532, %select_n3A_1552 : vector<16xi1>, vector<16xf32>
                %select_n3A_1554 = arith.select %le3A_1551, %broadcast_in_dim3A_1540, %gather3A_1549 : vector<16xi1>, vector<16xi32>
                %select_n3A_1555 = arith.select %le3A_1550, %select_n3A_1534, %select_n3A_1554 : vector<16xi1>, vector<16xi32>
                %slice3A_1556 = vector.extract_strided_slice %sub3A_612 {offsets = [6], sizes = [1], strides = [1]} : vector<16xf32> to vector<1xf32>
                %squeeze3A_1557 = vector.extract %slice3A_1556[0] : f32 from vector<1xf32>
                %broadcast_in_dim3A_1558 = vector.broadcast %squeeze3A_1557 : f32 to vector<16xf32>
                %add3A_1559 = arith.constant 6 : i32
                %add3A_1560 = arith.addi %add3A_631, %add3A_1559 : i32
                %broadcast_in_dim3A_1561 = vector.broadcast %add3A_1560 : i32 to vector<16xi32>
                %broadcast_in_dim3A_1562 = vector.shape_cast %max3A_1426 : vector<16xi32> to vector<16x1xi32>
                %gather3A_1563 = vector.shape_cast %broadcast_in_dim3A_1562 : vector<16x1xi32> to vector<16xi32>
                %gather3A_1564 = tpu.dynamic_gather %select_n3A_1553[%gather3A_1563] in [0] : vector<16xf32>, vector<16xi32> -> vector<16xf32>
                %jit3A_1565 = arith.constant 0xFF800000 : f32
                %broadcast_in_dim3A_1566 = vector.broadcast %jit3A_1565 : f32 to vector<16xf32>
                %select_n3A_1567 = arith.select %eq3A_1429, %broadcast_in_dim3A_1566, %gather3A_1564 : vector<16xi1>, vector<16xf32>
                %broadcast_in_dim3A_1568 = vector.shape_cast %max3A_1426 : vector<16xi32> to vector<16x1xi32>
                %gather3A_1569 = vector.shape_cast %broadcast_in_dim3A_1568 : vector<16x1xi32> to vector<16xi32>
                %gather3A_1570 = tpu.dynamic_gather %select_n3A_1555[%gather3A_1569] in [0] : vector<16xi32>, vector<16xi32> -> vector<16xi32>
                %le3A_1571 = arith.cmpf ole, %select_n3A_1553, %broadcast_in_dim3A_1558 : vector<16xf32>
                %le3A_1572 = arith.cmpf ole, %select_n3A_1567, %broadcast_in_dim3A_1558 : vector<16xf32>
                %select_n3A_1573 = arith.select %le3A_1572, %broadcast_in_dim3A_1558, %select_n3A_1567 : vector<16xi1>, vector<16xf32>
                %select_n3A_1574 = arith.select %le3A_1571, %select_n3A_1553, %select_n3A_1573 : vector<16xi1>, vector<16xf32>
                %select_n3A_1575 = arith.select %le3A_1572, %broadcast_in_dim3A_1561, %gather3A_1570 : vector<16xi1>, vector<16xi32>
                %select_n3A_1576 = arith.select %le3A_1571, %select_n3A_1555, %select_n3A_1575 : vector<16xi1>, vector<16xi32>
                %slice3A_1577 = vector.extract_strided_slice %sub3A_612 {offsets = [7], sizes = [1], strides = [1]} : vector<16xf32> to vector<1xf32>
                %squeeze3A_1578 = vector.extract %slice3A_1577[0] : f32 from vector<1xf32>
                %broadcast_in_dim3A_1579 = vector.broadcast %squeeze3A_1578 : f32 to vector<16xf32>
                %add3A_1580 = arith.constant 7 : i32
                %add3A_1581 = arith.addi %add3A_631, %add3A_1580 : i32
                %broadcast_in_dim3A_1582 = vector.broadcast %add3A_1581 : i32 to vector<16xi32>
                %broadcast_in_dim3A_1583 = vector.shape_cast %max3A_1426 : vector<16xi32> to vector<16x1xi32>
                %gather3A_1584 = vector.shape_cast %broadcast_in_dim3A_1583 : vector<16x1xi32> to vector<16xi32>
                %gather3A_1585 = tpu.dynamic_gather %select_n3A_1574[%gather3A_1584] in [0] : vector<16xf32>, vector<16xi32> -> vector<16xf32>
                %jit3A_1586 = arith.constant 0xFF800000 : f32
                %broadcast_in_dim3A_1587 = vector.broadcast %jit3A_1586 : f32 to vector<16xf32>
                %select_n3A_1588 = arith.select %eq3A_1429, %broadcast_in_dim3A_1587, %gather3A_1585 : vector<16xi1>, vector<16xf32>
                %broadcast_in_dim3A_1589 = vector.shape_cast %max3A_1426 : vector<16xi32> to vector<16x1xi32>
                %gather3A_1590 = vector.shape_cast %broadcast_in_dim3A_1589 : vector<16x1xi32> to vector<16xi32>
                %gather3A_1591 = tpu.dynamic_gather %select_n3A_1576[%gather3A_1590] in [0] : vector<16xi32>, vector<16xi32> -> vector<16xi32>
                %le3A_1592 = arith.cmpf ole, %select_n3A_1574, %broadcast_in_dim3A_1579 : vector<16xf32>
                %le3A_1593 = arith.cmpf ole, %select_n3A_1588, %broadcast_in_dim3A_1579 : vector<16xf32>
                %select_n3A_1594 = arith.select %le3A_1593, %broadcast_in_dim3A_1579, %select_n3A_1588 : vector<16xi1>, vector<16xf32>
                %select_n3A_1595 = arith.select %le3A_1592, %select_n3A_1574, %select_n3A_1594 : vector<16xi1>, vector<16xf32>
                %select_n3A_1596 = arith.select %le3A_1593, %broadcast_in_dim3A_1582, %gather3A_1591 : vector<16xi1>, vector<16xi32>
                %select_n3A_1597 = arith.select %le3A_1592, %select_n3A_1576, %select_n3A_1596 : vector<16xi1>, vector<16xi32>
                %slice3A_1598 = vector.extract_strided_slice %sub3A_612 {offsets = [8], sizes = [1], strides = [1]} : vector<16xf32> to vector<1xf32>
                %squeeze3A_1599 = vector.extract %slice3A_1598[0] : f32 from vector<1xf32>
                %broadcast_in_dim3A_1600 = vector.broadcast %squeeze3A_1599 : f32 to vector<16xf32>
                %add3A_1601 = arith.constant 8 : i32
                %add3A_1602 = arith.addi %add3A_631, %add3A_1601 : i32
                %broadcast_in_dim3A_1603 = vector.broadcast %add3A_1602 : i32 to vector<16xi32>
                %broadcast_in_dim3A_1604 = vector.shape_cast %max3A_1426 : vector<16xi32> to vector<16x1xi32>
                %gather3A_1605 = vector.shape_cast %broadcast_in_dim3A_1604 : vector<16x1xi32> to vector<16xi32>
                %gather3A_1606 = tpu.dynamic_gather %select_n3A_1595[%gather3A_1605] in [0] : vector<16xf32>, vector<16xi32> -> vector<16xf32>
                %jit3A_1607 = arith.constant 0xFF800000 : f32
                %broadcast_in_dim3A_1608 = vector.broadcast %jit3A_1607 : f32 to vector<16xf32>
                %select_n3A_1609 = arith.select %eq3A_1429, %broadcast_in_dim3A_1608, %gather3A_1606 : vector<16xi1>, vector<16xf32>
                %broadcast_in_dim3A_1610 = vector.shape_cast %max3A_1426 : vector<16xi32> to vector<16x1xi32>
                %gather3A_1611 = vector.shape_cast %broadcast_in_dim3A_1610 : vector<16x1xi32> to vector<16xi32>
                %gather3A_1612 = tpu.dynamic_gather %select_n3A_1597[%gather3A_1611] in [0] : vector<16xi32>, vector<16xi32> -> vector<16xi32>
                %le3A_1613 = arith.cmpf ole, %select_n3A_1595, %broadcast_in_dim3A_1600 : vector<16xf32>
                %le3A_1614 = arith.cmpf ole, %select_n3A_1609, %broadcast_in_dim3A_1600 : vector<16xf32>
                %select_n3A_1615 = arith.select %le3A_1614, %broadcast_in_dim3A_1600, %select_n3A_1609 : vector<16xi1>, vector<16xf32>
                %select_n3A_1616 = arith.select %le3A_1613, %select_n3A_1595, %select_n3A_1615 : vector<16xi1>, vector<16xf32>
                %select_n3A_1617 = arith.select %le3A_1614, %broadcast_in_dim3A_1603, %gather3A_1612 : vector<16xi1>, vector<16xi32>
                %select_n3A_1618 = arith.select %le3A_1613, %select_n3A_1597, %select_n3A_1617 : vector<16xi1>, vector<16xi32>
                %slice3A_1619 = vector.extract_strided_slice %sub3A_612 {offsets = [9], sizes = [1], strides = [1]} : vector<16xf32> to vector<1xf32>
                %squeeze3A_1620 = vector.extract %slice3A_1619[0] : f32 from vector<1xf32>
                %broadcast_in_dim3A_1621 = vector.broadcast %squeeze3A_1620 : f32 to vector<16xf32>
                %add3A_1622 = arith.constant 9 : i32
                %add3A_1623 = arith.addi %add3A_631, %add3A_1622 : i32
                %broadcast_in_dim3A_1624 = vector.broadcast %add3A_1623 : i32 to vector<16xi32>
                %broadcast_in_dim3A_1625 = vector.shape_cast %max3A_1426 : vector<16xi32> to vector<16x1xi32>
                %gather3A_1626 = vector.shape_cast %broadcast_in_dim3A_1625 : vector<16x1xi32> to vector<16xi32>
                %gather3A_1627 = tpu.dynamic_gather %select_n3A_1616[%gather3A_1626] in [0] : vector<16xf32>, vector<16xi32> -> vector<16xf32>
                %jit3A_1628 = arith.constant 0xFF800000 : f32
                %broadcast_in_dim3A_1629 = vector.broadcast %jit3A_1628 : f32 to vector<16xf32>
                %select_n3A_1630 = arith.select %eq3A_1429, %broadcast_in_dim3A_1629, %gather3A_1627 : vector<16xi1>, vector<16xf32>
                %broadcast_in_dim3A_1631 = vector.shape_cast %max3A_1426 : vector<16xi32> to vector<16x1xi32>
                %gather3A_1632 = vector.shape_cast %broadcast_in_dim3A_1631 : vector<16x1xi32> to vector<16xi32>
                %gather3A_1633 = tpu.dynamic_gather %select_n3A_1618[%gather3A_1632] in [0] : vector<16xi32>, vector<16xi32> -> vector<16xi32>
                %le3A_1634 = arith.cmpf ole, %select_n3A_1616, %broadcast_in_dim3A_1621 : vector<16xf32>
                %le3A_1635 = arith.cmpf ole, %select_n3A_1630, %broadcast_in_dim3A_1621 : vector<16xf32>
                %select_n3A_1636 = arith.select %le3A_1635, %broadcast_in_dim3A_1621, %select_n3A_1630 : vector<16xi1>, vector<16xf32>
                %select_n3A_1637 = arith.select %le3A_1634, %select_n3A_1616, %select_n3A_1636 : vector<16xi1>, vector<16xf32>
                %select_n3A_1638 = arith.select %le3A_1635, %broadcast_in_dim3A_1624, %gather3A_1633 : vector<16xi1>, vector<16xi32>
                %select_n3A_1639 = arith.select %le3A_1634, %select_n3A_1618, %select_n3A_1638 : vector<16xi1>, vector<16xi32>
                %slice3A_1640 = vector.extract_strided_slice %sub3A_612 {offsets = [10], sizes = [1], strides = [1]} : vector<16xf32> to vector<1xf32>
                %squeeze3A_1641 = vector.extract %slice3A_1640[0] : f32 from vector<1xf32>
                %broadcast_in_dim3A_1642 = vector.broadcast %squeeze3A_1641 : f32 to vector<16xf32>
                %add3A_1643 = arith.constant 10 : i32
                %add3A_1644 = arith.addi %add3A_631, %add3A_1643 : i32
                %broadcast_in_dim3A_1645 = vector.broadcast %add3A_1644 : i32 to vector<16xi32>
                %broadcast_in_dim3A_1646 = vector.shape_cast %max3A_1426 : vector<16xi32> to vector<16x1xi32>
                %gather3A_1647 = vector.shape_cast %broadcast_in_dim3A_1646 : vector<16x1xi32> to vector<16xi32>
                %gather3A_1648 = tpu.dynamic_gather %select_n3A_1637[%gather3A_1647] in [0] : vector<16xf32>, vector<16xi32> -> vector<16xf32>
                %jit3A_1649 = arith.constant 0xFF800000 : f32
                %broadcast_in_dim3A_1650 = vector.broadcast %jit3A_1649 : f32 to vector<16xf32>
                %select_n3A_1651 = arith.select %eq3A_1429, %broadcast_in_dim3A_1650, %gather3A_1648 : vector<16xi1>, vector<16xf32>
                %broadcast_in_dim3A_1652 = vector.shape_cast %max3A_1426 : vector<16xi32> to vector<16x1xi32>
                %gather3A_1653 = vector.shape_cast %broadcast_in_dim3A_1652 : vector<16x1xi32> to vector<16xi32>
                %gather3A_1654 = tpu.dynamic_gather %select_n3A_1639[%gather3A_1653] in [0] : vector<16xi32>, vector<16xi32> -> vector<16xi32>
                %le3A_1655 = arith.cmpf ole, %select_n3A_1637, %broadcast_in_dim3A_1642 : vector<16xf32>
                %le3A_1656 = arith.cmpf ole, %select_n3A_1651, %broadcast_in_dim3A_1642 : vector<16xf32>
                %select_n3A_1657 = arith.select %le3A_1656, %broadcast_in_dim3A_1642, %select_n3A_1651 : vector<16xi1>, vector<16xf32>
                %select_n3A_1658 = arith.select %le3A_1655, %select_n3A_1637, %select_n3A_1657 : vector<16xi1>, vector<16xf32>
                %select_n3A_1659 = arith.select %le3A_1656, %broadcast_in_dim3A_1645, %gather3A_1654 : vector<16xi1>, vector<16xi32>
                %select_n3A_1660 = arith.select %le3A_1655, %select_n3A_1639, %select_n3A_1659 : vector<16xi1>, vector<16xi32>
                %slice3A_1661 = vector.extract_strided_slice %sub3A_612 {offsets = [11], sizes = [1], strides = [1]} : vector<16xf32> to vector<1xf32>
                %squeeze3A_1662 = vector.extract %slice3A_1661[0] : f32 from vector<1xf32>
                %broadcast_in_dim3A_1663 = vector.broadcast %squeeze3A_1662 : f32 to vector<16xf32>
                %add3A_1664 = arith.constant 11 : i32
                %add3A_1665 = arith.addi %add3A_631, %add3A_1664 : i32
                %broadcast_in_dim3A_1666 = vector.broadcast %add3A_1665 : i32 to vector<16xi32>
                %broadcast_in_dim3A_1667 = vector.shape_cast %max3A_1426 : vector<16xi32> to vector<16x1xi32>
                %gather3A_1668 = vector.shape_cast %broadcast_in_dim3A_1667 : vector<16x1xi32> to vector<16xi32>
                %gather3A_1669 = tpu.dynamic_gather %select_n3A_1658[%gather3A_1668] in [0] : vector<16xf32>, vector<16xi32> -> vector<16xf32>
                %jit3A_1670 = arith.constant 0xFF800000 : f32
                %broadcast_in_dim3A_1671 = vector.broadcast %jit3A_1670 : f32 to vector<16xf32>
                %select_n3A_1672 = arith.select %eq3A_1429, %broadcast_in_dim3A_1671, %gather3A_1669 : vector<16xi1>, vector<16xf32>
                %broadcast_in_dim3A_1673 = vector.shape_cast %max3A_1426 : vector<16xi32> to vector<16x1xi32>
                %gather3A_1674 = vector.shape_cast %broadcast_in_dim3A_1673 : vector<16x1xi32> to vector<16xi32>
                %gather3A_1675 = tpu.dynamic_gather %select_n3A_1660[%gather3A_1674] in [0] : vector<16xi32>, vector<16xi32> -> vector<16xi32>
                %le3A_1676 = arith.cmpf ole, %select_n3A_1658, %broadcast_in_dim3A_1663 : vector<16xf32>
                %le3A_1677 = arith.cmpf ole, %select_n3A_1672, %broadcast_in_dim3A_1663 : vector<16xf32>
                %select_n3A_1678 = arith.select %le3A_1677, %broadcast_in_dim3A_1663, %select_n3A_1672 : vector<16xi1>, vector<16xf32>
                %select_n3A_1679 = arith.select %le3A_1676, %select_n3A_1658, %select_n3A_1678 : vector<16xi1>, vector<16xf32>
                %select_n3A_1680 = arith.select %le3A_1677, %broadcast_in_dim3A_1666, %gather3A_1675 : vector<16xi1>, vector<16xi32>
                %select_n3A_1681 = arith.select %le3A_1676, %select_n3A_1660, %select_n3A_1680 : vector<16xi1>, vector<16xi32>
                %slice3A_1682 = vector.extract_strided_slice %sub3A_612 {offsets = [12], sizes = [1], strides = [1]} : vector<16xf32> to vector<1xf32>
                %squeeze3A_1683 = vector.extract %slice3A_1682[0] : f32 from vector<1xf32>
                %broadcast_in_dim3A_1684 = vector.broadcast %squeeze3A_1683 : f32 to vector<16xf32>
                %add3A_1685 = arith.constant 12 : i32
                %add3A_1686 = arith.addi %add3A_631, %add3A_1685 : i32
                %broadcast_in_dim3A_1687 = vector.broadcast %add3A_1686 : i32 to vector<16xi32>
                %broadcast_in_dim3A_1688 = vector.shape_cast %max3A_1426 : vector<16xi32> to vector<16x1xi32>
                %gather3A_1689 = vector.shape_cast %broadcast_in_dim3A_1688 : vector<16x1xi32> to vector<16xi32>
                %gather3A_1690 = tpu.dynamic_gather %select_n3A_1679[%gather3A_1689] in [0] : vector<16xf32>, vector<16xi32> -> vector<16xf32>
                %jit3A_1691 = arith.constant 0xFF800000 : f32
                %broadcast_in_dim3A_1692 = vector.broadcast %jit3A_1691 : f32 to vector<16xf32>
                %select_n3A_1693 = arith.select %eq3A_1429, %broadcast_in_dim3A_1692, %gather3A_1690 : vector<16xi1>, vector<16xf32>
                %broadcast_in_dim3A_1694 = vector.shape_cast %max3A_1426 : vector<16xi32> to vector<16x1xi32>
                %gather3A_1695 = vector.shape_cast %broadcast_in_dim3A_1694 : vector<16x1xi32> to vector<16xi32>
                %gather3A_1696 = tpu.dynamic_gather %select_n3A_1681[%gather3A_1695] in [0] : vector<16xi32>, vector<16xi32> -> vector<16xi32>
                %le3A_1697 = arith.cmpf ole, %select_n3A_1679, %broadcast_in_dim3A_1684 : vector<16xf32>
                %le3A_1698 = arith.cmpf ole, %select_n3A_1693, %broadcast_in_dim3A_1684 : vector<16xf32>
                %select_n3A_1699 = arith.select %le3A_1698, %broadcast_in_dim3A_1684, %select_n3A_1693 : vector<16xi1>, vector<16xf32>
                %select_n3A_1700 = arith.select %le3A_1697, %select_n3A_1679, %select_n3A_1699 : vector<16xi1>, vector<16xf32>
                %select_n3A_1701 = arith.select %le3A_1698, %broadcast_in_dim3A_1687, %gather3A_1696 : vector<16xi1>, vector<16xi32>
                %select_n3A_1702 = arith.select %le3A_1697, %select_n3A_1681, %select_n3A_1701 : vector<16xi1>, vector<16xi32>
                %slice3A_1703 = vector.extract_strided_slice %sub3A_612 {offsets = [13], sizes = [1], strides = [1]} : vector<16xf32> to vector<1xf32>
                %squeeze3A_1704 = vector.extract %slice3A_1703[0] : f32 from vector<1xf32>
                %broadcast_in_dim3A_1705 = vector.broadcast %squeeze3A_1704 : f32 to vector<16xf32>
                %add3A_1706 = arith.constant 13 : i32
                %add3A_1707 = arith.addi %add3A_631, %add3A_1706 : i32
                %broadcast_in_dim3A_1708 = vector.broadcast %add3A_1707 : i32 to vector<16xi32>
                %broadcast_in_dim3A_1709 = vector.shape_cast %max3A_1426 : vector<16xi32> to vector<16x1xi32>
                %gather3A_1710 = vector.shape_cast %broadcast_in_dim3A_1709 : vector<16x1xi32> to vector<16xi32>
                %gather3A_1711 = tpu.dynamic_gather %select_n3A_1700[%gather3A_1710] in [0] : vector<16xf32>, vector<16xi32> -> vector<16xf32>
                %jit3A_1712 = arith.constant 0xFF800000 : f32
                %broadcast_in_dim3A_1713 = vector.broadcast %jit3A_1712 : f32 to vector<16xf32>
                %select_n3A_1714 = arith.select %eq3A_1429, %broadcast_in_dim3A_1713, %gather3A_1711 : vector<16xi1>, vector<16xf32>
                %broadcast_in_dim3A_1715 = vector.shape_cast %max3A_1426 : vector<16xi32> to vector<16x1xi32>
                %gather3A_1716 = vector.shape_cast %broadcast_in_dim3A_1715 : vector<16x1xi32> to vector<16xi32>
                %gather3A_1717 = tpu.dynamic_gather %select_n3A_1702[%gather3A_1716] in [0] : vector<16xi32>, vector<16xi32> -> vector<16xi32>
                %le3A_1718 = arith.cmpf ole, %select_n3A_1700, %broadcast_in_dim3A_1705 : vector<16xf32>
                %le3A_1719 = arith.cmpf ole, %select_n3A_1714, %broadcast_in_dim3A_1705 : vector<16xf32>
                %select_n3A_1720 = arith.select %le3A_1719, %broadcast_in_dim3A_1705, %select_n3A_1714 : vector<16xi1>, vector<16xf32>
                %select_n3A_1721 = arith.select %le3A_1718, %select_n3A_1700, %select_n3A_1720 : vector<16xi1>, vector<16xf32>
                %select_n3A_1722 = arith.select %le3A_1719, %broadcast_in_dim3A_1708, %gather3A_1717 : vector<16xi1>, vector<16xi32>
                %select_n3A_1723 = arith.select %le3A_1718, %select_n3A_1702, %select_n3A_1722 : vector<16xi1>, vector<16xi32>
                %slice3A_1724 = vector.extract_strided_slice %sub3A_612 {offsets = [14], sizes = [1], strides = [1]} : vector<16xf32> to vector<1xf32>
                %squeeze3A_1725 = vector.extract %slice3A_1724[0] : f32 from vector<1xf32>
                %broadcast_in_dim3A_1726 = vector.broadcast %squeeze3A_1725 : f32 to vector<16xf32>
                %add3A_1727 = arith.constant 14 : i32
                %add3A_1728 = arith.addi %add3A_631, %add3A_1727 : i32
                %broadcast_in_dim3A_1729 = vector.broadcast %add3A_1728 : i32 to vector<16xi32>
                %broadcast_in_dim3A_1730 = vector.shape_cast %max3A_1426 : vector<16xi32> to vector<16x1xi32>
                %gather3A_1731 = vector.shape_cast %broadcast_in_dim3A_1730 : vector<16x1xi32> to vector<16xi32>
                %gather3A_1732 = tpu.dynamic_gather %select_n3A_1721[%gather3A_1731] in [0] : vector<16xf32>, vector<16xi32> -> vector<16xf32>
                %jit3A_1733 = arith.constant 0xFF800000 : f32
                %broadcast_in_dim3A_1734 = vector.broadcast %jit3A_1733 : f32 to vector<16xf32>
                %select_n3A_1735 = arith.select %eq3A_1429, %broadcast_in_dim3A_1734, %gather3A_1732 : vector<16xi1>, vector<16xf32>
                %broadcast_in_dim3A_1736 = vector.shape_cast %max3A_1426 : vector<16xi32> to vector<16x1xi32>
                %gather3A_1737 = vector.shape_cast %broadcast_in_dim3A_1736 : vector<16x1xi32> to vector<16xi32>
                %gather3A_1738 = tpu.dynamic_gather %select_n3A_1723[%gather3A_1737] in [0] : vector<16xi32>, vector<16xi32> -> vector<16xi32>
                %le3A_1739 = arith.cmpf ole, %select_n3A_1721, %broadcast_in_dim3A_1726 : vector<16xf32>
                %le3A_1740 = arith.cmpf ole, %select_n3A_1735, %broadcast_in_dim3A_1726 : vector<16xf32>
                %select_n3A_1741 = arith.select %le3A_1740, %broadcast_in_dim3A_1726, %select_n3A_1735 : vector<16xi1>, vector<16xf32>
                %select_n3A_1742 = arith.select %le3A_1739, %select_n3A_1721, %select_n3A_1741 : vector<16xi1>, vector<16xf32>
                %select_n3A_1743 = arith.select %le3A_1740, %broadcast_in_dim3A_1729, %gather3A_1738 : vector<16xi1>, vector<16xi32>
                %select_n3A_1744 = arith.select %le3A_1739, %select_n3A_1723, %select_n3A_1743 : vector<16xi1>, vector<16xi32>
                %slice3A_1745 = vector.extract_strided_slice %sub3A_612 {offsets = [15], sizes = [1], strides = [1]} : vector<16xf32> to vector<1xf32>
                %squeeze3A_1746 = vector.extract %slice3A_1745[0] : f32 from vector<1xf32>
                %broadcast_in_dim3A_1747 = vector.broadcast %squeeze3A_1746 : f32 to vector<16xf32>
                %add3A_1748 = arith.constant 15 : i32
                %add3A_1749 = arith.addi %add3A_631, %add3A_1748 : i32
                %broadcast_in_dim3A_1750 = vector.broadcast %add3A_1749 : i32 to vector<16xi32>
                %broadcast_in_dim3A_1751 = vector.shape_cast %max3A_1426 : vector<16xi32> to vector<16x1xi32>
                %gather3A_1752 = vector.shape_cast %broadcast_in_dim3A_1751 : vector<16x1xi32> to vector<16xi32>
                %gather3A_1753 = tpu.dynamic_gather %select_n3A_1742[%gather3A_1752] in [0] : vector<16xf32>, vector<16xi32> -> vector<16xf32>
                %jit3A_1754 = arith.constant 0xFF800000 : f32
                %broadcast_in_dim3A_1755 = vector.broadcast %jit3A_1754 : f32 to vector<16xf32>
                %select_n3A_1756 = arith.select %eq3A_1429, %broadcast_in_dim3A_1755, %gather3A_1753 : vector<16xi1>, vector<16xf32>
                %broadcast_in_dim3A_1757 = vector.shape_cast %max3A_1426 : vector<16xi32> to vector<16x1xi32>
                %gather3A_1758 = vector.shape_cast %broadcast_in_dim3A_1757 : vector<16x1xi32> to vector<16xi32>
                %gather3A_1759 = tpu.dynamic_gather %select_n3A_1744[%gather3A_1758] in [0] : vector<16xi32>, vector<16xi32> -> vector<16xi32>
                %le3A_1760 = arith.cmpf ole, %select_n3A_1742, %broadcast_in_dim3A_1747 : vector<16xf32>
                %le3A_1761 = arith.cmpf ole, %select_n3A_1756, %broadcast_in_dim3A_1747 : vector<16xf32>
                %select_n3A_1762 = arith.select %le3A_1761, %broadcast_in_dim3A_1747, %select_n3A_1756 : vector<16xi1>, vector<16xf32>
                %select_n3A_1763 = arith.select %le3A_1760, %select_n3A_1742, %select_n3A_1762 : vector<16xi1>, vector<16xf32>
                %select_n3A_1764 = arith.select %le3A_1761, %broadcast_in_dim3A_1750, %gather3A_1759 : vector<16xi1>, vector<16xi32>
                %select_n3A_1765 = arith.select %le3A_1760, %select_n3A_1744, %select_n3A_1764 : vector<16xi1>, vector<16xi32>
                %mul3A_1766 = arith.constant 16 : i32
                %mul3A_1767 = arith.muli %add3A_1409, %mul3A_1766 : i32
                %swap3A_1768 = arith.index_cast %mul3A_1767 : i32 to index
                %swap3A_1769 = tpu.vector_load %arg28[%swap3A_1768] {strides = array<i32>} : memref<2048xf32, #tpu.memory_space<vmem>>, vector<16xf32>,
                %swap3A_1770 = vector.shape_cast %swap3A_1769 : vector<16xf32> to vector<16xf32>
                %swap3A_1771 = vector.shape_cast %select_n3A_1763 : vector<16xf32> to vector<16xf32>
                tpu.vector_store %arg28[%swap3A_1768], %swap3A_1771 {strides = array<i32>} : memref<2048xf32, #tpu.memory_space<vmem>>, vector<16xf32>,
                %mul3A_1772 = arith.constant 16 : i32
                %mul3A_1773 = arith.muli %add3A_1409, %mul3A_1772 : i32
                %swap3A_1774 = arith.index_cast %mul3A_1773 : i32 to index
                %swap3A_1775 = tpu.vector_load %arg29[%swap3A_1774] {strides = array<i32>} : memref<2048xi32, #tpu.memory_space<vmem>>, vector<16xi32>,
                %swap3A_1776 = vector.shape_cast %swap3A_1775 : vector<16xi32> to vector<16xi32>
                %swap3A_1777 = vector.shape_cast %select_n3A_1765 : vector<16xi32> to vector<16xi32>
                tpu.vector_store %arg29[%swap3A_1774], %swap3A_1777 {strides = array<i32>} : memref<2048xi32, #tpu.memory_space<vmem>>, vector<16xi32>,
                %slice3A_1778 = vector.extract_strided_slice %select_n3A_1763 {offsets = [15], sizes = [1], strides = [1]} : vector<16xf32> to vector<1xf32>
                %squeeze3A_1779 = vector.extract %slice3A_1778[0] : f32 from vector<1xf32>
                %add3A_1780 = arith.constant 3 : i32
                %add3A_1781 = arith.addi %mul3A_59, %add3A_1780 : i32
                %mul3A_1782 = arith.constant 16 : i32
                %mul3A_1783 = arith.muli %add3A_1781, %mul3A_1782 : i32
                %get3A_1784 = arith.index_cast %mul3A_1783 : i32 to index
                %get3A_1785 = tpu.vector_load %arg28[%get3A_1784] {strides = array<i32>} : memref<2048xf32, #tpu.memory_space<vmem>>, vector<16xf32>,
                %get3A_1786 = vector.shape_cast %get3A_1785 : vector<16xf32> to vector<16xf32>
                %mul3A_1787 = arith.constant 16 : i32
                %mul3A_1788 = arith.muli %add3A_1781, %mul3A_1787 : i32
                %get3A_1789 = arith.index_cast %mul3A_1788 : i32 to index
                %get3A_1790 = tpu.vector_load %arg29[%get3A_1789] {strides = array<i32>} : memref<2048xi32, #tpu.memory_space<vmem>>, vector<16xi32>,
                %get3A_1791 = vector.shape_cast %get3A_1790 : vector<16xi32> to vector<16xi32>
                %iota3A_1792 = tpu.iota {dimensions = array<i32: 0>} : vector<16xi32>
                %sub3A_1793 = arith.constant 1 : i32
                %sub3A_1794 = vector.broadcast %sub3A_1793 : i32 to vector<16xi32>
                %sub3A_1795 = arith.subi %iota3A_1792, %sub3A_1794 : vector<16xi32>
                %max3A_1796 = arith.constant 0 : i32
                %max3A_1797 = vector.broadcast %max3A_1796 : i32 to vector<16xi32>
                %max3A_1798 = arith.maxsi %sub3A_1795, %max3A_1797 : vector<16xi32>
                %eq3A_1799 = arith.constant 0 : i32
                %eq3A_1800 = vector.broadcast %eq3A_1799 : i32 to vector<16xi32>
                %eq3A_1801 = arith.cmpi eq, %iota3A_1792, %eq3A_1800 : vector<16xi32>
                %slice3A_1802 = vector.extract_strided_slice %sub3A_627 {offsets = [0], sizes = [1], strides = [1]} : vector<16xf32> to vector<1xf32>
                %squeeze3A_1803 = vector.extract %slice3A_1802[0] : f32 from vector<1xf32>
                %broadcast_in_dim3A_1804 = vector.broadcast %squeeze3A_1803 : f32 to vector<16xf32>
                %add3A_1805 = arith.constant 0 : i32
                %add3A_1806 = arith.addi %add3A_631, %add3A_1805 : i32
                %broadcast_in_dim3A_1807 = vector.broadcast %add3A_1806 : i32 to vector<16xi32>
                %broadcast_in_dim3A_1808 = vector.shape_cast %max3A_1798 : vector<16xi32> to vector<16x1xi32>
                %gather3A_1809 = vector.shape_cast %broadcast_in_dim3A_1808 : vector<16x1xi32> to vector<16xi32>
                %gather3A_1810 = tpu.dynamic_gather %get3A_1786[%gather3A_1809] in [0] : vector<16xf32>, vector<16xi32> -> vector<16xf32>
                %jit3A_1811 = arith.constant 0xFF800000 : f32
                %broadcast_in_dim3A_1812 = vector.broadcast %jit3A_1811 : f32 to vector<16xf32>
                %select_n3A_1813 = arith.select %eq3A_1801, %broadcast_in_dim3A_1812, %gather3A_1810 : vector<16xi1>, vector<16xf32>
                %broadcast_in_dim3A_1814 = vector.shape_cast %max3A_1798 : vector<16xi32> to vector<16x1xi32>
                %gather3A_1815 = vector.shape_cast %broadcast_in_dim3A_1814 : vector<16x1xi32> to vector<16xi32>
                %gather3A_1816 = tpu.dynamic_gather %get3A_1791[%gather3A_1815] in [0] : vector<16xi32>, vector<16xi32> -> vector<16xi32>
                %le3A_1817 = arith.cmpf ole, %get3A_1786, %broadcast_in_dim3A_1804 : vector<16xf32>
                %le3A_1818 = arith.cmpf ole, %select_n3A_1813, %broadcast_in_dim3A_1804 : vector<16xf32>
                %select_n3A_1819 = arith.select %le3A_1818, %broadcast_in_dim3A_1804, %select_n3A_1813 : vector<16xi1>, vector<16xf32>
                %select_n3A_1820 = arith.select %le3A_1817, %get3A_1786, %select_n3A_1819 : vector<16xi1>, vector<16xf32>
                %select_n3A_1821 = arith.select %le3A_1818, %broadcast_in_dim3A_1807, %gather3A_1816 : vector<16xi1>, vector<16xi32>
                %select_n3A_1822 = arith.select %le3A_1817, %get3A_1791, %select_n3A_1821 : vector<16xi1>, vector<16xi32>
                %slice3A_1823 = vector.extract_strided_slice %sub3A_627 {offsets = [1], sizes = [1], strides = [1]} : vector<16xf32> to vector<1xf32>
                %squeeze3A_1824 = vector.extract %slice3A_1823[0] : f32 from vector<1xf32>
                %broadcast_in_dim3A_1825 = vector.broadcast %squeeze3A_1824 : f32 to vector<16xf32>
                %add3A_1826 = arith.constant 1 : i32
                %add3A_1827 = arith.addi %add3A_631, %add3A_1826 : i32
                %broadcast_in_dim3A_1828 = vector.broadcast %add3A_1827 : i32 to vector<16xi32>
                %broadcast_in_dim3A_1829 = vector.shape_cast %max3A_1798 : vector<16xi32> to vector<16x1xi32>
                %gather3A_1830 = vector.shape_cast %broadcast_in_dim3A_1829 : vector<16x1xi32> to vector<16xi32>
                %gather3A_1831 = tpu.dynamic_gather %select_n3A_1820[%gather3A_1830] in [0] : vector<16xf32>, vector<16xi32> -> vector<16xf32>
                %jit3A_1832 = arith.constant 0xFF800000 : f32
                %broadcast_in_dim3A_1833 = vector.broadcast %jit3A_1832 : f32 to vector<16xf32>
                %select_n3A_1834 = arith.select %eq3A_1801, %broadcast_in_dim3A_1833, %gather3A_1831 : vector<16xi1>, vector<16xf32>
                %broadcast_in_dim3A_1835 = vector.shape_cast %max3A_1798 : vector<16xi32> to vector<16x1xi32>
                %gather3A_1836 = vector.shape_cast %broadcast_in_dim3A_1835 : vector<16x1xi32> to vector<16xi32>
                %gather3A_1837 = tpu.dynamic_gather %select_n3A_1822[%gather3A_1836] in [0] : vector<16xi32>, vector<16xi32> -> vector<16xi32>
                %le3A_1838 = arith.cmpf ole, %select_n3A_1820, %broadcast_in_dim3A_1825 : vector<16xf32>
                %le3A_1839 = arith.cmpf ole, %select_n3A_1834, %broadcast_in_dim3A_1825 : vector<16xf32>
                %select_n3A_1840 = arith.select %le3A_1839, %broadcast_in_dim3A_1825, %select_n3A_1834 : vector<16xi1>, vector<16xf32>
                %select_n3A_1841 = arith.select %le3A_1838, %select_n3A_1820, %select_n3A_1840 : vector<16xi1>, vector<16xf32>
                %select_n3A_1842 = arith.select %le3A_1839, %broadcast_in_dim3A_1828, %gather3A_1837 : vector<16xi1>, vector<16xi32>
                %select_n3A_1843 = arith.select %le3A_1838, %select_n3A_1822, %select_n3A_1842 : vector<16xi1>, vector<16xi32>
                %slice3A_1844 = vector.extract_strided_slice %sub3A_627 {offsets = [2], sizes = [1], strides = [1]} : vector<16xf32> to vector<1xf32>
                %squeeze3A_1845 = vector.extract %slice3A_1844[0] : f32 from vector<1xf32>
                %broadcast_in_dim3A_1846 = vector.broadcast %squeeze3A_1845 : f32 to vector<16xf32>
                %add3A_1847 = arith.constant 2 : i32
                %add3A_1848 = arith.addi %add3A_631, %add3A_1847 : i32
                %broadcast_in_dim3A_1849 = vector.broadcast %add3A_1848 : i32 to vector<16xi32>
                %broadcast_in_dim3A_1850 = vector.shape_cast %max3A_1798 : vector<16xi32> to vector<16x1xi32>
                %gather3A_1851 = vector.shape_cast %broadcast_in_dim3A_1850 : vector<16x1xi32> to vector<16xi32>
                %gather3A_1852 = tpu.dynamic_gather %select_n3A_1841[%gather3A_1851] in [0] : vector<16xf32>, vector<16xi32> -> vector<16xf32>
                %jit3A_1853 = arith.constant 0xFF800000 : f32
                %broadcast_in_dim3A_1854 = vector.broadcast %jit3A_1853 : f32 to vector<16xf32>
                %select_n3A_1855 = arith.select %eq3A_1801, %broadcast_in_dim3A_1854, %gather3A_1852 : vector<16xi1>, vector<16xf32>
                %broadcast_in_dim3A_1856 = vector.shape_cast %max3A_1798 : vector<16xi32> to vector<16x1xi32>
                %gather3A_1857 = vector.shape_cast %broadcast_in_dim3A_1856 : vector<16x1xi32> to vector<16xi32>
                %gather3A_1858 = tpu.dynamic_gather %select_n3A_1843[%gather3A_1857] in [0] : vector<16xi32>, vector<16xi32> -> vector<16xi32>
                %le3A_1859 = arith.cmpf ole, %select_n3A_1841, %broadcast_in_dim3A_1846 : vector<16xf32>
                %le3A_1860 = arith.cmpf ole, %select_n3A_1855, %broadcast_in_dim3A_1846 : vector<16xf32>
                %select_n3A_1861 = arith.select %le3A_1860, %broadcast_in_dim3A_1846, %select_n3A_1855 : vector<16xi1>, vector<16xf32>
                %select_n3A_1862 = arith.select %le3A_1859, %select_n3A_1841, %select_n3A_1861 : vector<16xi1>, vector<16xf32>
                %select_n3A_1863 = arith.select %le3A_1860, %broadcast_in_dim3A_1849, %gather3A_1858 : vector<16xi1>, vector<16xi32>
                %select_n3A_1864 = arith.select %le3A_1859, %select_n3A_1843, %select_n3A_1863 : vector<16xi1>, vector<16xi32>
                %slice3A_1865 = vector.extract_strided_slice %sub3A_627 {offsets = [3], sizes = [1], strides = [1]} : vector<16xf32> to vector<1xf32>
                %squeeze3A_1866 = vector.extract %slice3A_1865[0] : f32 from vector<1xf32>
                %broadcast_in_dim3A_1867 = vector.broadcast %squeeze3A_1866 : f32 to vector<16xf32>
                %add3A_1868 = arith.constant 3 : i32
                %add3A_1869 = arith.addi %add3A_631, %add3A_1868 : i32
                %broadcast_in_dim3A_1870 = vector.broadcast %add3A_1869 : i32 to vector<16xi32>
                %broadcast_in_dim3A_1871 = vector.shape_cast %max3A_1798 : vector<16xi32> to vector<16x1xi32>
                %gather3A_1872 = vector.shape_cast %broadcast_in_dim3A_1871 : vector<16x1xi32> to vector<16xi32>
                %gather3A_1873 = tpu.dynamic_gather %select_n3A_1862[%gather3A_1872] in [0] : vector<16xf32>, vector<16xi32> -> vector<16xf32>
                %jit3A_1874 = arith.constant 0xFF800000 : f32
                %broadcast_in_dim3A_1875 = vector.broadcast %jit3A_1874 : f32 to vector<16xf32>
                %select_n3A_1876 = arith.select %eq3A_1801, %broadcast_in_dim3A_1875, %gather3A_1873 : vector<16xi1>, vector<16xf32>
                %broadcast_in_dim3A_1877 = vector.shape_cast %max3A_1798 : vector<16xi32> to vector<16x1xi32>
                %gather3A_1878 = vector.shape_cast %broadcast_in_dim3A_1877 : vector<16x1xi32> to vector<16xi32>
                %gather3A_1879 = tpu.dynamic_gather %select_n3A_1864[%gather3A_1878] in [0] : vector<16xi32>, vector<16xi32> -> vector<16xi32>
                %le3A_1880 = arith.cmpf ole, %select_n3A_1862, %broadcast_in_dim3A_1867 : vector<16xf32>
                %le3A_1881 = arith.cmpf ole, %select_n3A_1876, %broadcast_in_dim3A_1867 : vector<16xf32>
                %select_n3A_1882 = arith.select %le3A_1881, %broadcast_in_dim3A_1867, %select_n3A_1876 : vector<16xi1>, vector<16xf32>
                %select_n3A_1883 = arith.select %le3A_1880, %select_n3A_1862, %select_n3A_1882 : vector<16xi1>, vector<16xf32>
                %select_n3A_1884 = arith.select %le3A_1881, %broadcast_in_dim3A_1870, %gather3A_1879 : vector<16xi1>, vector<16xi32>
                %select_n3A_1885 = arith.select %le3A_1880, %select_n3A_1864, %select_n3A_1884 : vector<16xi1>, vector<16xi32>
                %slice3A_1886 = vector.extract_strided_slice %sub3A_627 {offsets = [4], sizes = [1], strides = [1]} : vector<16xf32> to vector<1xf32>
                %squeeze3A_1887 = vector.extract %slice3A_1886[0] : f32 from vector<1xf32>
                %broadcast_in_dim3A_1888 = vector.broadcast %squeeze3A_1887 : f32 to vector<16xf32>
                %add3A_1889 = arith.constant 4 : i32
                %add3A_1890 = arith.addi %add3A_631, %add3A_1889 : i32
                %broadcast_in_dim3A_1891 = vector.broadcast %add3A_1890 : i32 to vector<16xi32>
                %broadcast_in_dim3A_1892 = vector.shape_cast %max3A_1798 : vector<16xi32> to vector<16x1xi32>
                %gather3A_1893 = vector.shape_cast %broadcast_in_dim3A_1892 : vector<16x1xi32> to vector<16xi32>
                %gather3A_1894 = tpu.dynamic_gather %select_n3A_1883[%gather3A_1893] in [0] : vector<16xf32>, vector<16xi32> -> vector<16xf32>
                %jit3A_1895 = arith.constant 0xFF800000 : f32
                %broadcast_in_dim3A_1896 = vector.broadcast %jit3A_1895 : f32 to vector<16xf32>
                %select_n3A_1897 = arith.select %eq3A_1801, %broadcast_in_dim3A_1896, %gather3A_1894 : vector<16xi1>, vector<16xf32>
                %broadcast_in_dim3A_1898 = vector.shape_cast %max3A_1798 : vector<16xi32> to vector<16x1xi32>
                %gather3A_1899 = vector.shape_cast %broadcast_in_dim3A_1898 : vector<16x1xi32> to vector<16xi32>
                %gather3A_1900 = tpu.dynamic_gather %select_n3A_1885[%gather3A_1899] in [0] : vector<16xi32>, vector<16xi32> -> vector<16xi32>
                %le3A_1901 = arith.cmpf ole, %select_n3A_1883, %broadcast_in_dim3A_1888 : vector<16xf32>
                %le3A_1902 = arith.cmpf ole, %select_n3A_1897, %broadcast_in_dim3A_1888 : vector<16xf32>
                %select_n3A_1903 = arith.select %le3A_1902, %broadcast_in_dim3A_1888, %select_n3A_1897 : vector<16xi1>, vector<16xf32>
                %select_n3A_1904 = arith.select %le3A_1901, %select_n3A_1883, %select_n3A_1903 : vector<16xi1>, vector<16xf32>
                %select_n3A_1905 = arith.select %le3A_1902, %broadcast_in_dim3A_1891, %gather3A_1900 : vector<16xi1>, vector<16xi32>
                %select_n3A_1906 = arith.select %le3A_1901, %select_n3A_1885, %select_n3A_1905 : vector<16xi1>, vector<16xi32>
                %slice3A_1907 = vector.extract_strided_slice %sub3A_627 {offsets = [5], sizes = [1], strides = [1]} : vector<16xf32> to vector<1xf32>
                %squeeze3A_1908 = vector.extract %slice3A_1907[0] : f32 from vector<1xf32>
                %broadcast_in_dim3A_1909 = vector.broadcast %squeeze3A_1908 : f32 to vector<16xf32>
                %add3A_1910 = arith.constant 5 : i32
                %add3A_1911 = arith.addi %add3A_631, %add3A_1910 : i32
                %broadcast_in_dim3A_1912 = vector.broadcast %add3A_1911 : i32 to vector<16xi32>
                %broadcast_in_dim3A_1913 = vector.shape_cast %max3A_1798 : vector<16xi32> to vector<16x1xi32>
                %gather3A_1914 = vector.shape_cast %broadcast_in_dim3A_1913 : vector<16x1xi32> to vector<16xi32>
                %gather3A_1915 = tpu.dynamic_gather %select_n3A_1904[%gather3A_1914] in [0] : vector<16xf32>, vector<16xi32> -> vector<16xf32>
                %jit3A_1916 = arith.constant 0xFF800000 : f32
                %broadcast_in_dim3A_1917 = vector.broadcast %jit3A_1916 : f32 to vector<16xf32>
                %select_n3A_1918 = arith.select %eq3A_1801, %broadcast_in_dim3A_1917, %gather3A_1915 : vector<16xi1>, vector<16xf32>
                %broadcast_in_dim3A_1919 = vector.shape_cast %max3A_1798 : vector<16xi32> to vector<16x1xi32>
                %gather3A_1920 = vector.shape_cast %broadcast_in_dim3A_1919 : vector<16x1xi32> to vector<16xi32>
                %gather3A_1921 = tpu.dynamic_gather %select_n3A_1906[%gather3A_1920] in [0] : vector<16xi32>, vector<16xi32> -> vector<16xi32>
                %le3A_1922 = arith.cmpf ole, %select_n3A_1904, %broadcast_in_dim3A_1909 : vector<16xf32>
                %le3A_1923 = arith.cmpf ole, %select_n3A_1918, %broadcast_in_dim3A_1909 : vector<16xf32>
                %select_n3A_1924 = arith.select %le3A_1923, %broadcast_in_dim3A_1909, %select_n3A_1918 : vector<16xi1>, vector<16xf32>
                %select_n3A_1925 = arith.select %le3A_1922, %select_n3A_1904, %select_n3A_1924 : vector<16xi1>, vector<16xf32>
                %select_n3A_1926 = arith.select %le3A_1923, %broadcast_in_dim3A_1912, %gather3A_1921 : vector<16xi1>, vector<16xi32>
                %select_n3A_1927 = arith.select %le3A_1922, %select_n3A_1906, %select_n3A_1926 : vector<16xi1>, vector<16xi32>
                %slice3A_1928 = vector.extract_strided_slice %sub3A_627 {offsets = [6], sizes = [1], strides = [1]} : vector<16xf32> to vector<1xf32>
                %squeeze3A_1929 = vector.extract %slice3A_1928[0] : f32 from vector<1xf32>
                %broadcast_in_dim3A_1930 = vector.broadcast %squeeze3A_1929 : f32 to vector<16xf32>
                %add3A_1931 = arith.constant 6 : i32
                %add3A_1932 = arith.addi %add3A_631, %add3A_1931 : i32
                %broadcast_in_dim3A_1933 = vector.broadcast %add3A_1932 : i32 to vector<16xi32>
                %broadcast_in_dim3A_1934 = vector.shape_cast %max3A_1798 : vector<16xi32> to vector<16x1xi32>
                %gather3A_1935 = vector.shape_cast %broadcast_in_dim3A_1934 : vector<16x1xi32> to vector<16xi32>
                %gather3A_1936 = tpu.dynamic_gather %select_n3A_1925[%gather3A_1935] in [0] : vector<16xf32>, vector<16xi32> -> vector<16xf32>
                %jit3A_1937 = arith.constant 0xFF800000 : f32
                %broadcast_in_dim3A_1938 = vector.broadcast %jit3A_1937 : f32 to vector<16xf32>
                %select_n3A_1939 = arith.select %eq3A_1801, %broadcast_in_dim3A_1938, %gather3A_1936 : vector<16xi1>, vector<16xf32>
                %broadcast_in_dim3A_1940 = vector.shape_cast %max3A_1798 : vector<16xi32> to vector<16x1xi32>
                %gather3A_1941 = vector.shape_cast %broadcast_in_dim3A_1940 : vector<16x1xi32> to vector<16xi32>
                %gather3A_1942 = tpu.dynamic_gather %select_n3A_1927[%gather3A_1941] in [0] : vector<16xi32>, vector<16xi32> -> vector<16xi32>
                %le3A_1943 = arith.cmpf ole, %select_n3A_1925, %broadcast_in_dim3A_1930 : vector<16xf32>
                %le3A_1944 = arith.cmpf ole, %select_n3A_1939, %broadcast_in_dim3A_1930 : vector<16xf32>
                %select_n3A_1945 = arith.select %le3A_1944, %broadcast_in_dim3A_1930, %select_n3A_1939 : vector<16xi1>, vector<16xf32>
                %select_n3A_1946 = arith.select %le3A_1943, %select_n3A_1925, %select_n3A_1945 : vector<16xi1>, vector<16xf32>
                %select_n3A_1947 = arith.select %le3A_1944, %broadcast_in_dim3A_1933, %gather3A_1942 : vector<16xi1>, vector<16xi32>
                %select_n3A_1948 = arith.select %le3A_1943, %select_n3A_1927, %select_n3A_1947 : vector<16xi1>, vector<16xi32>
                %slice3A_1949 = vector.extract_strided_slice %sub3A_627 {offsets = [7], sizes = [1], strides = [1]} : vector<16xf32> to vector<1xf32>
                %squeeze3A_1950 = vector.extract %slice3A_1949[0] : f32 from vector<1xf32>
                %broadcast_in_dim3A_1951 = vector.broadcast %squeeze3A_1950 : f32 to vector<16xf32>
                %add3A_1952 = arith.constant 7 : i32
                %add3A_1953 = arith.addi %add3A_631, %add3A_1952 : i32
                %broadcast_in_dim3A_1954 = vector.broadcast %add3A_1953 : i32 to vector<16xi32>
                %broadcast_in_dim3A_1955 = vector.shape_cast %max3A_1798 : vector<16xi32> to vector<16x1xi32>
                %gather3A_1956 = vector.shape_cast %broadcast_in_dim3A_1955 : vector<16x1xi32> to vector<16xi32>
                %gather3A_1957 = tpu.dynamic_gather %select_n3A_1946[%gather3A_1956] in [0] : vector<16xf32>, vector<16xi32> -> vector<16xf32>
                %jit3A_1958 = arith.constant 0xFF800000 : f32
                %broadcast_in_dim3A_1959 = vector.broadcast %jit3A_1958 : f32 to vector<16xf32>
                %select_n3A_1960 = arith.select %eq3A_1801, %broadcast_in_dim3A_1959, %gather3A_1957 : vector<16xi1>, vector<16xf32>
                %broadcast_in_dim3A_1961 = vector.shape_cast %max3A_1798 : vector<16xi32> to vector<16x1xi32>
                %gather3A_1962 = vector.shape_cast %broadcast_in_dim3A_1961 : vector<16x1xi32> to vector<16xi32>
                %gather3A_1963 = tpu.dynamic_gather %select_n3A_1948[%gather3A_1962] in [0] : vector<16xi32>, vector<16xi32> -> vector<16xi32>
                %le3A_1964 = arith.cmpf ole, %select_n3A_1946, %broadcast_in_dim3A_1951 : vector<16xf32>
                %le3A_1965 = arith.cmpf ole, %select_n3A_1960, %broadcast_in_dim3A_1951 : vector<16xf32>
                %select_n3A_1966 = arith.select %le3A_1965, %broadcast_in_dim3A_1951, %select_n3A_1960 : vector<16xi1>, vector<16xf32>
                %select_n3A_1967 = arith.select %le3A_1964, %select_n3A_1946, %select_n3A_1966 : vector<16xi1>, vector<16xf32>
                %select_n3A_1968 = arith.select %le3A_1965, %broadcast_in_dim3A_1954, %gather3A_1963 : vector<16xi1>, vector<16xi32>
                %select_n3A_1969 = arith.select %le3A_1964, %select_n3A_1948, %select_n3A_1968 : vector<16xi1>, vector<16xi32>
                %slice3A_1970 = vector.extract_strided_slice %sub3A_627 {offsets = [8], sizes = [1], strides = [1]} : vector<16xf32> to vector<1xf32>
                %squeeze3A_1971 = vector.extract %slice3A_1970[0] : f32 from vector<1xf32>
                %broadcast_in_dim3A_1972 = vector.broadcast %squeeze3A_1971 : f32 to vector<16xf32>
                %add3A_1973 = arith.constant 8 : i32
                %add3A_1974 = arith.addi %add3A_631, %add3A_1973 : i32
                %broadcast_in_dim3A_1975 = vector.broadcast %add3A_1974 : i32 to vector<16xi32>
                %broadcast_in_dim3A_1976 = vector.shape_cast %max3A_1798 : vector<16xi32> to vector<16x1xi32>
                %gather3A_1977 = vector.shape_cast %broadcast_in_dim3A_1976 : vector<16x1xi32> to vector<16xi32>
                %gather3A_1978 = tpu.dynamic_gather %select_n3A_1967[%gather3A_1977] in [0] : vector<16xf32>, vector<16xi32> -> vector<16xf32>
                %jit3A_1979 = arith.constant 0xFF800000 : f32
                %broadcast_in_dim3A_1980 = vector.broadcast %jit3A_1979 : f32 to vector<16xf32>
                %select_n3A_1981 = arith.select %eq3A_1801, %broadcast_in_dim3A_1980, %gather3A_1978 : vector<16xi1>, vector<16xf32>
                %broadcast_in_dim3A_1982 = vector.shape_cast %max3A_1798 : vector<16xi32> to vector<16x1xi32>
                %gather3A_1983 = vector.shape_cast %broadcast_in_dim3A_1982 : vector<16x1xi32> to vector<16xi32>
                %gather3A_1984 = tpu.dynamic_gather %select_n3A_1969[%gather3A_1983] in [0] : vector<16xi32>, vector<16xi32> -> vector<16xi32>
                %le3A_1985 = arith.cmpf ole, %select_n3A_1967, %broadcast_in_dim3A_1972 : vector<16xf32>
                %le3A_1986 = arith.cmpf ole, %select_n3A_1981, %broadcast_in_dim3A_1972 : vector<16xf32>
                %select_n3A_1987 = arith.select %le3A_1986, %broadcast_in_dim3A_1972, %select_n3A_1981 : vector<16xi1>, vector<16xf32>
                %select_n3A_1988 = arith.select %le3A_1985, %select_n3A_1967, %select_n3A_1987 : vector<16xi1>, vector<16xf32>
                %select_n3A_1989 = arith.select %le3A_1986, %broadcast_in_dim3A_1975, %gather3A_1984 : vector<16xi1>, vector<16xi32>
                %select_n3A_1990 = arith.select %le3A_1985, %select_n3A_1969, %select_n3A_1989 : vector<16xi1>, vector<16xi32>
                %slice3A_1991 = vector.extract_strided_slice %sub3A_627 {offsets = [9], sizes = [1], strides = [1]} : vector<16xf32> to vector<1xf32>
                %squeeze3A_1992 = vector.extract %slice3A_1991[0] : f32 from vector<1xf32>
                %broadcast_in_dim3A_1993 = vector.broadcast %squeeze3A_1992 : f32 to vector<16xf32>
                %add3A_1994 = arith.constant 9 : i32
                %add3A_1995 = arith.addi %add3A_631, %add3A_1994 : i32
                %broadcast_in_dim3A_1996 = vector.broadcast %add3A_1995 : i32 to vector<16xi32>
                %broadcast_in_dim3A_1997 = vector.shape_cast %max3A_1798 : vector<16xi32> to vector<16x1xi32>
                %gather3A_1998 = vector.shape_cast %broadcast_in_dim3A_1997 : vector<16x1xi32> to vector<16xi32>
                %gather3A_1999 = tpu.dynamic_gather %select_n3A_1988[%gather3A_1998] in [0] : vector<16xf32>, vector<16xi32> -> vector<16xf32>
                %jit3A_2000 = arith.constant 0xFF800000 : f32
                %broadcast_in_dim3A_2001 = vector.broadcast %jit3A_2000 : f32 to vector<16xf32>
                %select_n3A_2002 = arith.select %eq3A_1801, %broadcast_in_dim3A_2001, %gather3A_1999 : vector<16xi1>, vector<16xf32>
                %broadcast_in_dim3A_2003 = vector.shape_cast %max3A_1798 : vector<16xi32> to vector<16x1xi32>
                %gather3A_2004 = vector.shape_cast %broadcast_in_dim3A_2003 : vector<16x1xi32> to vector<16xi32>
                %gather3A_2005 = tpu.dynamic_gather %select_n3A_1990[%gather3A_2004] in [0] : vector<16xi32>, vector<16xi32> -> vector<16xi32>
                %le3A_2006 = arith.cmpf ole, %select_n3A_1988, %broadcast_in_dim3A_1993 : vector<16xf32>
                %le3A_2007 = arith.cmpf ole, %select_n3A_2002, %broadcast_in_dim3A_1993 : vector<16xf32>
                %select_n3A_2008 = arith.select %le3A_2007, %broadcast_in_dim3A_1993, %select_n3A_2002 : vector<16xi1>, vector<16xf32>
                %select_n3A_2009 = arith.select %le3A_2006, %select_n3A_1988, %select_n3A_2008 : vector<16xi1>, vector<16xf32>
                %select_n3A_2010 = arith.select %le3A_2007, %broadcast_in_dim3A_1996, %gather3A_2005 : vector<16xi1>, vector<16xi32>
                %select_n3A_2011 = arith.select %le3A_2006, %select_n3A_1990, %select_n3A_2010 : vector<16xi1>, vector<16xi32>
                %slice3A_2012 = vector.extract_strided_slice %sub3A_627 {offsets = [10], sizes = [1], strides = [1]} : vector<16xf32> to vector<1xf32>
                %squeeze3A_2013 = vector.extract %slice3A_2012[0] : f32 from vector<1xf32>
                %broadcast_in_dim3A_2014 = vector.broadcast %squeeze3A_2013 : f32 to vector<16xf32>
                %add3A_2015 = arith.constant 10 : i32
                %add3A_2016 = arith.addi %add3A_631, %add3A_2015 : i32
                %broadcast_in_dim3A_2017 = vector.broadcast %add3A_2016 : i32 to vector<16xi32>
                %broadcast_in_dim3A_2018 = vector.shape_cast %max3A_1798 : vector<16xi32> to vector<16x1xi32>
                %gather3A_2019 = vector.shape_cast %broadcast_in_dim3A_2018 : vector<16x1xi32> to vector<16xi32>
                %gather3A_2020 = tpu.dynamic_gather %select_n3A_2009[%gather3A_2019] in [0] : vector<16xf32>, vector<16xi32> -> vector<16xf32>
                %jit3A_2021 = arith.constant 0xFF800000 : f32
                %broadcast_in_dim3A_2022 = vector.broadcast %jit3A_2021 : f32 to vector<16xf32>
                %select_n3A_2023 = arith.select %eq3A_1801, %broadcast_in_dim3A_2022, %gather3A_2020 : vector<16xi1>, vector<16xf32>
                %broadcast_in_dim3A_2024 = vector.shape_cast %max3A_1798 : vector<16xi32> to vector<16x1xi32>
                %gather3A_2025 = vector.shape_cast %broadcast_in_dim3A_2024 : vector<16x1xi32> to vector<16xi32>
                %gather3A_2026 = tpu.dynamic_gather %select_n3A_2011[%gather3A_2025] in [0] : vector<16xi32>, vector<16xi32> -> vector<16xi32>
                %le3A_2027 = arith.cmpf ole, %select_n3A_2009, %broadcast_in_dim3A_2014 : vector<16xf32>
                %le3A_2028 = arith.cmpf ole, %select_n3A_2023, %broadcast_in_dim3A_2014 : vector<16xf32>
                %select_n3A_2029 = arith.select %le3A_2028, %broadcast_in_dim3A_2014, %select_n3A_2023 : vector<16xi1>, vector<16xf32>
                %select_n3A_2030 = arith.select %le3A_2027, %select_n3A_2009, %select_n3A_2029 : vector<16xi1>, vector<16xf32>
                %select_n3A_2031 = arith.select %le3A_2028, %broadcast_in_dim3A_2017, %gather3A_2026 : vector<16xi1>, vector<16xi32>
                %select_n3A_2032 = arith.select %le3A_2027, %select_n3A_2011, %select_n3A_2031 : vector<16xi1>, vector<16xi32>
                %slice3A_2033 = vector.extract_strided_slice %sub3A_627 {offsets = [11], sizes = [1], strides = [1]} : vector<16xf32> to vector<1xf32>
                %squeeze3A_2034 = vector.extract %slice3A_2033[0] : f32 from vector<1xf32>
                %broadcast_in_dim3A_2035 = vector.broadcast %squeeze3A_2034 : f32 to vector<16xf32>
                %add3A_2036 = arith.constant 11 : i32
                %add3A_2037 = arith.addi %add3A_631, %add3A_2036 : i32
                %broadcast_in_dim3A_2038 = vector.broadcast %add3A_2037 : i32 to vector<16xi32>
                %broadcast_in_dim3A_2039 = vector.shape_cast %max3A_1798 : vector<16xi32> to vector<16x1xi32>
                %gather3A_2040 = vector.shape_cast %broadcast_in_dim3A_2039 : vector<16x1xi32> to vector<16xi32>
                %gather3A_2041 = tpu.dynamic_gather %select_n3A_2030[%gather3A_2040] in [0] : vector<16xf32>, vector<16xi32> -> vector<16xf32>
                %jit3A_2042 = arith.constant 0xFF800000 : f32
                %broadcast_in_dim3A_2043 = vector.broadcast %jit3A_2042 : f32 to vector<16xf32>
                %select_n3A_2044 = arith.select %eq3A_1801, %broadcast_in_dim3A_2043, %gather3A_2041 : vector<16xi1>, vector<16xf32>
                %broadcast_in_dim3A_2045 = vector.shape_cast %max3A_1798 : vector<16xi32> to vector<16x1xi32>
                %gather3A_2046 = vector.shape_cast %broadcast_in_dim3A_2045 : vector<16x1xi32> to vector<16xi32>
                %gather3A_2047 = tpu.dynamic_gather %select_n3A_2032[%gather3A_2046] in [0] : vector<16xi32>, vector<16xi32> -> vector<16xi32>
                %le3A_2048 = arith.cmpf ole, %select_n3A_2030, %broadcast_in_dim3A_2035 : vector<16xf32>
                %le3A_2049 = arith.cmpf ole, %select_n3A_2044, %broadcast_in_dim3A_2035 : vector<16xf32>
                %select_n3A_2050 = arith.select %le3A_2049, %broadcast_in_dim3A_2035, %select_n3A_2044 : vector<16xi1>, vector<16xf32>
                %select_n3A_2051 = arith.select %le3A_2048, %select_n3A_2030, %select_n3A_2050 : vector<16xi1>, vector<16xf32>
                %select_n3A_2052 = arith.select %le3A_2049, %broadcast_in_dim3A_2038, %gather3A_2047 : vector<16xi1>, vector<16xi32>
                %select_n3A_2053 = arith.select %le3A_2048, %select_n3A_2032, %select_n3A_2052 : vector<16xi1>, vector<16xi32>
                %slice3A_2054 = vector.extract_strided_slice %sub3A_627 {offsets = [12], sizes = [1], strides = [1]} : vector<16xf32> to vector<1xf32>
                %squeeze3A_2055 = vector.extract %slice3A_2054[0] : f32 from vector<1xf32>
                %broadcast_in_dim3A_2056 = vector.broadcast %squeeze3A_2055 : f32 to vector<16xf32>
                %add3A_2057 = arith.constant 12 : i32
                %add3A_2058 = arith.addi %add3A_631, %add3A_2057 : i32
                %broadcast_in_dim3A_2059 = vector.broadcast %add3A_2058 : i32 to vector<16xi32>
                %broadcast_in_dim3A_2060 = vector.shape_cast %max3A_1798 : vector<16xi32> to vector<16x1xi32>
                %gather3A_2061 = vector.shape_cast %broadcast_in_dim3A_2060 : vector<16x1xi32> to vector<16xi32>
                %gather3A_2062 = tpu.dynamic_gather %select_n3A_2051[%gather3A_2061] in [0] : vector<16xf32>, vector<16xi32> -> vector<16xf32>
                %jit3A_2063 = arith.constant 0xFF800000 : f32
                %broadcast_in_dim3A_2064 = vector.broadcast %jit3A_2063 : f32 to vector<16xf32>
                %select_n3A_2065 = arith.select %eq3A_1801, %broadcast_in_dim3A_2064, %gather3A_2062 : vector<16xi1>, vector<16xf32>
                %broadcast_in_dim3A_2066 = vector.shape_cast %max3A_1798 : vector<16xi32> to vector<16x1xi32>
                %gather3A_2067 = vector.shape_cast %broadcast_in_dim3A_2066 : vector<16x1xi32> to vector<16xi32>
                %gather3A_2068 = tpu.dynamic_gather %select_n3A_2053[%gather3A_2067] in [0] : vector<16xi32>, vector<16xi32> -> vector<16xi32>
                %le3A_2069 = arith.cmpf ole, %select_n3A_2051, %broadcast_in_dim3A_2056 : vector<16xf32>
                %le3A_2070 = arith.cmpf ole, %select_n3A_2065, %broadcast_in_dim3A_2056 : vector<16xf32>
                %select_n3A_2071 = arith.select %le3A_2070, %broadcast_in_dim3A_2056, %select_n3A_2065 : vector<16xi1>, vector<16xf32>
                %select_n3A_2072 = arith.select %le3A_2069, %select_n3A_2051, %select_n3A_2071 : vector<16xi1>, vector<16xf32>
                %select_n3A_2073 = arith.select %le3A_2070, %broadcast_in_dim3A_2059, %gather3A_2068 : vector<16xi1>, vector<16xi32>
                %select_n3A_2074 = arith.select %le3A_2069, %select_n3A_2053, %select_n3A_2073 : vector<16xi1>, vector<16xi32>
                %slice3A_2075 = vector.extract_strided_slice %sub3A_627 {offsets = [13], sizes = [1], strides = [1]} : vector<16xf32> to vector<1xf32>
                %squeeze3A_2076 = vector.extract %slice3A_2075[0] : f32 from vector<1xf32>
                %broadcast_in_dim3A_2077 = vector.broadcast %squeeze3A_2076 : f32 to vector<16xf32>
                %add3A_2078 = arith.constant 13 : i32
                %add3A_2079 = arith.addi %add3A_631, %add3A_2078 : i32
                %broadcast_in_dim3A_2080 = vector.broadcast %add3A_2079 : i32 to vector<16xi32>
                %broadcast_in_dim3A_2081 = vector.shape_cast %max3A_1798 : vector<16xi32> to vector<16x1xi32>
                %gather3A_2082 = vector.shape_cast %broadcast_in_dim3A_2081 : vector<16x1xi32> to vector<16xi32>
                %gather3A_2083 = tpu.dynamic_gather %select_n3A_2072[%gather3A_2082] in [0] : vector<16xf32>, vector<16xi32> -> vector<16xf32>
                %jit3A_2084 = arith.constant 0xFF800000 : f32
                %broadcast_in_dim3A_2085 = vector.broadcast %jit3A_2084 : f32 to vector<16xf32>
                %select_n3A_2086 = arith.select %eq3A_1801, %broadcast_in_dim3A_2085, %gather3A_2083 : vector<16xi1>, vector<16xf32>
                %broadcast_in_dim3A_2087 = vector.shape_cast %max3A_1798 : vector<16xi32> to vector<16x1xi32>
                %gather3A_2088 = vector.shape_cast %broadcast_in_dim3A_2087 : vector<16x1xi32> to vector<16xi32>
                %gather3A_2089 = tpu.dynamic_gather %select_n3A_2074[%gather3A_2088] in [0] : vector<16xi32>, vector<16xi32> -> vector<16xi32>
                %le3A_2090 = arith.cmpf ole, %select_n3A_2072, %broadcast_in_dim3A_2077 : vector<16xf32>
                %le3A_2091 = arith.cmpf ole, %select_n3A_2086, %broadcast_in_dim3A_2077 : vector<16xf32>
                %select_n3A_2092 = arith.select %le3A_2091, %broadcast_in_dim3A_2077, %select_n3A_2086 : vector<16xi1>, vector<16xf32>
                %select_n3A_2093 = arith.select %le3A_2090, %select_n3A_2072, %select_n3A_2092 : vector<16xi1>, vector<16xf32>
                %select_n3A_2094 = arith.select %le3A_2091, %broadcast_in_dim3A_2080, %gather3A_2089 : vector<16xi1>, vector<16xi32>
                %select_n3A_2095 = arith.select %le3A_2090, %select_n3A_2074, %select_n3A_2094 : vector<16xi1>, vector<16xi32>
                %slice3A_2096 = vector.extract_strided_slice %sub3A_627 {offsets = [14], sizes = [1], strides = [1]} : vector<16xf32> to vector<1xf32>
                %squeeze3A_2097 = vector.extract %slice3A_2096[0] : f32 from vector<1xf32>
                %broadcast_in_dim3A_2098 = vector.broadcast %squeeze3A_2097 : f32 to vector<16xf32>
                %add3A_2099 = arith.constant 14 : i32
                %add3A_2100 = arith.addi %add3A_631, %add3A_2099 : i32
                %broadcast_in_dim3A_2101 = vector.broadcast %add3A_2100 : i32 to vector<16xi32>
                %broadcast_in_dim3A_2102 = vector.shape_cast %max3A_1798 : vector<16xi32> to vector<16x1xi32>
                %gather3A_2103 = vector.shape_cast %broadcast_in_dim3A_2102 : vector<16x1xi32> to vector<16xi32>
                %gather3A_2104 = tpu.dynamic_gather %select_n3A_2093[%gather3A_2103] in [0] : vector<16xf32>, vector<16xi32> -> vector<16xf32>
                %jit3A_2105 = arith.constant 0xFF800000 : f32
                %broadcast_in_dim3A_2106 = vector.broadcast %jit3A_2105 : f32 to vector<16xf32>
                %select_n3A_2107 = arith.select %eq3A_1801, %broadcast_in_dim3A_2106, %gather3A_2104 : vector<16xi1>, vector<16xf32>
                %broadcast_in_dim3A_2108 = vector.shape_cast %max3A_1798 : vector<16xi32> to vector<16x1xi32>
                %gather3A_2109 = vector.shape_cast %broadcast_in_dim3A_2108 : vector<16x1xi32> to vector<16xi32>
                %gather3A_2110 = tpu.dynamic_gather %select_n3A_2095[%gather3A_2109] in [0] : vector<16xi32>, vector<16xi32> -> vector<16xi32>
                %le3A_2111 = arith.cmpf ole, %select_n3A_2093, %broadcast_in_dim3A_2098 : vector<16xf32>
                %le3A_2112 = arith.cmpf ole, %select_n3A_2107, %broadcast_in_dim3A_2098 : vector<16xf32>
                %select_n3A_2113 = arith.select %le3A_2112, %broadcast_in_dim3A_2098, %select_n3A_2107 : vector<16xi1>, vector<16xf32>
                %select_n3A_2114 = arith.select %le3A_2111, %select_n3A_2093, %select_n3A_2113 : vector<16xi1>, vector<16xf32>
                %select_n3A_2115 = arith.select %le3A_2112, %broadcast_in_dim3A_2101, %gather3A_2110 : vector<16xi1>, vector<16xi32>
                %select_n3A_2116 = arith.select %le3A_2111, %select_n3A_2095, %select_n3A_2115 : vector<16xi1>, vector<16xi32>
                %slice3A_2117 = vector.extract_strided_slice %sub3A_627 {offsets = [15], sizes = [1], strides = [1]} : vector<16xf32> to vector<1xf32>
                %squeeze3A_2118 = vector.extract %slice3A_2117[0] : f32 from vector<1xf32>
                %broadcast_in_dim3A_2119 = vector.broadcast %squeeze3A_2118 : f32 to vector<16xf32>
                %add3A_2120 = arith.constant 15 : i32
                %add3A_2121 = arith.addi %add3A_631, %add3A_2120 : i32
                %broadcast_in_dim3A_2122 = vector.broadcast %add3A_2121 : i32 to vector<16xi32>
                %broadcast_in_dim3A_2123 = vector.shape_cast %max3A_1798 : vector<16xi32> to vector<16x1xi32>
                %gather3A_2124 = vector.shape_cast %broadcast_in_dim3A_2123 : vector<16x1xi32> to vector<16xi32>
                %gather3A_2125 = tpu.dynamic_gather %select_n3A_2114[%gather3A_2124] in [0] : vector<16xf32>, vector<16xi32> -> vector<16xf32>
                %jit3A_2126 = arith.constant 0xFF800000 : f32
                %broadcast_in_dim3A_2127 = vector.broadcast %jit3A_2126 : f32 to vector<16xf32>
                %select_n3A_2128 = arith.select %eq3A_1801, %broadcast_in_dim3A_2127, %gather3A_2125 : vector<16xi1>, vector<16xf32>
                %broadcast_in_dim3A_2129 = vector.shape_cast %max3A_1798 : vector<16xi32> to vector<16x1xi32>
                %gather3A_2130 = vector.shape_cast %broadcast_in_dim3A_2129 : vector<16x1xi32> to vector<16xi32>
                %gather3A_2131 = tpu.dynamic_gather %select_n3A_2116[%gather3A_2130] in [0] : vector<16xi32>, vector<16xi32> -> vector<16xi32>
                %le3A_2132 = arith.cmpf ole, %select_n3A_2114, %broadcast_in_dim3A_2119 : vector<16xf32>
                %le3A_2133 = arith.cmpf ole, %select_n3A_2128, %broadcast_in_dim3A_2119 : vector<16xf32>
                %select_n3A_2134 = arith.select %le3A_2133, %broadcast_in_dim3A_2119, %select_n3A_2128 : vector<16xi1>, vector<16xf32>
                %select_n3A_2135 = arith.select %le3A_2132, %select_n3A_2114, %select_n3A_2134 : vector<16xi1>, vector<16xf32>
                %select_n3A_2136 = arith.select %le3A_2133, %broadcast_in_dim3A_2122, %gather3A_2131 : vector<16xi1>, vector<16xi32>
                %select_n3A_2137 = arith.select %le3A_2132, %select_n3A_2116, %select_n3A_2136 : vector<16xi1>, vector<16xi32>
                %mul3A_2138 = arith.constant 16 : i32
                %mul3A_2139 = arith.muli %add3A_1781, %mul3A_2138 : i32
                %swap3A_2140 = arith.index_cast %mul3A_2139 : i32 to index
                %swap3A_2141 = tpu.vector_load %arg28[%swap3A_2140] {strides = array<i32>} : memref<2048xf32, #tpu.memory_space<vmem>>, vector<16xf32>,
                %swap3A_2142 = vector.shape_cast %swap3A_2141 : vector<16xf32> to vector<16xf32>
                %swap3A_2143 = vector.shape_cast %select_n3A_2135 : vector<16xf32> to vector<16xf32>
                tpu.vector_store %arg28[%swap3A_2140], %swap3A_2143 {strides = array<i32>} : memref<2048xf32, #tpu.memory_space<vmem>>, vector<16xf32>,
                %mul3A_2144 = arith.constant 16 : i32
                %mul3A_2145 = arith.muli %add3A_1781, %mul3A_2144 : i32
                %swap3A_2146 = arith.index_cast %mul3A_2145 : i32 to index
                %swap3A_2147 = tpu.vector_load %arg29[%swap3A_2146] {strides = array<i32>} : memref<2048xi32, #tpu.memory_space<vmem>>, vector<16xi32>,
                %swap3A_2148 = vector.shape_cast %swap3A_2147 : vector<16xi32> to vector<16xi32>
                %swap3A_2149 = vector.shape_cast %select_n3A_2137 : vector<16xi32> to vector<16xi32>
                tpu.vector_store %arg29[%swap3A_2146], %swap3A_2149 {strides = array<i32>} : memref<2048xi32, #tpu.memory_space<vmem>>, vector<16xi32>,
                %slice3A_2150 = vector.extract_strided_slice %select_n3A_2135 {offsets = [15], sizes = [1], strides = [1]} : vector<16xf32> to vector<1xf32>
                %squeeze3A_2151 = vector.extract %slice3A_2150[0] : f32 from vector<1xf32>
                scf.yield %squeeze3A_1035, %squeeze3A_1407, %squeeze3A_1779, %squeeze3A_2151 : f32, f32, f32, f32
              } else {
                scf.yield %scan3A_553, %scan3A_554, %scan3A_555, %scan3A_556 : f32, f32, f32, f32
              }
              scf.yield %cond3A_669#0, %cond3A_669#1, %cond3A_669#2, %cond3A_669#3 : f32, f32, f32, f32
            }
            %scan3A_551 = arith.constant 5 : i32
            scf.yield %scan3A_550#0, %scan3A_550#1, %scan3A_550#2, %scan3A_550#3 : f32, f32, f32, f32
          } else {
            scf.yield %scan3A_141, %scan3A_142, %scan3A_143, %scan3A_144 : f32, f32, f32, f32
          }
          scf.yield %cond3A_545#0, %cond3A_545#1, %cond3A_545#2, %cond3A_545#3 : f32, f32, f32, f32
        }
        %scan3A_139 = arith.constant 25 : i32
      }
      %scan3A_56 = arith.constant 32 : i32
    }
    %scan3A_17 = arith.constant 25 : i32
    %get3A = arith.constant 0 : index
    %get3A_18 = tpu.vector_load %arg27[%get3A] {strides = array<i32>} : memref<16xf32, #tpu.memory_space<vmem>>, vector<16xf32>,
    %get3A_19 = vector.shape_cast %get3A_18 : vector<16xf32> to vector<16xf32>
    %slice3A = vector.extract_strided_slice %get3A_19 {offsets = [0], sizes = [1], strides = [1]} : vector<16xf32> to vector<1xf32>
    %squeeze3A = vector.extract %slice3A[0] : f32 from vector<1xf32>
    %slice3A_20 = vector.extract_strided_slice %get3A_19 {offsets = [1], sizes = [1], strides = [1]} : vector<16xf32> to vector<1xf32>
    %squeeze3A_21 = vector.extract %slice3A_20[0] : f32 from vector<1xf32>
    %slice3A_22 = vector.extract_strided_slice %get3A_19 {offsets = [2], sizes = [1], strides = [1]} : vector<16xf32> to vector<1xf32>
    %squeeze3A_23 = vector.extract %slice3A_22[0] : f32 from vector<1xf32>
    %slice3A_24 = vector.extract_strided_slice %get3A_19 {offsets = [3], sizes = [1], strides = [1]} : vector<16xf32> to vector<1xf32>
    %squeeze3A_25 = vector.extract %slice3A_24[0] : f32 from vector<1xf32>
    %slice3A_26 = vector.extract_strided_slice %get3A_19 {offsets = [4], sizes = [1], strides = [1]} : vector<16xf32> to vector<1xf32>
    %squeeze3A_27 = vector.extract %slice3A_26[0] : f32 from vector<1xf32>
    %slice3A_28 = vector.extract_strided_slice %get3A_19 {offsets = [5], sizes = [1], strides = [1]} : vector<16xf32> to vector<1xf32>
    %squeeze3A_29 = vector.extract %slice3A_28[0] : f32 from vector<1xf32>
    %slice3A_30 = vector.extract_strided_slice %get3A_19 {offsets = [6], sizes = [1], strides = [1]} : vector<16xf32> to vector<1xf32>
    %squeeze3A_31 = vector.extract %slice3A_30[0] : f32 from vector<1xf32>
    %slice3A_32 = vector.extract_strided_slice %get3A_19 {offsets = [7], sizes = [1], strides = [1]} : vector<16xf32> to vector<1xf32>
    %squeeze3A_33 = vector.extract %slice3A_32[0] : f32 from vector<1xf32>
    %slice3A_34 = vector.extract_strided_slice %get3A_19 {offsets = [8], sizes = [1], strides = [1]} : vector<16xf32> to vector<1xf32>
    %squeeze3A_35 = vector.extract %slice3A_34[0] : f32 from vector<1xf32>
    %slice3A_36 = vector.extract_strided_slice %get3A_19 {offsets = [9], sizes = [1], strides = [1]} : vector<16xf32> to vector<1xf32>
    %squeeze3A_37 = vector.extract %slice3A_36[0] : f32 from vector<1xf32>
    %slice3A_38 = vector.extract_strided_slice %get3A_19 {offsets = [10], sizes = [1], strides = [1]} : vector<16xf32> to vector<1xf32>
    %squeeze3A_39 = vector.extract %slice3A_38[0] : f32 from vector<1xf32>
    %slice3A_40 = vector.extract_strided_slice %get3A_19 {offsets = [11], sizes = [1], strides = [1]} : vector<16xf32> to vector<1xf32>
    %squeeze3A_41 = vector.extract %slice3A_40[0] : f32 from vector<1xf32>
    %scan3A_42 = arith.constant 0 : i32
    %scan3A_43 = arith.constant 0 : i32
    %scan3A_44 = arith.constant 4 : i32
    %scan3A_45 = arith.addi %scan3A_43, %scan3A_44 : i32
    %scan3A_46 = arith.constant 1 : i32
    scf.for %scan3A_48 = %scan3A_43 to %scan3A_45 step %scan3A_46  : i32 {
      %mul3A_49 = arith.constant 4 : i32
      %mul3A_50 = arith.muli %scan3A_48, %mul3A_49 : i32
      %add3A_51 = arith.constant 0 : i32
      %add3A_52 = arith.addi %mul3A_50, %add3A_51 : i32
      %mul3A_53 = arith.constant 128 : i32
      %mul3A_54 = arith.muli %add3A_52, %mul3A_53 : i32
      %dma_start3A = arith.constant 0 : i32
      %dma_start3A_55 = arith.constant 0 : i32
      %dma_start3A_56 = tpu.memref_slice %arg31[%dma_start3A, %dma_start3A_55] : memref<512x64xf32, #tpu.memory_space<vmem>> -> memref<128x64xf32, #tpu.memory_space<vmem>>
      %dma_start3A_57 = tpu.memref_slice %arg29[%mul3A_54] : memref<2048xi32, #tpu.memory_space<vmem>> -> memref<128xi32, #tpu.memory_space<vmem>>
      %dma_start3A_58 = arith.constant 0 : i32
      %dma_start3A_59 = arith.constant 0 : i32
      %dma_start3A_60 = tpu.memref_slice %arg18[%dma_start3A_58, %dma_start3A_59] : memref<50000x64xf32, #tpu.memory_space<hbm>> -> memref<50000x64xf32, #tpu.memory_space<hbm>>
      tpu.enqueue_indirect_dma source(%dma_start3A_60 : memref<50000x64xf32, #tpu.memory_space<hbm>>) target(%dma_start3A_56 : memref<128x64xf32, #tpu.memory_space<vmem>>) offsets(%dma_start3A_57 : memref<128xi32, #tpu.memory_space<vmem>>) semaphore(%arg33 : memref<!tpu.dma_semaphore, #tpu.memory_space<semaphore_mem>>)
      %dma_start3A_61 = arith.constant 0 : i32
      %dma_start3A_62 = tpu.memref_slice %arg30[%dma_start3A_61] : memref<4608xf32, #tpu.memory_space<vmem>> -> memref<128xf32, #tpu.memory_space<vmem>>
      %dma_start3A_63 = tpu.memref_slice %arg29[%mul3A_54] : memref<2048xi32, #tpu.memory_space<vmem>> -> memref<128xi32, #tpu.memory_space<vmem>>
      %dma_start3A_64 = arith.constant 0 : i32
      %dma_start3A_65 = tpu.memref_slice %arg9[%dma_start3A_64] : memref<50000xf32, #tpu.memory_space<hbm>> -> memref<50000xf32, #tpu.memory_space<hbm>>
      tpu.enqueue_indirect_dma source(%dma_start3A_65 : memref<50000xf32, #tpu.memory_space<hbm>>) target(%dma_start3A_62 : memref<128xf32, #tpu.memory_space<vmem>>) offsets(%dma_start3A_63 : memref<128xi32, #tpu.memory_space<vmem>>) semaphore(%arg33 : memref<!tpu.dma_semaphore, #tpu.memory_space<semaphore_mem>>)
      %dma_start3A_66 = arith.constant 512 : i32
      %dma_start3A_67 = tpu.memref_slice %arg30[%dma_start3A_66] : memref<4608xf32, #tpu.memory_space<vmem>> -> memref<128xf32, #tpu.memory_space<vmem>>
      %dma_start3A_68 = tpu.memref_slice %arg29[%mul3A_54] : memref<2048xi32, #tpu.memory_space<vmem>> -> memref<128xi32, #tpu.memory_space<vmem>>
      %dma_start3A_69 = arith.constant 0 : i32
      %dma_start3A_70 = tpu.memref_slice %arg10[%dma_start3A_69] : memref<50000xf32, #tpu.memory_space<hbm>> -> memref<50000xf32, #tpu.memory_space<hbm>>
      tpu.enqueue_indirect_dma source(%dma_start3A_70 : memref<50000xf32, #tpu.memory_space<hbm>>) target(%dma_start3A_67 : memref<128xf32, #tpu.memory_space<vmem>>) offsets(%dma_start3A_68 : memref<128xi32, #tpu.memory_space<vmem>>) semaphore(%arg33 : memref<!tpu.dma_semaphore, #tpu.memory_space<semaphore_mem>>)
      %dma_start3A_71 = arith.constant 1024 : i32
      %dma_start3A_72 = tpu.memref_slice %arg30[%dma_start3A_71] : memref<4608xf32, #tpu.memory_space<vmem>> -> memref<128xf32, #tpu.memory_space<vmem>>
      %dma_start3A_73 = tpu.memref_slice %arg29[%mul3A_54] : memref<2048xi32, #tpu.memory_space<vmem>> -> memref<128xi32, #tpu.memory_space<vmem>>
      %dma_start3A_74 = arith.constant 0 : i32
      %dma_start3A_75 = tpu.memref_slice %arg11[%dma_start3A_74] : memref<50000xf32, #tpu.memory_space<hbm>> -> memref<50000xf32, #tpu.memory_space<hbm>>
      tpu.enqueue_indirect_dma source(%dma_start3A_75 : memref<50000xf32, #tpu.memory_space<hbm>>) target(%dma_start3A_72 : memref<128xf32, #tpu.memory_space<vmem>>) offsets(%dma_start3A_73 : memref<128xi32, #tpu.memory_space<vmem>>) semaphore(%arg33 : memref<!tpu.dma_semaphore, #tpu.memory_space<semaphore_mem>>)
      %dma_start3A_76 = arith.constant 1536 : i32
      %dma_start3A_77 = tpu.memref_slice %arg30[%dma_start3A_76] : memref<4608xf32, #tpu.memory_space<vmem>> -> memref<128xf32, #tpu.memory_space<vmem>>
      %dma_start3A_78 = tpu.memref_slice %arg29[%mul3A_54] : memref<2048xi32, #tpu.memory_space<vmem>> -> memref<128xi32, #tpu.memory_space<vmem>>
      %dma_start3A_79 = arith.constant 0 : i32
      %dma_start3A_80 = tpu.memref_slice %arg12[%dma_start3A_79] : memref<50000xf32, #tpu.memory_space<hbm>> -> memref<50000xf32, #tpu.memory_space<hbm>>
      tpu.enqueue_indirect_dma source(%dma_start3A_80 : memref<50000xf32, #tpu.memory_space<hbm>>) target(%dma_start3A_77 : memref<128xf32, #tpu.memory_space<vmem>>) offsets(%dma_start3A_78 : memref<128xi32, #tpu.memory_space<vmem>>) semaphore(%arg33 : memref<!tpu.dma_semaphore, #tpu.memory_space<semaphore_mem>>)
      %dma_start3A_81 = arith.constant 2048 : i32
      %dma_start3A_82 = tpu.memref_slice %arg30[%dma_start3A_81] : memref<4608xf32, #tpu.memory_space<vmem>> -> memref<128xf32, #tpu.memory_space<vmem>>
      %dma_start3A_83 = tpu.memref_slice %arg29[%mul3A_54] : memref<2048xi32, #tpu.memory_space<vmem>> -> memref<128xi32, #tpu.memory_space<vmem>>
      %dma_start3A_84 = arith.constant 0 : i32
      %dma_start3A_85 = tpu.memref_slice %arg13[%dma_start3A_84] : memref<50000xf32, #tpu.memory_space<hbm>> -> memref<50000xf32, #tpu.memory_space<hbm>>
      tpu.enqueue_indirect_dma source(%dma_start3A_85 : memref<50000xf32, #tpu.memory_space<hbm>>) target(%dma_start3A_82 : memref<128xf32, #tpu.memory_space<vmem>>) offsets(%dma_start3A_83 : memref<128xi32, #tpu.memory_space<vmem>>) semaphore(%arg33 : memref<!tpu.dma_semaphore, #tpu.memory_space<semaphore_mem>>)
      %dma_start3A_86 = arith.constant 2560 : i32
      %dma_start3A_87 = tpu.memref_slice %arg30[%dma_start3A_86] : memref<4608xf32, #tpu.memory_space<vmem>> -> memref<128xf32, #tpu.memory_space<vmem>>
      %dma_start3A_88 = tpu.memref_slice %arg29[%mul3A_54] : memref<2048xi32, #tpu.memory_space<vmem>> -> memref<128xi32, #tpu.memory_space<vmem>>
      %dma_start3A_89 = arith.constant 0 : i32
      %dma_start3A_90 = tpu.memref_slice %arg14[%dma_start3A_89] : memref<50000xf32, #tpu.memory_space<hbm>> -> memref<50000xf32, #tpu.memory_space<hbm>>
      tpu.enqueue_indirect_dma source(%dma_start3A_90 : memref<50000xf32, #tpu.memory_space<hbm>>) target(%dma_start3A_87 : memref<128xf32, #tpu.memory_space<vmem>>) offsets(%dma_start3A_88 : memref<128xi32, #tpu.memory_space<vmem>>) semaphore(%arg33 : memref<!tpu.dma_semaphore, #tpu.memory_space<semaphore_mem>>)
      %dma_start3A_91 = arith.constant 3072 : i32
      %dma_start3A_92 = tpu.memref_slice %arg30[%dma_start3A_91] : memref<4608xf32, #tpu.memory_space<vmem>> -> memref<128xf32, #tpu.memory_space<vmem>>
      %dma_start3A_93 = tpu.memref_slice %arg29[%mul3A_54] : memref<2048xi32, #tpu.memory_space<vmem>> -> memref<128xi32, #tpu.memory_space<vmem>>
      %dma_start3A_94 = arith.constant 0 : i32
      %dma_start3A_95 = tpu.memref_slice %arg15[%dma_start3A_94] : memref<50000xf32, #tpu.memory_space<hbm>> -> memref<50000xf32, #tpu.memory_space<hbm>>
      tpu.enqueue_indirect_dma source(%dma_start3A_95 : memref<50000xf32, #tpu.memory_space<hbm>>) target(%dma_start3A_92 : memref<128xf32, #tpu.memory_space<vmem>>) offsets(%dma_start3A_93 : memref<128xi32, #tpu.memory_space<vmem>>) semaphore(%arg33 : memref<!tpu.dma_semaphore, #tpu.memory_space<semaphore_mem>>)
      %dma_start3A_96 = arith.constant 3584 : i32
      %dma_start3A_97 = tpu.memref_slice %arg30[%dma_start3A_96] : memref<4608xf32, #tpu.memory_space<vmem>> -> memref<128xf32, #tpu.memory_space<vmem>>
      %dma_start3A_98 = tpu.memref_slice %arg29[%mul3A_54] : memref<2048xi32, #tpu.memory_space<vmem>> -> memref<128xi32, #tpu.memory_space<vmem>>
      %dma_start3A_99 = arith.constant 0 : i32
      %dma_start3A_100 = tpu.memref_slice %arg16[%dma_start3A_99] : memref<50000xf32, #tpu.memory_space<hbm>> -> memref<50000xf32, #tpu.memory_space<hbm>>
      tpu.enqueue_indirect_dma source(%dma_start3A_100 : memref<50000xf32, #tpu.memory_space<hbm>>) target(%dma_start3A_97 : memref<128xf32, #tpu.memory_space<vmem>>) offsets(%dma_start3A_98 : memref<128xi32, #tpu.memory_space<vmem>>) semaphore(%arg33 : memref<!tpu.dma_semaphore, #tpu.memory_space<semaphore_mem>>)
      %dma_start3A_101 = arith.constant 4096 : i32
      %dma_start3A_102 = tpu.memref_slice %arg30[%dma_start3A_101] : memref<4608xf32, #tpu.memory_space<vmem>> -> memref<128xf32, #tpu.memory_space<vmem>>
      %dma_start3A_103 = tpu.memref_slice %arg29[%mul3A_54] : memref<2048xi32, #tpu.memory_space<vmem>> -> memref<128xi32, #tpu.memory_space<vmem>>
      %dma_start3A_104 = arith.constant 0 : i32
      %dma_start3A_105 = tpu.memref_slice %arg17[%dma_start3A_104] : memref<50000xf32, #tpu.memory_space<hbm>> -> memref<50000xf32, #tpu.memory_space<hbm>>
      tpu.enqueue_indirect_dma source(%dma_start3A_105 : memref<50000xf32, #tpu.memory_space<hbm>>) target(%dma_start3A_102 : memref<128xf32, #tpu.memory_space<vmem>>) offsets(%dma_start3A_103 : memref<128xi32, #tpu.memory_space<vmem>>) semaphore(%arg33 : memref<!tpu.dma_semaphore, #tpu.memory_space<semaphore_mem>>)
      %mul3A_106 = arith.constant 4 : i32
      %mul3A_107 = arith.muli %scan3A_48, %mul3A_106 : i32
      %add3A_108 = arith.constant 1 : i32
      %add3A_109 = arith.addi %mul3A_107, %add3A_108 : i32
      %mul3A_110 = arith.constant 128 : i32
      %mul3A_111 = arith.muli %add3A_109, %mul3A_110 : i32
      %dma_start3A_112 = arith.constant 128 : i32
      %dma_start3A_113 = arith.constant 0 : i32
      %dma_start3A_114 = tpu.memref_slice %arg31[%dma_start3A_112, %dma_start3A_113] : memref<512x64xf32, #tpu.memory_space<vmem>> -> memref<128x64xf32, #tpu.memory_space<vmem>>
      %dma_start3A_115 = tpu.memref_slice %arg29[%mul3A_111] : memref<2048xi32, #tpu.memory_space<vmem>> -> memref<128xi32, #tpu.memory_space<vmem>>
      %dma_start3A_116 = arith.constant 0 : i32
      %dma_start3A_117 = arith.constant 0 : i32
      %dma_start3A_118 = tpu.memref_slice %arg18[%dma_start3A_116, %dma_start3A_117] : memref<50000x64xf32, #tpu.memory_space<hbm>> -> memref<50000x64xf32, #tpu.memory_space<hbm>>
      tpu.enqueue_indirect_dma source(%dma_start3A_118 : memref<50000x64xf32, #tpu.memory_space<hbm>>) target(%dma_start3A_114 : memref<128x64xf32, #tpu.memory_space<vmem>>) offsets(%dma_start3A_115 : memref<128xi32, #tpu.memory_space<vmem>>) semaphore(%arg33 : memref<!tpu.dma_semaphore, #tpu.memory_space<semaphore_mem>>)
      %dma_start3A_119 = arith.constant 128 : i32
      %dma_start3A_120 = tpu.memref_slice %arg30[%dma_start3A_119] : memref<4608xf32, #tpu.memory_space<vmem>> -> memref<128xf32, #tpu.memory_space<vmem>>
      %dma_start3A_121 = tpu.memref_slice %arg29[%mul3A_111] : memref<2048xi32, #tpu.memory_space<vmem>> -> memref<128xi32, #tpu.memory_space<vmem>>
      %dma_start3A_122 = arith.constant 0 : i32
      %dma_start3A_123 = tpu.memref_slice %arg9[%dma_start3A_122] : memref<50000xf32, #tpu.memory_space<hbm>> -> memref<50000xf32, #tpu.memory_space<hbm>>
      tpu.enqueue_indirect_dma source(%dma_start3A_123 : memref<50000xf32, #tpu.memory_space<hbm>>) target(%dma_start3A_120 : memref<128xf32, #tpu.memory_space<vmem>>) offsets(%dma_start3A_121 : memref<128xi32, #tpu.memory_space<vmem>>) semaphore(%arg33 : memref<!tpu.dma_semaphore, #tpu.memory_space<semaphore_mem>>)
      %dma_start3A_124 = arith.constant 640 : i32
      %dma_start3A_125 = tpu.memref_slice %arg30[%dma_start3A_124] : memref<4608xf32, #tpu.memory_space<vmem>> -> memref<128xf32, #tpu.memory_space<vmem>>
      %dma_start3A_126 = tpu.memref_slice %arg29[%mul3A_111] : memref<2048xi32, #tpu.memory_space<vmem>> -> memref<128xi32, #tpu.memory_space<vmem>>
      %dma_start3A_127 = arith.constant 0 : i32
      %dma_start3A_128 = tpu.memref_slice %arg10[%dma_start3A_127] : memref<50000xf32, #tpu.memory_space<hbm>> -> memref<50000xf32, #tpu.memory_space<hbm>>
      tpu.enqueue_indirect_dma source(%dma_start3A_128 : memref<50000xf32, #tpu.memory_space<hbm>>) target(%dma_start3A_125 : memref<128xf32, #tpu.memory_space<vmem>>) offsets(%dma_start3A_126 : memref<128xi32, #tpu.memory_space<vmem>>) semaphore(%arg33 : memref<!tpu.dma_semaphore, #tpu.memory_space<semaphore_mem>>)
      %dma_start3A_129 = arith.constant 1152 : i32
      %dma_start3A_130 = tpu.memref_slice %arg30[%dma_start3A_129] : memref<4608xf32, #tpu.memory_space<vmem>> -> memref<128xf32, #tpu.memory_space<vmem>>
      %dma_start3A_131 = tpu.memref_slice %arg29[%mul3A_111] : memref<2048xi32, #tpu.memory_space<vmem>> -> memref<128xi32, #tpu.memory_space<vmem>>
      %dma_start3A_132 = arith.constant 0 : i32
      %dma_start3A_133 = tpu.memref_slice %arg11[%dma_start3A_132] : memref<50000xf32, #tpu.memory_space<hbm>> -> memref<50000xf32, #tpu.memory_space<hbm>>
      tpu.enqueue_indirect_dma source(%dma_start3A_133 : memref<50000xf32, #tpu.memory_space<hbm>>) target(%dma_start3A_130 : memref<128xf32, #tpu.memory_space<vmem>>) offsets(%dma_start3A_131 : memref<128xi32, #tpu.memory_space<vmem>>) semaphore(%arg33 : memref<!tpu.dma_semaphore, #tpu.memory_space<semaphore_mem>>)
      %dma_start3A_134 = arith.constant 1664 : i32
      %dma_start3A_135 = tpu.memref_slice %arg30[%dma_start3A_134] : memref<4608xf32, #tpu.memory_space<vmem>> -> memref<128xf32, #tpu.memory_space<vmem>>
      %dma_start3A_136 = tpu.memref_slice %arg29[%mul3A_111] : memref<2048xi32, #tpu.memory_space<vmem>> -> memref<128xi32, #tpu.memory_space<vmem>>
      %dma_start3A_137 = arith.constant 0 : i32
      %dma_start3A_138 = tpu.memref_slice %arg12[%dma_start3A_137] : memref<50000xf32, #tpu.memory_space<hbm>> -> memref<50000xf32, #tpu.memory_space<hbm>>
      tpu.enqueue_indirect_dma source(%dma_start3A_138 : memref<50000xf32, #tpu.memory_space<hbm>>) target(%dma_start3A_135 : memref<128xf32, #tpu.memory_space<vmem>>) offsets(%dma_start3A_136 : memref<128xi32, #tpu.memory_space<vmem>>) semaphore(%arg33 : memref<!tpu.dma_semaphore, #tpu.memory_space<semaphore_mem>>)
      %dma_start3A_139 = arith.constant 2176 : i32
      %dma_start3A_140 = tpu.memref_slice %arg30[%dma_start3A_139] : memref<4608xf32, #tpu.memory_space<vmem>> -> memref<128xf32, #tpu.memory_space<vmem>>
      %dma_start3A_141 = tpu.memref_slice %arg29[%mul3A_111] : memref<2048xi32, #tpu.memory_space<vmem>> -> memref<128xi32, #tpu.memory_space<vmem>>
      %dma_start3A_142 = arith.constant 0 : i32
      %dma_start3A_143 = tpu.memref_slice %arg13[%dma_start3A_142] : memref<50000xf32, #tpu.memory_space<hbm>> -> memref<50000xf32, #tpu.memory_space<hbm>>
      tpu.enqueue_indirect_dma source(%dma_start3A_143 : memref<50000xf32, #tpu.memory_space<hbm>>) target(%dma_start3A_140 : memref<128xf32, #tpu.memory_space<vmem>>) offsets(%dma_start3A_141 : memref<128xi32, #tpu.memory_space<vmem>>) semaphore(%arg33 : memref<!tpu.dma_semaphore, #tpu.memory_space<semaphore_mem>>)
      %dma_start3A_144 = arith.constant 2688 : i32
      %dma_start3A_145 = tpu.memref_slice %arg30[%dma_start3A_144] : memref<4608xf32, #tpu.memory_space<vmem>> -> memref<128xf32, #tpu.memory_space<vmem>>
      %dma_start3A_146 = tpu.memref_slice %arg29[%mul3A_111] : memref<2048xi32, #tpu.memory_space<vmem>> -> memref<128xi32, #tpu.memory_space<vmem>>
      %dma_start3A_147 = arith.constant 0 : i32
      %dma_start3A_148 = tpu.memref_slice %arg14[%dma_start3A_147] : memref<50000xf32, #tpu.memory_space<hbm>> -> memref<50000xf32, #tpu.memory_space<hbm>>
      tpu.enqueue_indirect_dma source(%dma_start3A_148 : memref<50000xf32, #tpu.memory_space<hbm>>) target(%dma_start3A_145 : memref<128xf32, #tpu.memory_space<vmem>>) offsets(%dma_start3A_146 : memref<128xi32, #tpu.memory_space<vmem>>) semaphore(%arg33 : memref<!tpu.dma_semaphore, #tpu.memory_space<semaphore_mem>>)
      %dma_start3A_149 = arith.constant 3200 : i32
      %dma_start3A_150 = tpu.memref_slice %arg30[%dma_start3A_149] : memref<4608xf32, #tpu.memory_space<vmem>> -> memref<128xf32, #tpu.memory_space<vmem>>
      %dma_start3A_151 = tpu.memref_slice %arg29[%mul3A_111] : memref<2048xi32, #tpu.memory_space<vmem>> -> memref<128xi32, #tpu.memory_space<vmem>>
      %dma_start3A_152 = arith.constant 0 : i32
      %dma_start3A_153 = tpu.memref_slice %arg15[%dma_start3A_152] : memref<50000xf32, #tpu.memory_space<hbm>> -> memref<50000xf32, #tpu.memory_space<hbm>>
      tpu.enqueue_indirect_dma source(%dma_start3A_153 : memref<50000xf32, #tpu.memory_space<hbm>>) target(%dma_start3A_150 : memref<128xf32, #tpu.memory_space<vmem>>) offsets(%dma_start3A_151 : memref<128xi32, #tpu.memory_space<vmem>>) semaphore(%arg33 : memref<!tpu.dma_semaphore, #tpu.memory_space<semaphore_mem>>)
      %dma_start3A_154 = arith.constant 3712 : i32
      %dma_start3A_155 = tpu.memref_slice %arg30[%dma_start3A_154] : memref<4608xf32, #tpu.memory_space<vmem>> -> memref<128xf32, #tpu.memory_space<vmem>>
      %dma_start3A_156 = tpu.memref_slice %arg29[%mul3A_111] : memref<2048xi32, #tpu.memory_space<vmem>> -> memref<128xi32, #tpu.memory_space<vmem>>
      %dma_start3A_157 = arith.constant 0 : i32
      %dma_start3A_158 = tpu.memref_slice %arg16[%dma_start3A_157] : memref<50000xf32, #tpu.memory_space<hbm>> -> memref<50000xf32, #tpu.memory_space<hbm>>
      tpu.enqueue_indirect_dma source(%dma_start3A_158 : memref<50000xf32, #tpu.memory_space<hbm>>) target(%dma_start3A_155 : memref<128xf32, #tpu.memory_space<vmem>>) offsets(%dma_start3A_156 : memref<128xi32, #tpu.memory_space<vmem>>) semaphore(%arg33 : memref<!tpu.dma_semaphore, #tpu.memory_space<semaphore_mem>>)
      %dma_start3A_159 = arith.constant 4224 : i32
      %dma_start3A_160 = tpu.memref_slice %arg30[%dma_start3A_159] : memref<4608xf32, #tpu.memory_space<vmem>> -> memref<128xf32, #tpu.memory_space<vmem>>
      %dma_start3A_161 = tpu.memref_slice %arg29[%mul3A_111] : memref<2048xi32, #tpu.memory_space<vmem>> -> memref<128xi32, #tpu.memory_space<vmem>>
      %dma_start3A_162 = arith.constant 0 : i32
      %dma_start3A_163 = tpu.memref_slice %arg17[%dma_start3A_162] : memref<50000xf32, #tpu.memory_space<hbm>> -> memref<50000xf32, #tpu.memory_space<hbm>>
      tpu.enqueue_indirect_dma source(%dma_start3A_163 : memref<50000xf32, #tpu.memory_space<hbm>>) target(%dma_start3A_160 : memref<128xf32, #tpu.memory_space<vmem>>) offsets(%dma_start3A_161 : memref<128xi32, #tpu.memory_space<vmem>>) semaphore(%arg33 : memref<!tpu.dma_semaphore, #tpu.memory_space<semaphore_mem>>)
      %mul3A_164 = arith.constant 4 : i32
      %mul3A_165 = arith.muli %scan3A_48, %mul3A_164 : i32
      %add3A_166 = arith.constant 2 : i32
      %add3A_167 = arith.addi %mul3A_165, %add3A_166 : i32
      %mul3A_168 = arith.constant 128 : i32
      %mul3A_169 = arith.muli %add3A_167, %mul3A_168 : i32
      %dma_start3A_170 = arith.constant 256 : i32
      %dma_start3A_171 = arith.constant 0 : i32
      %dma_start3A_172 = tpu.memref_slice %arg31[%dma_start3A_170, %dma_start3A_171] : memref<512x64xf32, #tpu.memory_space<vmem>> -> memref<128x64xf32, #tpu.memory_space<vmem>>
      %dma_start3A_173 = tpu.memref_slice %arg29[%mul3A_169] : memref<2048xi32, #tpu.memory_space<vmem>> -> memref<128xi32, #tpu.memory_space<vmem>>
      %dma_start3A_174 = arith.constant 0 : i32
      %dma_start3A_175 = arith.constant 0 : i32
      %dma_start3A_176 = tpu.memref_slice %arg18[%dma_start3A_174, %dma_start3A_175] : memref<50000x64xf32, #tpu.memory_space<hbm>> -> memref<50000x64xf32, #tpu.memory_space<hbm>>
      tpu.enqueue_indirect_dma source(%dma_start3A_176 : memref<50000x64xf32, #tpu.memory_space<hbm>>) target(%dma_start3A_172 : memref<128x64xf32, #tpu.memory_space<vmem>>) offsets(%dma_start3A_173 : memref<128xi32, #tpu.memory_space<vmem>>) semaphore(%arg33 : memref<!tpu.dma_semaphore, #tpu.memory_space<semaphore_mem>>)
      %dma_start3A_177 = arith.constant 256 : i32
      %dma_start3A_178 = tpu.memref_slice %arg30[%dma_start3A_177] : memref<4608xf32, #tpu.memory_space<vmem>> -> memref<128xf32, #tpu.memory_space<vmem>>
      %dma_start3A_179 = tpu.memref_slice %arg29[%mul3A_169] : memref<2048xi32, #tpu.memory_space<vmem>> -> memref<128xi32, #tpu.memory_space<vmem>>
      %dma_start3A_180 = arith.constant 0 : i32
      %dma_start3A_181 = tpu.memref_slice %arg9[%dma_start3A_180] : memref<50000xf32, #tpu.memory_space<hbm>> -> memref<50000xf32, #tpu.memory_space<hbm>>
      tpu.enqueue_indirect_dma source(%dma_start3A_181 : memref<50000xf32, #tpu.memory_space<hbm>>) target(%dma_start3A_178 : memref<128xf32, #tpu.memory_space<vmem>>) offsets(%dma_start3A_179 : memref<128xi32, #tpu.memory_space<vmem>>) semaphore(%arg33 : memref<!tpu.dma_semaphore, #tpu.memory_space<semaphore_mem>>)
      %dma_start3A_182 = arith.constant 768 : i32
      %dma_start3A_183 = tpu.memref_slice %arg30[%dma_start3A_182] : memref<4608xf32, #tpu.memory_space<vmem>> -> memref<128xf32, #tpu.memory_space<vmem>>
      %dma_start3A_184 = tpu.memref_slice %arg29[%mul3A_169] : memref<2048xi32, #tpu.memory_space<vmem>> -> memref<128xi32, #tpu.memory_space<vmem>>
      %dma_start3A_185 = arith.constant 0 : i32
      %dma_start3A_186 = tpu.memref_slice %arg10[%dma_start3A_185] : memref<50000xf32, #tpu.memory_space<hbm>> -> memref<50000xf32, #tpu.memory_space<hbm>>
      tpu.enqueue_indirect_dma source(%dma_start3A_186 : memref<50000xf32, #tpu.memory_space<hbm>>) target(%dma_start3A_183 : memref<128xf32, #tpu.memory_space<vmem>>) offsets(%dma_start3A_184 : memref<128xi32, #tpu.memory_space<vmem>>) semaphore(%arg33 : memref<!tpu.dma_semaphore, #tpu.memory_space<semaphore_mem>>)
      %dma_start3A_187 = arith.constant 1280 : i32
      %dma_start3A_188 = tpu.memref_slice %arg30[%dma_start3A_187] : memref<4608xf32, #tpu.memory_space<vmem>> -> memref<128xf32, #tpu.memory_space<vmem>>
      %dma_start3A_189 = tpu.memref_slice %arg29[%mul3A_169] : memref<2048xi32, #tpu.memory_space<vmem>> -> memref<128xi32, #tpu.memory_space<vmem>>
      %dma_start3A_190 = arith.constant 0 : i32
      %dma_start3A_191 = tpu.memref_slice %arg11[%dma_start3A_190] : memref<50000xf32, #tpu.memory_space<hbm>> -> memref<50000xf32, #tpu.memory_space<hbm>>
      tpu.enqueue_indirect_dma source(%dma_start3A_191 : memref<50000xf32, #tpu.memory_space<hbm>>) target(%dma_start3A_188 : memref<128xf32, #tpu.memory_space<vmem>>) offsets(%dma_start3A_189 : memref<128xi32, #tpu.memory_space<vmem>>) semaphore(%arg33 : memref<!tpu.dma_semaphore, #tpu.memory_space<semaphore_mem>>)
      %dma_start3A_192 = arith.constant 1792 : i32
      %dma_start3A_193 = tpu.memref_slice %arg30[%dma_start3A_192] : memref<4608xf32, #tpu.memory_space<vmem>> -> memref<128xf32, #tpu.memory_space<vmem>>
      %dma_start3A_194 = tpu.memref_slice %arg29[%mul3A_169] : memref<2048xi32, #tpu.memory_space<vmem>> -> memref<128xi32, #tpu.memory_space<vmem>>
      %dma_start3A_195 = arith.constant 0 : i32
      %dma_start3A_196 = tpu.memref_slice %arg12[%dma_start3A_195] : memref<50000xf32, #tpu.memory_space<hbm>> -> memref<50000xf32, #tpu.memory_space<hbm>>
      tpu.enqueue_indirect_dma source(%dma_start3A_196 : memref<50000xf32, #tpu.memory_space<hbm>>) target(%dma_start3A_193 : memref<128xf32, #tpu.memory_space<vmem>>) offsets(%dma_start3A_194 : memref<128xi32, #tpu.memory_space<vmem>>) semaphore(%arg33 : memref<!tpu.dma_semaphore, #tpu.memory_space<semaphore_mem>>)
      %dma_start3A_197 = arith.constant 2304 : i32
      %dma_start3A_198 = tpu.memref_slice %arg30[%dma_start3A_197] : memref<4608xf32, #tpu.memory_space<vmem>> -> memref<128xf32, #tpu.memory_space<vmem>>
      %dma_start3A_199 = tpu.memref_slice %arg29[%mul3A_169] : memref<2048xi32, #tpu.memory_space<vmem>> -> memref<128xi32, #tpu.memory_space<vmem>>
      %dma_start3A_200 = arith.constant 0 : i32
      %dma_start3A_201 = tpu.memref_slice %arg13[%dma_start3A_200] : memref<50000xf32, #tpu.memory_space<hbm>> -> memref<50000xf32, #tpu.memory_space<hbm>>
      tpu.enqueue_indirect_dma source(%dma_start3A_201 : memref<50000xf32, #tpu.memory_space<hbm>>) target(%dma_start3A_198 : memref<128xf32, #tpu.memory_space<vmem>>) offsets(%dma_start3A_199 : memref<128xi32, #tpu.memory_space<vmem>>) semaphore(%arg33 : memref<!tpu.dma_semaphore, #tpu.memory_space<semaphore_mem>>)
      %dma_start3A_202 = arith.constant 2816 : i32
      %dma_start3A_203 = tpu.memref_slice %arg30[%dma_start3A_202] : memref<4608xf32, #tpu.memory_space<vmem>> -> memref<128xf32, #tpu.memory_space<vmem>>
      %dma_start3A_204 = tpu.memref_slice %arg29[%mul3A_169] : memref<2048xi32, #tpu.memory_space<vmem>> -> memref<128xi32, #tpu.memory_space<vmem>>
      %dma_start3A_205 = arith.constant 0 : i32
      %dma_start3A_206 = tpu.memref_slice %arg14[%dma_start3A_205] : memref<50000xf32, #tpu.memory_space<hbm>> -> memref<50000xf32, #tpu.memory_space<hbm>>
      tpu.enqueue_indirect_dma source(%dma_start3A_206 : memref<50000xf32, #tpu.memory_space<hbm>>) target(%dma_start3A_203 : memref<128xf32, #tpu.memory_space<vmem>>) offsets(%dma_start3A_204 : memref<128xi32, #tpu.memory_space<vmem>>) semaphore(%arg33 : memref<!tpu.dma_semaphore, #tpu.memory_space<semaphore_mem>>)
      %dma_start3A_207 = arith.constant 3328 : i32
      %dma_start3A_208 = tpu.memref_slice %arg30[%dma_start3A_207] : memref<4608xf32, #tpu.memory_space<vmem>> -> memref<128xf32, #tpu.memory_space<vmem>>
      %dma_start3A_209 = tpu.memref_slice %arg29[%mul3A_169] : memref<2048xi32, #tpu.memory_space<vmem>> -> memref<128xi32, #tpu.memory_space<vmem>>
      %dma_start3A_210 = arith.constant 0 : i32
      %dma_start3A_211 = tpu.memref_slice %arg15[%dma_start3A_210] : memref<50000xf32, #tpu.memory_space<hbm>> -> memref<50000xf32, #tpu.memory_space<hbm>>
      tpu.enqueue_indirect_dma source(%dma_start3A_211 : memref<50000xf32, #tpu.memory_space<hbm>>) target(%dma_start3A_208 : memref<128xf32, #tpu.memory_space<vmem>>) offsets(%dma_start3A_209 : memref<128xi32, #tpu.memory_space<vmem>>) semaphore(%arg33 : memref<!tpu.dma_semaphore, #tpu.memory_space<semaphore_mem>>)
      %dma_start3A_212 = arith.constant 3840 : i32
      %dma_start3A_213 = tpu.memref_slice %arg30[%dma_start3A_212] : memref<4608xf32, #tpu.memory_space<vmem>> -> memref<128xf32, #tpu.memory_space<vmem>>
      %dma_start3A_214 = tpu.memref_slice %arg29[%mul3A_169] : memref<2048xi32, #tpu.memory_space<vmem>> -> memref<128xi32, #tpu.memory_space<vmem>>
      %dma_start3A_215 = arith.constant 0 : i32
      %dma_start3A_216 = tpu.memref_slice %arg16[%dma_start3A_215] : memref<50000xf32, #tpu.memory_space<hbm>> -> memref<50000xf32, #tpu.memory_space<hbm>>
      tpu.enqueue_indirect_dma source(%dma_start3A_216 : memref<50000xf32, #tpu.memory_space<hbm>>) target(%dma_start3A_213 : memref<128xf32, #tpu.memory_space<vmem>>) offsets(%dma_start3A_214 : memref<128xi32, #tpu.memory_space<vmem>>) semaphore(%arg33 : memref<!tpu.dma_semaphore, #tpu.memory_space<semaphore_mem>>)
      %dma_start3A_217 = arith.constant 4352 : i32
      %dma_start3A_218 = tpu.memref_slice %arg30[%dma_start3A_217] : memref<4608xf32, #tpu.memory_space<vmem>> -> memref<128xf32, #tpu.memory_space<vmem>>
      %dma_start3A_219 = tpu.memref_slice %arg29[%mul3A_169] : memref<2048xi32, #tpu.memory_space<vmem>> -> memref<128xi32, #tpu.memory_space<vmem>>
      %dma_start3A_220 = arith.constant 0 : i32
      %dma_start3A_221 = tpu.memref_slice %arg17[%dma_start3A_220] : memref<50000xf32, #tpu.memory_space<hbm>> -> memref<50000xf32, #tpu.memory_space<hbm>>
      tpu.enqueue_indirect_dma source(%dma_start3A_221 : memref<50000xf32, #tpu.memory_space<hbm>>) target(%dma_start3A_218 : memref<128xf32, #tpu.memory_space<vmem>>) offsets(%dma_start3A_219 : memref<128xi32, #tpu.memory_space<vmem>>) semaphore(%arg33 : memref<!tpu.dma_semaphore, #tpu.memory_space<semaphore_mem>>)
      %mul3A_222 = arith.constant 4 : i32
      %mul3A_223 = arith.muli %scan3A_48, %mul3A_222 : i32
      %add3A_224 = arith.constant 3 : i32
      %add3A_225 = arith.addi %mul3A_223, %add3A_224 : i32
      %mul3A_226 = arith.constant 128 : i32
      %mul3A_227 = arith.muli %add3A_225, %mul3A_226 : i32
      %dma_start3A_228 = arith.constant 384 : i32
      %dma_start3A_229 = arith.constant 0 : i32
      %dma_start3A_230 = tpu.memref_slice %arg31[%dma_start3A_228, %dma_start3A_229] : memref<512x64xf32, #tpu.memory_space<vmem>> -> memref<128x64xf32, #tpu.memory_space<vmem>>
      %dma_start3A_231 = tpu.memref_slice %arg29[%mul3A_227] : memref<2048xi32, #tpu.memory_space<vmem>> -> memref<128xi32, #tpu.memory_space<vmem>>
      %dma_start3A_232 = arith.constant 0 : i32
      %dma_start3A_233 = arith.constant 0 : i32
      %dma_start3A_234 = tpu.memref_slice %arg18[%dma_start3A_232, %dma_start3A_233] : memref<50000x64xf32, #tpu.memory_space<hbm>> -> memref<50000x64xf32, #tpu.memory_space<hbm>>
      tpu.enqueue_indirect_dma source(%dma_start3A_234 : memref<50000x64xf32, #tpu.memory_space<hbm>>) target(%dma_start3A_230 : memref<128x64xf32, #tpu.memory_space<vmem>>) offsets(%dma_start3A_231 : memref<128xi32, #tpu.memory_space<vmem>>) semaphore(%arg33 : memref<!tpu.dma_semaphore, #tpu.memory_space<semaphore_mem>>)
      %dma_start3A_235 = arith.constant 384 : i32
      %dma_start3A_236 = tpu.memref_slice %arg30[%dma_start3A_235] : memref<4608xf32, #tpu.memory_space<vmem>> -> memref<128xf32, #tpu.memory_space<vmem>>
      %dma_start3A_237 = tpu.memref_slice %arg29[%mul3A_227] : memref<2048xi32, #tpu.memory_space<vmem>> -> memref<128xi32, #tpu.memory_space<vmem>>
      %dma_start3A_238 = arith.constant 0 : i32
      %dma_start3A_239 = tpu.memref_slice %arg9[%dma_start3A_238] : memref<50000xf32, #tpu.memory_space<hbm>> -> memref<50000xf32, #tpu.memory_space<hbm>>
      tpu.enqueue_indirect_dma source(%dma_start3A_239 : memref<50000xf32, #tpu.memory_space<hbm>>) target(%dma_start3A_236 : memref<128xf32, #tpu.memory_space<vmem>>) offsets(%dma_start3A_237 : memref<128xi32, #tpu.memory_space<vmem>>) semaphore(%arg33 : memref<!tpu.dma_semaphore, #tpu.memory_space<semaphore_mem>>)
      %dma_start3A_240 = arith.constant 896 : i32
      %dma_start3A_241 = tpu.memref_slice %arg30[%dma_start3A_240] : memref<4608xf32, #tpu.memory_space<vmem>> -> memref<128xf32, #tpu.memory_space<vmem>>
      %dma_start3A_242 = tpu.memref_slice %arg29[%mul3A_227] : memref<2048xi32, #tpu.memory_space<vmem>> -> memref<128xi32, #tpu.memory_space<vmem>>
      %dma_start3A_243 = arith.constant 0 : i32
      %dma_start3A_244 = tpu.memref_slice %arg10[%dma_start3A_243] : memref<50000xf32, #tpu.memory_space<hbm>> -> memref<50000xf32, #tpu.memory_space<hbm>>
      tpu.enqueue_indirect_dma source(%dma_start3A_244 : memref<50000xf32, #tpu.memory_space<hbm>>) target(%dma_start3A_241 : memref<128xf32, #tpu.memory_space<vmem>>) offsets(%dma_start3A_242 : memref<128xi32, #tpu.memory_space<vmem>>) semaphore(%arg33 : memref<!tpu.dma_semaphore, #tpu.memory_space<semaphore_mem>>)
      %dma_start3A_245 = arith.constant 1408 : i32
      %dma_start3A_246 = tpu.memref_slice %arg30[%dma_start3A_245] : memref<4608xf32, #tpu.memory_space<vmem>> -> memref<128xf32, #tpu.memory_space<vmem>>
      %dma_start3A_247 = tpu.memref_slice %arg29[%mul3A_227] : memref<2048xi32, #tpu.memory_space<vmem>> -> memref<128xi32, #tpu.memory_space<vmem>>
      %dma_start3A_248 = arith.constant 0 : i32
      %dma_start3A_249 = tpu.memref_slice %arg11[%dma_start3A_248] : memref<50000xf32, #tpu.memory_space<hbm>> -> memref<50000xf32, #tpu.memory_space<hbm>>
      tpu.enqueue_indirect_dma source(%dma_start3A_249 : memref<50000xf32, #tpu.memory_space<hbm>>) target(%dma_start3A_246 : memref<128xf32, #tpu.memory_space<vmem>>) offsets(%dma_start3A_247 : memref<128xi32, #tpu.memory_space<vmem>>) semaphore(%arg33 : memref<!tpu.dma_semaphore, #tpu.memory_space<semaphore_mem>>)
      %dma_start3A_250 = arith.constant 1920 : i32
      %dma_start3A_251 = tpu.memref_slice %arg30[%dma_start3A_250] : memref<4608xf32, #tpu.memory_space<vmem>> -> memref<128xf32, #tpu.memory_space<vmem>>
      %dma_start3A_252 = tpu.memref_slice %arg29[%mul3A_227] : memref<2048xi32, #tpu.memory_space<vmem>> -> memref<128xi32, #tpu.memory_space<vmem>>
      %dma_start3A_253 = arith.constant 0 : i32
      %dma_start3A_254 = tpu.memref_slice %arg12[%dma_start3A_253] : memref<50000xf32, #tpu.memory_space<hbm>> -> memref<50000xf32, #tpu.memory_space<hbm>>
      tpu.enqueue_indirect_dma source(%dma_start3A_254 : memref<50000xf32, #tpu.memory_space<hbm>>) target(%dma_start3A_251 : memref<128xf32, #tpu.memory_space<vmem>>) offsets(%dma_start3A_252 : memref<128xi32, #tpu.memory_space<vmem>>) semaphore(%arg33 : memref<!tpu.dma_semaphore, #tpu.memory_space<semaphore_mem>>)
      %dma_start3A_255 = arith.constant 2432 : i32
      %dma_start3A_256 = tpu.memref_slice %arg30[%dma_start3A_255] : memref<4608xf32, #tpu.memory_space<vmem>> -> memref<128xf32, #tpu.memory_space<vmem>>
      %dma_start3A_257 = tpu.memref_slice %arg29[%mul3A_227] : memref<2048xi32, #tpu.memory_space<vmem>> -> memref<128xi32, #tpu.memory_space<vmem>>
      %dma_start3A_258 = arith.constant 0 : i32
      %dma_start3A_259 = tpu.memref_slice %arg13[%dma_start3A_258] : memref<50000xf32, #tpu.memory_space<hbm>> -> memref<50000xf32, #tpu.memory_space<hbm>>
      tpu.enqueue_indirect_dma source(%dma_start3A_259 : memref<50000xf32, #tpu.memory_space<hbm>>) target(%dma_start3A_256 : memref<128xf32, #tpu.memory_space<vmem>>) offsets(%dma_start3A_257 : memref<128xi32, #tpu.memory_space<vmem>>) semaphore(%arg33 : memref<!tpu.dma_semaphore, #tpu.memory_space<semaphore_mem>>)
      %dma_start3A_260 = arith.constant 2944 : i32
      %dma_start3A_261 = tpu.memref_slice %arg30[%dma_start3A_260] : memref<4608xf32, #tpu.memory_space<vmem>> -> memref<128xf32, #tpu.memory_space<vmem>>
      %dma_start3A_262 = tpu.memref_slice %arg29[%mul3A_227] : memref<2048xi32, #tpu.memory_space<vmem>> -> memref<128xi32, #tpu.memory_space<vmem>>
      %dma_start3A_263 = arith.constant 0 : i32
      %dma_start3A_264 = tpu.memref_slice %arg14[%dma_start3A_263] : memref<50000xf32, #tpu.memory_space<hbm>> -> memref<50000xf32, #tpu.memory_space<hbm>>
      tpu.enqueue_indirect_dma source(%dma_start3A_264 : memref<50000xf32, #tpu.memory_space<hbm>>) target(%dma_start3A_261 : memref<128xf32, #tpu.memory_space<vmem>>) offsets(%dma_start3A_262 : memref<128xi32, #tpu.memory_space<vmem>>) semaphore(%arg33 : memref<!tpu.dma_semaphore, #tpu.memory_space<semaphore_mem>>)
      %dma_start3A_265 = arith.constant 3456 : i32
      %dma_start3A_266 = tpu.memref_slice %arg30[%dma_start3A_265] : memref<4608xf32, #tpu.memory_space<vmem>> -> memref<128xf32, #tpu.memory_space<vmem>>
      %dma_start3A_267 = tpu.memref_slice %arg29[%mul3A_227] : memref<2048xi32, #tpu.memory_space<vmem>> -> memref<128xi32, #tpu.memory_space<vmem>>
      %dma_start3A_268 = arith.constant 0 : i32
      %dma_start3A_269 = tpu.memref_slice %arg15[%dma_start3A_268] : memref<50000xf32, #tpu.memory_space<hbm>> -> memref<50000xf32, #tpu.memory_space<hbm>>
      tpu.enqueue_indirect_dma source(%dma_start3A_269 : memref<50000xf32, #tpu.memory_space<hbm>>) target(%dma_start3A_266 : memref<128xf32, #tpu.memory_space<vmem>>) offsets(%dma_start3A_267 : memref<128xi32, #tpu.memory_space<vmem>>) semaphore(%arg33 : memref<!tpu.dma_semaphore, #tpu.memory_space<semaphore_mem>>)
      %dma_start3A_270 = arith.constant 3968 : i32
      %dma_start3A_271 = tpu.memref_slice %arg30[%dma_start3A_270] : memref<4608xf32, #tpu.memory_space<vmem>> -> memref<128xf32, #tpu.memory_space<vmem>>
      %dma_start3A_272 = tpu.memref_slice %arg29[%mul3A_227] : memref<2048xi32, #tpu.memory_space<vmem>> -> memref<128xi32, #tpu.memory_space<vmem>>
      %dma_start3A_273 = arith.constant 0 : i32
      %dma_start3A_274 = tpu.memref_slice %arg16[%dma_start3A_273] : memref<50000xf32, #tpu.memory_space<hbm>> -> memref<50000xf32, #tpu.memory_space<hbm>>
      tpu.enqueue_indirect_dma source(%dma_start3A_274 : memref<50000xf32, #tpu.memory_space<hbm>>) target(%dma_start3A_271 : memref<128xf32, #tpu.memory_space<vmem>>) offsets(%dma_start3A_272 : memref<128xi32, #tpu.memory_space<vmem>>) semaphore(%arg33 : memref<!tpu.dma_semaphore, #tpu.memory_space<semaphore_mem>>)
      %dma_start3A_275 = arith.constant 4480 : i32
      %dma_start3A_276 = tpu.memref_slice %arg30[%dma_start3A_275] : memref<4608xf32, #tpu.memory_space<vmem>> -> memref<128xf32, #tpu.memory_space<vmem>>
      %dma_start3A_277 = tpu.memref_slice %arg29[%mul3A_227] : memref<2048xi32, #tpu.memory_space<vmem>> -> memref<128xi32, #tpu.memory_space<vmem>>
      %dma_start3A_278 = arith.constant 0 : i32
      %dma_start3A_279 = tpu.memref_slice %arg17[%dma_start3A_278] : memref<50000xf32, #tpu.memory_space<hbm>> -> memref<50000xf32, #tpu.memory_space<hbm>>
      tpu.enqueue_indirect_dma source(%dma_start3A_279 : memref<50000xf32, #tpu.memory_space<hbm>>) target(%dma_start3A_276 : memref<128xf32, #tpu.memory_space<vmem>>) offsets(%dma_start3A_277 : memref<128xi32, #tpu.memory_space<vmem>>) semaphore(%arg33 : memref<!tpu.dma_semaphore, #tpu.memory_space<semaphore_mem>>)
      %dma_wait3A = arith.constant 0 : i32
      %dma_wait3A_280 = arith.constant 0 : i32
      %dma_wait3A_281 = tpu.memref_slice %arg31[%dma_wait3A, %dma_wait3A_280] : memref<512x64xf32, #tpu.memory_space<vmem>> -> memref<128x64xf32, #tpu.memory_space<vmem>>
      %dma_wait3A_282 = tpu.memref_slice %arg29[%mul3A_54] : memref<2048xi32, #tpu.memory_space<vmem>> -> memref<128xi32, #tpu.memory_space<vmem>>
      %dma_wait3A_283 = arith.constant 0 : i32
      %dma_wait3A_284 = arith.constant 0 : i32
      %dma_wait3A_285 = tpu.memref_slice %arg18[%dma_wait3A_283, %dma_wait3A_284] : memref<50000x64xf32, #tpu.memory_space<hbm>> -> memref<50000x64xf32, #tpu.memory_space<hbm>>
      tpu.wait_indirect_dma semaphore(%arg33 : memref<!tpu.dma_semaphore, #tpu.memory_space<semaphore_mem>>) src(%dma_wait3A_285 : memref<50000x64xf32, #tpu.memory_space<hbm>>) dst(%dma_wait3A_281 : memref<128x64xf32, #tpu.memory_space<vmem>>)
      %dma_wait3A_286 = arith.constant 0 : i32
      %dma_wait3A_287 = tpu.memref_slice %arg30[%dma_wait3A_286] : memref<4608xf32, #tpu.memory_space<vmem>> -> memref<128xf32, #tpu.memory_space<vmem>>
      %dma_wait3A_288 = tpu.memref_slice %arg29[%mul3A_54] : memref<2048xi32, #tpu.memory_space<vmem>> -> memref<128xi32, #tpu.memory_space<vmem>>
      %dma_wait3A_289 = arith.constant 0 : i32
      %dma_wait3A_290 = tpu.memref_slice %arg9[%dma_wait3A_289] : memref<50000xf32, #tpu.memory_space<hbm>> -> memref<50000xf32, #tpu.memory_space<hbm>>
      tpu.wait_indirect_dma semaphore(%arg33 : memref<!tpu.dma_semaphore, #tpu.memory_space<semaphore_mem>>) src(%dma_wait3A_290 : memref<50000xf32, #tpu.memory_space<hbm>>) dst(%dma_wait3A_287 : memref<128xf32, #tpu.memory_space<vmem>>)
      %dma_wait3A_291 = arith.constant 512 : i32
      %dma_wait3A_292 = tpu.memref_slice %arg30[%dma_wait3A_291] : memref<4608xf32, #tpu.memory_space<vmem>> -> memref<128xf32, #tpu.memory_space<vmem>>
      %dma_wait3A_293 = tpu.memref_slice %arg29[%mul3A_54] : memref<2048xi32, #tpu.memory_space<vmem>> -> memref<128xi32, #tpu.memory_space<vmem>>
      %dma_wait3A_294 = arith.constant 0 : i32
      %dma_wait3A_295 = tpu.memref_slice %arg10[%dma_wait3A_294] : memref<50000xf32, #tpu.memory_space<hbm>> -> memref<50000xf32, #tpu.memory_space<hbm>>
      tpu.wait_indirect_dma semaphore(%arg33 : memref<!tpu.dma_semaphore, #tpu.memory_space<semaphore_mem>>) src(%dma_wait3A_295 : memref<50000xf32, #tpu.memory_space<hbm>>) dst(%dma_wait3A_292 : memref<128xf32, #tpu.memory_space<vmem>>)
      %dma_wait3A_296 = arith.constant 1024 : i32
      %dma_wait3A_297 = tpu.memref_slice %arg30[%dma_wait3A_296] : memref<4608xf32, #tpu.memory_space<vmem>> -> memref<128xf32, #tpu.memory_space<vmem>>
      %dma_wait3A_298 = tpu.memref_slice %arg29[%mul3A_54] : memref<2048xi32, #tpu.memory_space<vmem>> -> memref<128xi32, #tpu.memory_space<vmem>>
      %dma_wait3A_299 = arith.constant 0 : i32
      %dma_wait3A_300 = tpu.memref_slice %arg11[%dma_wait3A_299] : memref<50000xf32, #tpu.memory_space<hbm>> -> memref<50000xf32, #tpu.memory_space<hbm>>
      tpu.wait_indirect_dma semaphore(%arg33 : memref<!tpu.dma_semaphore, #tpu.memory_space<semaphore_mem>>) src(%dma_wait3A_300 : memref<50000xf32, #tpu.memory_space<hbm>>) dst(%dma_wait3A_297 : memref<128xf32, #tpu.memory_space<vmem>>)
      %dma_wait3A_301 = arith.constant 1536 : i32
      %dma_wait3A_302 = tpu.memref_slice %arg30[%dma_wait3A_301] : memref<4608xf32, #tpu.memory_space<vmem>> -> memref<128xf32, #tpu.memory_space<vmem>>
      %dma_wait3A_303 = tpu.memref_slice %arg29[%mul3A_54] : memref<2048xi32, #tpu.memory_space<vmem>> -> memref<128xi32, #tpu.memory_space<vmem>>
      %dma_wait3A_304 = arith.constant 0 : i32
      %dma_wait3A_305 = tpu.memref_slice %arg12[%dma_wait3A_304] : memref<50000xf32, #tpu.memory_space<hbm>> -> memref<50000xf32, #tpu.memory_space<hbm>>
      tpu.wait_indirect_dma semaphore(%arg33 : memref<!tpu.dma_semaphore, #tpu.memory_space<semaphore_mem>>) src(%dma_wait3A_305 : memref<50000xf32, #tpu.memory_space<hbm>>) dst(%dma_wait3A_302 : memref<128xf32, #tpu.memory_space<vmem>>)
      %dma_wait3A_306 = arith.constant 2048 : i32
      %dma_wait3A_307 = tpu.memref_slice %arg30[%dma_wait3A_306] : memref<4608xf32, #tpu.memory_space<vmem>> -> memref<128xf32, #tpu.memory_space<vmem>>
      %dma_wait3A_308 = tpu.memref_slice %arg29[%mul3A_54] : memref<2048xi32, #tpu.memory_space<vmem>> -> memref<128xi32, #tpu.memory_space<vmem>>
      %dma_wait3A_309 = arith.constant 0 : i32
      %dma_wait3A_310 = tpu.memref_slice %arg13[%dma_wait3A_309] : memref<50000xf32, #tpu.memory_space<hbm>> -> memref<50000xf32, #tpu.memory_space<hbm>>
      tpu.wait_indirect_dma semaphore(%arg33 : memref<!tpu.dma_semaphore, #tpu.memory_space<semaphore_mem>>) src(%dma_wait3A_310 : memref<50000xf32, #tpu.memory_space<hbm>>) dst(%dma_wait3A_307 : memref<128xf32, #tpu.memory_space<vmem>>)
      %dma_wait3A_311 = arith.constant 2560 : i32
      %dma_wait3A_312 = tpu.memref_slice %arg30[%dma_wait3A_311] : memref<4608xf32, #tpu.memory_space<vmem>> -> memref<128xf32, #tpu.memory_space<vmem>>
      %dma_wait3A_313 = tpu.memref_slice %arg29[%mul3A_54] : memref<2048xi32, #tpu.memory_space<vmem>> -> memref<128xi32, #tpu.memory_space<vmem>>
      %dma_wait3A_314 = arith.constant 0 : i32
      %dma_wait3A_315 = tpu.memref_slice %arg14[%dma_wait3A_314] : memref<50000xf32, #tpu.memory_space<hbm>> -> memref<50000xf32, #tpu.memory_space<hbm>>
      tpu.wait_indirect_dma semaphore(%arg33 : memref<!tpu.dma_semaphore, #tpu.memory_space<semaphore_mem>>) src(%dma_wait3A_315 : memref<50000xf32, #tpu.memory_space<hbm>>) dst(%dma_wait3A_312 : memref<128xf32, #tpu.memory_space<vmem>>)
      %dma_wait3A_316 = arith.constant 3072 : i32
      %dma_wait3A_317 = tpu.memref_slice %arg30[%dma_wait3A_316] : memref<4608xf32, #tpu.memory_space<vmem>> -> memref<128xf32, #tpu.memory_space<vmem>>
      %dma_wait3A_318 = tpu.memref_slice %arg29[%mul3A_54] : memref<2048xi32, #tpu.memory_space<vmem>> -> memref<128xi32, #tpu.memory_space<vmem>>
      %dma_wait3A_319 = arith.constant 0 : i32
      %dma_wait3A_320 = tpu.memref_slice %arg15[%dma_wait3A_319] : memref<50000xf32, #tpu.memory_space<hbm>> -> memref<50000xf32, #tpu.memory_space<hbm>>
      tpu.wait_indirect_dma semaphore(%arg33 : memref<!tpu.dma_semaphore, #tpu.memory_space<semaphore_mem>>) src(%dma_wait3A_320 : memref<50000xf32, #tpu.memory_space<hbm>>) dst(%dma_wait3A_317 : memref<128xf32, #tpu.memory_space<vmem>>)
      %dma_wait3A_321 = arith.constant 3584 : i32
      %dma_wait3A_322 = tpu.memref_slice %arg30[%dma_wait3A_321] : memref<4608xf32, #tpu.memory_space<vmem>> -> memref<128xf32, #tpu.memory_space<vmem>>
      %dma_wait3A_323 = tpu.memref_slice %arg29[%mul3A_54] : memref<2048xi32, #tpu.memory_space<vmem>> -> memref<128xi32, #tpu.memory_space<vmem>>
      %dma_wait3A_324 = arith.constant 0 : i32
      %dma_wait3A_325 = tpu.memref_slice %arg16[%dma_wait3A_324] : memref<50000xf32, #tpu.memory_space<hbm>> -> memref<50000xf32, #tpu.memory_space<hbm>>
      tpu.wait_indirect_dma semaphore(%arg33 : memref<!tpu.dma_semaphore, #tpu.memory_space<semaphore_mem>>) src(%dma_wait3A_325 : memref<50000xf32, #tpu.memory_space<hbm>>) dst(%dma_wait3A_322 : memref<128xf32, #tpu.memory_space<vmem>>)
      %dma_wait3A_326 = arith.constant 4096 : i32
      %dma_wait3A_327 = tpu.memref_slice %arg30[%dma_wait3A_326] : memref<4608xf32, #tpu.memory_space<vmem>> -> memref<128xf32, #tpu.memory_space<vmem>>
      %dma_wait3A_328 = tpu.memref_slice %arg29[%mul3A_54] : memref<2048xi32, #tpu.memory_space<vmem>> -> memref<128xi32, #tpu.memory_space<vmem>>
      %dma_wait3A_329 = arith.constant 0 : i32
      %dma_wait3A_330 = tpu.memref_slice %arg17[%dma_wait3A_329] : memref<50000xf32, #tpu.memory_space<hbm>> -> memref<50000xf32, #tpu.memory_space<hbm>>
      tpu.wait_indirect_dma semaphore(%arg33 : memref<!tpu.dma_semaphore, #tpu.memory_space<semaphore_mem>>) src(%dma_wait3A_330 : memref<50000xf32, #tpu.memory_space<hbm>>) dst(%dma_wait3A_327 : memref<128xf32, #tpu.memory_space<vmem>>)
      %dma_wait3A_331 = arith.constant 128 : i32
      %dma_wait3A_332 = arith.constant 0 : i32
      %dma_wait3A_333 = tpu.memref_slice %arg31[%dma_wait3A_331, %dma_wait3A_332] : memref<512x64xf32, #tpu.memory_space<vmem>> -> memref<128x64xf32, #tpu.memory_space<vmem>>
      %dma_wait3A_334 = tpu.memref_slice %arg29[%mul3A_111] : memref<2048xi32, #tpu.memory_space<vmem>> -> memref<128xi32, #tpu.memory_space<vmem>>
      %dma_wait3A_335 = arith.constant 0 : i32
      %dma_wait3A_336 = arith.constant 0 : i32
      %dma_wait3A_337 = tpu.memref_slice %arg18[%dma_wait3A_335, %dma_wait3A_336] : memref<50000x64xf32, #tpu.memory_space<hbm>> -> memref<50000x64xf32, #tpu.memory_space<hbm>>
      tpu.wait_indirect_dma semaphore(%arg33 : memref<!tpu.dma_semaphore, #tpu.memory_space<semaphore_mem>>) src(%dma_wait3A_337 : memref<50000x64xf32, #tpu.memory_space<hbm>>) dst(%dma_wait3A_333 : memref<128x64xf32, #tpu.memory_space<vmem>>)
      %dma_wait3A_338 = arith.constant 128 : i32
      %dma_wait3A_339 = tpu.memref_slice %arg30[%dma_wait3A_338] : memref<4608xf32, #tpu.memory_space<vmem>> -> memref<128xf32, #tpu.memory_space<vmem>>
      %dma_wait3A_340 = tpu.memref_slice %arg29[%mul3A_111] : memref<2048xi32, #tpu.memory_space<vmem>> -> memref<128xi32, #tpu.memory_space<vmem>>
      %dma_wait3A_341 = arith.constant 0 : i32
      %dma_wait3A_342 = tpu.memref_slice %arg9[%dma_wait3A_341] : memref<50000xf32, #tpu.memory_space<hbm>> -> memref<50000xf32, #tpu.memory_space<hbm>>
      tpu.wait_indirect_dma semaphore(%arg33 : memref<!tpu.dma_semaphore, #tpu.memory_space<semaphore_mem>>) src(%dma_wait3A_342 : memref<50000xf32, #tpu.memory_space<hbm>>) dst(%dma_wait3A_339 : memref<128xf32, #tpu.memory_space<vmem>>)
      %dma_wait3A_343 = arith.constant 640 : i32
      %dma_wait3A_344 = tpu.memref_slice %arg30[%dma_wait3A_343] : memref<4608xf32, #tpu.memory_space<vmem>> -> memref<128xf32, #tpu.memory_space<vmem>>
      %dma_wait3A_345 = tpu.memref_slice %arg29[%mul3A_111] : memref<2048xi32, #tpu.memory_space<vmem>> -> memref<128xi32, #tpu.memory_space<vmem>>
      %dma_wait3A_346 = arith.constant 0 : i32
      %dma_wait3A_347 = tpu.memref_slice %arg10[%dma_wait3A_346] : memref<50000xf32, #tpu.memory_space<hbm>> -> memref<50000xf32, #tpu.memory_space<hbm>>
      tpu.wait_indirect_dma semaphore(%arg33 : memref<!tpu.dma_semaphore, #tpu.memory_space<semaphore_mem>>) src(%dma_wait3A_347 : memref<50000xf32, #tpu.memory_space<hbm>>) dst(%dma_wait3A_344 : memref<128xf32, #tpu.memory_space<vmem>>)
      %dma_wait3A_348 = arith.constant 1152 : i32
      %dma_wait3A_349 = tpu.memref_slice %arg30[%dma_wait3A_348] : memref<4608xf32, #tpu.memory_space<vmem>> -> memref<128xf32, #tpu.memory_space<vmem>>
      %dma_wait3A_350 = tpu.memref_slice %arg29[%mul3A_111] : memref<2048xi32, #tpu.memory_space<vmem>> -> memref<128xi32, #tpu.memory_space<vmem>>
      %dma_wait3A_351 = arith.constant 0 : i32
      %dma_wait3A_352 = tpu.memref_slice %arg11[%dma_wait3A_351] : memref<50000xf32, #tpu.memory_space<hbm>> -> memref<50000xf32, #tpu.memory_space<hbm>>
      tpu.wait_indirect_dma semaphore(%arg33 : memref<!tpu.dma_semaphore, #tpu.memory_space<semaphore_mem>>) src(%dma_wait3A_352 : memref<50000xf32, #tpu.memory_space<hbm>>) dst(%dma_wait3A_349 : memref<128xf32, #tpu.memory_space<vmem>>)
      %dma_wait3A_353 = arith.constant 1664 : i32
      %dma_wait3A_354 = tpu.memref_slice %arg30[%dma_wait3A_353] : memref<4608xf32, #tpu.memory_space<vmem>> -> memref<128xf32, #tpu.memory_space<vmem>>
      %dma_wait3A_355 = tpu.memref_slice %arg29[%mul3A_111] : memref<2048xi32, #tpu.memory_space<vmem>> -> memref<128xi32, #tpu.memory_space<vmem>>
      %dma_wait3A_356 = arith.constant 0 : i32
      %dma_wait3A_357 = tpu.memref_slice %arg12[%dma_wait3A_356] : memref<50000xf32, #tpu.memory_space<hbm>> -> memref<50000xf32, #tpu.memory_space<hbm>>
      tpu.wait_indirect_dma semaphore(%arg33 : memref<!tpu.dma_semaphore, #tpu.memory_space<semaphore_mem>>) src(%dma_wait3A_357 : memref<50000xf32, #tpu.memory_space<hbm>>) dst(%dma_wait3A_354 : memref<128xf32, #tpu.memory_space<vmem>>)
      %dma_wait3A_358 = arith.constant 2176 : i32
      %dma_wait3A_359 = tpu.memref_slice %arg30[%dma_wait3A_358] : memref<4608xf32, #tpu.memory_space<vmem>> -> memref<128xf32, #tpu.memory_space<vmem>>
      %dma_wait3A_360 = tpu.memref_slice %arg29[%mul3A_111] : memref<2048xi32, #tpu.memory_space<vmem>> -> memref<128xi32, #tpu.memory_space<vmem>>
      %dma_wait3A_361 = arith.constant 0 : i32
      %dma_wait3A_362 = tpu.memref_slice %arg13[%dma_wait3A_361] : memref<50000xf32, #tpu.memory_space<hbm>> -> memref<50000xf32, #tpu.memory_space<hbm>>
      tpu.wait_indirect_dma semaphore(%arg33 : memref<!tpu.dma_semaphore, #tpu.memory_space<semaphore_mem>>) src(%dma_wait3A_362 : memref<50000xf32, #tpu.memory_space<hbm>>) dst(%dma_wait3A_359 : memref<128xf32, #tpu.memory_space<vmem>>)
      %dma_wait3A_363 = arith.constant 2688 : i32
      %dma_wait3A_364 = tpu.memref_slice %arg30[%dma_wait3A_363] : memref<4608xf32, #tpu.memory_space<vmem>> -> memref<128xf32, #tpu.memory_space<vmem>>
      %dma_wait3A_365 = tpu.memref_slice %arg29[%mul3A_111] : memref<2048xi32, #tpu.memory_space<vmem>> -> memref<128xi32, #tpu.memory_space<vmem>>
      %dma_wait3A_366 = arith.constant 0 : i32
      %dma_wait3A_367 = tpu.memref_slice %arg14[%dma_wait3A_366] : memref<50000xf32, #tpu.memory_space<hbm>> -> memref<50000xf32, #tpu.memory_space<hbm>>
      tpu.wait_indirect_dma semaphore(%arg33 : memref<!tpu.dma_semaphore, #tpu.memory_space<semaphore_mem>>) src(%dma_wait3A_367 : memref<50000xf32, #tpu.memory_space<hbm>>) dst(%dma_wait3A_364 : memref<128xf32, #tpu.memory_space<vmem>>)
      %dma_wait3A_368 = arith.constant 3200 : i32
      %dma_wait3A_369 = tpu.memref_slice %arg30[%dma_wait3A_368] : memref<4608xf32, #tpu.memory_space<vmem>> -> memref<128xf32, #tpu.memory_space<vmem>>
      %dma_wait3A_370 = tpu.memref_slice %arg29[%mul3A_111] : memref<2048xi32, #tpu.memory_space<vmem>> -> memref<128xi32, #tpu.memory_space<vmem>>
      %dma_wait3A_371 = arith.constant 0 : i32
      %dma_wait3A_372 = tpu.memref_slice %arg15[%dma_wait3A_371] : memref<50000xf32, #tpu.memory_space<hbm>> -> memref<50000xf32, #tpu.memory_space<hbm>>
      tpu.wait_indirect_dma semaphore(%arg33 : memref<!tpu.dma_semaphore, #tpu.memory_space<semaphore_mem>>) src(%dma_wait3A_372 : memref<50000xf32, #tpu.memory_space<hbm>>) dst(%dma_wait3A_369 : memref<128xf32, #tpu.memory_space<vmem>>)
      %dma_wait3A_373 = arith.constant 3712 : i32
      %dma_wait3A_374 = tpu.memref_slice %arg30[%dma_wait3A_373] : memref<4608xf32, #tpu.memory_space<vmem>> -> memref<128xf32, #tpu.memory_space<vmem>>
      %dma_wait3A_375 = tpu.memref_slice %arg29[%mul3A_111] : memref<2048xi32, #tpu.memory_space<vmem>> -> memref<128xi32, #tpu.memory_space<vmem>>
      %dma_wait3A_376 = arith.constant 0 : i32
      %dma_wait3A_377 = tpu.memref_slice %arg16[%dma_wait3A_376] : memref<50000xf32, #tpu.memory_space<hbm>> -> memref<50000xf32, #tpu.memory_space<hbm>>
      tpu.wait_indirect_dma semaphore(%arg33 : memref<!tpu.dma_semaphore, #tpu.memory_space<semaphore_mem>>) src(%dma_wait3A_377 : memref<50000xf32, #tpu.memory_space<hbm>>) dst(%dma_wait3A_374 : memref<128xf32, #tpu.memory_space<vmem>>)
      %dma_wait3A_378 = arith.constant 4224 : i32
      %dma_wait3A_379 = tpu.memref_slice %arg30[%dma_wait3A_378] : memref<4608xf32, #tpu.memory_space<vmem>> -> memref<128xf32, #tpu.memory_space<vmem>>
      %dma_wait3A_380 = tpu.memref_slice %arg29[%mul3A_111] : memref<2048xi32, #tpu.memory_space<vmem>> -> memref<128xi32, #tpu.memory_space<vmem>>
      %dma_wait3A_381 = arith.constant 0 : i32
      %dma_wait3A_382 = tpu.memref_slice %arg17[%dma_wait3A_381] : memref<50000xf32, #tpu.memory_space<hbm>> -> memref<50000xf32, #tpu.memory_space<hbm>>
      tpu.wait_indirect_dma semaphore(%arg33 : memref<!tpu.dma_semaphore, #tpu.memory_space<semaphore_mem>>) src(%dma_wait3A_382 : memref<50000xf32, #tpu.memory_space<hbm>>) dst(%dma_wait3A_379 : memref<128xf32, #tpu.memory_space<vmem>>)
      %dma_wait3A_383 = arith.constant 256 : i32
      %dma_wait3A_384 = arith.constant 0 : i32
      %dma_wait3A_385 = tpu.memref_slice %arg31[%dma_wait3A_383, %dma_wait3A_384] : memref<512x64xf32, #tpu.memory_space<vmem>> -> memref<128x64xf32, #tpu.memory_space<vmem>>
      %dma_wait3A_386 = tpu.memref_slice %arg29[%mul3A_169] : memref<2048xi32, #tpu.memory_space<vmem>> -> memref<128xi32, #tpu.memory_space<vmem>>
      %dma_wait3A_387 = arith.constant 0 : i32
      %dma_wait3A_388 = arith.constant 0 : i32
      %dma_wait3A_389 = tpu.memref_slice %arg18[%dma_wait3A_387, %dma_wait3A_388] : memref<50000x64xf32, #tpu.memory_space<hbm>> -> memref<50000x64xf32, #tpu.memory_space<hbm>>
      tpu.wait_indirect_dma semaphore(%arg33 : memref<!tpu.dma_semaphore, #tpu.memory_space<semaphore_mem>>) src(%dma_wait3A_389 : memref<50000x64xf32, #tpu.memory_space<hbm>>) dst(%dma_wait3A_385 : memref<128x64xf32, #tpu.memory_space<vmem>>)
      %dma_wait3A_390 = arith.constant 256 : i32
      %dma_wait3A_391 = tpu.memref_slice %arg30[%dma_wait3A_390] : memref<4608xf32, #tpu.memory_space<vmem>> -> memref<128xf32, #tpu.memory_space<vmem>>
      %dma_wait3A_392 = tpu.memref_slice %arg29[%mul3A_169] : memref<2048xi32, #tpu.memory_space<vmem>> -> memref<128xi32, #tpu.memory_space<vmem>>
      %dma_wait3A_393 = arith.constant 0 : i32
      %dma_wait3A_394 = tpu.memref_slice %arg9[%dma_wait3A_393] : memref<50000xf32, #tpu.memory_space<hbm>> -> memref<50000xf32, #tpu.memory_space<hbm>>
      tpu.wait_indirect_dma semaphore(%arg33 : memref<!tpu.dma_semaphore, #tpu.memory_space<semaphore_mem>>) src(%dma_wait3A_394 : memref<50000xf32, #tpu.memory_space<hbm>>) dst(%dma_wait3A_391 : memref<128xf32, #tpu.memory_space<vmem>>)
      %dma_wait3A_395 = arith.constant 768 : i32
      %dma_wait3A_396 = tpu.memref_slice %arg30[%dma_wait3A_395] : memref<4608xf32, #tpu.memory_space<vmem>> -> memref<128xf32, #tpu.memory_space<vmem>>
      %dma_wait3A_397 = tpu.memref_slice %arg29[%mul3A_169] : memref<2048xi32, #tpu.memory_space<vmem>> -> memref<128xi32, #tpu.memory_space<vmem>>
      %dma_wait3A_398 = arith.constant 0 : i32
      %dma_wait3A_399 = tpu.memref_slice %arg10[%dma_wait3A_398] : memref<50000xf32, #tpu.memory_space<hbm>> -> memref<50000xf32, #tpu.memory_space<hbm>>
      tpu.wait_indirect_dma semaphore(%arg33 : memref<!tpu.dma_semaphore, #tpu.memory_space<semaphore_mem>>) src(%dma_wait3A_399 : memref<50000xf32, #tpu.memory_space<hbm>>) dst(%dma_wait3A_396 : memref<128xf32, #tpu.memory_space<vmem>>)
      %dma_wait3A_400 = arith.constant 1280 : i32
      %dma_wait3A_401 = tpu.memref_slice %arg30[%dma_wait3A_400] : memref<4608xf32, #tpu.memory_space<vmem>> -> memref<128xf32, #tpu.memory_space<vmem>>
      %dma_wait3A_402 = tpu.memref_slice %arg29[%mul3A_169] : memref<2048xi32, #tpu.memory_space<vmem>> -> memref<128xi32, #tpu.memory_space<vmem>>
      %dma_wait3A_403 = arith.constant 0 : i32
      %dma_wait3A_404 = tpu.memref_slice %arg11[%dma_wait3A_403] : memref<50000xf32, #tpu.memory_space<hbm>> -> memref<50000xf32, #tpu.memory_space<hbm>>
      tpu.wait_indirect_dma semaphore(%arg33 : memref<!tpu.dma_semaphore, #tpu.memory_space<semaphore_mem>>) src(%dma_wait3A_404 : memref<50000xf32, #tpu.memory_space<hbm>>) dst(%dma_wait3A_401 : memref<128xf32, #tpu.memory_space<vmem>>)
      %dma_wait3A_405 = arith.constant 1792 : i32
      %dma_wait3A_406 = tpu.memref_slice %arg30[%dma_wait3A_405] : memref<4608xf32, #tpu.memory_space<vmem>> -> memref<128xf32, #tpu.memory_space<vmem>>
      %dma_wait3A_407 = tpu.memref_slice %arg29[%mul3A_169] : memref<2048xi32, #tpu.memory_space<vmem>> -> memref<128xi32, #tpu.memory_space<vmem>>
      %dma_wait3A_408 = arith.constant 0 : i32
      %dma_wait3A_409 = tpu.memref_slice %arg12[%dma_wait3A_408] : memref<50000xf32, #tpu.memory_space<hbm>> -> memref<50000xf32, #tpu.memory_space<hbm>>
      tpu.wait_indirect_dma semaphore(%arg33 : memref<!tpu.dma_semaphore, #tpu.memory_space<semaphore_mem>>) src(%dma_wait3A_409 : memref<50000xf32, #tpu.memory_space<hbm>>) dst(%dma_wait3A_406 : memref<128xf32, #tpu.memory_space<vmem>>)
      %dma_wait3A_410 = arith.constant 2304 : i32
      %dma_wait3A_411 = tpu.memref_slice %arg30[%dma_wait3A_410] : memref<4608xf32, #tpu.memory_space<vmem>> -> memref<128xf32, #tpu.memory_space<vmem>>
      %dma_wait3A_412 = tpu.memref_slice %arg29[%mul3A_169] : memref<2048xi32, #tpu.memory_space<vmem>> -> memref<128xi32, #tpu.memory_space<vmem>>
      %dma_wait3A_413 = arith.constant 0 : i32
      %dma_wait3A_414 = tpu.memref_slice %arg13[%dma_wait3A_413] : memref<50000xf32, #tpu.memory_space<hbm>> -> memref<50000xf32, #tpu.memory_space<hbm>>
      tpu.wait_indirect_dma semaphore(%arg33 : memref<!tpu.dma_semaphore, #tpu.memory_space<semaphore_mem>>) src(%dma_wait3A_414 : memref<50000xf32, #tpu.memory_space<hbm>>) dst(%dma_wait3A_411 : memref<128xf32, #tpu.memory_space<vmem>>)
      %dma_wait3A_415 = arith.constant 2816 : i32
      %dma_wait3A_416 = tpu.memref_slice %arg30[%dma_wait3A_415] : memref<4608xf32, #tpu.memory_space<vmem>> -> memref<128xf32, #tpu.memory_space<vmem>>
      %dma_wait3A_417 = tpu.memref_slice %arg29[%mul3A_169] : memref<2048xi32, #tpu.memory_space<vmem>> -> memref<128xi32, #tpu.memory_space<vmem>>
      %dma_wait3A_418 = arith.constant 0 : i32
      %dma_wait3A_419 = tpu.memref_slice %arg14[%dma_wait3A_418] : memref<50000xf32, #tpu.memory_space<hbm>> -> memref<50000xf32, #tpu.memory_space<hbm>>
      tpu.wait_indirect_dma semaphore(%arg33 : memref<!tpu.dma_semaphore, #tpu.memory_space<semaphore_mem>>) src(%dma_wait3A_419 : memref<50000xf32, #tpu.memory_space<hbm>>) dst(%dma_wait3A_416 : memref<128xf32, #tpu.memory_space<vmem>>)
      %dma_wait3A_420 = arith.constant 3328 : i32
      %dma_wait3A_421 = tpu.memref_slice %arg30[%dma_wait3A_420] : memref<4608xf32, #tpu.memory_space<vmem>> -> memref<128xf32, #tpu.memory_space<vmem>>
      %dma_wait3A_422 = tpu.memref_slice %arg29[%mul3A_169] : memref<2048xi32, #tpu.memory_space<vmem>> -> memref<128xi32, #tpu.memory_space<vmem>>
      %dma_wait3A_423 = arith.constant 0 : i32
      %dma_wait3A_424 = tpu.memref_slice %arg15[%dma_wait3A_423] : memref<50000xf32, #tpu.memory_space<hbm>> -> memref<50000xf32, #tpu.memory_space<hbm>>
      tpu.wait_indirect_dma semaphore(%arg33 : memref<!tpu.dma_semaphore, #tpu.memory_space<semaphore_mem>>) src(%dma_wait3A_424 : memref<50000xf32, #tpu.memory_space<hbm>>) dst(%dma_wait3A_421 : memref<128xf32, #tpu.memory_space<vmem>>)
      %dma_wait3A_425 = arith.constant 3840 : i32
      %dma_wait3A_426 = tpu.memref_slice %arg30[%dma_wait3A_425] : memref<4608xf32, #tpu.memory_space<vmem>> -> memref<128xf32, #tpu.memory_space<vmem>>
      %dma_wait3A_427 = tpu.memref_slice %arg29[%mul3A_169] : memref<2048xi32, #tpu.memory_space<vmem>> -> memref<128xi32, #tpu.memory_space<vmem>>
      %dma_wait3A_428 = arith.constant 0 : i32
      %dma_wait3A_429 = tpu.memref_slice %arg16[%dma_wait3A_428] : memref<50000xf32, #tpu.memory_space<hbm>> -> memref<50000xf32, #tpu.memory_space<hbm>>
      tpu.wait_indirect_dma semaphore(%arg33 : memref<!tpu.dma_semaphore, #tpu.memory_space<semaphore_mem>>) src(%dma_wait3A_429 : memref<50000xf32, #tpu.memory_space<hbm>>) dst(%dma_wait3A_426 : memref<128xf32, #tpu.memory_space<vmem>>)
      %dma_wait3A_430 = arith.constant 4352 : i32
      %dma_wait3A_431 = tpu.memref_slice %arg30[%dma_wait3A_430] : memref<4608xf32, #tpu.memory_space<vmem>> -> memref<128xf32, #tpu.memory_space<vmem>>
      %dma_wait3A_432 = tpu.memref_slice %arg29[%mul3A_169] : memref<2048xi32, #tpu.memory_space<vmem>> -> memref<128xi32, #tpu.memory_space<vmem>>
      %dma_wait3A_433 = arith.constant 0 : i32
      %dma_wait3A_434 = tpu.memref_slice %arg17[%dma_wait3A_433] : memref<50000xf32, #tpu.memory_space<hbm>> -> memref<50000xf32, #tpu.memory_space<hbm>>
      tpu.wait_indirect_dma semaphore(%arg33 : memref<!tpu.dma_semaphore, #tpu.memory_space<semaphore_mem>>) src(%dma_wait3A_434 : memref<50000xf32, #tpu.memory_space<hbm>>) dst(%dma_wait3A_431 : memref<128xf32, #tpu.memory_space<vmem>>)
      %dma_wait3A_435 = arith.constant 384 : i32
      %dma_wait3A_436 = arith.constant 0 : i32
      %dma_wait3A_437 = tpu.memref_slice %arg31[%dma_wait3A_435, %dma_wait3A_436] : memref<512x64xf32, #tpu.memory_space<vmem>> -> memref<128x64xf32, #tpu.memory_space<vmem>>
      %dma_wait3A_438 = tpu.memref_slice %arg29[%mul3A_227] : memref<2048xi32, #tpu.memory_space<vmem>> -> memref<128xi32, #tpu.memory_space<vmem>>
      %dma_wait3A_439 = arith.constant 0 : i32
      %dma_wait3A_440 = arith.constant 0 : i32
      %dma_wait3A_441 = tpu.memref_slice %arg18[%dma_wait3A_439, %dma_wait3A_440] : memref<50000x64xf32, #tpu.memory_space<hbm>> -> memref<50000x64xf32, #tpu.memory_space<hbm>>
      tpu.wait_indirect_dma semaphore(%arg33 : memref<!tpu.dma_semaphore, #tpu.memory_space<semaphore_mem>>) src(%dma_wait3A_441 : memref<50000x64xf32, #tpu.memory_space<hbm>>) dst(%dma_wait3A_437 : memref<128x64xf32, #tpu.memory_space<vmem>>)
      %dma_wait3A_442 = arith.constant 384 : i32
      %dma_wait3A_443 = tpu.memref_slice %arg30[%dma_wait3A_442] : memref<4608xf32, #tpu.memory_space<vmem>> -> memref<128xf32, #tpu.memory_space<vmem>>
      %dma_wait3A_444 = tpu.memref_slice %arg29[%mul3A_227] : memref<2048xi32, #tpu.memory_space<vmem>> -> memref<128xi32, #tpu.memory_space<vmem>>
      %dma_wait3A_445 = arith.constant 0 : i32
      %dma_wait3A_446 = tpu.memref_slice %arg9[%dma_wait3A_445] : memref<50000xf32, #tpu.memory_space<hbm>> -> memref<50000xf32, #tpu.memory_space<hbm>>
      tpu.wait_indirect_dma semaphore(%arg33 : memref<!tpu.dma_semaphore, #tpu.memory_space<semaphore_mem>>) src(%dma_wait3A_446 : memref<50000xf32, #tpu.memory_space<hbm>>) dst(%dma_wait3A_443 : memref<128xf32, #tpu.memory_space<vmem>>)
      %dma_wait3A_447 = arith.constant 896 : i32
      %dma_wait3A_448 = tpu.memref_slice %arg30[%dma_wait3A_447] : memref<4608xf32, #tpu.memory_space<vmem>> -> memref<128xf32, #tpu.memory_space<vmem>>
      %dma_wait3A_449 = tpu.memref_slice %arg29[%mul3A_227] : memref<2048xi32, #tpu.memory_space<vmem>> -> memref<128xi32, #tpu.memory_space<vmem>>
      %dma_wait3A_450 = arith.constant 0 : i32
      %dma_wait3A_451 = tpu.memref_slice %arg10[%dma_wait3A_450] : memref<50000xf32, #tpu.memory_space<hbm>> -> memref<50000xf32, #tpu.memory_space<hbm>>
      tpu.wait_indirect_dma semaphore(%arg33 : memref<!tpu.dma_semaphore, #tpu.memory_space<semaphore_mem>>) src(%dma_wait3A_451 : memref<50000xf32, #tpu.memory_space<hbm>>) dst(%dma_wait3A_448 : memref<128xf32, #tpu.memory_space<vmem>>)
      %dma_wait3A_452 = arith.constant 1408 : i32
      %dma_wait3A_453 = tpu.memref_slice %arg30[%dma_wait3A_452] : memref<4608xf32, #tpu.memory_space<vmem>> -> memref<128xf32, #tpu.memory_space<vmem>>
      %dma_wait3A_454 = tpu.memref_slice %arg29[%mul3A_227] : memref<2048xi32, #tpu.memory_space<vmem>> -> memref<128xi32, #tpu.memory_space<vmem>>
      %dma_wait3A_455 = arith.constant 0 : i32
      %dma_wait3A_456 = tpu.memref_slice %arg11[%dma_wait3A_455] : memref<50000xf32, #tpu.memory_space<hbm>> -> memref<50000xf32, #tpu.memory_space<hbm>>
      tpu.wait_indirect_dma semaphore(%arg33 : memref<!tpu.dma_semaphore, #tpu.memory_space<semaphore_mem>>) src(%dma_wait3A_456 : memref<50000xf32, #tpu.memory_space<hbm>>) dst(%dma_wait3A_453 : memref<128xf32, #tpu.memory_space<vmem>>)
      %dma_wait3A_457 = arith.constant 1920 : i32
      %dma_wait3A_458 = tpu.memref_slice %arg30[%dma_wait3A_457] : memref<4608xf32, #tpu.memory_space<vmem>> -> memref<128xf32, #tpu.memory_space<vmem>>
      %dma_wait3A_459 = tpu.memref_slice %arg29[%mul3A_227] : memref<2048xi32, #tpu.memory_space<vmem>> -> memref<128xi32, #tpu.memory_space<vmem>>
      %dma_wait3A_460 = arith.constant 0 : i32
      %dma_wait3A_461 = tpu.memref_slice %arg12[%dma_wait3A_460] : memref<50000xf32, #tpu.memory_space<hbm>> -> memref<50000xf32, #tpu.memory_space<hbm>>
      tpu.wait_indirect_dma semaphore(%arg33 : memref<!tpu.dma_semaphore, #tpu.memory_space<semaphore_mem>>) src(%dma_wait3A_461 : memref<50000xf32, #tpu.memory_space<hbm>>) dst(%dma_wait3A_458 : memref<128xf32, #tpu.memory_space<vmem>>)
      %dma_wait3A_462 = arith.constant 2432 : i32
      %dma_wait3A_463 = tpu.memref_slice %arg30[%dma_wait3A_462] : memref<4608xf32, #tpu.memory_space<vmem>> -> memref<128xf32, #tpu.memory_space<vmem>>
      %dma_wait3A_464 = tpu.memref_slice %arg29[%mul3A_227] : memref<2048xi32, #tpu.memory_space<vmem>> -> memref<128xi32, #tpu.memory_space<vmem>>
      %dma_wait3A_465 = arith.constant 0 : i32
      %dma_wait3A_466 = tpu.memref_slice %arg13[%dma_wait3A_465] : memref<50000xf32, #tpu.memory_space<hbm>> -> memref<50000xf32, #tpu.memory_space<hbm>>
      tpu.wait_indirect_dma semaphore(%arg33 : memref<!tpu.dma_semaphore, #tpu.memory_space<semaphore_mem>>) src(%dma_wait3A_466 : memref<50000xf32, #tpu.memory_space<hbm>>) dst(%dma_wait3A_463 : memref<128xf32, #tpu.memory_space<vmem>>)
      %dma_wait3A_467 = arith.constant 2944 : i32
      %dma_wait3A_468 = tpu.memref_slice %arg30[%dma_wait3A_467] : memref<4608xf32, #tpu.memory_space<vmem>> -> memref<128xf32, #tpu.memory_space<vmem>>
      %dma_wait3A_469 = tpu.memref_slice %arg29[%mul3A_227] : memref<2048xi32, #tpu.memory_space<vmem>> -> memref<128xi32, #tpu.memory_space<vmem>>
      %dma_wait3A_470 = arith.constant 0 : i32
      %dma_wait3A_471 = tpu.memref_slice %arg14[%dma_wait3A_470] : memref<50000xf32, #tpu.memory_space<hbm>> -> memref<50000xf32, #tpu.memory_space<hbm>>
      tpu.wait_indirect_dma semaphore(%arg33 : memref<!tpu.dma_semaphore, #tpu.memory_space<semaphore_mem>>) src(%dma_wait3A_471 : memref<50000xf32, #tpu.memory_space<hbm>>) dst(%dma_wait3A_468 : memref<128xf32, #tpu.memory_space<vmem>>)
      %dma_wait3A_472 = arith.constant 3456 : i32
      %dma_wait3A_473 = tpu.memref_slice %arg30[%dma_wait3A_472] : memref<4608xf32, #tpu.memory_space<vmem>> -> memref<128xf32, #tpu.memory_space<vmem>>
      %dma_wait3A_474 = tpu.memref_slice %arg29[%mul3A_227] : memref<2048xi32, #tpu.memory_space<vmem>> -> memref<128xi32, #tpu.memory_space<vmem>>
      %dma_wait3A_475 = arith.constant 0 : i32
      %dma_wait3A_476 = tpu.memref_slice %arg15[%dma_wait3A_475] : memref<50000xf32, #tpu.memory_space<hbm>> -> memref<50000xf32, #tpu.memory_space<hbm>>
      tpu.wait_indirect_dma semaphore(%arg33 : memref<!tpu.dma_semaphore, #tpu.memory_space<semaphore_mem>>) src(%dma_wait3A_476 : memref<50000xf32, #tpu.memory_space<hbm>>) dst(%dma_wait3A_473 : memref<128xf32, #tpu.memory_space<vmem>>)
      %dma_wait3A_477 = arith.constant 3968 : i32
      %dma_wait3A_478 = tpu.memref_slice %arg30[%dma_wait3A_477] : memref<4608xf32, #tpu.memory_space<vmem>> -> memref<128xf32, #tpu.memory_space<vmem>>
      %dma_wait3A_479 = tpu.memref_slice %arg29[%mul3A_227] : memref<2048xi32, #tpu.memory_space<vmem>> -> memref<128xi32, #tpu.memory_space<vmem>>
      %dma_wait3A_480 = arith.constant 0 : i32
      %dma_wait3A_481 = tpu.memref_slice %arg16[%dma_wait3A_480] : memref<50000xf32, #tpu.memory_space<hbm>> -> memref<50000xf32, #tpu.memory_space<hbm>>
      tpu.wait_indirect_dma semaphore(%arg33 : memref<!tpu.dma_semaphore, #tpu.memory_space<semaphore_mem>>) src(%dma_wait3A_481 : memref<50000xf32, #tpu.memory_space<hbm>>) dst(%dma_wait3A_478 : memref<128xf32, #tpu.memory_space<vmem>>)
      %dma_wait3A_482 = arith.constant 4480 : i32
      %dma_wait3A_483 = tpu.memref_slice %arg30[%dma_wait3A_482] : memref<4608xf32, #tpu.memory_space<vmem>> -> memref<128xf32, #tpu.memory_space<vmem>>
      %dma_wait3A_484 = tpu.memref_slice %arg29[%mul3A_227] : memref<2048xi32, #tpu.memory_space<vmem>> -> memref<128xi32, #tpu.memory_space<vmem>>
      %dma_wait3A_485 = arith.constant 0 : i32
      %dma_wait3A_486 = tpu.memref_slice %arg17[%dma_wait3A_485] : memref<50000xf32, #tpu.memory_space<hbm>> -> memref<50000xf32, #tpu.memory_space<hbm>>
      tpu.wait_indirect_dma semaphore(%arg33 : memref<!tpu.dma_semaphore, #tpu.memory_space<semaphore_mem>>) src(%dma_wait3A_486 : memref<50000xf32, #tpu.memory_space<hbm>>) dst(%dma_wait3A_483 : memref<128xf32, #tpu.memory_space<vmem>>)
      %scan3A_487 = arith.constant 0 : i32
      %scan3A_488 = arith.constant 0 : i32
      %scan3A_489 = arith.constant 32 : i32
      %scan3A_490 = arith.addi %scan3A_488, %scan3A_489 : i32
      %scan3A_491 = arith.constant 1 : i32
      scf.for %scan3A_522 = %scan3A_488 to %scan3A_490 step %scan3A_491  : i32 {
        %mul3A_523 = arith.constant 32 : i32
        %mul3A_524 = arith.muli %scan3A_48, %mul3A_523 : i32
        %add3A_525 = arith.addi %mul3A_524, %scan3A_522 : i32
        %mul3A_526 = arith.constant 16 : i32
        %mul3A_527 = arith.muli %scan3A_522, %mul3A_526 : i32
        %get3A_528 = arith.index_cast %mul3A_527 : i32 to index
        %get3A_529 = tpu.vector_load %arg30[%get3A_528] {strides = array<i32>} : memref<4608xf32, #tpu.memory_space<vmem>>, vector<16xf32>,
        %get3A_530 = vector.shape_cast %get3A_529 : vector<16xf32> to vector<16xf32>
        %add3A_531 = arith.constant 512 : i32
        %add3A_532 = arith.addi %add3A_531, %mul3A_527 : i32
        %get3A_533 = arith.index_cast %add3A_532 : i32 to index
        %get3A_534 = tpu.vector_load %arg30[%get3A_533] {strides = array<i32>} : memref<4608xf32, #tpu.memory_space<vmem>>, vector<16xf32>,
        %get3A_535 = vector.shape_cast %get3A_534 : vector<16xf32> to vector<16xf32>
        %add3A_536 = arith.constant 1024 : i32
        %add3A_537 = arith.addi %add3A_536, %mul3A_527 : i32
        %get3A_538 = arith.index_cast %add3A_537 : i32 to index
        %get3A_539 = tpu.vector_load %arg30[%get3A_538] {strides = array<i32>} : memref<4608xf32, #tpu.memory_space<vmem>>, vector<16xf32>,
        %get3A_540 = vector.shape_cast %get3A_539 : vector<16xf32> to vector<16xf32>
        %mul3A_541 = arith.constant 16 : i32
        %mul3A_542 = arith.muli %add3A_525, %mul3A_541 : i32
        %get3A_543 = arith.index_cast %mul3A_542 : i32 to index
        %get3A_544 = tpu.vector_load %arg26[%get3A_543] {strides = array<i32>} : memref<2048xf32, #tpu.memory_space<vmem>>, vector<16xf32>,
        %get3A_545 = vector.shape_cast %get3A_544 : vector<16xf32> to vector<16xf32>
        %slice3A_546 = vector.extract_strided_slice %get3A_545 {offsets = [0], sizes = [1], strides = [1]} : vector<16xf32> to vector<1xf32>
        %squeeze3A_547 = vector.extract %slice3A_546[0] : f32 from vector<1xf32>
        %slice3A_548 = vector.extract_strided_slice %get3A_545 {offsets = [1], sizes = [1], strides = [1]} : vector<16xf32> to vector<1xf32>
        %squeeze3A_549 = vector.extract %slice3A_548[0] : f32 from vector<1xf32>
        %slice3A_550 = vector.extract_strided_slice %get3A_545 {offsets = [2], sizes = [1], strides = [1]} : vector<16xf32> to vector<1xf32>
        %squeeze3A_551 = vector.extract %slice3A_550[0] : f32 from vector<1xf32>
        %slice3A_552 = vector.extract_strided_slice %get3A_545 {offsets = [3], sizes = [1], strides = [1]} : vector<16xf32> to vector<1xf32>
        %squeeze3A_553 = vector.extract %slice3A_552[0] : f32 from vector<1xf32>
        %slice3A_554 = vector.extract_strided_slice %get3A_545 {offsets = [4], sizes = [1], strides = [1]} : vector<16xf32> to vector<1xf32>
        %squeeze3A_555 = vector.extract %slice3A_554[0] : f32 from vector<1xf32>
        %slice3A_556 = vector.extract_strided_slice %get3A_545 {offsets = [5], sizes = [1], strides = [1]} : vector<16xf32> to vector<1xf32>
        %squeeze3A_557 = vector.extract %slice3A_556[0] : f32 from vector<1xf32>
        %sub3A = vector.broadcast %squeeze3A_37 : f32 to vector<16xf32>
        %sub3A_558 = arith.subf %get3A_530, %sub3A : vector<16xf32>
        %mul3A_559 = arith.constant 6.553700e+04 : f32
        %mul3A_560 = vector.broadcast %mul3A_559 : f32 to vector<16xf32>
        %mul3A_561 = arith.mulf %sub3A_558, %mul3A_560 : vector<16xf32>
        %sub3A_562 = arith.subf %mul3A_561, %sub3A_558 : vector<16xf32>
        %sub3A_563 = arith.subf %mul3A_561, %sub3A_562 : vector<16xf32>
        %sub3A_564 = vector.broadcast %squeeze3A_39 : f32 to vector<16xf32>
        %sub3A_565 = arith.subf %get3A_535, %sub3A_564 : vector<16xf32>
        %mul3A_566 = arith.constant 6.553700e+04 : f32
        %mul3A_567 = vector.broadcast %mul3A_566 : f32 to vector<16xf32>
        %mul3A_568 = arith.mulf %sub3A_565, %mul3A_567 : vector<16xf32>
        %sub3A_569 = arith.subf %mul3A_568, %sub3A_565 : vector<16xf32>
        %sub3A_570 = arith.subf %mul3A_568, %sub3A_569 : vector<16xf32>
        %sub3A_571 = vector.broadcast %squeeze3A_41 : f32 to vector<16xf32>
        %sub3A_572 = arith.subf %get3A_540, %sub3A_571 : vector<16xf32>
        %mul3A_573 = arith.constant 6.553700e+04 : f32
        %mul3A_574 = vector.broadcast %mul3A_573 : f32 to vector<16xf32>
        %mul3A_575 = arith.mulf %sub3A_572, %mul3A_574 : vector<16xf32>
        %sub3A_576 = arith.subf %mul3A_575, %sub3A_572 : vector<16xf32>
        %sub3A_577 = arith.subf %mul3A_575, %sub3A_576 : vector<16xf32>
        %mul3A_578 = vector.broadcast %squeeze3A : f32 to vector<16xf32>
        %mul3A_579 = arith.mulf %sub3A_563, %mul3A_578 : vector<16xf32>
        %mul3A_580 = vector.broadcast %squeeze3A_25 : f32 to vector<16xf32>
        %mul3A_581 = arith.mulf %sub3A_570, %mul3A_580 : vector<16xf32>
        %add3A_582 = arith.addf %mul3A_579, %mul3A_581 : vector<16xf32>
        %mul3A_583 = vector.broadcast %squeeze3A_31 : f32 to vector<16xf32>
        %mul3A_584 = arith.mulf %sub3A_577, %mul3A_583 : vector<16xf32>
        %add3A_585 = arith.addf %add3A_582, %mul3A_584 : vector<16xf32>
        %mul3A_586 = vector.broadcast %squeeze3A_21 : f32 to vector<16xf32>
        %mul3A_587 = arith.mulf %sub3A_563, %mul3A_586 : vector<16xf32>
        %mul3A_588 = vector.broadcast %squeeze3A_27 : f32 to vector<16xf32>
        %mul3A_589 = arith.mulf %sub3A_570, %mul3A_588 : vector<16xf32>
        %add3A_590 = arith.addf %mul3A_587, %mul3A_589 : vector<16xf32>
        %mul3A_591 = vector.broadcast %squeeze3A_33 : f32 to vector<16xf32>
        %mul3A_592 = arith.mulf %sub3A_577, %mul3A_591 : vector<16xf32>
        %add3A_593 = arith.addf %add3A_590, %mul3A_592 : vector<16xf32>
        %mul3A_594 = vector.broadcast %squeeze3A_23 : f32 to vector<16xf32>
        %mul3A_595 = arith.mulf %sub3A_563, %mul3A_594 : vector<16xf32>
        %mul3A_596 = vector.broadcast %squeeze3A_29 : f32 to vector<16xf32>
        %mul3A_597 = arith.mulf %sub3A_570, %mul3A_596 : vector<16xf32>
        %add3A_598 = arith.addf %mul3A_595, %mul3A_597 : vector<16xf32>
        %mul3A_599 = vector.broadcast %squeeze3A_35 : f32 to vector<16xf32>
        %mul3A_600 = arith.mulf %sub3A_577, %mul3A_599 : vector<16xf32>
        %add3A_601 = arith.addf %add3A_598, %mul3A_600 : vector<16xf32>
        %div3A = arith.divf %add3A_585, %add3A_601 : vector<16xf32>
        %div3A_602 = arith.divf %add3A_593, %add3A_601 : vector<16xf32>
        %sub3A_603 = vector.broadcast %squeeze3A_547 : f32 to vector<16xf32>
        %sub3A_604 = arith.subf %get3A_530, %sub3A_603 : vector<16xf32>
        %swap3A = arith.index_cast %mul3A_527 : i32 to index
        %swap3A_605 = tpu.vector_load %arg32[%swap3A] {strides = array<i32>} : memref<6144xf32, #tpu.memory_space<vmem>>, vector<16xf32>,
        %swap3A_606 = vector.shape_cast %swap3A_605 : vector<16xf32> to vector<16xf32>
        %swap3A_607 = vector.shape_cast %sub3A_604 : vector<16xf32> to vector<16xf32>
        tpu.vector_store %arg32[%swap3A], %swap3A_607 {strides = array<i32>} : memref<6144xf32, #tpu.memory_space<vmem>>, vector<16xf32>,
        %sub3A_608 = vector.broadcast %squeeze3A_549 : f32 to vector<16xf32>
        %sub3A_609 = arith.subf %get3A_535, %sub3A_608 : vector<16xf32>
        %add3A_610 = arith.constant 512 : i32
        %add3A_611 = arith.addi %add3A_610, %mul3A_527 : i32
        %swap3A_612 = arith.index_cast %add3A_611 : i32 to index
        %swap3A_613 = tpu.vector_load %arg32[%swap3A_612] {strides = array<i32>} : memref<6144xf32, #tpu.memory_space<vmem>>, vector<16xf32>,
        %swap3A_614 = vector.shape_cast %swap3A_613 : vector<16xf32> to vector<16xf32>
        %swap3A_615 = vector.shape_cast %sub3A_609 : vector<16xf32> to vector<16xf32>
        tpu.vector_store %arg32[%swap3A_612], %swap3A_615 {strides = array<i32>} : memref<6144xf32, #tpu.memory_space<vmem>>, vector<16xf32>,
        %sub3A_616 = vector.broadcast %squeeze3A_551 : f32 to vector<16xf32>
        %sub3A_617 = arith.subf %get3A_540, %sub3A_616 : vector<16xf32>
        %add3A_618 = arith.constant 1024 : i32
        %add3A_619 = arith.addi %add3A_618, %mul3A_527 : i32
        %swap3A_620 = arith.index_cast %add3A_619 : i32 to index
        %swap3A_621 = tpu.vector_load %arg32[%swap3A_620] {strides = array<i32>} : memref<6144xf32, #tpu.memory_space<vmem>>, vector<16xf32>,
        %swap3A_622 = vector.shape_cast %swap3A_621 : vector<16xf32> to vector<16xf32>
        %swap3A_623 = vector.shape_cast %sub3A_617 : vector<16xf32> to vector<16xf32>
        tpu.vector_store %arg32[%swap3A_620], %swap3A_623 {strides = array<i32>} : memref<6144xf32, #tpu.memory_space<vmem>>, vector<16xf32>,
        %mul3A_624 = arith.mulf %div3A, %add3A_601 : vector<16xf32>
        %sub3A_625 = vector.broadcast %squeeze3A_553 : f32 to vector<16xf32>
        %sub3A_626 = arith.subf %mul3A_624, %sub3A_625 : vector<16xf32>
        %add3A_627 = arith.constant 1536 : i32
        %add3A_628 = arith.addi %add3A_627, %mul3A_527 : i32
        %swap3A_629 = arith.index_cast %add3A_628 : i32 to index
        %swap3A_630 = tpu.vector_load %arg32[%swap3A_629] {strides = array<i32>} : memref<6144xf32, #tpu.memory_space<vmem>>, vector<16xf32>,
        %swap3A_631 = vector.shape_cast %swap3A_630 : vector<16xf32> to vector<16xf32>
        %swap3A_632 = vector.shape_cast %sub3A_626 : vector<16xf32> to vector<16xf32>
        tpu.vector_store %arg32[%swap3A_629], %swap3A_632 {strides = array<i32>} : memref<6144xf32, #tpu.memory_space<vmem>>, vector<16xf32>,
        %mul3A_633 = arith.mulf %div3A_602, %add3A_601 : vector<16xf32>
        %sub3A_634 = vector.broadcast %squeeze3A_555 : f32 to vector<16xf32>
        %sub3A_635 = arith.subf %mul3A_633, %sub3A_634 : vector<16xf32>
        %add3A_636 = arith.constant 2048 : i32
        %add3A_637 = arith.addi %add3A_636, %mul3A_527 : i32
        %swap3A_638 = arith.index_cast %add3A_637 : i32 to index
        %swap3A_639 = tpu.vector_load %arg32[%swap3A_638] {strides = array<i32>} : memref<6144xf32, #tpu.memory_space<vmem>>, vector<16xf32>,
        %swap3A_640 = vector.shape_cast %swap3A_639 : vector<16xf32> to vector<16xf32>
        %swap3A_641 = vector.shape_cast %sub3A_635 : vector<16xf32> to vector<16xf32>
        tpu.vector_store %arg32[%swap3A_638], %swap3A_641 {strides = array<i32>} : memref<6144xf32, #tpu.memory_space<vmem>>, vector<16xf32>,
        %sub3A_642 = vector.broadcast %squeeze3A_557 : f32 to vector<16xf32>
        %sub3A_643 = arith.subf %add3A_601, %sub3A_642 : vector<16xf32>
        %add3A_644 = arith.constant 2560 : i32
        %add3A_645 = arith.addi %add3A_644, %mul3A_527 : i32
        %swap3A_646 = arith.index_cast %add3A_645 : i32 to index
        %swap3A_647 = tpu.vector_load %arg32[%swap3A_646] {strides = array<i32>} : memref<6144xf32, #tpu.memory_space<vmem>>, vector<16xf32>,
        %swap3A_648 = vector.shape_cast %swap3A_647 : vector<16xf32> to vector<16xf32>
        %swap3A_649 = vector.shape_cast %sub3A_643 : vector<16xf32> to vector<16xf32>
        tpu.vector_store %arg32[%swap3A_646], %swap3A_649 {strides = array<i32>} : memref<6144xf32, #tpu.memory_space<vmem>>, vector<16xf32>,
        %add3A_650 = arith.constant 1536 : i32
        %add3A_651 = arith.addi %add3A_650, %mul3A_527 : i32
        %get3A_652 = arith.index_cast %add3A_651 : i32 to index
        %get3A_653 = tpu.vector_load %arg30[%get3A_652] {strides = array<i32>} : memref<4608xf32, #tpu.memory_space<vmem>>, vector<16xf32>,
        %get3A_654 = vector.shape_cast %get3A_653 : vector<16xf32> to vector<16xf32>
        %add3A_655 = arith.constant 3072 : i32
        %add3A_656 = arith.addi %add3A_655, %mul3A_527 : i32
        %swap3A_657 = arith.index_cast %add3A_656 : i32 to index
        %swap3A_658 = tpu.vector_load %arg32[%swap3A_657] {strides = array<i32>} : memref<6144xf32, #tpu.memory_space<vmem>>, vector<16xf32>,
        %swap3A_659 = vector.shape_cast %swap3A_658 : vector<16xf32> to vector<16xf32>
        %swap3A_660 = vector.shape_cast %get3A_654 : vector<16xf32> to vector<16xf32>
        tpu.vector_store %arg32[%swap3A_657], %swap3A_660 {strides = array<i32>} : memref<6144xf32, #tpu.memory_space<vmem>>, vector<16xf32>,
        %add3A_661 = arith.constant 2048 : i32
        %add3A_662 = arith.addi %add3A_661, %mul3A_527 : i32
        %get3A_663 = arith.index_cast %add3A_662 : i32 to index
        %get3A_664 = tpu.vector_load %arg30[%get3A_663] {strides = array<i32>} : memref<4608xf32, #tpu.memory_space<vmem>>, vector<16xf32>,
        %get3A_665 = vector.shape_cast %get3A_664 : vector<16xf32> to vector<16xf32>
        %add3A_666 = arith.constant 3584 : i32
        %add3A_667 = arith.addi %add3A_666, %mul3A_527 : i32
        %swap3A_668 = arith.index_cast %add3A_667 : i32 to index
        %swap3A_669 = tpu.vector_load %arg32[%swap3A_668] {strides = array<i32>} : memref<6144xf32, #tpu.memory_space<vmem>>, vector<16xf32>,
        %swap3A_670 = vector.shape_cast %swap3A_669 : vector<16xf32> to vector<16xf32>
        %swap3A_671 = vector.shape_cast %get3A_665 : vector<16xf32> to vector<16xf32>
        tpu.vector_store %arg32[%swap3A_668], %swap3A_671 {strides = array<i32>} : memref<6144xf32, #tpu.memory_space<vmem>>, vector<16xf32>,
        %add3A_672 = arith.constant 2560 : i32
        %add3A_673 = arith.addi %add3A_672, %mul3A_527 : i32
        %get3A_674 = arith.index_cast %add3A_673 : i32 to index
        %get3A_675 = tpu.vector_load %arg30[%get3A_674] {strides = array<i32>} : memref<4608xf32, #tpu.memory_space<vmem>>, vector<16xf32>,
        %get3A_676 = vector.shape_cast %get3A_675 : vector<16xf32> to vector<16xf32>
        %add3A_677 = arith.constant 4096 : i32
        %add3A_678 = arith.addi %add3A_677, %mul3A_527 : i32
        %swap3A_679 = arith.index_cast %add3A_678 : i32 to index
        %swap3A_680 = tpu.vector_load %arg32[%swap3A_679] {strides = array<i32>} : memref<6144xf32, #tpu.memory_space<vmem>>, vector<16xf32>,
        %swap3A_681 = vector.shape_cast %swap3A_680 : vector<16xf32> to vector<16xf32>
        %swap3A_682 = vector.shape_cast %get3A_676 : vector<16xf32> to vector<16xf32>
        tpu.vector_store %arg32[%swap3A_679], %swap3A_682 {strides = array<i32>} : memref<6144xf32, #tpu.memory_space<vmem>>, vector<16xf32>,
        %add3A_683 = arith.constant 3072 : i32
        %add3A_684 = arith.addi %add3A_683, %mul3A_527 : i32
        %get3A_685 = arith.index_cast %add3A_684 : i32 to index
        %get3A_686 = tpu.vector_load %arg30[%get3A_685] {strides = array<i32>} : memref<4608xf32, #tpu.memory_space<vmem>>, vector<16xf32>,
        %get3A_687 = vector.shape_cast %get3A_686 : vector<16xf32> to vector<16xf32>
        %add3A_688 = arith.constant 4608 : i32
        %add3A_689 = arith.addi %add3A_688, %mul3A_527 : i32
        %swap3A_690 = arith.index_cast %add3A_689 : i32 to index
        %swap3A_691 = tpu.vector_load %arg32[%swap3A_690] {strides = array<i32>} : memref<6144xf32, #tpu.memory_space<vmem>>, vector<16xf32>,
        %swap3A_692 = vector.shape_cast %swap3A_691 : vector<16xf32> to vector<16xf32>
        %swap3A_693 = vector.shape_cast %get3A_687 : vector<16xf32> to vector<16xf32>
        tpu.vector_store %arg32[%swap3A_690], %swap3A_693 {strides = array<i32>} : memref<6144xf32, #tpu.memory_space<vmem>>, vector<16xf32>,
        %add3A_694 = arith.constant 3584 : i32
        %add3A_695 = arith.addi %add3A_694, %mul3A_527 : i32
        %get3A_696 = arith.index_cast %add3A_695 : i32 to index
        %get3A_697 = tpu.vector_load %arg30[%get3A_696] {strides = array<i32>} : memref<4608xf32, #tpu.memory_space<vmem>>, vector<16xf32>,
        %get3A_698 = vector.shape_cast %get3A_697 : vector<16xf32> to vector<16xf32>
        %add3A_699 = arith.constant 5120 : i32
        %add3A_700 = arith.addi %add3A_699, %mul3A_527 : i32
        %swap3A_701 = arith.index_cast %add3A_700 : i32 to index
        %swap3A_702 = tpu.vector_load %arg32[%swap3A_701] {strides = array<i32>} : memref<6144xf32, #tpu.memory_space<vmem>>, vector<16xf32>,
        %swap3A_703 = vector.shape_cast %swap3A_702 : vector<16xf32> to vector<16xf32>
        %swap3A_704 = vector.shape_cast %get3A_698 : vector<16xf32> to vector<16xf32>
        tpu.vector_store %arg32[%swap3A_701], %swap3A_704 {strides = array<i32>} : memref<6144xf32, #tpu.memory_space<vmem>>, vector<16xf32>,
        %add3A_705 = arith.constant 4096 : i32
        %add3A_706 = arith.addi %add3A_705, %mul3A_527 : i32
        %get3A_707 = arith.index_cast %add3A_706 : i32 to index
        %get3A_708 = tpu.vector_load %arg30[%get3A_707] {strides = array<i32>} : memref<4608xf32, #tpu.memory_space<vmem>>, vector<16xf32>,
        %get3A_709 = vector.shape_cast %get3A_708 : vector<16xf32> to vector<16xf32>
        %add3A_710 = arith.constant 5632 : i32
        %add3A_711 = arith.addi %add3A_710, %mul3A_527 : i32
        %swap3A_712 = arith.index_cast %add3A_711 : i32 to index
        %swap3A_713 = tpu.vector_load %arg32[%swap3A_712] {strides = array<i32>} : memref<6144xf32, #tpu.memory_space<vmem>>, vector<16xf32>,
        %swap3A_714 = vector.shape_cast %swap3A_713 : vector<16xf32> to vector<16xf32>
        %swap3A_715 = vector.shape_cast %get3A_709 : vector<16xf32> to vector<16xf32>
        tpu.vector_store %arg32[%swap3A_712], %swap3A_715 {strides = array<i32>} : memref<6144xf32, #tpu.memory_space<vmem>>, vector<16xf32>,
      }
      %scan3A_492 = arith.constant 32 : i32
      %mul3A_493 = arith.constant 2048 : i32
      %mul3A_494 = arith.muli %add3A, %mul3A_493 : i32
      %mul3A_495 = arith.constant 512 : i32
      %mul3A_496 = arith.muli %scan3A_48, %mul3A_495 : i32
      %add3A_497 = arith.addi %mul3A_494, %mul3A_496 : i32
      "tpu.region"() ({
        %run_scoped3A = tpu.sem_alloc : memref<!tpu.dma_semaphore, #tpu.memory_space<semaphore_mem>>
        %dma_start3A_522 = arith.constant 0 : i32
        %dma_start3A_523 = tpu.memref_slice %arg19[%add3A_497, %dma_start3A_522] : memref<65536x64xf32, #tpu.memory_space<hbm>> -> memref<512x64xf32, #tpu.memory_space<hbm>>
        %dma_start3A_524 = arith.constant 0 : i32
        %dma_start3A_525 = tpu.memref_slice %arg19[%add3A_497, %dma_start3A_524] : memref<65536x64xf32, #tpu.memory_space<hbm>> -> memref<512x64xf32, #tpu.memory_space<hbm>>
        tpu.enqueue_dma source(%arg31 : memref<512x64xf32, #tpu.memory_space<vmem>>) target(%dma_start3A_525 : memref<512x64xf32, #tpu.memory_space<hbm>>) target_semaphore(%run_scoped3A : memref<!tpu.dma_semaphore, #tpu.memory_space<semaphore_mem>>)
        %dma_wait3A_526 = arith.constant 0 : i32
        %dma_wait3A_527 = tpu.memref_slice %arg19[%add3A_497, %dma_wait3A_526] : memref<65536x64xf32, #tpu.memory_space<hbm>> -> memref<512x64xf32, #tpu.memory_space<hbm>>
        %dma_wait3A_528 = arith.constant 0 : i32
        %dma_wait3A_529 = tpu.memref_slice %arg19[%add3A_497, %dma_wait3A_528] : memref<65536x64xf32, #tpu.memory_space<hbm>> -> memref<512x64xf32, #tpu.memory_space<hbm>>
        tpu.wait_dma2 semaphore(%run_scoped3A : memref<!tpu.dma_semaphore, #tpu.memory_space<semaphore_mem>>) src(%arg31 : memref<512x64xf32, #tpu.memory_space<vmem>>) dst(%dma_wait3A_529 : memref<512x64xf32, #tpu.memory_space<hbm>>)
        tpu.yield
      }) : () -> ()
      %add3A_498 = arith.constant 0 : i32
      %add3A_499 = arith.addi %add3A_498, %add3A_497 : i32
      "tpu.region"() ({
        %run_scoped3A = tpu.sem_alloc : memref<!tpu.dma_semaphore, #tpu.memory_space<semaphore_mem>>
        %dma_start3A_522 = arith.constant 0 : i32
        %dma_start3A_523 = tpu.memref_slice %arg32[%dma_start3A_522] : memref<6144xf32, #tpu.memory_space<vmem>> -> memref<512xf32, #tpu.memory_space<vmem>>
        %dma_start3A_524 = tpu.memref_slice %arg20[%add3A_499] : memref<786432xf32, #tpu.memory_space<hbm>> -> memref<512xf32, #tpu.memory_space<hbm>>
        %dma_start3A_525 = tpu.memref_slice %arg20[%add3A_499] : memref<786432xf32, #tpu.memory_space<hbm>> -> memref<512xf32, #tpu.memory_space<hbm>>
        %dma_start3A_526 = arith.constant 0 : i32
        %dma_start3A_527 = tpu.memref_slice %arg32[%dma_start3A_526] : memref<6144xf32, #tpu.memory_space<vmem>> -> memref<512xf32, #tpu.memory_space<vmem>>
        tpu.enqueue_dma source(%dma_start3A_527 : memref<512xf32, #tpu.memory_space<vmem>>) target(%dma_start3A_525 : memref<512xf32, #tpu.memory_space<hbm>>) target_semaphore(%run_scoped3A : memref<!tpu.dma_semaphore, #tpu.memory_space<semaphore_mem>>)
        %dma_wait3A_528 = arith.constant 0 : i32
        %dma_wait3A_529 = tpu.memref_slice %arg32[%dma_wait3A_528] : memref<6144xf32, #tpu.memory_space<vmem>> -> memref<512xf32, #tpu.memory_space<vmem>>
        %dma_wait3A_530 = tpu.memref_slice %arg20[%add3A_499] : memref<786432xf32, #tpu.memory_space<hbm>> -> memref<512xf32, #tpu.memory_space<hbm>>
        %dma_wait3A_531 = tpu.memref_slice %arg20[%add3A_499] : memref<786432xf32, #tpu.memory_space<hbm>> -> memref<512xf32, #tpu.memory_space<hbm>>
        %dma_wait3A_532 = arith.constant 0 : i32
        %dma_wait3A_533 = tpu.memref_slice %arg32[%dma_wait3A_532] : memref<6144xf32, #tpu.memory_space<vmem>> -> memref<512xf32, #tpu.memory_space<vmem>>
        tpu.wait_dma2 semaphore(%run_scoped3A : memref<!tpu.dma_semaphore, #tpu.memory_space<semaphore_mem>>) src(%dma_wait3A_533 : memref<512xf32, #tpu.memory_space<vmem>>) dst(%dma_wait3A_531 : memref<512xf32, #tpu.memory_space<hbm>>)
        tpu.yield
      }) : () -> ()
      %add3A_500 = arith.constant 65536 : i32
      %add3A_501 = arith.addi %add3A_500, %add3A_497 : i32
      "tpu.region"() ({
        %run_scoped3A = tpu.sem_alloc : memref<!tpu.dma_semaphore, #tpu.memory_space<semaphore_mem>>
        %dma_start3A_522 = arith.constant 512 : i32
        %dma_start3A_523 = tpu.memref_slice %arg32[%dma_start3A_522] : memref<6144xf32, #tpu.memory_space<vmem>> -> memref<512xf32, #tpu.memory_space<vmem>>
        %dma_start3A_524 = tpu.memref_slice %arg20[%add3A_501] : memref<786432xf32, #tpu.memory_space<hbm>> -> memref<512xf32, #tpu.memory_space<hbm>>
        %dma_start3A_525 = tpu.memref_slice %arg20[%add3A_501] : memref<786432xf32, #tpu.memory_space<hbm>> -> memref<512xf32, #tpu.memory_space<hbm>>
        %dma_start3A_526 = arith.constant 512 : i32
        %dma_start3A_527 = tpu.memref_slice %arg32[%dma_start3A_526] : memref<6144xf32, #tpu.memory_space<vmem>> -> memref<512xf32, #tpu.memory_space<vmem>>
        tpu.enqueue_dma source(%dma_start3A_527 : memref<512xf32, #tpu.memory_space<vmem>>) target(%dma_start3A_525 : memref<512xf32, #tpu.memory_space<hbm>>) target_semaphore(%run_scoped3A : memref<!tpu.dma_semaphore, #tpu.memory_space<semaphore_mem>>)
        %dma_wait3A_528 = arith.constant 512 : i32
        %dma_wait3A_529 = tpu.memref_slice %arg32[%dma_wait3A_528] : memref<6144xf32, #tpu.memory_space<vmem>> -> memref<512xf32, #tpu.memory_space<vmem>>
        %dma_wait3A_530 = tpu.memref_slice %arg20[%add3A_501] : memref<786432xf32, #tpu.memory_space<hbm>> -> memref<512xf32, #tpu.memory_space<hbm>>
        %dma_wait3A_531 = tpu.memref_slice %arg20[%add3A_501] : memref<786432xf32, #tpu.memory_space<hbm>> -> memref<512xf32, #tpu.memory_space<hbm>>
        %dma_wait3A_532 = arith.constant 512 : i32
        %dma_wait3A_533 = tpu.memref_slice %arg32[%dma_wait3A_532] : memref<6144xf32, #tpu.memory_space<vmem>> -> memref<512xf32, #tpu.memory_space<vmem>>
        tpu.wait_dma2 semaphore(%run_scoped3A : memref<!tpu.dma_semaphore, #tpu.memory_space<semaphore_mem>>) src(%dma_wait3A_533 : memref<512xf32, #tpu.memory_space<vmem>>) dst(%dma_wait3A_531 : memref<512xf32, #tpu.memory_space<hbm>>)
        tpu.yield
      }) : () -> ()
      %add3A_502 = arith.constant 131072 : i32
      %add3A_503 = arith.addi %add3A_502, %add3A_497 : i32
      "tpu.region"() ({
        %run_scoped3A = tpu.sem_alloc : memref<!tpu.dma_semaphore, #tpu.memory_space<semaphore_mem>>
        %dma_start3A_522 = arith.constant 1024 : i32
        %dma_start3A_523 = tpu.memref_slice %arg32[%dma_start3A_522] : memref<6144xf32, #tpu.memory_space<vmem>> -> memref<512xf32, #tpu.memory_space<vmem>>
        %dma_start3A_524 = tpu.memref_slice %arg20[%add3A_503] : memref<786432xf32, #tpu.memory_space<hbm>> -> memref<512xf32, #tpu.memory_space<hbm>>
        %dma_start3A_525 = tpu.memref_slice %arg20[%add3A_503] : memref<786432xf32, #tpu.memory_space<hbm>> -> memref<512xf32, #tpu.memory_space<hbm>>
        %dma_start3A_526 = arith.constant 1024 : i32
        %dma_start3A_527 = tpu.memref_slice %arg32[%dma_start3A_526] : memref<6144xf32, #tpu.memory_space<vmem>> -> memref<512xf32, #tpu.memory_space<vmem>>
        tpu.enqueue_dma source(%dma_start3A_527 : memref<512xf32, #tpu.memory_space<vmem>>) target(%dma_start3A_525 : memref<512xf32, #tpu.memory_space<hbm>>) target_semaphore(%run_scoped3A : memref<!tpu.dma_semaphore, #tpu.memory_space<semaphore_mem>>)
        %dma_wait3A_528 = arith.constant 1024 : i32
        %dma_wait3A_529 = tpu.memref_slice %arg32[%dma_wait3A_528] : memref<6144xf32, #tpu.memory_space<vmem>> -> memref<512xf32, #tpu.memory_space<vmem>>
        %dma_wait3A_530 = tpu.memref_slice %arg20[%add3A_503] : memref<786432xf32, #tpu.memory_space<hbm>> -> memref<512xf32, #tpu.memory_space<hbm>>
        %dma_wait3A_531 = tpu.memref_slice %arg20[%add3A_503] : memref<786432xf32, #tpu.memory_space<hbm>> -> memref<512xf32, #tpu.memory_space<hbm>>
        %dma_wait3A_532 = arith.constant 1024 : i32
        %dma_wait3A_533 = tpu.memref_slice %arg32[%dma_wait3A_532] : memref<6144xf32, #tpu.memory_space<vmem>> -> memref<512xf32, #tpu.memory_space<vmem>>
        tpu.wait_dma2 semaphore(%run_scoped3A : memref<!tpu.dma_semaphore, #tpu.memory_space<semaphore_mem>>) src(%dma_wait3A_533 : memref<512xf32, #tpu.memory_space<vmem>>) dst(%dma_wait3A_531 : memref<512xf32, #tpu.memory_space<hbm>>)
        tpu.yield
      }) : () -> ()
      %add3A_504 = arith.constant 196608 : i32
      %add3A_505 = arith.addi %add3A_504, %add3A_497 : i32
      "tpu.region"() ({
        %run_scoped3A = tpu.sem_alloc : memref<!tpu.dma_semaphore, #tpu.memory_space<semaphore_mem>>
        %dma_start3A_522 = arith.constant 1536 : i32
        %dma_start3A_523 = tpu.memref_slice %arg32[%dma_start3A_522] : memref<6144xf32, #tpu.memory_space<vmem>> -> memref<512xf32, #tpu.memory_space<vmem>>
        %dma_start3A_524 = tpu.memref_slice %arg20[%add3A_505] : memref<786432xf32, #tpu.memory_space<hbm>> -> memref<512xf32, #tpu.memory_space<hbm>>
        %dma_start3A_525 = tpu.memref_slice %arg20[%add3A_505] : memref<786432xf32, #tpu.memory_space<hbm>> -> memref<512xf32, #tpu.memory_space<hbm>>
        %dma_start3A_526 = arith.constant 1536 : i32
        %dma_start3A_527 = tpu.memref_slice %arg32[%dma_start3A_526] : memref<6144xf32, #tpu.memory_space<vmem>> -> memref<512xf32, #tpu.memory_space<vmem>>
        tpu.enqueue_dma source(%dma_start3A_527 : memref<512xf32, #tpu.memory_space<vmem>>) target(%dma_start3A_525 : memref<512xf32, #tpu.memory_space<hbm>>) target_semaphore(%run_scoped3A : memref<!tpu.dma_semaphore, #tpu.memory_space<semaphore_mem>>)
        %dma_wait3A_528 = arith.constant 1536 : i32
        %dma_wait3A_529 = tpu.memref_slice %arg32[%dma_wait3A_528] : memref<6144xf32, #tpu.memory_space<vmem>> -> memref<512xf32, #tpu.memory_space<vmem>>
        %dma_wait3A_530 = tpu.memref_slice %arg20[%add3A_505] : memref<786432xf32, #tpu.memory_space<hbm>> -> memref<512xf32, #tpu.memory_space<hbm>>
        %dma_wait3A_531 = tpu.memref_slice %arg20[%add3A_505] : memref<786432xf32, #tpu.memory_space<hbm>> -> memref<512xf32, #tpu.memory_space<hbm>>
        %dma_wait3A_532 = arith.constant 1536 : i32
        %dma_wait3A_533 = tpu.memref_slice %arg32[%dma_wait3A_532] : memref<6144xf32, #tpu.memory_space<vmem>> -> memref<512xf32, #tpu.memory_space<vmem>>
        tpu.wait_dma2 semaphore(%run_scoped3A : memref<!tpu.dma_semaphore, #tpu.memory_space<semaphore_mem>>) src(%dma_wait3A_533 : memref<512xf32, #tpu.memory_space<vmem>>) dst(%dma_wait3A_531 : memref<512xf32, #tpu.memory_space<hbm>>)
        tpu.yield
      }) : () -> ()
      %add3A_506 = arith.constant 262144 : i32
      %add3A_507 = arith.addi %add3A_506, %add3A_497 : i32
      "tpu.region"() ({
        %run_scoped3A = tpu.sem_alloc : memref<!tpu.dma_semaphore, #tpu.memory_space<semaphore_mem>>
        %dma_start3A_522 = arith.constant 2048 : i32
        %dma_start3A_523 = tpu.memref_slice %arg32[%dma_start3A_522] : memref<6144xf32, #tpu.memory_space<vmem>> -> memref<512xf32, #tpu.memory_space<vmem>>
        %dma_start3A_524 = tpu.memref_slice %arg20[%add3A_507] : memref<786432xf32, #tpu.memory_space<hbm>> -> memref<512xf32, #tpu.memory_space<hbm>>
        %dma_start3A_525 = tpu.memref_slice %arg20[%add3A_507] : memref<786432xf32, #tpu.memory_space<hbm>> -> memref<512xf32, #tpu.memory_space<hbm>>
        %dma_start3A_526 = arith.constant 2048 : i32
        %dma_start3A_527 = tpu.memref_slice %arg32[%dma_start3A_526] : memref<6144xf32, #tpu.memory_space<vmem>> -> memref<512xf32, #tpu.memory_space<vmem>>
        tpu.enqueue_dma source(%dma_start3A_527 : memref<512xf32, #tpu.memory_space<vmem>>) target(%dma_start3A_525 : memref<512xf32, #tpu.memory_space<hbm>>) target_semaphore(%run_scoped3A : memref<!tpu.dma_semaphore, #tpu.memory_space<semaphore_mem>>)
        %dma_wait3A_528 = arith.constant 2048 : i32
        %dma_wait3A_529 = tpu.memref_slice %arg32[%dma_wait3A_528] : memref<6144xf32, #tpu.memory_space<vmem>> -> memref<512xf32, #tpu.memory_space<vmem>>
        %dma_wait3A_530 = tpu.memref_slice %arg20[%add3A_507] : memref<786432xf32, #tpu.memory_space<hbm>> -> memref<512xf32, #tpu.memory_space<hbm>>
        %dma_wait3A_531 = tpu.memref_slice %arg20[%add3A_507] : memref<786432xf32, #tpu.memory_space<hbm>> -> memref<512xf32, #tpu.memory_space<hbm>>
        %dma_wait3A_532 = arith.constant 2048 : i32
        %dma_wait3A_533 = tpu.memref_slice %arg32[%dma_wait3A_532] : memref<6144xf32, #tpu.memory_space<vmem>> -> memref<512xf32, #tpu.memory_space<vmem>>
        tpu.wait_dma2 semaphore(%run_scoped3A : memref<!tpu.dma_semaphore, #tpu.memory_space<semaphore_mem>>) src(%dma_wait3A_533 : memref<512xf32, #tpu.memory_space<vmem>>) dst(%dma_wait3A_531 : memref<512xf32, #tpu.memory_space<hbm>>)
        tpu.yield
      }) : () -> ()
      %add3A_508 = arith.constant 327680 : i32
      %add3A_509 = arith.addi %add3A_508, %add3A_497 : i32
      "tpu.region"() ({
        %run_scoped3A = tpu.sem_alloc : memref<!tpu.dma_semaphore, #tpu.memory_space<semaphore_mem>>
        %dma_start3A_522 = arith.constant 2560 : i32
        %dma_start3A_523 = tpu.memref_slice %arg32[%dma_start3A_522] : memref<6144xf32, #tpu.memory_space<vmem>> -> memref<512xf32, #tpu.memory_space<vmem>>
        %dma_start3A_524 = tpu.memref_slice %arg20[%add3A_509] : memref<786432xf32, #tpu.memory_space<hbm>> -> memref<512xf32, #tpu.memory_space<hbm>>
        %dma_start3A_525 = tpu.memref_slice %arg20[%add3A_509] : memref<786432xf32, #tpu.memory_space<hbm>> -> memref<512xf32, #tpu.memory_space<hbm>>
        %dma_start3A_526 = arith.constant 2560 : i32
        %dma_start3A_527 = tpu.memref_slice %arg32[%dma_start3A_526] : memref<6144xf32, #tpu.memory_space<vmem>> -> memref<512xf32, #tpu.memory_space<vmem>>
        tpu.enqueue_dma source(%dma_start3A_527 : memref<512xf32, #tpu.memory_space<vmem>>) target(%dma_start3A_525 : memref<512xf32, #tpu.memory_space<hbm>>) target_semaphore(%run_scoped3A : memref<!tpu.dma_semaphore, #tpu.memory_space<semaphore_mem>>)
        %dma_wait3A_528 = arith.constant 2560 : i32
        %dma_wait3A_529 = tpu.memref_slice %arg32[%dma_wait3A_528] : memref<6144xf32, #tpu.memory_space<vmem>> -> memref<512xf32, #tpu.memory_space<vmem>>
        %dma_wait3A_530 = tpu.memref_slice %arg20[%add3A_509] : memref<786432xf32, #tpu.memory_space<hbm>> -> memref<512xf32, #tpu.memory_space<hbm>>
        %dma_wait3A_531 = tpu.memref_slice %arg20[%add3A_509] : memref<786432xf32, #tpu.memory_space<hbm>> -> memref<512xf32, #tpu.memory_space<hbm>>
        %dma_wait3A_532 = arith.constant 2560 : i32
        %dma_wait3A_533 = tpu.memref_slice %arg32[%dma_wait3A_532] : memref<6144xf32, #tpu.memory_space<vmem>> -> memref<512xf32, #tpu.memory_space<vmem>>
        tpu.wait_dma2 semaphore(%run_scoped3A : memref<!tpu.dma_semaphore, #tpu.memory_space<semaphore_mem>>) src(%dma_wait3A_533 : memref<512xf32, #tpu.memory_space<vmem>>) dst(%dma_wait3A_531 : memref<512xf32, #tpu.memory_space<hbm>>)
        tpu.yield
      }) : () -> ()
      %add3A_510 = arith.constant 393216 : i32
      %add3A_511 = arith.addi %add3A_510, %add3A_497 : i32
      "tpu.region"() ({
        %run_scoped3A = tpu.sem_alloc : memref<!tpu.dma_semaphore, #tpu.memory_space<semaphore_mem>>
        %dma_start3A_522 = arith.constant 3072 : i32
        %dma_start3A_523 = tpu.memref_slice %arg32[%dma_start3A_522] : memref<6144xf32, #tpu.memory_space<vmem>> -> memref<512xf32, #tpu.memory_space<vmem>>
        %dma_start3A_524 = tpu.memref_slice %arg20[%add3A_511] : memref<786432xf32, #tpu.memory_space<hbm>> -> memref<512xf32, #tpu.memory_space<hbm>>
        %dma_start3A_525 = tpu.memref_slice %arg20[%add3A_511] : memref<786432xf32, #tpu.memory_space<hbm>> -> memref<512xf32, #tpu.memory_space<hbm>>
        %dma_start3A_526 = arith.constant 3072 : i32
        %dma_start3A_527 = tpu.memref_slice %arg32[%dma_start3A_526] : memref<6144xf32, #tpu.memory_space<vmem>> -> memref<512xf32, #tpu.memory_space<vmem>>
        tpu.enqueue_dma source(%dma_start3A_527 : memref<512xf32, #tpu.memory_space<vmem>>) target(%dma_start3A_525 : memref<512xf32, #tpu.memory_space<hbm>>) target_semaphore(%run_scoped3A : memref<!tpu.dma_semaphore, #tpu.memory_space<semaphore_mem>>)
        %dma_wait3A_528 = arith.constant 3072 : i32
        %dma_wait3A_529 = tpu.memref_slice %arg32[%dma_wait3A_528] : memref<6144xf32, #tpu.memory_space<vmem>> -> memref<512xf32, #tpu.memory_space<vmem>>
        %dma_wait3A_530 = tpu.memref_slice %arg20[%add3A_511] : memref<786432xf32, #tpu.memory_space<hbm>> -> memref<512xf32, #tpu.memory_space<hbm>>
        %dma_wait3A_531 = tpu.memref_slice %arg20[%add3A_511] : memref<786432xf32, #tpu.memory_space<hbm>> -> memref<512xf32, #tpu.memory_space<hbm>>
        %dma_wait3A_532 = arith.constant 3072 : i32
        %dma_wait3A_533 = tpu.memref_slice %arg32[%dma_wait3A_532] : memref<6144xf32, #tpu.memory_space<vmem>> -> memref<512xf32, #tpu.memory_space<vmem>>
        tpu.wait_dma2 semaphore(%run_scoped3A : memref<!tpu.dma_semaphore, #tpu.memory_space<semaphore_mem>>) src(%dma_wait3A_533 : memref<512xf32, #tpu.memory_space<vmem>>) dst(%dma_wait3A_531 : memref<512xf32, #tpu.memory_space<hbm>>)
        tpu.yield
      }) : () -> ()
      %add3A_512 = arith.constant 458752 : i32
      %add3A_513 = arith.addi %add3A_512, %add3A_497 : i32
      "tpu.region"() ({
        %run_scoped3A = tpu.sem_alloc : memref<!tpu.dma_semaphore, #tpu.memory_space<semaphore_mem>>
        %dma_start3A_522 = arith.constant 3584 : i32
        %dma_start3A_523 = tpu.memref_slice %arg32[%dma_start3A_522] : memref<6144xf32, #tpu.memory_space<vmem>> -> memref<512xf32, #tpu.memory_space<vmem>>
        %dma_start3A_524 = tpu.memref_slice %arg20[%add3A_513] : memref<786432xf32, #tpu.memory_space<hbm>> -> memref<512xf32, #tpu.memory_space<hbm>>
        %dma_start3A_525 = tpu.memref_slice %arg20[%add3A_513] : memref<786432xf32, #tpu.memory_space<hbm>> -> memref<512xf32, #tpu.memory_space<hbm>>
        %dma_start3A_526 = arith.constant 3584 : i32
        %dma_start3A_527 = tpu.memref_slice %arg32[%dma_start3A_526] : memref<6144xf32, #tpu.memory_space<vmem>> -> memref<512xf32, #tpu.memory_space<vmem>>
        tpu.enqueue_dma source(%dma_start3A_527 : memref<512xf32, #tpu.memory_space<vmem>>) target(%dma_start3A_525 : memref<512xf32, #tpu.memory_space<hbm>>) target_semaphore(%run_scoped3A : memref<!tpu.dma_semaphore, #tpu.memory_space<semaphore_mem>>)
        %dma_wait3A_528 = arith.constant 3584 : i32
        %dma_wait3A_529 = tpu.memref_slice %arg32[%dma_wait3A_528] : memref<6144xf32, #tpu.memory_space<vmem>> -> memref<512xf32, #tpu.memory_space<vmem>>
        %dma_wait3A_530 = tpu.memref_slice %arg20[%add3A_513] : memref<786432xf32, #tpu.memory_space<hbm>> -> memref<512xf32, #tpu.memory_space<hbm>>
        %dma_wait3A_531 = tpu.memref_slice %arg20[%add3A_513] : memref<786432xf32, #tpu.memory_space<hbm>> -> memref<512xf32, #tpu.memory_space<hbm>>
        %dma_wait3A_532 = arith.constant 3584 : i32
        %dma_wait3A_533 = tpu.memref_slice %arg32[%dma_wait3A_532] : memref<6144xf32, #tpu.memory_space<vmem>> -> memref<512xf32, #tpu.memory_space<vmem>>
        tpu.wait_dma2 semaphore(%run_scoped3A : memref<!tpu.dma_semaphore, #tpu.memory_space<semaphore_mem>>) src(%dma_wait3A_533 : memref<512xf32, #tpu.memory_space<vmem>>) dst(%dma_wait3A_531 : memref<512xf32, #tpu.memory_space<hbm>>)
        tpu.yield
      }) : () -> ()
      %add3A_514 = arith.constant 524288 : i32
      %add3A_515 = arith.addi %add3A_514, %add3A_497 : i32
      "tpu.region"() ({
        %run_scoped3A = tpu.sem_alloc : memref<!tpu.dma_semaphore, #tpu.memory_space<semaphore_mem>>
        %dma_start3A_522 = arith.constant 4096 : i32
        %dma_start3A_523 = tpu.memref_slice %arg32[%dma_start3A_522] : memref<6144xf32, #tpu.memory_space<vmem>> -> memref<512xf32, #tpu.memory_space<vmem>>
        %dma_start3A_524 = tpu.memref_slice %arg20[%add3A_515] : memref<786432xf32, #tpu.memory_space<hbm>> -> memref<512xf32, #tpu.memory_space<hbm>>
        %dma_start3A_525 = tpu.memref_slice %arg20[%add3A_515] : memref<786432xf32, #tpu.memory_space<hbm>> -> memref<512xf32, #tpu.memory_space<hbm>>
        %dma_start3A_526 = arith.constant 4096 : i32
        %dma_start3A_527 = tpu.memref_slice %arg32[%dma_start3A_526] : memref<6144xf32, #tpu.memory_space<vmem>> -> memref<512xf32, #tpu.memory_space<vmem>>
        tpu.enqueue_dma source(%dma_start3A_527 : memref<512xf32, #tpu.memory_space<vmem>>) target(%dma_start3A_525 : memref<512xf32, #tpu.memory_space<hbm>>) target_semaphore(%run_scoped3A : memref<!tpu.dma_semaphore, #tpu.memory_space<semaphore_mem>>)
        %dma_wait3A_528 = arith.constant 4096 : i32
        %dma_wait3A_529 = tpu.memref_slice %arg32[%dma_wait3A_528] : memref<6144xf32, #tpu.memory_space<vmem>> -> memref<512xf32, #tpu.memory_space<vmem>>
        %dma_wait3A_530 = tpu.memref_slice %arg20[%add3A_515] : memref<786432xf32, #tpu.memory_space<hbm>> -> memref<512xf32, #tpu.memory_space<hbm>>
        %dma_wait3A_531 = tpu.memref_slice %arg20[%add3A_515] : memref<786432xf32, #tpu.memory_space<hbm>> -> memref<512xf32, #tpu.memory_space<hbm>>
        %dma_wait3A_532 = arith.constant 4096 : i32
        %dma_wait3A_533 = tpu.memref_slice %arg32[%dma_wait3A_532] : memref<6144xf32, #tpu.memory_space<vmem>> -> memref<512xf32, #tpu.memory_space<vmem>>
        tpu.wait_dma2 semaphore(%run_scoped3A : memref<!tpu.dma_semaphore, #tpu.memory_space<semaphore_mem>>) src(%dma_wait3A_533 : memref<512xf32, #tpu.memory_space<vmem>>) dst(%dma_wait3A_531 : memref<512xf32, #tpu.memory_space<hbm>>)
        tpu.yield
      }) : () -> ()
      %add3A_516 = arith.constant 589824 : i32
      %add3A_517 = arith.addi %add3A_516, %add3A_497 : i32
      "tpu.region"() ({
        %run_scoped3A = tpu.sem_alloc : memref<!tpu.dma_semaphore, #tpu.memory_space<semaphore_mem>>
        %dma_start3A_522 = arith.constant 4608 : i32
        %dma_start3A_523 = tpu.memref_slice %arg32[%dma_start3A_522] : memref<6144xf32, #tpu.memory_space<vmem>> -> memref<512xf32, #tpu.memory_space<vmem>>
        %dma_start3A_524 = tpu.memref_slice %arg20[%add3A_517] : memref<786432xf32, #tpu.memory_space<hbm>> -> memref<512xf32, #tpu.memory_space<hbm>>
        %dma_start3A_525 = tpu.memref_slice %arg20[%add3A_517] : memref<786432xf32, #tpu.memory_space<hbm>> -> memref<512xf32, #tpu.memory_space<hbm>>
        %dma_start3A_526 = arith.constant 4608 : i32
        %dma_start3A_527 = tpu.memref_slice %arg32[%dma_start3A_526] : memref<6144xf32, #tpu.memory_space<vmem>> -> memref<512xf32, #tpu.memory_space<vmem>>
        tpu.enqueue_dma source(%dma_start3A_527 : memref<512xf32, #tpu.memory_space<vmem>>) target(%dma_start3A_525 : memref<512xf32, #tpu.memory_space<hbm>>) target_semaphore(%run_scoped3A : memref<!tpu.dma_semaphore, #tpu.memory_space<semaphore_mem>>)
        %dma_wait3A_528 = arith.constant 4608 : i32
        %dma_wait3A_529 = tpu.memref_slice %arg32[%dma_wait3A_528] : memref<6144xf32, #tpu.memory_space<vmem>> -> memref<512xf32, #tpu.memory_space<vmem>>
        %dma_wait3A_530 = tpu.memref_slice %arg20[%add3A_517] : memref<786432xf32, #tpu.memory_space<hbm>> -> memref<512xf32, #tpu.memory_space<hbm>>
        %dma_wait3A_531 = tpu.memref_slice %arg20[%add3A_517] : memref<786432xf32, #tpu.memory_space<hbm>> -> memref<512xf32, #tpu.memory_space<hbm>>
        %dma_wait3A_532 = arith.constant 4608 : i32
        %dma_wait3A_533 = tpu.memref_slice %arg32[%dma_wait3A_532] : memref<6144xf32, #tpu.memory_space<vmem>> -> memref<512xf32, #tpu.memory_space<vmem>>
        tpu.wait_dma2 semaphore(%run_scoped3A : memref<!tpu.dma_semaphore, #tpu.memory_space<semaphore_mem>>) src(%dma_wait3A_533 : memref<512xf32, #tpu.memory_space<vmem>>) dst(%dma_wait3A_531 : memref<512xf32, #tpu.memory_space<hbm>>)
        tpu.yield
      }) : () -> ()
      %add3A_518 = arith.constant 655360 : i32
      %add3A_519 = arith.addi %add3A_518, %add3A_497 : i32
      "tpu.region"() ({
        %run_scoped3A = tpu.sem_alloc : memref<!tpu.dma_semaphore, #tpu.memory_space<semaphore_mem>>
        %dma_start3A_522 = arith.constant 5120 : i32
        %dma_start3A_523 = tpu.memref_slice %arg32[%dma_start3A_522] : memref<6144xf32, #tpu.memory_space<vmem>> -> memref<512xf32, #tpu.memory_space<vmem>>
        %dma_start3A_524 = tpu.memref_slice %arg20[%add3A_519] : memref<786432xf32, #tpu.memory_space<hbm>> -> memref<512xf32, #tpu.memory_space<hbm>>
        %dma_start3A_525 = tpu.memref_slice %arg20[%add3A_519] : memref<786432xf32, #tpu.memory_space<hbm>> -> memref<512xf32, #tpu.memory_space<hbm>>
        %dma_start3A_526 = arith.constant 5120 : i32
        %dma_start3A_527 = tpu.memref_slice %arg32[%dma_start3A_526] : memref<6144xf32, #tpu.memory_space<vmem>> -> memref<512xf32, #tpu.memory_space<vmem>>
        tpu.enqueue_dma source(%dma_start3A_527 : memref<512xf32, #tpu.memory_space<vmem>>) target(%dma_start3A_525 : memref<512xf32, #tpu.memory_space<hbm>>) target_semaphore(%run_scoped3A : memref<!tpu.dma_semaphore, #tpu.memory_space<semaphore_mem>>)
        %dma_wait3A_528 = arith.constant 5120 : i32
        %dma_wait3A_529 = tpu.memref_slice %arg32[%dma_wait3A_528] : memref<6144xf32, #tpu.memory_space<vmem>> -> memref<512xf32, #tpu.memory_space<vmem>>
        %dma_wait3A_530 = tpu.memref_slice %arg20[%add3A_519] : memref<786432xf32, #tpu.memory_space<hbm>> -> memref<512xf32, #tpu.memory_space<hbm>>
        %dma_wait3A_531 = tpu.memref_slice %arg20[%add3A_519] : memref<786432xf32, #tpu.memory_space<hbm>> -> memref<512xf32, #tpu.memory_space<hbm>>
        %dma_wait3A_532 = arith.constant 5120 : i32
        %dma_wait3A_533 = tpu.memref_slice %arg32[%dma_wait3A_532] : memref<6144xf32, #tpu.memory_space<vmem>> -> memref<512xf32, #tpu.memory_space<vmem>>
        tpu.wait_dma2 semaphore(%run_scoped3A : memref<!tpu.dma_semaphore, #tpu.memory_space<semaphore_mem>>) src(%dma_wait3A_533 : memref<512xf32, #tpu.memory_space<vmem>>) dst(%dma_wait3A_531 : memref<512xf32, #tpu.memory_space<hbm>>)
        tpu.yield
      }) : () -> ()
      %add3A_520 = arith.constant 720896 : i32
      %add3A_521 = arith.addi %add3A_520, %add3A_497 : i32
      "tpu.region"() ({
        %run_scoped3A = tpu.sem_alloc : memref<!tpu.dma_semaphore, #tpu.memory_space<semaphore_mem>>
        %dma_start3A_522 = arith.constant 5632 : i32
        %dma_start3A_523 = tpu.memref_slice %arg32[%dma_start3A_522] : memref<6144xf32, #tpu.memory_space<vmem>> -> memref<512xf32, #tpu.memory_space<vmem>>
        %dma_start3A_524 = tpu.memref_slice %arg20[%add3A_521] : memref<786432xf32, #tpu.memory_space<hbm>> -> memref<512xf32, #tpu.memory_space<hbm>>
        %dma_start3A_525 = tpu.memref_slice %arg20[%add3A_521] : memref<786432xf32, #tpu.memory_space<hbm>> -> memref<512xf32, #tpu.memory_space<hbm>>
        %dma_start3A_526 = arith.constant 5632 : i32
        %dma_start3A_527 = tpu.memref_slice %arg32[%dma_start3A_526] : memref<6144xf32, #tpu.memory_space<vmem>> -> memref<512xf32, #tpu.memory_space<vmem>>
        tpu.enqueue_dma source(%dma_start3A_527 : memref<512xf32, #tpu.memory_space<vmem>>) target(%dma_start3A_525 : memref<512xf32, #tpu.memory_space<hbm>>) target_semaphore(%run_scoped3A : memref<!tpu.dma_semaphore, #tpu.memory_space<semaphore_mem>>)
        %dma_wait3A_528 = arith.constant 5632 : i32
        %dma_wait3A_529 = tpu.memref_slice %arg32[%dma_wait3A_528] : memref<6144xf32, #tpu.memory_space<vmem>> -> memref<512xf32, #tpu.memory_space<vmem>>
        %dma_wait3A_530 = tpu.memref_slice %arg20[%add3A_521] : memref<786432xf32, #tpu.memory_space<hbm>> -> memref<512xf32, #tpu.memory_space<hbm>>
        %dma_wait3A_531 = tpu.memref_slice %arg20[%add3A_521] : memref<786432xf32, #tpu.memory_space<hbm>> -> memref<512xf32, #tpu.memory_space<hbm>>
        %dma_wait3A_532 = arith.constant 5632 : i32
        %dma_wait3A_533 = tpu.memref_slice %arg32[%dma_wait3A_532] : memref<6144xf32, #tpu.memory_space<vmem>> -> memref<512xf32, #tpu.memory_space<vmem>>
        tpu.wait_dma2 semaphore(%run_scoped3A : memref<!tpu.dma_semaphore, #tpu.memory_space<semaphore_mem>>) src(%dma_wait3A_533 : memref<512xf32, #tpu.memory_space<vmem>>) dst(%dma_wait3A_531 : memref<512xf32, #tpu.memory_space<hbm>>)
        tpu.yield
      }) : () -> ()
    }
    %scan3A_47 = arith.constant 4 : i32
    return
  }
}

</mosaic_0001>

<sc_bundles>
// kernel: kernel.3.cloned.1.call-start
scs
__scs_entry_jumppad:
0x0: {  	(pc) =	sbr.rel $0x88, $3  }
0x1: {  	(tag) =	ssettag $0x0;
	lr =	simm.s32 $0x1  }
0x2: {  	[smem:$0x3F99] =	sst lr;
	_ =	strace $0xD0000000  }
0x3: {  	_ = 	snop  }
0x4: {  	_ = 	snop  }
0x5: {  	_ = 	snop  }
0x6: {  	_ = 	snop  }
0x7: {  	_ = 	snop  }
__scs_overlays_trampoline_lowered:
0x8: {  	[smem:$0x3FA8] =	sst s0  }
0x9: {  	[smem:$0x3FA9] =	sst s1  }
0xa: {  	[smem:$0x3FAA] =	sst s2  }
0xb: {  	[smem:$0x3FAB] =	sst s3  }
0xc: {  	[smem:$0x3FAC] =	sst s4  }
0xd: {  	[smem:$0x3FAD] =	sst s5  }
0xe: {  	[smem:$0x3FAE] =	sst s6  }
0xf: {  	[smem:$0x3FAF] =	sst s7  }
0x10: {  	[smem:$0x3FB0] =	sst s8  }
0x11: {  	[smem:$0x3FB1] =	sst s9;
	s0 =	simm.s32 @!p0 $0x0  }
0x12: {  	s1 =	sld [smem:$0x3F97];
	s0 =	simm.s32 @p0 $0x1  }
0x13: {  	[smem:$0x3FB2] =	sst s0;
	s0 =	simm.s32 @!p1 $0x0  }
0x14: {  	s2 =	sld [smem:$0x3F96];
	s0 =	simm.s32 @p1 $0x1  }
0x15: {  	[smem:$0x3FB3] =	sst s0;
	s0 =	simm.s32 @!p2 $0x0  }
0x16: {  	s3 =	sld [smem:$0x3FDB];
	s0 =	simm.s32 @p2 $0x1  }
0x17: {  	s4 =	simm.s32 $0x1BF5;
	[smem:$0x3FB5] =	sst s0  }
0x18: {  	s0 =	sld [smem:$0x3F98];
	_ =	swait.ge [sflag:s4], $0x0  }
0x19: {  	s7 =	sld [smem:$0x3F99]  }
0x1a: {  	s8 =	sadd.s32 $0xFFFFE003, lr  }
0x1b: {  	s9 =	sadd.s32 $0xFFFFFEF7, lr;
	s5 =	simm.s32 $0xFFFFFFFF;
	p2 =	slt.u32 s8, $0xFFFFF086  }
0x1c: {  	p1 =	slt.u32 s9, $0xF7A;
	s5 =	simm.s32 @!p2 $0x0  }
0x1d: {  	s5 =	simm.s32 @p1 $0x1;
	p0 =	seq.s32 s7, s2  }
0x1e: {  	s7 =	smul.u32 @!p0 $0xF7A, s2;
	p2 =	seq.s32 @!p0 s5, $0x0  }
0x1f: {  	s9 =	smul.u32 $0xF7A, s1;
	s8 =	simm.s32 @!p0 $0x1BF5;
	p2 =	por !p2, p0  }
0x20: {  	[sflag:s8] =	ssyncset.s32 @!p0 $0xFFFFF086;
	s6 =	sadd.s32 @!p0 s3, s7;
	s7 =	simm.s32 @!p0 $0x108  }
0x21: {  	s3 =	sadd.s32 s3, s9;
	s6 =	sadd.s32 @!p0 $0x88, s6;
	s7 =	simm.s32 @p2 $0x1082  }
0x22: {  	[simem:s7], [sflag:s8] =	dma.local @!p0 [hbm:s6], $0xF7A  }
0x23: {  	s9 =	sor.u32 $0xD0000000, s2;
	s6 =	simm.s32 $0x108;
	_ =	swait.ge @!p0 [sflag:s8], $0x0  }
0x24: {  	s3 =	sadd.s32 $0x88, s3;
	s6 =	simm.s32 @!p1 $0x1082;
	[sflag:s4] =	ssyncset.s32 $0xFFFFF086  }
0x25: {  	[simem:s6], [sflag:s4] =	dma.local [hbm:s3], $0xF7A  }
0x26: {  	[smem:$0x3F99] =	sst s1;
	(tag) =	ssettag s2;
	_ =	strace s9  }
0x27: {  	s1 =	sld [smem:$0x3FA9]  }
0x28: {  	s2 =	sld [smem:$0x3FAA]  }
0x29: {  	s4 =	sld [smem:$0x3FAC]  }
0x2a: {  	p0 =	seq.s32 s5, $0x0;
	s5 =	sld [smem:$0x3FAD]  }
0x2b: {  	s6 =	sld [smem:$0x3FAE]  }
0x2c: {  	s7 =	sld [smem:$0x3FAF]  }
0x2d: {  	s3 =	simm.s32 $0x108;
	s8 =	sld [smem:$0x3FB0]  }
0x2e: {  	s3 =	simm.s32 @!p0 $0x1082;
	s9 =	sld [smem:$0x3FB1]  }
0x2f: {  	lr =	sadd.s32 s0, s3;
	s0 =	sld [smem:$0x3FA8]  }
0x30: {  	s3 =	sld [smem:$0x3FAB]  }
0x31: {  	[smem:$0x3FB4] =	sst s10  }
0x32: {  	s10 =	sld [smem:$0x3FB2];
	_ =	sdelay $0x3  }
0x33: {  	p0 =	seq.s32 s10, $0x1;
	s10 =	sld [smem:$0x3FB4];
	_ =	sdelay $0x3  }
0x34: {  	[smem:$0x3FB4] =	sst s10  }
0x35: {  	s10 =	sld [smem:$0x3FB3];
	_ =	sdelay $0x3  }
0x36: {  	p1 =	seq.s32 s10, $0x1;
	s10 =	sld [smem:$0x3FB4];
	_ =	sdelay $0x3  }
0x37: {  	[smem:$0x3FB4] =	sst s10  }
0x38: {  	s10 =	sld [smem:$0x3FB5]  }
0x39: {  	_ = 	snop;
	(pc) =	sbr.ind lr, $3  }
0x3a: {  	_ = 	snop  }
0x3b: {  	_ = 	snop  }
0x3c: {  	p2 =	seq.s32 s10, $0x1;
	s10 =	sld [smem:$0x3FB4]  }
0x3d: {  	_ =	shalt  }
0x3e: {  	_ =	shalt  }
0x3f: {  	_ =	shalt  }
0x40: {  	_ =	shalt  }
0x41: {  	_ =	shalt  }
0x42: {  	_ =	shalt  }
0x43: {  	_ =	shalt  }
0x44: {  	_ =	shalt  }
0x45: {  	_ =	shalt  }
0x46: {  	_ =	shalt  }
0x47: {  	_ =	shalt  }
0x48: {  	_ =	shalt  }
0x49: {  	_ =	shalt  }
0x4a: {  	_ =	shalt  }
0x4b: {  	_ =	shalt  }
0x4c: {  	_ =	shalt  }
0x4d: {  	_ =	shalt  }
0x4e: {  	_ =	shalt  }
0x4f: {  	_ =	shalt  }
0x50: {  	_ =	shalt  }
0x51: {  	_ =	shalt  }
0x52: {  	_ =	shalt  }
0x53: {  	_ =	shalt  }
0x54: {  	_ =	shalt  }
0x55: {  	_ =	shalt  }
0x56: {  	_ =	shalt  }
0x57: {  	_ =	shalt  }
0x58: {  	_ =	shalt  }
0x59: {  	_ =	shalt  }
0x5a: {  	_ =	shalt  }
0x5b: {  	_ =	shalt  }
0x5c: {  	_ =	shalt  }
0x5d: {  	_ =	shalt  }
0x5e: {  	_ =	shalt  }
0x5f: {  	_ =	shalt  }
0x60: {  	_ =	shalt  }
0x61: {  	_ =	shalt  }
0x62: {  	_ =	shalt  }
0x63: {  	_ =	shalt  }
0x64: {  	_ =	shalt  }
0x65: {  	_ =	shalt  }
0x66: {  	_ =	shalt  }
0x67: {  	_ =	shalt  }
0x68: {  	_ =	shalt  }
0x69: {  	_ =	shalt  }
0x6a: {  	_ =	shalt  }
0x6b: {  	_ =	shalt  }
0x6c: {  	_ =	shalt  }
0x6d: {  	_ =	shalt  }
0x6e: {  	_ =	shalt  }
0x6f: {  	_ =	shalt  }
0x70: {  	_ =	shalt  }
0x71: {  	_ =	shalt  }
0x72: {  	_ =	shalt  }
0x73: {  	_ =	shalt  }
0x74: {  	_ =	shalt  }
0x75: {  	_ =	shalt  }
0x76: {  	_ =	shalt  }
0x77: {  	_ =	shalt  }
0x78: {  	_ =	shalt  }
0x79: {  	_ =	shalt  }
0x7a: {  	_ =	shalt  }
0x7b: {  	_ =	shalt  }
0x7c: {  	_ =	shalt  }
0x7d: {  	_ =	shalt  }
0x7e: {  	_ =	shalt  }
0x7f: {  	_ =	shalt  }
0x80: {  	_ =	shalt  }
0x81: {  	_ =	shalt  }
0x82: {  	_ =	shalt  }
0x83: {  	_ =	shalt  }
0x84: {  	_ =	shalt  }
0x85: {  	_ =	shalt  }
0x86: {  	_ =	shalt  }
0x87: {  	_ =	shalt  }
.Lfunc_end0:
.L_simem_size_0:
called_computation_lowered:
.L_overlay_start_0:
0x88: {  	s2 =	sld [smem:$0x3FD9]  }
0x89: {  	s3 =	sld [smem:$0x3FFE];
	_ =	sdelay $0x1  }
0x8a: {  	s1 =	srdreg.scid  }
0x8b: {  	s0 =	sand.u32 $0x1, s1  }
0x8c: {  	s17 =	sshll.u32 s0, $0xA;
	s2 =	sadd.s32 s3, s2  }
0x8d: {  	s2 =	sadd.s32 s2, s17  }
0x8e: {  	[smem:$0x3FC0] =	sst s2  }
0x8f: {  	_ = 	snop  }
0x90: {  	s2 =	sld [smem:$0x3FD0];
	(tm) =	ssettm $0x1  }
0x91: {  	s18 =	sld [smem:$0x3FFB];
	_ =	sdelay $0x3  }
0x92: {  	_ =	strace s18  }
0x93: {  	s3 =	sld [smem:$0x3FFC];
	_ =	sdelay $0x3  }
0x94: {  	_ =	strace s3  }
0x95: {  	s3 =	sld [smem:$0x3FFD];
	_ =	sdelay $0x3  }
0x96: {  	_ =	strace s3  }
0x97: {  	_ =	strace $0x8FFFFFFF  }
0x98: {  	s19 =	sld [smem:$0x3FDB];
	_ =	sdelay $0x1  }
0x99: {  	s4 =	simm.s32 $_scs_section_size  }
0x9a: {  	s5 =	simm.s32 $_size__tile_overlayer_lowered;
	s6 =	simm.s32 $_tile_overlayer_lowered  }
0x9b: {  	s22 =	simm.s32 $0x1BFF;
	s21 =	sshll.u32 s6, $0x1;
	s3 =	sadd.s32 s4, s19  }
0x9c: {  	s7 =	simm.s32 $0x0;
	s20 =	sshll.u32 s5, $0x1;
	s5 =	sadd.s32 s21, s3  }
0x9d: {  	[timem:s7], [sflag:s22] =	dma.local [hbm:s5], s20  }
0x9e: {  	_ =	swait.ge [sflag:s22], s20  }
0x9f: {  	s4 =	ssub.s32 $0x0, s20;
	[sflag:s22] =	ssyncset.done $0x0  }
0xa0: {  	[sflag:s22] =	ssyncadd.s32 s4;
	_ =	sdelay $0x1  }
0xa1: {  	s23 =	simm.s32 $0x1B8B  }
0xa2: {  	_ =	swait.ge [sflag:s23], $0x1  }
0xa3: {  	[sflag:s23] =	ssyncset.done $0x0  }
0xa4: {  	s25 =	simm.s32 $0x1B8E;
	s24 =	sld [smem:$0x3FFE];
	[sflag:s23] =	ssyncadd.s32 $0xFFFFFFFF  }
0xa5: {  	s26 =	simm.s32 $execute0_lowered;
	[smem:$0x3FD2] =	sst s25  }
0xa6: {  	s5 =	sshll.u32 s26, $0x1;
	_ =	strace $0x80000046;
	[dreg:$0x1] =	wrdreg $0xFFFFFFFF  }
0xa7: {  	s28 =	simm.s32 $_size_execute0_lowered;
	s3 =	sadd.s32 s3, s5;
	[dreg:$0x0] =	wrdreg $0x0  }
0xa8: {  	s5 =	sshll.u32 s28, $0x1;
	[dreg:$0x2] =	wrdreg s3  }
0xa9: {  	[dreg:$0x3] =	wrdreg s5  }
0xaa: {  	[dreg:$0x4] =	wrdreg $0xC0  }
0xab: {  	_ =	task [dreg:s7], $0x5FFFF  }
0xac: {  	[dreg:$0x1] =	wrdreg $0xFFFFFFFF  }
0xad: {  	[dreg:$0x0] =	wrdreg $0x60  }
0xae: {  	[dreg:$0x2] =	wrdreg s24  }
0xaf: {  	[dreg:$0x3] =	wrdreg s2  }
0xb0: {  	[dreg:$0x4] =	wrdreg $0x9  }
0xb1: {  	_ =	task.clear_ibuf [dreg:s7], $0x5FFFF;
	_ =	strace $0x90000046  }
0xb2: {  	s29 =	simm.s32 $0x9;
	_ =	strace $0x80000048  }
0xb3: {  	_ =	swait.ge [sflag:s29], $0x1  }
0xb4: {  	[sflag:s29] =	ssyncadd.s32 $0xFFFFFFFF  }
0xb5: {  	_ =	strace $0x90000048  }
0xb6: {  	_ =	sfence  }
0xb7: {  	s30 =	sld [smem:$0x0];
	_ =	sdelay $0x2  }
0xb8: {  	s31 =	sshll.u32 s1, $0xD;
	s1 =	sshrl.u32 s1, $0x2  }
0xb9: {  	s3 =	sand.u32 $0x4000, s31;
	s1 =	sadd.s32 s1, s30  }
0xba: {  	s0 =	sor.u32 s3, s0;
	s1 =	sshll.u32 s1, $0x11  }
0xbb: {  	s0 =	sor.u32 s1, s0  }
0xbc: {  	s0 =	sadd.s32 $0x8F2B, s0  }
0xbd: {  	[sflag:s0] =	ssyncadd.remote.s32 $0x1  }
0xbe: {  	_ =	sfence.sel $0xFFFF  }
0xbf: {  	[dreg:$0x0] =	wrdreg $0xFFFFFFFF;
	(pc) =	sbr.abs _section_cstart, $3  }
0xc0: {  	[dreg:$0x1] =	wrdreg $0xFFFFFFFF  }
0xc1: {  	_ =	task.clear_ibuf [dreg:s7], $0x2FFFF;
	_ =	strace $0x9FFFFFFF  }
0xc2: {  	(tm) =	ssettm $0x7FFFFFFF  }
0xc3: {  	_ =	shalt  }
tec
execute0_lowered:
.L_overlay_start_1:
0x0: {  	(tag) =	ssettag $0x1  }
0x1: {  	s5 =	rddreg [dreg:$0x0];
	s12 =	simm.s32 $0x0  }
0x2: {  	[smem:$0x7FF] =	sst s12;
	s2 =	sadd.s32 $0x9C00, s5  }
0x3: {  	s26 =	sadd.s32 $0x8200, s5;
	_ =	strace $0x80000047;
	[dreg:$0x3] =	wrdreg s2  }
0x4: {  	s4 =	sadd.s32 $0x6800, s5;
	[dreg:$0x4] =	wrdreg s26  }
0x5: {  	s29 =	sadd.s32 $0x79600, s5;
	[dreg:$0x5] =	wrdreg s4  }
0x6: {  	s13 =	sadd.s32 $0x4E00, s5;
	[dreg:$0x6] =	wrdreg s29  }
0x7: {  	s14 =	sadd.s32 $0x3400, s5;
	[dreg:$0x7] =	wrdreg s13  }
0x8: {  	s15 =	sadd.s32 $0x1A00, s5;
	[dreg:$0x8] =	wrdreg s14  }
0x9: {  	v0 =	vimm.s32 $0xFEDCBA98;
	v1 =	vimm.s32 $0x76543210;
	s16 =	sadd.s32 $0xEA00, s5;
	[dreg:$0x9] =	wrdreg s15  }
0xa: {  	s0 =	srdreg.scid;
	v2 =	vimm.s32 $0xBA98FEDC;
	v3 =	vimm.s32 $0x32107654;
	s17 =	sadd.s32 $0xD000, s5;
	[dreg:$0xa] =	wrdreg s16  }
0xb: {  	s1 =	stileid.u32;
	v4 =	vimm.s32 $0xDCFE98BA;
	v5 =	vimm.s32 $0x54761032;
	s18 =	sadd.s32 $0xB600, s5;
	v0 =	vunpack.c.l.s4.s8 v0;
	[dreg:$0xb] =	wrdreg s17  }
0xc: {  	s25 =	simm.s32 $0x2;
	v6 =	vimm.s32 $0x67452301;
	v7 =	vimm.s32 $0xEDCBA987;
	s19 =	sadd.s32 $0x13800, s5;
	v1 =	vunpack.c.l.s4.s8 v1;
	[dreg:$0xc] =	wrdreg s18  }
0xd: {  	v8 =	vimm.s32 $0x65432100;
	s0 =	sand.u32 $0x1, s0;
	s20 =	sadd.s32 $0x11E00, s5;
	v2 =	vunpack.c.l.s4.s8 v2;
	[dreg:$0xd] =	wrdreg s19;
	v0 =	vunpack.c.0.s8.s32 v0  }
0xe: {  	s1 =	sshll.u32 s1, $0x1;
	s21 =	sadd.s32 $0x10400, s5;
	v3 =	vunpack.c.l.s4.s8 v3;
	v4 =	vunpack.c.l.s4.s8 v4;
	[dreg:$0xe] =	wrdreg s20;
	v1 =	vunpack.c.0.s8.s32 v1  }
0xf: {  	s22 =	sadd.s32 $0x17A00, s5;
	s23 =	sadd.s32 $0x79800, s5;
	v5 =	vunpack.c.l.s4.s8 v5;
	v6 =	vunpack.c.l.s4.s8 v6;
	[dreg:$0xf] =	wrdreg s21;
	v0 =	vand.u32 $0xF, v0  }
0x10: {  	s1 =	sor.u32 s0, s1;
	s0 =	ssub.s32 $0x2, s0;
	[dreg:$0x10] =	wrdreg s22;
	v0 =	vcombine.low v0, v1;
	v1 =	vunpack.c.0.s8.s32 v2;
	v2 =	vimm.s32 $0xEFCDAB89  }
0x11: {  	v7 =	vunpack.c.l.s4.s8 v7;
	v8 =	vunpack.c.l.s4.s8 v8;
	[dreg:$0x11] =	wrdreg s23;
	s28 =	sshll.u32 s1, $0x6;
	s3 =	sshll.u32 s1, $0x8;
	v2 =	vunpack.c.l.s4.s8 v2  }
0x12: {  	s30 =	sshrl.u32 s0, $0x1;
	s24 =	sshll.u32 s1, $0xB;
	v3 =	vunpack.c.0.s8.s32 v3;
	v4 =	vunpack.c.0.s8.s32 v4;
	v5 =	vunpack.c.0.s8.s32 v5;
	s2 =	sadd.s32 s28, s5  }
0x13: {  	v6 =	vunpack.c.0.s8.s32 v6;
	v7 =	vunpack.c.0.s8.s32 v7;
	s3 =	sadd.s32 s3, s5;
	[dreg:$0x13] =	wrdreg s24;
	s2 =	sadd.s32 $0x17200, s2;
	v9 =	vunpack.c.0.s8.s32 v2  }
0x14: {  	v8 =	vunpack.c.0.s8.s32 v8;
	s0 =	ssub.s32 s0, s30;
	s31 =	sadd.s32 $0x15200, s3;
	[dreg:$0x12] =	wrdreg s2;
	v1 =	vcombine.low v3, v1;
	v3 =	vimm.f32 $+Inf  }
0x15: {  	s8 =	simm.s32 $0x1;
	s0 =	smax.u32 s0, $0x1;
	[dreg:$0x14] =	wrdreg s31;
	v2 =	vcombine.low v5, v4;
	v4 =	vcombine.low v6, v9;
	v6 =	vand.u32 $0xF, v7  }
0x16: {  	[dreg:$0x15] =	wrdreg s0;
	s0 =	simm.s32 $0x80;
	s2 =	simm.s32 $0x0;
	v5 =	vimm.s32 $0x0;
	v7 =	vlaneseq.u32;
	v6 =	vcombine.low v8, v6  }
.LBB2_1:
0x17: {  	[dreg:$0x16] =	wrdreg s2  }
0x18: {  	s1 =	rddreg [dreg:$0x12];
	s26 =	simm.s32 $0x1F40  }
0x19: {  	[tilespmem:s26], [sflag:$0x2] =	stream.linear.gather [hbm4b:s1+s12], $0x200, $0x38;
	[tilespmem:$0xE350] =	vst v63  }
0x1a: {  	_ =	swait.ge [sflag:s25], $0x200  }
0x1b: {  	[sflag:s25] =	ssyncset.done $0x0  }
0x1c: {  	s29 =	simm.s32 $0x2140;
	s28 =	rddreg [dreg:$0x14];
	[sflag:s25] =	ssyncadd.s32 $0xFFFFFE00  }
0x1d: {  	[tilespmem:s29], [sflag:$0x2] =	stream.linear.gather [hbm4b:s28+s12], $0x800, $0x38;
	[tilespmem:$0xE350] =	vst v63  }
0x1e: {  	_ =	swait.ge [sflag:s25], $0x800  }
0x1f: {  	[sflag:s25] =	ssyncset.done $0x0  }
0x20: {  	s31 =	simm.s32 $0x2940;
	s30 =	rddreg [dreg:$0x6];
	[sflag:s25] =	ssyncadd.s32 $0xFFFFF800  }
0x21: {  	[tilespmem:s31], [sflag:$0x2] =	stream.linear.gather [hbm4b:s30+s12], $0x10, $0x38;
	[tilespmem:$0xE350] =	vst v63  }
0x22: {  	_ =	swait.ge [sflag:s25], $0x10  }
0x23: {  	[sflag:s25] =	ssyncset.done $0x0  }
0x24: {  	s2 =	simm.s32 $0x0;
	s1 =	simm.s32 $0x40;
	[sflag:s25] =	ssyncadd.s32 $0xFFFFFFF0  }
.LBB2_2:
0x25: {  	p0 =	sne.s32 s1, $0x1FC0;
	[tilespmem:s2+$0x2950] =	vst v3;
	s3 =	smov.u32 s1;
	s1 =	sadd.s32 $0x40, s1  }
.Ltmp0:
0x26: {  	[tilespmem:s2+$0x3150] =	vst v5;
	(pc) =	sbr.rel @p0 .LBB2_2-.Ltmp0, $2  }
0x27: {  	_ =	sdelay $0x2  }
0x28: {  	s2 =	sshra.s32 s3, $0x2  }
.Ltmp1:
0x29: {  	(pc) =	sbr.rel .LBB2_4-.Ltmp1, $3  }
0x2a: {  	_ =	sdelay $0x1  }
0x2b: {  	[tilespmem:s2+$0x2950] =	vst v3  }
0x2c: {  	[tilespmem:s2+$0x3150] =	vst v5;
	s28 =	simm.s32 $0x0;
	s1 =	simm.s32 $0x0  }
.LBB2_12:
0x2d: {  	s1 =	rddreg [dreg:$0x17]  }
0x2e: {  	s1 =	sadd.s32 $0x1, s1  }
0x2f: {  	p0 =	sne.s32 s1, $0x19  }
.Ltmp2:
0x30: {  	_ = 	snop;
	(pc) =	sbr.rel @!p0 .LBB2_13-.Ltmp2, $2  }
0x31: {  	_ =	sdelay $0x2  }
0x32: {  	s28 =	sadd.s32 $0x7D0, s28  }
.LBB2_4:
0x33: {  	s23 =	smul.u32 $0x7D0, s1  }
0x34: {  	[dreg:$0x17] =	wrdreg s1  }
0x35: {  	s2 =	rddreg [dreg:$0x3];
	s1 =	sshrl.u32 s23, $0x3  }
0x36: {  	s4 =	simm.s32 $0x0;
	s2 =	sadd.s32 s2, s1  }
0x37: {  	[tilespmem:s4], [sflag:$0x2] =	stream.linear.gather [hbm4b:s2+s4], $0x7D0, $0x38;
	[tilespmem:$0xE350] =	vst v63  }
0x38: {  	_ =	swait.ge [sflag:s25], $0x7D0  }
0x39: {  	[sflag:s25] =	ssyncset.done $0x0;
	s24 =	rddreg [dreg:$0x4]  }
0x3a: {  	s3 =	simm.s32 $0x7D0;
	[sflag:s25] =	ssyncadd.s32 $0xFFFFF830;
	s2 =	sadd.s32 s24, s1  }
0x3b: {  	[tilespmem:s3], [sflag:$0x2] =	stream.linear.gather [hbm4b:s2+s4], $0x7D0, $0x38;
	[tilespmem:$0xE350] =	vst v63  }
0x3c: {  	_ =	swait.ge [sflag:s25], $0x7D0  }
0x3d: {  	[sflag:s25] =	ssyncset.done $0x0;
	s26 =	rddreg [dreg:$0x5]  }
0x3e: {  	s29 =	simm.s32 $0xFA0;
	[sflag:s25] =	ssyncadd.s32 $0xFFFFF830;
	s2 =	sadd.s32 s26, s1  }
0x3f: {  	[tilespmem:s29], [sflag:$0x2] =	stream.linear.gather [hbm4b:s2+s4], $0x7D0, $0x38;
	[tilespmem:$0xE350] =	vst v63  }
0x40: {  	_ =	swait.ge [sflag:s25], $0x7D0  }
0x41: {  	[sflag:s25] =	ssyncset.done $0x0  }
0x42: {  	[sflag:s25] =	ssyncadd.s32 $0xFFFFF830  }
0x43: {  	s30 =	rddreg [dreg:$0x0]  }
.Ltmp3:
0x44: {  	s31 =	simm.s32 $0x1770;
	s1 =	sadd.s32 s30, s1;
	(pc) =	sbr.rel .LBB2_5-.Ltmp3, $4  }
0x45: {  	[tilespmem:s31], [sflag:$0x2] =	stream.linear.gather [hbm4b:s1+s4], $0x7D0, $0x38;
	[tilespmem:$0xE350] =	vst v63  }
0x46: {  	_ =	swait.ge [sflag:s25], $0x7D0  }
0x47: {  	[sflag:s25] =	ssyncset.done $0x0  }
0x48: {  	s1 =	simm.s32 $0x0;
	[sflag:s25] =	ssyncadd.s32 $0xFFFFF830  }
.LBB2_11:
0x49: {  	s1 =	sadd.s32 $0x1, s1  }
0x4a: {  	p0 =	sne.s32 s1, $0x20  }
.Ltmp4:
0x4b: {  	_ = 	snop;
	(pc) =	sbr.rel @!p0 .LBB2_12-.Ltmp4, $1  }
0x4c: {  	_ =	sdelay $0x3  }
.LBB2_5:
0x4d: {  	s29 =	sshll.u32 s1, $0x6  }
0x4e: {  	v8 =	vld [tilespmem:s29+$0x2950]  }
0x4f: {  	v9 =	vld [tilespmem:s29+$0x2960]  }
0x50: {  	v10 =	vld [tilespmem:s29+$0x2970]  }
0x51: {  	v11 =	vld [tilespmem:s29+$0x2980];
	_ =	sdelay $0x1  }
0x52: {  	(v2sf) =	vpush v8, $0xF  }
0x53: {  	(v2sf) =	vpush v9, $0xF  }
0x54: {  	(v2sf) =	vpush v10, $0xF  }
0x55: {  	(v2sf) =	vpush v11, $0xF;
	_ =	sdelay $0x1  }
0x56: {  	s2 =	sshrl.u32 s29, $0x2  }
0x57: {  	v23 =	vld [tilespmem:s2+$0x1F40];
	_ =	sdelay $0x4  }
0x58: {  	v8 =	vbroadcast v23, $0x0;
	v9 =	vbroadcast v23, $0x1  }
0x59: {  	v12 =	vbroadcast v23, $0x4;
	v13 =	vbroadcast v23, $0x5  }
0x5a: {  	v14 =	vbroadcast v23, $0x6;
	v15 =	vbroadcast v23, $0x7  }
.Ltmp5:
0x5b: {  	v16 =	vbroadcast v23, $0x8;
	v17 =	vbroadcast v23, $0x9;
	(pc) =	sbr.rel .LBB2_6-.Ltmp5, $4  }
0x5c: {  	v18 =	vbroadcast v23, $0xA;
	v19 =	vbroadcast v23, $0xB;
	s3 =	spop (v2sf)  }
0x5d: {  	s21 =	simm.s32 $0x0;
	s7 =	simm.s32 $0x7D0;
	v20 =	vbroadcast v23, $0xC;
	v21 =	vbroadcast v23, $0xD;
	s4 =	spop (v2sf)  }
0x5e: {  	s6 =	simm.s32 $0xFA0;
	s5 =	simm.s32 $0x1770;
	v22 =	vbroadcast v23, $0xE;
	v10 =	vbroadcast v23, $0x2;
	s9 =	spop (v2sf)  }
0x5f: {  	s23 =	smov.u32 s28;
	s20 =	simm.s32 $0x0;
	v11 =	vbroadcast v23, $0x3;
	v23 =	vbroadcast v23, $0xF;
	s10 =	spop (v2sf)  }
.LBB2_10:
0x60: {  	s20 =	sadd.s32 $0x1, s20  }
0x61: {  	p0 =	sne.s32 s20, $0x19  }
.Ltmp6:
0x62: {  	_ = 	snop;
	(pc) =	sbr.rel @!p0 .LBB2_11-.Ltmp6, $3  }
0x63: {  	_ =	sdelay $0x1  }
0x64: {  	s21 =	sadd.s32 $0x50, s21;
	s7 =	sadd.s32 $0x50, s7  }
0x65: {  	s6 =	sadd.s32 $0x50, s6;
	s5 =	sadd.s32 $0x50, s5;
	s23 =	sadd.s32 $0x50, s23  }
.LBB2_6:
0x66: {  	s2 =	smul.u32 $0x50, s20;
	_ =	sdelay $0x1  }
0x67: {  	v25 =	vld [tilespmem:s2+$0x0]  }
0x68: {  	v26 =	vld [tilespmem:s2+$0x7D0]  }
0x69: {  	v27 =	vld [tilespmem:s2+$0xFA0];
	_ =	sdelay $0x1  }
0x6a: {  	v28 =	vld [tilespmem:s2+$0x1770];
	_ =	sdelay $0x1  }
0x6b: {  	v32 =	vld [tilespmem:s2+$0x10];
	v24 =	vmul.f32 v25, v8;
	v29 =	vmul.f32 v26, v9  }
0x6c: {  	v35 =	vld [tilespmem:s2+$0x7E0];
	v39 =	vmul.f32 v27, v10;
	v30 =	vmul.f32 v25, v12  }
0x6d: {  	v48 =	vld [tilespmem:s2+$0x1780];
	v31 =	vmul.f32 v26, v13;
	v41 =	vmul.f32 v27, v14  }
0x6e: {  	v40 =	vadd.f32 v28, v11;
	v33 =	vmul.f32 v25, v16;
	v34 =	vmul.f32 v26, v17  }
0x6f: {  	v43 =	vmul.f32 v27, v18;
	v45 =	vadd.f32 v28, v15;
	v25 =	vmul.f32 v25, v20  }
0x70: {  	v26 =	vmul.f32 v26, v21;
	v46 =	vadd.f32 v28, v19;
	v36 =	vmul.f32 v32, v8  }
0x71: {  	v37 =	vmul.f32 v35, v9;
	v47 =	vmul.f32 v27, v22;
	v51 =	vadd.f32 v28, v23  }
0x72: {  	v44 =	vld [tilespmem:s2+$0xFB0];
	v53 =	vmul.f32 v32, v12;
	v54 =	vmul.f32 v35, v13;
	v55 =	vadd.f32 v48, v11  }
0x73: {  	v63 =	vld [tilespmem:s2+$0x1790];
	v57 =	vmul.f32 v32, v16;
	v60 =	vadd.f32 v48, v15;
	v62 =	vadd.f32 v48, v19  }
0x74: {  	v38 =	vmul.f32 v35, v17;
	v27 =	vadd.f32 v48, v23;
	v24 =	vadd.f32 v29, v24  }
0x75: {  	v32 =	vmul.f32 v32, v20;
	v30 =	vadd.f32 v31, v30;
	v42 =	vadd.f32 v34, v33  }
0x76: {  	v35 =	vmul.f32 v35, v21;
	v25 =	vadd.f32 v26, v25;
	v49 =	vadd.f32 v37, v36  }
0x77: {  	v31 =	vadd.f32 v54, v53;
	v34 =	vadd.f32 v38, v57  }
0x78: {  	v50 =	vmul.f32 v44, v10;
	v32 =	vadd.f32 v35, v32;
	v53 =	vadd.f32 v63, v19  }
0x79: {  	v56 =	vmul.f32 v44, v14;
	v35 =	vadd.f32 v63, v23;
	v24 =	vadd.f32 v39, v24  }
0x7a: {  	v59 =	vmul.f32 v44, v18;
	v30 =	vadd.f32 v41, v30;
	v29 =	vadd.f32 v43, v42  }
0x7b: {  	v33 =	vmul.f32 v44, v22;
	v25 =	vadd.f32 v47, v25;
	v52 =	vadd.f32 v50, v49  }
0x7c: {  	v61 =	vld [tilespmem:s2+$0xFC0];
	v31 =	vadd.f32 v56, v31;
	v34 =	vadd.f32 v59, v34  }
0x7d: {  	v32 =	vadd.f32 v33, v32;
	v47 =	vadd.f32 v63, v11  }
0x7e: {  	v58 =	vld [tilespmem:s2+$0x7F0];
	v24 =	vadd.f32 v24, v24;
	v30 =	vadd.f32 v30, v30  }
0x7f: {  	v29 =	vadd.f32 v29, v29;
	v25 =	vadd.f32 v25, v25  }
0x80: {  	v39 =	vld [tilespmem:s2+$0x20];
	v28 =	vadd.f32 v52, v52;
	v31 =	vadd.f32 v31, v31  }
0x81: {  	v44 =	vmul.f32 v61, v10;
	v34 =	vadd.f32 v34, v34;
	v32 =	vadd.f32 v32, v32  }
0x82: {  	v38 =	vmul.f32 v61, v22;
	v52 =	vadd.f32 v63, v15;
	v24 =	vsub.f32 v40, v24  }
0x83: {  	v41 =	vmul.f32 v58, v9;
	v30 =	vsub.f32 v45, v30;
	v29 =	vsub.f32 v46, v29  }
0x84: {  	v42 =	vmul.f32 v58, v17;
	v25 =	vsub.f32 v51, v25;
	v26 =	vsub.f32 v55, v28  }
0x85: {  	v31 =	vsub.f32 v60, v31;
	v46 =	vmul.f32 v58, v13;
	v40 =	vmul.f32 v39, v8  }
0x86: {  	v33 =	vsub.f32 v62, v34;
	v45 =	vmul.f32 v39, v12;
	v48 =	vmul.f32 v39, v16  }
0x87: {  	v28 =	vmul.f32 v58, v21;
	v39 =	vmul.f32 v39, v20;
	v43 =	vadd.f32 v41, v40  }
0x88: {  	v49 =	vmul.f32 v61, v14;
	v36 =	vadd.f32 v46, v45;
	v50 =	vadd.f32 v42, v48;
	v42 =	vld [tilespmem:s2+$0x800]  }
0x89: {  	v27 =	vsub.f32 v27, v32;
	v51 =	vmul.f32 v61, v18;
	v40 =	vld [tilespmem:s2+$0xFD0];
	v28 =	vadd.f32 v28, v39  }
0x8a: {  	v39 =	vld [tilespmem:s2+$0x17A0];
	v34 =	vadd.f32 v44, v43;
	v36 =	vadd.f32 v49, v36  }
0x8b: {  	v32 =	vadd.f32 v51, v50;
	v28 =	vadd.f32 v38, v28;
	v51 =	vmov s10  }
0x8c: {  	v25 =	vsub.f32 v25, v51;
	v27 =	vsub.f32 v27, v51  }
0x8d: {  	v46 =	vld [tilespmem:s2+$0x810];
	v34 =	vadd.f32 v34, v34;
	v36 =	vadd.f32 v36, v36  }
0x8e: {  	v43 =	vld [tilespmem:s2+$0x30];
	v32 =	vadd.f32 v32, v32;
	v28 =	vadd.f32 v28, v28;
	v45 =	vmul.f32 v42, v9  }
0x8f: {  	v55 =	vmul.f32 v40, v10;
	v57 =	vmul.f32 v42, v13;
	v58 =	vadd.f32 v39, v11  }
0x90: {  	v38 =	vld [tilespmem:s2+$0x40];
	v59 =	vmul.f32 v40, v14;
	v48 =	vmul.f32 v42, v17;
	v63 =	vadd.f32 v39, v15  }
0x91: {  	v62 =	vmul.f32 v40, v18;
	v49 =	vadd.f32 v39, v19;
	v39 =	vadd.f32 v39, v23  }
0x92: {  	v42 =	vmul.f32 v42, v21;
	v34 =	vsub.f32 v47, v34;
	v36 =	vsub.f32 v52, v36  }
0x93: {  	v32 =	vsub.f32 v53, v32;
	v53 =	vmul.f32 v46, v9;
	v44 =	vmul.f32 v43, v8  }
0x94: {  	v28 =	vsub.f32 v35, v28;
	v56 =	vmul.f32 v43, v12;
	v47 =	vmul.f32 v43, v16  }
0x95: {  	v50 =	vld [tilespmem:s2+$0x17B0];
	v52 =	vmul.f32 v38, v8;
	v43 =	vmul.f32 v43, v20;
	v54 =	vadd.f32 v45, v44  }
0x96: {  	v40 =	vmul.f32 v40, v22;
	v41 =	vadd.f32 v57, v56;
	v61 =	vadd.f32 v48, v47  }
0x97: {  	v45 =	vadd.f32 v53, v52;
	v42 =	vadd.f32 v42, v43;
	v56 =	vmul.f32 v38, v12  }
0x98: {  	v57 =	vmul.f32 v46, v13;
	v37 =	vadd.f32 v55, v54;
	v60 =	vadd.f32 v59, v41  }
0x99: {  	v44 =	vadd.f32 v62, v61;
	v40 =	vadd.f32 v40, v42  }
0x9a: {  	v59 =	vmov s3;
	v42 =	vadd.f32 v57, v56;
	v62 =	vadd.f32 v50, v15  }
0x9b: {  	v61 =	vmov s4;
	v56 =	vsub.f32 v28, v51;
	v24 =	vsub.f32 v24, v59  }
0x9c: {  	v41 =	vld [tilespmem:s2+$0xFE0];
	v30 =	vsub.f32 v30, v61;
	v26 =	vsub.f32 v26, v59  }
0x9d: {  	v34 =	vsub.f32 v34, v59;
	v31 =	vsub.f32 v31, v61  }
0x9e: {  	v48 =	vmul.f32 v38, v16;
	v37 =	vadd.f32 v37, v37;
	v44 =	vadd.f32 v44, v44  }
0x9f: {  	v38 =	vmul.f32 v38, v20;
	v35 =	vadd.f32 v60, v60;
	v40 =	vadd.f32 v40, v40  }
0xa0: {  	v37 =	vsub.f32 v58, v37;
	v43 =	vsub.f32 v49, v44;
	v49 =	vmul.f32 v46, v17  }
0xa1: {  	v35 =	vsub.f32 v63, v35;
	v46 =	vmul.f32 v46, v21;
	v54 =	vmul.f32 v41, v10  }
0xa2: {  	v58 =	vadd.f32 v50, v11;
	v60 =	vmul.f32 v41, v14;
	v52 =	vmul.f32 v41, v18  }
0xa3: {  	v41 =	vmul.f32 v41, v22;
	v37 =	vsub.f32 v37, v59;
	v38 =	vadd.f32 v46, v38  }
0xa4: {  	v57 =	vsub.f32 v35, v61;
	v55 =	vadd.f32 v54, v45;
	v45 =	vmov s9  }
0xa5: {  	v42 =	vadd.f32 v60, v42;
	v29 =	vsub.f32 v29, v45  }
0xa6: {  	v24 =	vmin.f32 v24, v30;
	v33 =	vsub.f32 v33, v45;
	v54 =	vadd.f32 v41, v38  }
0xa7: {  	v26 =	vmin.f32 v26, v31;
	v32 =	vsub.f32 v32, v45;
	v44 =	vadd.f32 v55, v55  }
0xa8: {  	v24 =	vmin.f32 v24, v29;
	v29 =	vsub.f32 v39, v40;
	v40 =	vadd.f32 v49, v48  }
0xa9: {  	v28 =	vmin.f32 v37, v57;
	v42 =	vadd.f32 v42, v42;
	v55 =	vsub.f32 v36, v61  }
0xaa: {  	v26 =	vmin.f32 v26, v33;
	v31 =	vadd.f32 v54, v54;
	v53 =	vadd.f32 v52, v40  }
0xab: {  	v44 =	vsub.f32 v58, v44;
	v30 =	vsub.f32 v62, v42;
	v24 =	vmin.f32 v24, v25  }
0xac: {  	v26 =	vmin.f32 v26, v27;
	v58 =	vadd.f32 v50, v19;
	v25 =	vadd.f32 v53, v53  }
0xad: {  	v33 =	vmin.f32 v34, v55;
	v63 =	vsub.f32 v44, v59;
	v59 =	vadd.f32 v50, v23  }
0xae: {  	v62 =	vsub.f32 v43, v45;
	v24 =	vmin.f32 v24, v26;
	v25 =	vsub.f32 v58, v25  }
0xaf: {  	v32 =	vmin.f32 v33, v32;
	v30 =	vsub.f32 v30, v61;
	v61 =	vsub.f32 v59, v31  }
0xb0: {  	v29 =	vsub.f32 v29, v51;
	v60 =	vmin.f32 v32, v56;
	v25 =	vsub.f32 v25, v45  }
0xb1: {  	v28 =	vmin.f32 v28, v62;
	v30 =	vmin.f32 v63, v30;
	v27 =	vsub.f32 v61, v51  }
0xb2: {  	v24 =	vmin.f32 v24, v60;
	v63 =	vmin.f32 v28, v29;
	v25 =	vmin.f32 v30, v25  }
0xb3: {  	v24 =	vmin.f32 v24, v63;
	v25 =	vmin.f32 v25, v27  }
0xb4: {  	v24 =	vmin.f32 v24, v25  }
0xb5: {  	v25 =	vperm.xlane v24, v0;
	_ =	sdelay $0x1  }
0xb6: {  	v24 =	vmin.f32 v24, v25  }
0xb7: {  	v25 =	vperm.xlane v24, v1;
	_ =	sdelay $0x1  }
0xb8: {  	v24 =	vmin.f32 v24, v25  }
0xb9: {  	v25 =	vperm.xlane v24, v2;
	_ =	sdelay $0x1  }
0xba: {  	v24 =	vmin.f32 v24, v25  }
0xbb: {  	v25 =	vperm.xlane v24, v4;
	_ =	sdelay $0x1  }
0xbc: {  	v24 =	vmin.f32 v24, v25  }
0xbd: {  	(v2sf) =	vpush v24, $0x0;
	_ =	sdelay $0xe  }
0xbe: {  	s26 =	spop (v2sf)  }
0xbf: {  	p0 =	slt.f32 s26, $0.0e+00  }
.Ltmp7:
0xc0: {  	_ = 	snop;
	(pc) =	sbr.rel @!p0 .LBB2_10-.Ltmp7, $4  }
.Ltmp8:
0xc1: {  	_ = 	snop;
	(pc) =	sbr.rel @p0 .LBB2_7-.Ltmp8, $4  }
0xc2: {  	_ = 	snop  }
0xc3: {  	s24 =	smov.u32 s6;
	s31 =	smov.u32 s7  }
0xc4: {  	s30 =	smov.u32 s21;
	s2 =	simm.s32 $0x0;
	s26 =	smov.u32 s5  }
0xc5: {  	_ = 	snop  }
.LBB2_9:
0xc6: {  	s2 =	sadd.s32 $0x10, s2  }
0xc7: {  	p0 =	sne.s32 s2, $0x50  }
.Ltmp9:
0xc8: {  	_ = 	snop;
	(pc) =	sbr.rel @!p0 .LBB2_10-.Ltmp9, $3  }
0xc9: {  	_ =	sdelay $0x1  }
0xca: {  	s30 =	sadd.s32 $0x10, s30  }
0xcb: {  	s31 =	sadd.s32 $0x10, s31;
	s24 =	sadd.s32 $0x10, s24;
	s26 =	sadd.s32 $0x10, s26  }
.LBB2_7:
0xcc: {  	v24 =	vld [tilespmem:s30+$0x0]  }
0xcd: {  	v25 =	vld [tilespmem:s31+$0x0];
	_ =	sdelay $0x1  }
0xce: {  	v26 =	vld [tilespmem:s24+$0x0];
	_ =	sdelay $0x2  }
0xcf: {  	v29 =	vld [tilespmem:s26+$0x0];
	v27 =	vmul.f32 v24, v8;
	v28 =	vmul.f32 v25, v9  }
0xd0: {  	v30 =	vmul.f32 v24, v12  }
0xd1: {  	v31 =	vmul.f32 v25, v13;
	v27 =	vadd.f32 v28, v27;
	v28 =	vmul.f32 v26, v10  }
0xd2: {  	v56 =	vmul.f32 v26, v14;
	v32 =	vmul.f32 v25, v17  }
0xd3: {  	v25 =	vmul.f32 v25, v21;
	v30 =	vadd.f32 v31, v30;
	v27 =	vadd.f32 v28, v27  }
0xd4: {  	v57 =	vadd.f32 v29, v11;
	v28 =	vmul.f32 v24, v16;
	v24 =	vmul.f32 v24, v20  }
0xd5: {  	v30 =	vadd.f32 v56, v30;
	v27 =	vadd.f32 v27, v27  }
0xd6: {  	v58 =	vmul.f32 v26, v18;
	v28 =	vadd.f32 v32, v28;
	v24 =	vadd.f32 v25, v24  }
0xd7: {  	v26 =	vmul.f32 v26, v22;
	v25 =	vadd.f32 v29, v15;
	v30 =	vadd.f32 v30, v30  }
0xd8: {  	v27 =	vsub.f32 v57, v27;
	v28 =	vadd.f32 v58, v28  }
0xd9: {  	v25 =	vsub.f32 v25, v30;
	v24 =	vadd.f32 v26, v24  }
0xda: {  	v26 =	vadd.f32 v29, v19;
	v28 =	vadd.f32 v28, v28  }
0xdb: {  	v59 =	vmov s3;
	v29 =	vadd.f32 v29, v23;
	v24 =	vadd.f32 v24, v24  }
0xdc: {  	v60 =	vmov s4;
	v30 =	vsub.f32 v27, v59;
	v26 =	vsub.f32 v26, v28  }
0xdd: {  	v61 =	vmov s9;
	v28 =	vsub.f32 v25, v60;
	v24 =	vsub.f32 v29, v24  }
0xde: {  	v62 =	vmov s10;
	v29 =	vsub.f32 v26, v61  }
0xdf: {  	v28 =	vmin.f32 v30, v28;
	v63 =	vsub.f32 v24, v62  }
0xe0: {  	v28 =	vmin.f32 v28, v29  }
0xe1: {  	v28 =	vmin.f32 v28, v63  }
0xe2: {  	v29 =	vperm.xlane v28, v0;
	_ =	sdelay $0x1  }
0xe3: {  	v28 =	vmin.f32 v28, v29  }
0xe4: {  	v29 =	vperm.xlane v28, v1;
	_ =	sdelay $0x1  }
0xe5: {  	v28 =	vmin.f32 v28, v29  }
0xe6: {  	v29 =	vperm.xlane v28, v2;
	_ =	sdelay $0x1  }
0xe7: {  	v28 =	vmin.f32 v28, v29  }
0xe8: {  	v29 =	vperm.xlane v28, v4;
	_ =	sdelay $0x1  }
0xe9: {  	v28 =	vmin.f32 v28, v29  }
0xea: {  	(v2sf) =	vpush v28, $0x0;
	_ =	sdelay $0xe  }
0xeb: {  	s11 =	spop (v2sf)  }
0xec: {  	p0 =	slt.f32 s11, $0.0e+00  }
.Ltmp10:
0xed: {  	_ = 	snop;
	(pc) =	sbr.rel @!p0 .LBB2_9-.Ltmp10, $1  }
0xee: {  	_ =	sdelay $0x3  }
0xef: {  	v28 =	vld [tilespmem:s29+$0x2950];
	_ =	sdelay $0x4  }
0xf0: {  	v29 =	vperm.xlane v28, v6  }
0xf1: {  	v30 =	vbroadcast v27, $0x0;
	vm0 =	veq.s32 v7, $0x0  }
0xf2: {  	v29 =	vsel vm0, $0xFF800000, v29  }
0xf3: {  	vm1 =	vle.f32 v29, v30  }
0xf4: {  	vm2 =	vle.f32 v28, v30;
	v29 =	vsel vm1, v30, v29  }
0xf5: {  	v28 =	vsel vm2, v28, v29  }
0xf6: {  	v29 =	vperm.xlane v28, v6  }
0xf7: {  	v60 =	vbroadcast v27, $0x1  }
0xf8: {  	v29 =	vsel vm0, $0xFF800000, v29  }
0xf9: {  	vm3 =	vle.f32 v29, v60  }
0xfa: {  	vm4 =	vle.f32 v28, v60;
	v29 =	vsel vm3, v60, v29  }
0xfb: {  	v31 =	vld [tilespmem:s29+$0x3150];
	v28 =	vsel vm4, v28, v29  }
0xfc: {  	v29 =	vperm.xlane v28, v6  }
0xfd: {  	v61 =	vbroadcast v27, $0x2  }
0xfe: {  	v29 =	vsel vm0, $0xFF800000, v29  }
0xff: {  	vm5 =	vle.f32 v29, v61  }
0x100: {  	v32 =	vperm.xlane v31, v6;
	vm13 =	vle.f32 v28, v61;
	v29 =	vsel vm5, v61, v29  }
0x101: {  	s22 =	sadd.s32 s2, s23;
	v28 =	vsel vm13, v28, v29  }
0x102: {  	v32 =	vsel vm1, s22, v32;
	v36 =	vperm.xlane v28, v6  }
0x103: {  	v37 =	vbroadcast v27, $0x3;
	v62 =	vsel vm2, v31, v32  }
0x104: {  	v63 =	vperm.xlane v62, v6;
	v31 =	vsel vm0, $0xFF800000, v36  }
0x105: {  	s17 =	sadd.s32 $0x1, s22;
	vm14 =	vle.f32 v31, v37  }
0x106: {  	v29 =	vsel vm3, s17, v63;
	vm15 =	vle.f32 v28, v37;
	v31 =	vsel vm14, v37, v31  }
0x107: {  	v29 =	vsel vm4, v62, v29;
	v28 =	vsel vm15, v28, v31  }
0x108: {  	v30 =	vperm.xlane v29, v6;
	v31 =	vperm.xlane v28, v6  }
0x109: {  	v38 =	vbroadcast v27, $0x4;
	v42 =	vbroadcast v27, $0x5;
	v33 =	vld [tilespmem:s29+$0x2960];
	s15 =	sadd.s32 $0x2, s22  }
0x10a: {  	v44 =	vbroadcast v27, $0x6;
	v30 =	vsel vm5, s15, v30;
	v31 =	vsel vm0, $0xFF800000, v31  }
0x10b: {  	v34 =	vbroadcast v25, $0x0;
	v29 =	vsel vm13, v29, v30;
	vm6 =	vle.f32 v31, v38  }
0x10c: {  	v39 =	vperm.xlane v29, v6;
	vm7 =	vle.f32 v28, v38;
	v30 =	vsel vm6, v38, v31  }
0x10d: {  	v49 =	vbroadcast v27, $0x7;
	v50 =	vbroadcast v25, $0x1;
	s12 =	sadd.s32 $0x3, s22;
	v28 =	vsel vm7, v28, v30  }
0x10e: {  	v43 =	vperm.xlane v33, v6;
	v32 =	vsel vm14, s12, v39;
	v41 =	vperm.xlane v28, v6  }
0x10f: {  	v56 =	vbroadcast v27, $0x8;
	v57 =	vbroadcast v25, $0x2;
	v29 =	vsel vm15, v29, v32  }
0x110: {  	v32 =	vsel vm0, $0xFF800000, v43;
	v40 =	vperm.xlane v29, v6;
	v31 =	vsel vm0, $0xFF800000, v41  }
0x111: {  	s10 =	sadd.s32 $0x4, s22;
	vm12 =	vle.f32 v33, v34;
	vm2 =	vle.f32 v32, v34;
	vm8 =	vle.f32 v31, v42  }
0x112: {  	v30 =	vsel vm6, s10, v40;
	vm9 =	vle.f32 v28, v42;
	v31 =	vsel vm8, v42, v31  }
0x113: {  	v45 =	vsel vm2, v34, v32;
	v29 =	vsel vm7, v29, v30;
	v28 =	vsel vm9, v28, v31  }
0x114: {  	v46 =	vsel vm12, v33, v45;
	v30 =	vperm.xlane v29, v6;
	v31 =	vperm.xlane v28, v6  }
0x115: {  	s9 =	sadd.s32 $0x5, s22;
	v63 =	vbroadcast v27, $0x9;
	v38 =	vimm.s32 $0x0;
	v33 =	vperm.xlane v46, v6  }
0x116: {  	v36 =	vld [tilespmem:s29+$0x3160];
	v40 =	vbroadcast v25, $0x3;
	v30 =	vsel vm8, s9, v30;
	v31 =	vsel vm0, $0xFF800000, v31  }
0x117: {  	v33 =	vsel vm0, $0xFF800000, v33;
	v29 =	vsel vm9, v29, v30;
	vm11 =	vle.f32 v31, v44  }
0x118: {  	v35 =	vperm.xlane v29, v6;
	vm10 =	vle.f32 v28, v44;
	v30 =	vsel vm11, v44, v31  }
0x119: {  	s11 =	sadd.s32 $0x6, s22;
	vm3 =	vle.f32 v46, v50;
	vm4 =	vle.f32 v33, v50;
	v28 =	vsel vm10, v28, v30  }
0x11a: {  	v52 =	vsel vm4, v50, v33;
	v47 =	vsel vm11, s11, v35;
	v48 =	vperm.xlane v28, v6  }
0x11b: {  	v29 =	vsel vm10, v29, v47;
	v30 =	vsel vm3, v46, v52;
	v46 =	vperm.xlane v36, v6  }
0x11c: {  	v47 =	vbroadcast v25, $0x4;
	v55 =	vperm.xlane v30, v6;
	v32 =	vsel vm0, $0xFF800000, v48  }
0x11d: {  	v51 =	vperm.xlane v29, v6;
	vm13 =	vle.f32 v28, v49;
	vm6 =	vle.f32 v32, v49  }
0x11e: {  	vm15 =	vle.f32 v30, v57;
	v33 =	vsel vm0, $0xFF800000, v55;
	v31 =	vsel vm6, v49, v32  }
0x11f: {  	s14 =	sadd.s32 $0x7, s22;
	v48 =	vbroadcast v27, $0xA;
	vm14 =	vle.f32 v33, v57;
	v28 =	vsel vm13, v28, v31  }
0x120: {  	v53 =	vsel vm6, s14, v51;
	v59 =	vsel vm14, v57, v33;
	v54 =	vperm.xlane v28, v6  }
0x121: {  	v55 =	vbroadcast v27, $0xB;
	v29 =	vsel vm13, v29, v53;
	v30 =	vsel vm15, v30, v59  }
0x122: {  	v58 =	vperm.xlane v29, v6;
	v62 =	vperm.xlane v30, v6;
	v32 =	vsel vm0, $0xFF800000, v54  }
0x123: {  	s16 =	sadd.s32 $0x8, s22;
	v51 =	vbroadcast v25, $0x5;
	vm7 =	vle.f32 v28, v56;
	vm8 =	vle.f32 v32, v56  }
0x124: {  	v33 =	vsel vm0, $0xFF800000, v62;
	v31 =	vsel vm8, v56, v32;
	v60 =	vsel vm8, s16, v58  }
0x125: {  	vm8 =	vle.f32 v33, v40;
	v28 =	vsel vm7, v28, v31;
	v29 =	vsel vm7, v29, v60  }
0x126: {  	vm7 =	vle.f32 v30, v40;
	v42 =	vsel vm8, v40, v33;
	v61 =	vperm.xlane v28, v6  }
0x127: {  	v60 =	vbroadcast v25, $0x6;
	v41 =	vperm.xlane v29, v6;
	v30 =	vsel vm7, v30, v42  }
0x128: {  	vm9 =	vle.f32 v28, v63;
	v45 =	vperm.xlane v30, v6;
	v32 =	vsel vm0, $0xFF800000, v61  }
0x129: {  	s18 =	sadd.s32 $0x9, s22;
	v42 =	vbroadcast v27, $0xC;
	vm1 =	vle.f32 v30, v47;
	vm10 =	vle.f32 v32, v63  }
0x12a: {  	v33 =	vsel vm0, $0xFF800000, v45;
	v31 =	vsel vm10, v63, v32;
	v43 =	vsel vm10, s18, v41  }
0x12b: {  	v41 =	vbroadcast v25, $0x7;
	v28 =	vsel vm9, v28, v31;
	v29 =	vsel vm9, v29, v43  }
0x12c: {  	v31 =	vsel vm2, s22, v46;
	vm2 =	vle.f32 v33, v47;
	v44 =	vperm.xlane v28, v6  }
0x12d: {  	v37 =	vperm.xlane v29, v6;
	v31 =	vsel vm12, v36, v31;
	v33 =	vsel vm2, v47, v33  }
0x12e: {  	v49 =	vperm.xlane v31, v6;
	v30 =	vsel vm1, v30, v33;
	v32 =	vsel vm0, $0xFF800000, v44  }
0x12f: {  	vm13 =	vle.f32 v28, v48;
	v33 =	vperm.xlane v30, v6;
	vm12 =	vle.f32 v32, v48  }
0x130: {  	s19 =	sadd.s32 $0xA, s22;
	v44 =	vbroadcast v25, $0x8;
	v50 =	vsel vm4, s17, v49;
	v32 =	vsel vm12, v48, v32  }
0x131: {  	v52 =	vsel vm12, s19, v37;
	v31 =	vsel vm3, v31, v50;
	v53 =	vsel vm0, $0xFF800000, v33  }
0x132: {  	vm3 =	vle.f32 v30, v51;
	v48 =	vbroadcast v27, $0xD;
	v28 =	vsel vm13, v28, v32  }
0x133: {  	v29 =	vsel vm13, v29, v52;
	v54 =	vperm.xlane v31, v6;
	vm4 =	vle.f32 v53, v51  }
0x134: {  	v52 =	vbroadcast v25, $0x9;
	v32 =	vsel vm4, v51, v53;
	v56 =	vperm.xlane v28, v6  }
0x135: {  	v57 =	vperm.xlane v29, v6;
	v33 =	vsel vm14, s15, v54;
	v30 =	vsel vm3, v30, v32  }
0x136: {  	v31 =	vsel vm15, v31, v33;
	v58 =	vperm.xlane v30, v6;
	v34 =	vsel vm0, $0xFF800000, v56  }
0x137: {  	vm14 =	vle.f32 v28, v55;
	v59 =	vperm.xlane v31, v6;
	vm15 =	vle.f32 v34, v55  }
0x138: {  	s3 =	sadd.s32 $0xB, s22;
	vm12 =	vle.f32 v30, v60;
	v33 =	vsel vm0, $0xFF800000, v58;
	v34 =	vsel vm15, v55, v34  }
0x139: {  	v32 =	vsel vm15, s3, v57;
	v61 =	vsel vm8, s12, v59;
	vm11 =	vle.f32 v33, v60  }
0x13a: {  	v28 =	vsel vm14, v28, v34;
	v29 =	vsel vm14, v29, v32;
	v31 =	vsel vm7, v31, v61  }
0x13b: {  	v33 =	vsel vm11, v60, v33;
	v63 =	vperm.xlane v28, v6;
	v35 =	vperm.xlane v31, v6  }
0x13c: {  	v43 =	vperm.xlane v29, v6;
	vm15 =	vle.f32 v28, v42;
	v30 =	vsel vm12, v30, v33  }
0x13d: {  	v60 =	vbroadcast v25, $0xA;
	v62 =	vperm.xlane v30, v6;
	v40 =	vsel vm2, s10, v35  }
0x13e: {  	v61 =	vbroadcast v27, $0xE;
	v33 =	vsel vm0, $0xFF800000, v63;
	v31 =	vsel vm1, v31, v40  }
0x13f: {  	vm14 =	vle.f32 v30, v41;
	v32 =	vsel vm0, $0xFF800000, v62;
	v34 =	vperm.xlane v31, v6  }
0x140: {  	v63 =	vimm.s32 $0x0;
	vm9 =	vle.f32 v33, v42;
	vm13 =	vle.f32 v32, v41  }
0x141: {  	s13 =	sadd.s32 $0xC, s22;
	v33 =	vsel vm9, v42, v33;
	v32 =	vsel vm13, v41, v32;
	v34 =	vsel vm4, s9, v34  }
0x142: {  	v45 =	vsel vm9, s13, v43;
	v30 =	vsel vm14, v30, v32;
	v31 =	vsel vm3, v31, v34  }
0x143: {  	v62 =	vld [tilespmem:s29+$0x2970];
	v28 =	vsel vm15, v28, v33;
	v32 =	vperm.xlane v30, v6;
	v34 =	vperm.xlane v31, v6  }
0x144: {  	v29 =	vsel vm15, v29, v45;
	v45 =	vbroadcast v26, $0x0;
	v46 =	vperm.xlane v28, v6  }
0x145: {  	v51 =	vperm.xlane v29, v6;
	v32 =	vsel vm0, $0xFF800000, v32;
	v34 =	vsel vm11, s11, v34  }
0x146: {  	v41 =	vbroadcast v25, $0xB;
	vm10 =	vle.f32 v32, v44;
	v31 =	vsel vm12, v31, v34  }
0x147: {  	vm11 =	vle.f32 v30, v44;
	v32 =	vsel vm10, v44, v32;
	v47 =	vperm.xlane v31, v6  }
0x148: {  	v49 =	vsel vm0, $0xFF800000, v46;
	v43 =	vperm.xlane v62, v6;
	v30 =	vsel vm11, v30, v32  }
0x149: {  	vm12 =	vle.f32 v28, v48;
	v50 =	vperm.xlane v30, v6;
	v33 =	vsel vm13, s14, v47  }
0x14a: {  	s4 =	sadd.s32 $0xD, s22;
	vm15 =	vle.f32 v30, v52;
	vm13 =	vle.f32 v49, v48;
	v31 =	vsel vm14, v31, v33  }
0x14b: {  	v53 =	vsel vm0, $0xFF800000, v50;
	v32 =	vsel vm13, v48, v49;
	v58 =	vsel vm13, s4, v51  }
0x14c: {  	v54 =	vperm.xlane v31, v6;
	vm14 =	vle.f32 v53, v52;
	v32 =	vsel vm12, v28, v32  }
0x14d: {  	v49 =	vbroadcast v25, $0xC;
	v33 =	vsel vm14, v52, v53;
	v56 =	vperm.xlane v32, v6  }
0x14e: {  	v28 =	vsel vm12, v29, v58;
	v55 =	vsel vm10, s16, v54;
	v30 =	vsel vm15, v30, v33  }
0x14f: {  	v31 =	vsel vm11, v31, v55;
	v57 =	vperm.xlane v30, v6;
	v33 =	vsel vm0, $0xFF800000, v56  }
0x150: {  	vm9 =	vle.f32 v30, v60;
	vm11 =	vle.f32 v32, v61;
	vm10 =	vle.f32 v33, v61  }
0x151: {  	v59 =	vperm.xlane v31, v6;
	v34 =	vsel vm0, $0xFF800000, v57;
	v29 =	vsel vm10, v61, v33  }
0x152: {  	v46 =	vld [tilespmem:s29+$0x3170];
	v33 =	vsel vm0, $0xFF800000, v43;
	v61 =	vimm.s32 $0x0;
	v43 =	vbroadcast v26, $0x6  }
0x153: {  	v56 =	vld [tilespmem:s29+$0x2980];
	v35 =	vsel vm14, s18, v59;
	vm8 =	vle.f32 v34, v60;
	v29 =	vsel vm11, v32, v29  }
0x154: {  	vm14 =	vle.f32 v33, v45;
	v59 =	vbroadcast v25, $0xD;
	v31 =	vsel vm15, v31, v35  }
0x155: {  	v34 =	vsel vm8, v60, v34;
	v35 =	vsel vm10, $0xFFFFFFFF, v63;
	vm15 =	vle.f32 v62, v45  }
0x156: {  	v33 =	vsel vm14, v45, v33;
	v60 =	vbroadcast v26, $0x2;
	v36 =	vperm.xlane v31, v6  }
0x157: {  	v30 =	vsel vm9, v30, v34;
	v34 =	vsel vm11, $0xFFFFFFFF, v38;
	v38 =	vperm.xlane v46, v6  }
0x158: {  	v33 =	vsel vm15, v62, v33;
	v63 =	vperm.xlane v56, v6;
	v39 =	vperm.xlane v30, v6  }
0x159: {  	vm13 =	vle.f32 v30, v41;
	v37 =	vperm.xlane v33, v6;
	v40 =	vsel vm8, s19, v36  }
0x15a: {  	v52 =	vsel vm14, s22, v38;
	v31 =	vsel vm9, v31, v40;
	v42 =	vsel vm0, $0xFF800000, v39  }
0x15b: {  	[tilespmem:$0x1FFA0] =	vst v34;
	v39 =	vbroadcast v26, $0x1;
	v51 =	vsel vm0, $0xFF800000, v37;
	v34 =	vsel vm15, v46, v52  }
0x15c: {  	v40 =	vimm.s32 $0x0;
	v46 =	vbroadcast v26, $0x3;
	vm12 =	vle.f32 v42, v41  }
0x15d: {  	v44 =	vperm.xlane v31, v6;
	v55 =	vperm.xlane v34, v6;
	v32 =	vsel vm12, v41, v42  }
0x15e: {  	vm10 =	vle.f32 v51, v39;
	vm11 =	vle.f32 v33, v39;
	v30 =	vsel vm13, v30, v32  }
0x15f: {  	v47 =	vsel vm12, s3, v44;
	v53 =	vsel vm10, v39, v51;
	v36 =	vsel vm10, s17, v55  }
0x160: {  	v44 =	vbroadcast v24, $0x0;
	v39 =	vsel vm0, $0xFF800000, v63;
	v51 =	vbroadcast v26, $0x4  }
0x161: {  	v63 =	vbroadcast v24, $0x3;
	v48 =	vperm.xlane v30, v6;
	v31 =	vsel vm13, v31, v47  }
0x162: {  	v33 =	vsel vm11, v33, v53;
	v34 =	vsel vm11, v34, v36;
	v50 =	vperm.xlane v31, v6  }
0x163: {  	vm9 =	vle.f32 v30, v49;
	v58 =	vperm.xlane v33, v6;
	v62 =	vperm.xlane v34, v6  }
0x164: {  	[tilespmem:$0x1FF60] =	vst v35;
	vm14 =	vle.f32 v33, v60;
	vm6 =	vle.f32 v39, v44;
	v35 =	vsel vm0, $0xFF800000, v48  }
0x165: {  	vm5 =	vle.f32 v56, v44;
	v48 =	vbroadcast v24, $0x1;
	vm8 =	vle.f32 v35, v49  }
0x166: {  	v32 =	vsel vm8, v49, v35;
	v54 =	vsel vm8, s13, v50;
	v35 =	vsel vm0, $0xFF800000, v58  }
0x167: {  	v32 =	vsel vm9, v30, v32;
	v30 =	vsel vm9, v31, v54;
	vm13 =	vle.f32 v35, v60  }
0x168: {  	v57 =	vperm.xlane v32, v6;
	vm12 =	vle.f32 v32, v59;
	v35 =	vsel vm13, v60, v35  }
0x169: {  	v36 =	vsel vm12, $0xFFFFFFFF, v61;
	v33 =	vsel vm14, v33, v35;
	v35 =	vsel vm6, v44, v39  }
0x16a: {  	v31 =	vsel vm0, $0xFF800000, v57;
	[tilespmem:$0x1FFB0] =	vst v36;
	v36 =	vsel vm13, s15, v62;
	v45 =	vperm.xlane v33, v6  }
0x16b: {  	v35 =	vsel vm5, v56, v35;
	vm8 =	vle.f32 v33, v46;
	vm15 =	vle.f32 v31, v59  }
0x16c: {  	v56 =	vbroadcast v24, $0x2;
	v34 =	vsel vm14, v34, v36;
	v40 =	vsel vm15, $0xFFFFFFFF, v40  }
0x16d: {  	v37 =	vperm.xlane v35, v6;
	v47 =	vperm.xlane v34, v6;
	[tilespmem:$0x1FF80] =	vst v40;
	v40 =	vsel vm0, $0xFF800000, v45  }
0x16e: {  	v31 =	vsel vm15, v59, v31;
	v59 =	vbroadcast v26, $0x5;
	vm7 =	vle.f32 v40, v46  }
0x16f: {  	v37 =	vsel vm0, $0xFF800000, v37;
	v31 =	vsel vm12, v32, v31;
	v36 =	vsel vm7, v46, v40  }
0x170: {  	v49 =	vsel vm7, s12, v47;
	vm7 =	vle.f32 v35, v48;
	v33 =	vsel vm8, v33, v36  }
0x171: {  	v34 =	vsel vm8, v34, v49;
	vm8 =	vle.f32 v37, v48;
	v50 =	vperm.xlane v33, v6  }
0x172: {  	v47 =	vperm.xlane v31, v6;
	v49 =	vbroadcast v24, $0x4;
	v36 =	vsel vm8, v48, v37  }
0x173: {  	v52 =	vperm.xlane v34, v6;
	v48 =	vld [tilespmem:s29+$0x3180];
	v35 =	vsel vm7, v35, v36;
	v39 =	vsel vm0, $0xFF800000, v50  }
0x174: {  	vm10 =	vle.f32 v33, v51;
	v54 =	vperm.xlane v35, v6;
	vm9 =	vle.f32 v39, v51  }
0x175: {  	v50 =	vbroadcast v26, $0x7;
	v53 =	vsel vm9, v51, v39;
	v57 =	vsel vm9, s10, v52  }
0x176: {  	v38 =	vsel vm0, $0xFF800000, v54;
	vm9 =	vle.f32 v35, v56;
	v55 =	vsel vm10, v33, v53  }
0x177: {  	v34 =	vsel vm10, v34, v57;
	vm10 =	vle.f32 v38, v56;
	v58 =	vperm.xlane v55, v6  }
0x178: {  	v54 =	vbroadcast v24, $0x5;
	v53 =	vperm.xlane v48, v6;
	v33 =	vsel vm10, v56, v38  }
0x179: {  	v60 =	vperm.xlane v34, v6;
	v33 =	vsel vm9, v35, v33;
	v37 =	vsel vm0, $0xFF800000, v58  }
0x17a: {  	vm12 =	vle.f32 v55, v59;
	v62 =	vperm.xlane v33, v6;
	vm11 =	vle.f32 v37, v59  }
0x17b: {  	v58 =	vbroadcast v26, $0x8;
	v61 =	vsel vm11, v59, v37;
	v37 =	vbroadcast v25, $0xE  }
0x17c: {  	v38 =	vsel vm11, s9, v60;
	v36 =	vsel vm0, $0xFF800000, v62;
	vm11 =	vle.f32 v33, v63  }
0x17d: {  	v32 =	vsel vm12, v55, v61;
	v34 =	vsel vm12, v34, v38;
	vm12 =	vle.f32 v36, v63  }
0x17e: {  	v62 =	vbroadcast v24, $0x6;
	v42 =	vperm.xlane v32, v6;
	v35 =	vsel vm12, v63, v36  }
0x17f: {  	v55 =	vsel vm6, s22, v53;
	v44 =	vperm.xlane v34, v6;
	v33 =	vsel vm11, v33, v35  }
0x180: {  	vm14 =	vle.f32 v32, v43;
	v39 =	vsel vm0, $0xFF800000, v42;
	v46 =	vperm.xlane v33, v6  }
0x181: {  	v35 =	vsel vm5, v48, v55;
	v55 =	vbroadcast v24, $0x8;
	vm13 =	vle.f32 v39, v43  }
0x182: {  	v45 =	vsel vm13, v43, v39;
	v36 =	vsel vm13, s11, v44;
	v38 =	vsel vm0, $0xFF800000, v46  }
0x183: {  	vm13 =	vle.f32 v33, v49;
	v39 =	vsel vm0, $0xFF800000, v47;
	v32 =	vsel vm14, v32, v45  }
0x184: {  	v34 =	vsel vm14, v34, v36;
	vm14 =	vle.f32 v38, v49;
	v41 =	vperm.xlane v32, v6  }
0x185: {  	v46 =	vimm.s32 $0x0;
	v45 =	vimm.s32 $0x0;
	v38 =	vsel vm14, v49, v38  }
0x186: {  	v33 =	vsel vm13, v33, v38;
	v38 =	vperm.xlane v35, v6;
	v41 =	vsel vm0, $0xFF800000, v41  }
0x187: {  	v51 =	vperm.xlane v34, v6;
	v42 =	vperm.xlane v33, v6;
	vm15 =	vle.f32 v41, v50  }
0x188: {  	vm4 =	vle.f32 v32, v50;
	v38 =	vsel vm8, s17, v38;
	v52 =	vsel vm15, v50, v41  }
0x189: {  	v40 =	vsel vm15, s14, v51;
	v56 =	vsel vm0, $0xFF800000, v42;
	vm15 =	vle.f32 v33, v54  }
0x18a: {  	v35 =	vsel vm7, v35, v38;
	v50 =	vbroadcast v24, $0x7;
	v51 =	vbroadcast v26, $0x9  }
0x18b: {  	v32 =	vsel vm4, v32, v52;
	vm1 =	vle.f32 v56, v54;
	v34 =	vsel vm4, v34, v40  }
0x18c: {  	v63 =	vperm.xlane v35, v6;
	v57 =	vperm.xlane v32, v6;
	v36 =	vsel vm1, v54, v56  }
0x18d: {  	v61 =	vperm.xlane v34, v6;
	vm3 =	vle.f32 v32, v58;
	v33 =	vsel vm15, v33, v36  }
0x18e: {  	v40 =	vsel vm10, s15, v63;
	vm10 =	vle.f32 v39, v37;
	v60 =	vperm.xlane v33, v6  }
0x18f: {  	v59 =	vsel vm0, $0xFF800000, v57;
	vm7 =	vle.f32 v33, v62;
	v35 =	vsel vm9, v35, v40  }
0x190: {  	vm8 =	vle.f32 v59, v58;
	v49 =	vperm.xlane v35, v6;
	v41 =	vsel vm0, $0xFF800000, v60  }
0x191: {  	v36 =	vsel vm8, v58, v59;
	v42 =	vsel vm8, s16, v61;
	vm8 =	vle.f32 v31, v37  }
0x192: {  	v59 =	vbroadcast v26, $0xA;
	vm2 =	vle.f32 v41, v62;
	v36 =	vsel vm3, v32, v36  }
0x193: {  	v32 =	vsel vm10, $0xFFFFFFFF, v46;
	v34 =	vsel vm3, v34, v42;
	v38 =	vsel vm2, v62, v41  }
0x194: {  	v41 =	vsel vm8, $0xFFFFFFFF, v45;
	[tilespmem:$0x1FFF0] =	vst v32;
	v47 =	vperm.xlane v36, v6;
	v32 =	vsel vm10, v37, v39  }
0x195: {  	v37 =	vsel vm12, s12, v49;
	v52 =	vperm.xlane v34, v6;
	vm12 =	vle.f32 v36, v51  }
0x196: {  	v62 =	vbroadcast v24, $0x9;
	v33 =	vsel vm7, v33, v38;
	v35 =	vsel vm11, v35, v37  }
0x197: {  	v48 =	vperm.xlane v33, v6;
	v38 =	vsel vm0, $0xFF800000, v47;
	v54 =	vperm.xlane v35, v6  }
0x198: {  	v49 =	vbroadcast v24, $0xA;
	vm3 =	vle.f32 v33, v50;
	vm11 =	vle.f32 v38, v51  }
0x199: {  	v40 =	vsel vm0, $0xFF800000, v48;
	v53 =	vsel vm11, v51, v38;
	v56 =	vsel vm14, s10, v54  }
0x19a: {  	vm4 =	vle.f32 v40, v50;
	v36 =	vsel vm12, v36, v53;
	v35 =	vsel vm13, v35, v56  }
0x19b: {  	v56 =	vimm.s32 $0x0;
	v39 =	vsel vm4, v50, v40;
	v40 =	vsel vm11, s18, v52  }
0x19c: {  	v58 =	vperm.xlane v36, v6;
	v37 =	vperm.xlane v35, v6;
	vm14 =	vle.f32 v36, v59  }
0x19d: {  	v50 =	vbroadcast v26, $0xB;
	v52 =	vbroadcast v24, $0xB;
	v33 =	vsel vm3, v33, v39  }
0x19e: {  	v34 =	vsel vm12, v34, v40;
	v39 =	vperm.xlane v33, v6;
	vm5 =	vle.f32 v33, v55  }
0x19f: {  	v60 =	vsel vm0, $0xFF800000, v58;
	v37 =	vsel vm1, s9, v37;
	v44 =	vperm.xlane v34, v6  }
0x1a0: {  	v35 =	vsel vm15, v35, v37;
	vm15 =	vle.f32 v60, v59;
	v57 =	vsel vm0, $0xFF800000, v39  }
0x1a1: {  	v63 =	vperm.xlane v35, v6;
	v45 =	vsel vm15, s19, v44;
	vm6 =	vle.f32 v57, v55  }
0x1a2: {  	v58 =	vimm.s32 $0x0;
	v34 =	vsel vm14, v34, v45;
	v38 =	vsel vm6, v55, v57  }
0x1a3: {  	[tilespmem:$0x1FF50] =	vst v41;
	v41 =	vsel vm2, s11, v63;
	v51 =	vperm.xlane v34, v6;
	v55 =	vbroadcast v26, $0xC  }
0x1a4: {  	v57 =	vbroadcast v24, $0xC;
	v63 =	vimm.s32 $0x0;
	v33 =	vsel vm5, v33, v38  }
0x1a5: {  	v38 =	vsel vm15, v59, v60;
	v35 =	vsel vm7, v35, v41;
	v61 =	vperm.xlane v33, v6  }
0x1a6: {  	v59 =	vbroadcast v26, $0xD;
	v60 =	vimm.s32 $0x0;
	v46 =	vperm.xlane v35, v6  }
0x1a7: {  	vm12 =	vle.f32 v33, v62;
	v36 =	vsel vm14, v36, v38;
	v39 =	vsel vm0, $0xFF800000, v61  }
0x1a8: {  	v48 =	vperm.xlane v36, v6;
	v38 =	vsel vm4, s14, v46;
	vm8 =	vle.f32 v39, v62  }
0x1a9: {  	vm1 =	vle.f32 v36, v50;
	v35 =	vsel vm3, v35, v38;
	v37 =	vsel vm8, v62, v39  }
0x1aa: {  	v61 =	vperm.xlane v29, v6;
	v38 =	vperm.xlane v35, v6;
	v33 =	vsel vm12, v33, v37  }
0x1ab: {  	v62 =	vimm.s32 $0x0;
	v37 =	vsel vm0, $0xFF800000, v48;
	v47 =	vperm.xlane v33, v6  }
0x1ac: {  	vm14 =	vle.f32 v33, v49;
	vm15 =	vle.f32 v37, v50;
	v38 =	vsel vm6, s16, v38  }
0x1ad: {  	v37 =	vsel vm15, v50, v37;
	v35 =	vsel vm5, v35, v38;
	v40 =	vsel vm15, s3, v51  }
0x1ae: {  	v50 =	vbroadcast v27, $0xF;
	v39 =	vsel vm0, $0xFF800000, v47;
	v36 =	vsel vm1, v36, v37  }
0x1af: {  	v53 =	vperm.xlane v35, v6;
	v34 =	vsel vm1, v34, v40;
	v47 =	vbroadcast v24, $0xD  }
0x1b0: {  	vm13 =	vle.f32 v39, v49;
	v54 =	vperm.xlane v36, v6;
	vm11 =	vle.f32 v36, v55  }
0x1b1: {  	v40 =	vperm.xlane v34, v6;
	vm1 =	vle.f32 v29, v50;
	v39 =	vsel vm13, v49, v39  }
0x1b2: {  	v37 =	vsel vm8, s18, v53;
	v42 =	vsel vm11, $0xFFFFFFFF, v56;
	v33 =	vsel vm14, v33, v39  }
0x1b3: {  	v49 =	vbroadcast v26, $0xE;
	v35 =	vsel vm12, v35, v37;
	v39 =	vperm.xlane v33, v6  }
0x1b4: {  	v56 =	vbroadcast v24, $0xE;
	v41 =	vsel vm0, $0xFF800000, v54;
	v54 =	vld [tilespmem:$0x1FF50];
	v37 =	vperm.xlane v35, v6  }
0x1b5: {  	vm3 =	vle.f32 v33, v52;
	vm2 =	vle.f32 v41, v55;
	v39 =	vsel vm0, $0xFF800000, v39  }
0x1b6: {  	v40 =	vsel vm2, s13, v40;
	v37 =	vsel vm13, s19, v37;
	vm4 =	vle.f32 v39, v52  }
0x1b7: {  	v35 =	vsel vm14, v35, v37;
	v38 =	vsel vm4, v52, v39;
	v39 =	vsel vm2, v55, v41  }
0x1b8: {  	v45 =	vperm.xlane v35, v6;
	v52 =	vsel vm0, $0xFF800000, v61;
	v33 =	vsel vm3, v33, v38  }
0x1b9: {  	vm8 =	vnez.u8 v54;
	v36 =	vsel vm11, v36, v39;
	v38 =	vperm.xlane v33, v6  }
0x1ba: {  	v31 =	vsel vm8, v31, v32;
	vm7 =	vle.f32 v52, v50;
	v39 =	vperm.xlane v36, v6  }
0x1bb: {  	vm13 =	vle.f32 v33, v57;
	vm14 =	vle.f32 v36, v59;
	v38 =	vsel vm0, $0xFF800000, v38  }
0x1bc: {  	[tilespmem:$0x1FF70] =	vst v42;
	v42 =	vsel vm13, $0xFFFFFFFF, v60;
	v60 =	vbroadcast v26, $0xF;
	vm12 =	vle.f32 v38, v57  }
0x1bd: {  	[tilespmem:$0x1FFC0] =	vst v42;
	v39 =	vsel vm0, $0xFF800000, v39;
	v42 =	vsel vm14, $0xFFFFFFFF, v62;
	v38 =	vsel vm12, v57, v38  }
0x1be: {  	v62 =	vperm.xlane v28, v6;
	vm15 =	vle.f32 v39, v59;
	v33 =	vsel vm13, v33, v38  }
0x1bf: {  	v37 =	vsel vm12, $0xFFFFFFFF, v58;
	v57 =	vperm.xlane v31, v6;
	v46 =	vperm.xlane v33, v6  }
0x1c0: {  	[tilespmem:$0x1FFE0] =	vst v42;
	v42 =	vsel vm15, $0xFFFFFFFF, v63;
	v58 =	vbroadcast v25, $0xF;
	v63 =	vbroadcast v24, $0xF  }
0x1c1: {  	[tilespmem:$0x1FF90] =	vst v37;
	v37 =	vsel vm15, v59, v39;
	v38 =	vsel vm4, s3, v45;
	v39 =	vsel vm0, $0xFF800000, v46  }
0x1c2: {  	v36 =	vsel vm14, v36, v37;
	v35 =	vsel vm3, v35, v38;
	vm14 =	vle.f32 v39, v47  }
0x1c3: {  	[tilespmem:$0x1FFD0] =	vst v42;
	v42 =	vld [tilespmem:$0x1FF60];
	vm12 =	vle.f32 v33, v47;
	v48 =	vperm.xlane v36, v6;
	v37 =	vsel vm14, v47, v39  }
0x1c4: {  	v38 =	vsel vm7, v50, v52;
	vm5 =	vle.f32 v31, v58;
	v33 =	vsel vm12, v33, v37  }
0x1c5: {  	vm13 =	vle.f32 v36, v49;
	v51 =	vsel vm0, $0xFF800000, v48;
	v53 =	vperm.xlane v33, v6  }
0x1c6: {  	v27 =	vsel vm1, v29, v38;
	v41 =	vperm.xlane v35, v6;
	vm15 =	vle.f32 v51, v49  }
0x1c7: {  	(v2sf) =	vpush v27, $0xF;
	v37 =	vsel vm15, v49, v51;
	v39 =	vsel vm0, $0xFF800000, v53  }
0x1c8: {  	v43 =	vld [tilespmem:$0x1FF70];
	vm10 =	vnez.u8 v42;
	v55 =	vsel vm13, v36, v37;
	vm9 =	vle.f32 v39, v56  }
0x1c9: {  	v37 =	vsel vm0, $0xFF800000, v57;
	vm11 =	vle.f32 v33, v56;
	v39 =	vsel vm9, v56, v39  }
0x1ca: {  	v59 =	vperm.xlane v55, v6;
	vm6 =	vle.f32 v37, v58;
	v33 =	vsel vm11, v33, v39  }
0x1cb: {  	v44 =	vld [tilespmem:$0x1FF80];
	s19 =	sadd.s32 $0xE, s22;
	vm2 =	vle.f32 v55, v60;
	v37 =	vsel vm6, v58, v37;
	v39 =	vperm.xlane v33, v6  }
0x1cc: {  	v45 =	vld [tilespmem:$0x1FF90];
	v36 =	vsel vm0, $0xFF800000, v59;
	v29 =	vsel vm5, v31, v37;
	v31 =	vsel vm10, s19, v62  }
0x1cd: {  	v47 =	vld [tilespmem:$0x1FFA0];
	vm10 =	vnez.u8 v43;
	(v2sf) =	vpush v29, $0xF;
	v61 =	vsel vm0, $0xFF800000, v39  }
0x1ce: {  	v48 =	vld [tilespmem:$0x1FFB0];
	vm3 =	vle.f32 v33, v63;
	vm0 =	vle.f32 v36, v60;
	vm4 =	vle.f32 v61, v63  }
0x1cf: {  	v49 =	vld [tilespmem:$0x1FFC0];
	v39 =	vperm.xlane v30, v6;
	v36 =	vsel vm0, v60, v36;
	v25 =	vsel vm4, v63, v61  }
0x1d0: {  	v24 =	vsel vm3, v33, v25;
	v33 =	vsel vm10, v34, v40;
	vm10 =	vnez.u8 v44  }
0x1d1: {  	v50 =	vld [tilespmem:$0x1FFD0];
	v26 =	vsel vm2, v55, v36;
	v32 =	vsel vm10, s4, v39;
	vm10 =	vnez.u8 v45  }
0x1d2: {  	v52 =	vld [tilespmem:$0x1FFE0];
	(v2sf) =	vpush v26, $0xF;
	v25 =	vsel vm10, s13, v41;
	vm10 =	vnez.u8 v47  }
0x1d3: {  	(v2sf) =	vpush v24, $0xF;
	v28 =	vsel vm10, v28, v31;
	vm10 =	vnez.u8 v48  }
0x1d4: {  	v54 =	vld [tilespmem:$0x1FFF0];
	v30 =	vsel vm10, v30, v32;
	vm10 =	vnez.u8 v49  }
0x1d5: {  	v46 =	vperm.xlane v33, v6;
	v25 =	vsel vm10, v35, v25  }
0x1d6: {  	vm10 =	vnez.u8 v50;
	v51 =	vperm.xlane v25, v6  }
0x1d7: {  	v31 =	vsel vm10, s4, v46;
	vm10 =	vnez.u8 v52  }
0x1d8: {  	v32 =	vperm.xlane v30, v6;
	v31 =	vsel vm10, v33, v31;
	v34 =	vsel vm14, s4, v51  }
0x1d9: {  	vm10 =	vnez.u8 v54;
	v55 =	vperm.xlane v31, v6;
	v25 =	vsel vm12, v25, v34  }
0x1da: {  	v32 =	vsel vm10, s19, v32;
	v58 =	vperm.xlane v25, v6  }
0x1db: {  	[tilespmem:s29+$0x2950] =	vst v27;
	v53 =	vperm.xlane v28, v6;
	v30 =	vsel vm8, v30, v32;
	v56 =	vsel vm15, s19, v55  }
0x1dc: {  	s22 =	sadd.s32 $0xF, s22;
	[tilespmem:s29+$0x2960] =	vst v29;
	v57 =	vperm.xlane v30, v6;
	v31 =	vsel vm13, v31, v56;
	v60 =	vsel vm9, s19, v58  }
0x1dd: {  	[tilespmem:s29+$0x2970] =	vst v26;
	v33 =	vsel vm7, s22, v53;
	v61 =	vperm.xlane v31, v6;
	v25 =	vsel vm11, v25, v60  }
.Ltmp11:
0x1de: {  	[tilespmem:s29+$0x2980] =	vst v24;
	v28 =	vsel vm1, v28, v33;
	v59 =	vsel vm6, s22, v57;
	v62 =	vperm.xlane v25, v6;
	(pc) =	sbr.rel .LBB2_9-.Ltmp11, $4  }
0x1df: {  	s3 =	spop (v2sf);
	[tilespmem:s29+$0x3150] =	vst v28;
	v27 =	vsel vm5, v30, v59;
	v28 =	vsel vm0, s22, v61  }
0x1e0: {  	s4 =	spop (v2sf);
	[tilespmem:s29+$0x3160] =	vst v27;
	v28 =	vsel vm2, v31, v28;
	v63 =	vsel vm4, s22, v62  }
0x1e1: {  	s9 =	spop (v2sf);
	[tilespmem:s29+$0x3170] =	vst v28;
	v25 =	vsel vm3, v25, v63  }
0x1e2: {  	s10 =	spop (v2sf);
	[tilespmem:s29+$0x3180] =	vst v25  }
.LBB2_13:
0x1e3: {  	s11 =	rddreg [dreg:$0x1]  }
0x1e4: {  	s13 =	rddreg [dreg:$0x7]  }
0x1e5: {  	s14 =	rddreg [dreg:$0x8]  }
0x1e6: {  	v19 =	vld [tilespmem:$0x2940];
	s15 =	rddreg [dreg:$0x9]  }
0x1e7: {  	s16 =	rddreg [dreg:$0xa]  }
0x1e8: {  	s17 =	rddreg [dreg:$0xb]  }
0x1e9: {  	s18 =	rddreg [dreg:$0xc]  }
0x1ea: {  	s19 =	rddreg [dreg:$0xd]  }
0x1eb: {  	s20 =	rddreg [dreg:$0xe];
	v8 =	vbroadcast v19, $0x9;
	v9 =	vbroadcast v19, $0xA  }
0x1ec: {  	s21 =	rddreg [dreg:$0xf];
	v10 =	vbroadcast v19, $0xB;
	v11 =	vbroadcast v19, $0x0  }
0x1ed: {  	s1 =	simm.s32 $0x0;
	s22 =	rddreg [dreg:$0x10];
	v12 =	vbroadcast v19, $0x3;
	v13 =	vbroadcast v19, $0x6  }
0x1ee: {  	s2 =	simm.s32 $0x2140;
	s12 =	simm.s32 $0x0;
	s23 =	rddreg [dreg:$0x11];
	v14 =	vbroadcast v19, $0x1;
	v15 =	vbroadcast v19, $0x4  }
0x1ef: {  	s24 =	rddreg [dreg:$0x13];
	s26 =	simm.s32 $0x4B50;
	s28 =	simm.s32 $0x3950;
	v16 =	vbroadcast v19, $0x7;
	v17 =	vbroadcast v19, $0x2  }
0x1f0: {  	s29 =	simm.s32 $0x3B50;
	s30 =	simm.s32 $0x3D50;
	s31 =	simm.s32 $0x3F50;
	v18 =	vbroadcast v19, $0x5;
	v19 =	vbroadcast v19, $0x8  }
.LBB2_14:
0x1f1: {  	s3 =	sshll.u32 s1, $0x9  }
0x1f2: {  	s4 =	sadd.s32 $0x3150, s3  }
0x1f3: {  	[tilespmem:s26], [sflag:$0x1] =	stream.indirect.gather [hbm4b:s22+s0], $0x40, s4, s0, $0xb8;
	[tilespmem:$0xE350] =	vst v63  }
0x1f4: {  	_ = 	snop  }
0x1f5: {  	[tilespmem:s28], [sflag:$0x1] =	stream.indirect.gather [hbm4b:s13+s0], $0x1, s4, s0, $0xb8;
	[tilespmem:$0xE350] =	vst v63  }
0x1f6: {  	_ = 	snop  }
0x1f7: {  	[tilespmem:s29], [sflag:$0x1] =	stream.indirect.gather [hbm4b:s14+s0], $0x1, s4, s0, $0xb8;
	[tilespmem:$0xE350] =	vst v63  }
0x1f8: {  	_ = 	snop  }
0x1f9: {  	[tilespmem:s30], [sflag:$0x1] =	stream.indirect.gather [hbm4b:s15+s0], $0x1, s4, s0, $0xb8;
	[tilespmem:$0xE350] =	vst v63  }
0x1fa: {  	_ = 	snop  }
0x1fb: {  	[tilespmem:s31], [sflag:$0x1] =	stream.indirect.gather [hbm4b:s16+s0], $0x1, s4, s0, $0xb8;
	[tilespmem:$0xE350] =	vst v63  }
0x1fc: {  	s5 =	simm.s32 $0x4150  }
0x1fd: {  	[tilespmem:s5], [sflag:$0x1] =	stream.indirect.gather [hbm4b:s17+s0], $0x1, s4, s0, $0xb8;
	[tilespmem:$0xE350] =	vst v63  }
0x1fe: {  	s7 =	simm.s32 $0x4350  }
0x1ff: {  	[tilespmem:s7], [sflag:$0x1] =	stream.indirect.gather [hbm4b:s18+s0], $0x1, s4, s0, $0xb8;
	[tilespmem:$0xE350] =	vst v63  }
0x200: {  	s9 =	simm.s32 $0x4550  }
0x201: {  	[tilespmem:s9], [sflag:$0x1] =	stream.indirect.gather [hbm4b:s19+s0], $0x1, s4, s0, $0xb8;
	[tilespmem:$0xE350] =	vst v63  }
0x202: {  	s10 =	simm.s32 $0x4750  }
0x203: {  	[tilespmem:s10], [sflag:$0x1] =	stream.indirect.gather [hbm4b:s20+s0], $0x1, s4, s0, $0xb8;
	[tilespmem:$0xE350] =	vst v63  }
0x204: {  	s6 =	simm.s32 $0x4950  }
0x205: {  	[tilespmem:s6], [sflag:$0x1] =	stream.indirect.gather [hbm4b:s21+s0], $0x1, s4, s0, $0xb8;
	[tilespmem:$0xE350] =	vst v63  }
0x206: {  	s4 =	sand.u32 $0x3FFFFE00, s3  }
0x207: {  	s6 =	simm.s32 $0x6B50;
	s5 =	sadd.s32 $0x31D0, s4  }
0x208: {  	[tilespmem:s6], [sflag:$0x1] =	stream.indirect.gather [hbm4b:s22+s0], $0x40, s5, s0, $0xb8;
	[tilespmem:$0xE350] =	vst v63  }
0x209: {  	s7 =	simm.s32 $0x39D0  }
0x20a: {  	[tilespmem:s7], [sflag:$0x1] =	stream.indirect.gather [hbm4b:s13+s0], $0x1, s5, s0, $0xb8;
	[tilespmem:$0xE350] =	vst v63  }
0x20b: {  	s9 =	simm.s32 $0x3BD0  }
0x20c: {  	[tilespmem:s9], [sflag:$0x1] =	stream.indirect.gather [hbm4b:s14+s0], $0x1, s5, s0, $0xb8;
	[tilespmem:$0xE350] =	vst v63  }
0x20d: {  	s10 =	simm.s32 $0x3DD0  }
0x20e: {  	[tilespmem:s10], [sflag:$0x1] =	stream.indirect.gather [hbm4b:s15+s0], $0x1, s5, s0, $0xb8;
	[tilespmem:$0xE350] =	vst v63  }
0x20f: {  	s7 =	simm.s32 $0x3FD0  }
0x210: {  	[tilespmem:s7], [sflag:$0x1] =	stream.indirect.gather [hbm4b:s16+s0], $0x1, s5, s0, $0xb8;
	[tilespmem:$0xE350] =	vst v63  }
0x211: {  	s9 =	simm.s32 $0x41D0  }
0x212: {  	[tilespmem:s9], [sflag:$0x1] =	stream.indirect.gather [hbm4b:s17+s0], $0x1, s5, s0, $0xb8;
	[tilespmem:$0xE350] =	vst v63  }
0x213: {  	s10 =	simm.s32 $0x43D0  }
0x214: {  	[tilespmem:s10], [sflag:$0x1] =	stream.indirect.gather [hbm4b:s18+s0], $0x1, s5, s0, $0xb8;
	[tilespmem:$0xE350] =	vst v63  }
0x215: {  	s7 =	simm.s32 $0x45D0  }
0x216: {  	[tilespmem:s7], [sflag:$0x1] =	stream.indirect.gather [hbm4b:s19+s0], $0x1, s5, s0, $0xb8;
	[tilespmem:$0xE350] =	vst v63  }
0x217: {  	s9 =	simm.s32 $0x47D0  }
0x218: {  	[tilespmem:s9], [sflag:$0x1] =	stream.indirect.gather [hbm4b:s20+s0], $0x1, s5, s0, $0xb8;
	[tilespmem:$0xE350] =	vst v63  }
0x219: {  	s10 =	simm.s32 $0x49D0  }
0x21a: {  	[tilespmem:s10], [sflag:$0x1] =	stream.indirect.gather [hbm4b:s21+s0], $0x1, s5, s0, $0xb8;
	[tilespmem:$0xE350] =	vst v63  }
0x21b: {  	s7 =	simm.s32 $0x8B50;
	s5 =	sadd.s32 $0x3250, s4  }
0x21c: {  	[tilespmem:s7], [sflag:$0x1] =	stream.indirect.gather [hbm4b:s22+s0], $0x40, s5, s0, $0xb8;
	[tilespmem:$0xE350] =	vst v63  }
0x21d: {  	s9 =	simm.s32 $0x3A50  }
0x21e: {  	[tilespmem:s9], [sflag:$0x1] =	stream.indirect.gather [hbm4b:s13+s0], $0x1, s5, s0, $0xb8;
	[tilespmem:$0xE350] =	vst v63  }
0x21f: {  	s10 =	simm.s32 $0x3C50  }
0x220: {  	[tilespmem:s10], [sflag:$0x1] =	stream.indirect.gather [hbm4b:s14+s0], $0x1, s5, s0, $0xb8;
	[tilespmem:$0xE350] =	vst v63  }
0x221: {  	s7 =	simm.s32 $0x3E50  }
0x222: {  	[tilespmem:s7], [sflag:$0x1] =	stream.indirect.gather [hbm4b:s15+s0], $0x1, s5, s0, $0xb8;
	[tilespmem:$0xE350] =	vst v63  }
0x223: {  	s9 =	simm.s32 $0x4050  }
0x224: {  	[tilespmem:s9], [sflag:$0x1] =	stream.indirect.gather [hbm4b:s16+s0], $0x1, s5, s0, $0xb8;
	[tilespmem:$0xE350] =	vst v63  }
0x225: {  	s10 =	simm.s32 $0x4250  }
0x226: {  	[tilespmem:s10], [sflag:$0x1] =	stream.indirect.gather [hbm4b:s17+s0], $0x1, s5, s0, $0xb8;
	[tilespmem:$0xE350] =	vst v63  }
0x227: {  	s7 =	simm.s32 $0x4450  }
0x228: {  	[tilespmem:s7], [sflag:$0x1] =	stream.indirect.gather [hbm4b:s18+s0], $0x1, s5, s0, $0xb8;
	[tilespmem:$0xE350] =	vst v63  }
0x229: {  	s9 =	simm.s32 $0x4650  }
0x22a: {  	[tilespmem:s9], [sflag:$0x1] =	stream.indirect.gather [hbm4b:s19+s0], $0x1, s5, s0, $0xb8;
	[tilespmem:$0xE350] =	vst v63  }
0x22b: {  	s10 =	simm.s32 $0x4850  }
0x22c: {  	[tilespmem:s10], [sflag:$0x1] =	stream.indirect.gather [hbm4b:s20+s0], $0x1, s5, s0, $0xb8;
	[tilespmem:$0xE350] =	vst v63  }
0x22d: {  	s7 =	simm.s32 $0x4A50  }
0x22e: {  	[tilespmem:s7], [sflag:$0x1] =	stream.indirect.gather [hbm4b:s21+s0], $0x1, s5, s0, $0xb8;
	[tilespmem:$0xE350] =	vst v63  }
0x22f: {  	s4 =	sadd.s32 $0x32D0, s4;
	s9 =	simm.s32 $0xAB50  }
0x230: {  	[tilespmem:s9], [sflag:$0x1] =	stream.indirect.gather [hbm4b:s22+s0], $0x40, s4, s0, $0xb8;
	[tilespmem:$0xE350] =	vst v63  }
0x231: {  	s10 =	simm.s32 $0x3AD0  }
0x232: {  	[tilespmem:s10], [sflag:$0x1] =	stream.indirect.gather [hbm4b:s13+s0], $0x1, s4, s0, $0xb8;
	[tilespmem:$0xE350] =	vst v63  }
0x233: {  	s6 =	simm.s32 $0x3CD0  }
0x234: {  	[tilespmem:s6], [sflag:$0x1] =	stream.indirect.gather [hbm4b:s14+s0], $0x1, s4, s0, $0xb8;
	[tilespmem:$0xE350] =	vst v63  }
0x235: {  	s7 =	simm.s32 $0x3ED0  }
0x236: {  	[tilespmem:s7], [sflag:$0x1] =	stream.indirect.gather [hbm4b:s15+s0], $0x1, s4, s0, $0xb8;
	[tilespmem:$0xE350] =	vst v63  }
0x237: {  	s9 =	simm.s32 $0x40D0  }
0x238: {  	[tilespmem:s9], [sflag:$0x1] =	stream.indirect.gather [hbm4b:s16+s0], $0x1, s4, s0, $0xb8;
	[tilespmem:$0xE350] =	vst v63  }
0x239: {  	s10 =	simm.s32 $0x42D0  }
0x23a: {  	[tilespmem:s10], [sflag:$0x1] =	stream.indirect.gather [hbm4b:s17+s0], $0x1, s4, s0, $0xb8;
	[tilespmem:$0xE350] =	vst v63  }
0x23b: {  	s6 =	simm.s32 $0x44D0  }
0x23c: {  	[tilespmem:s6], [sflag:$0x1] =	stream.indirect.gather [hbm4b:s18+s0], $0x1, s4, s0, $0xb8;
	[tilespmem:$0xE350] =	vst v63  }
0x23d: {  	s7 =	simm.s32 $0x46D0  }
0x23e: {  	[tilespmem:s7], [sflag:$0x1] =	stream.indirect.gather [hbm4b:s19+s0], $0x1, s4, s0, $0xb8;
	[tilespmem:$0xE350] =	vst v63  }
0x23f: {  	s9 =	simm.s32 $0x48D0  }
0x240: {  	[tilespmem:s9], [sflag:$0x1] =	stream.indirect.gather [hbm4b:s20+s0], $0x1, s4, s0, $0xb8;
	[tilespmem:$0xE350] =	vst v63  }
0x241: {  	s10 =	simm.s32 $0x4AD0  }
0x242: {  	[tilespmem:s10], [sflag:$0x1] =	stream.indirect.gather [hbm4b:s21+s0], $0x1, s4, s0, $0xb8;
	[tilespmem:$0xE350] =	vst v63  }
0x243: {  	_ =	swait.ge [sflag:s8], $0x2000  }
0x244: {  	[sflag:s8] =	ssyncset.done $0x0  }
0x245: {  	[sflag:s8] =	ssyncadd.s32 $0xFFFFE000  }
0x246: {  	_ =	swait.ge [sflag:s8], $0x80  }
0x247: {  	[sflag:s8] =	ssyncset.done $0x0  }
0x248: {  	[sflag:s8] =	ssyncadd.s32 $0xFFFFFF80  }
0x249: {  	_ =	swait.ge [sflag:s8], $0x80  }
0x24a: {  	[sflag:s8] =	ssyncset.done $0x0  }
0x24b: {  	[sflag:s8] =	ssyncadd.s32 $0xFFFFFF80  }
0x24c: {  	_ =	swait.ge [sflag:s8], $0x80  }
0x24d: {  	[sflag:s8] =	ssyncset.done $0x0  }
0x24e: {  	[sflag:s8] =	ssyncadd.s32 $0xFFFFFF80  }
0x24f: {  	_ =	swait.ge [sflag:s8], $0x80  }
0x250: {  	[sflag:s8] =	ssyncset.done $0x0  }
0x251: {  	[sflag:s8] =	ssyncadd.s32 $0xFFFFFF80  }
0x252: {  	_ =	swait.ge [sflag:s8], $0x80  }
0x253: {  	[sflag:s8] =	ssyncset.done $0x0  }
0x254: {  	[sflag:s8] =	ssyncadd.s32 $0xFFFFFF80  }
0x255: {  	_ =	swait.ge [sflag:s8], $0x80  }
0x256: {  	[sflag:s8] =	ssyncset.done $0x0  }
0x257: {  	[sflag:s8] =	ssyncadd.s32 $0xFFFFFF80  }
0x258: {  	_ =	swait.ge [sflag:s8], $0x80  }
0x259: {  	[sflag:s8] =	ssyncset.done $0x0  }
0x25a: {  	[sflag:s8] =	ssyncadd.s32 $0xFFFFFF80  }
0x25b: {  	_ =	swait.ge [sflag:s8], $0x80  }
0x25c: {  	[sflag:s8] =	ssyncset.done $0x0  }
0x25d: {  	[sflag:s8] =	ssyncadd.s32 $0xFFFFFF80  }
0x25e: {  	_ =	swait.ge [sflag:s8], $0x80  }
0x25f: {  	[sflag:s8] =	ssyncset.done $0x0  }
0x260: {  	[sflag:s8] =	ssyncadd.s32 $0xFFFFFF80  }
0x261: {  	_ =	swait.ge [sflag:s8], $0x2000  }
0x262: {  	[sflag:s8] =	ssyncset.done $0x0  }
0x263: {  	[sflag:s8] =	ssyncadd.s32 $0xFFFFE000  }
0x264: {  	_ =	swait.ge [sflag:s8], $0x80  }
0x265: {  	[sflag:s8] =	ssyncset.done $0x0  }
0x266: {  	[sflag:s8] =	ssyncadd.s32 $0xFFFFFF80  }
0x267: {  	_ =	swait.ge [sflag:s8], $0x80  }
0x268: {  	[sflag:s8] =	ssyncset.done $0x0  }
0x269: {  	[sflag:s8] =	ssyncadd.s32 $0xFFFFFF80  }
0x26a: {  	_ =	swait.ge [sflag:s8], $0x80  }
0x26b: {  	[sflag:s8] =	ssyncset.done $0x0  }
0x26c: {  	[sflag:s8] =	ssyncadd.s32 $0xFFFFFF80  }
0x26d: {  	_ =	swait.ge [sflag:s8], $0x80  }
0x26e: {  	[sflag:s8] =	ssyncset.done $0x0  }
0x26f: {  	[sflag:s8] =	ssyncadd.s32 $0xFFFFFF80  }
0x270: {  	_ =	swait.ge [sflag:s8], $0x80  }
0x271: {  	[sflag:s8] =	ssyncset.done $0x0  }
0x272: {  	[sflag:s8] =	ssyncadd.s32 $0xFFFFFF80  }
0x273: {  	_ =	swait.ge [sflag:s8], $0x80  }
0x274: {  	[sflag:s8] =	ssyncset.done $0x0  }
0x275: {  	[sflag:s8] =	ssyncadd.s32 $0xFFFFFF80  }
0x276: {  	_ =	swait.ge [sflag:s8], $0x80  }
0x277: {  	[sflag:s8] =	ssyncset.done $0x0  }
0x278: {  	[sflag:s8] =	ssyncadd.s32 $0xFFFFFF80  }
0x279: {  	_ =	swait.ge [sflag:s8], $0x80  }
0x27a: {  	[sflag:s8] =	ssyncset.done $0x0  }
0x27b: {  	[sflag:s8] =	ssyncadd.s32 $0xFFFFFF80  }
0x27c: {  	_ =	swait.ge [sflag:s8], $0x80  }
0x27d: {  	[sflag:s8] =	ssyncset.done $0x0  }
0x27e: {  	[sflag:s8] =	ssyncadd.s32 $0xFFFFFF80  }
0x27f: {  	_ =	swait.ge [sflag:s8], $0x2000  }
0x280: {  	[sflag:s8] =	ssyncset.done $0x0  }
0x281: {  	[sflag:s8] =	ssyncadd.s32 $0xFFFFE000  }
0x282: {  	_ =	swait.ge [sflag:s8], $0x80  }
0x283: {  	[sflag:s8] =	ssyncset.done $0x0  }
0x284: {  	[sflag:s8] =	ssyncadd.s32 $0xFFFFFF80  }
0x285: {  	_ =	swait.ge [sflag:s8], $0x80  }
0x286: {  	[sflag:s8] =	ssyncset.done $0x0  }
0x287: {  	[sflag:s8] =	ssyncadd.s32 $0xFFFFFF80  }
0x288: {  	_ =	swait.ge [sflag:s8], $0x80  }
0x289: {  	[sflag:s8] =	ssyncset.done $0x0  }
0x28a: {  	[sflag:s8] =	ssyncadd.s32 $0xFFFFFF80  }
0x28b: {  	_ =	swait.ge [sflag:s8], $0x80  }
0x28c: {  	[sflag:s8] =	ssyncset.done $0x0  }
0x28d: {  	[sflag:s8] =	ssyncadd.s32 $0xFFFFFF80  }
0x28e: {  	_ =	swait.ge [sflag:s8], $0x80  }
0x28f: {  	[sflag:s8] =	ssyncset.done $0x0  }
0x290: {  	[sflag:s8] =	ssyncadd.s32 $0xFFFFFF80  }
0x291: {  	_ =	swait.ge [sflag:s8], $0x80  }
0x292: {  	[sflag:s8] =	ssyncset.done $0x0  }
0x293: {  	[sflag:s8] =	ssyncadd.s32 $0xFFFFFF80  }
0x294: {  	_ =	swait.ge [sflag:s8], $0x80  }
0x295: {  	[sflag:s8] =	ssyncset.done $0x0  }
0x296: {  	[sflag:s8] =	ssyncadd.s32 $0xFFFFFF80  }
0x297: {  	_ =	swait.ge [sflag:s8], $0x80  }
0x298: {  	[sflag:s8] =	ssyncset.done $0x0  }
0x299: {  	[sflag:s8] =	ssyncadd.s32 $0xFFFFFF80  }
0x29a: {  	_ =	swait.ge [sflag:s8], $0x80  }
0x29b: {  	[sflag:s8] =	ssyncset.done $0x0  }
0x29c: {  	[sflag:s8] =	ssyncadd.s32 $0xFFFFFF80  }
0x29d: {  	_ =	swait.ge [sflag:s8], $0x2000  }
0x29e: {  	[sflag:s8] =	ssyncset.done $0x0  }
0x29f: {  	[sflag:s8] =	ssyncadd.s32 $0xFFFFE000  }
0x2a0: {  	_ =	swait.ge [sflag:s8], $0x80  }
0x2a1: {  	[sflag:s8] =	ssyncset.done $0x0  }
0x2a2: {  	[sflag:s8] =	ssyncadd.s32 $0xFFFFFF80  }
0x2a3: {  	_ =	swait.ge [sflag:s8], $0x80  }
0x2a4: {  	[sflag:s8] =	ssyncset.done $0x0  }
0x2a5: {  	[sflag:s8] =	ssyncadd.s32 $0xFFFFFF80  }
0x2a6: {  	_ =	swait.ge [sflag:s8], $0x80  }
0x2a7: {  	[sflag:s8] =	ssyncset.done $0x0  }
0x2a8: {  	[sflag:s8] =	ssyncadd.s32 $0xFFFFFF80  }
0x2a9: {  	_ =	swait.ge [sflag:s8], $0x80  }
0x2aa: {  	[sflag:s8] =	ssyncset.done $0x0  }
0x2ab: {  	[sflag:s8] =	ssyncadd.s32 $0xFFFFFF80  }
0x2ac: {  	_ =	swait.ge [sflag:s8], $0x80  }
0x2ad: {  	[sflag:s8] =	ssyncset.done $0x0  }
0x2ae: {  	[sflag:s8] =	ssyncadd.s32 $0xFFFFFF80  }
0x2af: {  	_ =	swait.ge [sflag:s8], $0x80  }
0x2b0: {  	[sflag:s8] =	ssyncset.done $0x0  }
0x2b1: {  	[sflag:s8] =	ssyncadd.s32 $0xFFFFFF80  }
0x2b2: {  	_ =	swait.ge [sflag:s8], $0x80  }
0x2b3: {  	[sflag:s8] =	ssyncset.done $0x0  }
0x2b4: {  	[sflag:s8] =	ssyncadd.s32 $0xFFFFFF80  }
0x2b5: {  	_ =	swait.ge [sflag:s8], $0x80  }
0x2b6: {  	[sflag:s8] =	ssyncset.done $0x0  }
0x2b7: {  	[sflag:s8] =	ssyncadd.s32 $0xFFFFFF80  }
0x2b8: {  	_ =	swait.ge [sflag:s8], $0x80  }
0x2b9: {  	[sflag:s8] =	ssyncset.done $0x0  }
0x2ba: {  	s7 =	simm.s32 $0x0;
	[sflag:s8] =	ssyncadd.s32 $0xFFFFFF80  }
0x2bb: {  	v30 =	vld [tilespmem:s7+$0x3950]  }
0x2bc: {  	v35 =	vld [tilespmem:s7+$0x3B50];
	_ =	sdelay $0x1  }
0x2bd: {  	v31 =	vld [tilespmem:s7+$0x3D50];
	_ =	sdelay $0x1  }
0x2be: {  	s6 =	simm.s32 $0x10;
	v20 =	vsub.f32 v30, v8  }
0x2bf: {  	v29 =	vld [tilespmem:s6+$0x3D50];
	v21 =	vsub.f32 v35, v9  }
0x2c0: {  	v22 =	vmul.f32 $6.553700000e+04, v20  }
0x2c1: {  	v28 =	vld [tilespmem:s6+$0x3B50];
	v23 =	vsub.f32 v31, v10;
	v24 =	vmul.f32 $6.553700000e+04, v21  }
0x2c2: {  	v20 =	vsub.f32 v22, v20  }
0x2c3: {  	v26 =	vld [tilespmem:s6+$0x3950];
	v25 =	vmul.f32 $6.553700000e+04, v23;
	v21 =	vsub.f32 v24, v21  }
0x2c4: {  	v33 =	vsub.f32 v29, v10;
	v20 =	vsub.f32 v22, v20  }
0x2c5: {  	v22 =	vsub.f32 v25, v23;
	v21 =	vsub.f32 v24, v21  }
0x2c6: {  	v27 =	vsub.f32 v28, v9;
	v38 =	vmul.f32 $6.553700000e+04, v33  }
0x2c7: {  	v24 =	vmul.f32 v20, v17;
	v25 =	vsub.f32 v25, v22;
	v22 =	vmul.f32 v21, v18  }
0x2c8: {  	v33 =	vsub.f32 v38, v33;
	v23 =	vsub.f32 v26, v8  }
0x2c9: {  	v24 =	vadd.f32 v22, v24;
	v34 =	vmul.f32 v25, v19  }
0x2ca: {  	v37 =	vmul.f32 $6.553700000e+04, v27;
	v38 =	vsub.f32 v38, v33;
	v32 =	vmul.f32 $6.553700000e+04, v23  }
0x2cb: {  	v57 =	vmul.f32 v20, v11;
	v40 =	vmul.f32 v21, v12;
	v36 =	vadd.f32 v34, v24  }
0x2cc: {  	s5 =	simm.s32 $0x20;
	v20 =	vmul.f32 v20, v14;
	v23 =	vsub.f32 v32, v23;
	v24 =	vsub.f32 v37, v27  }
0x2cd: {  	v21 =	vmul.f32 v21, v15;
	v22 =	vld [tilespmem:s5+$0x3950];
	v40 =	vadd.f32 v40, v57;
	(erf) = vrcp.f32 v36  }
0x2ce: {  	v56 =	vsub.f32 v32, v23;
	v37 =	vsub.f32 v37, v24  }
0x2cf: {  	v20 =	vadd.f32 v21, v20;
	v21 =	vmul.f32 v25, v16;
	v25 =	vmul.f32 v25, v13;
	v23 =	vld [tilespmem:s5+$0x3B50]  }
0x2d0: {  	s4 =	simm.s32 $0x30;
	v27 =	vld [tilespmem:s5+$0x3D50];
	v39 =	vmul.f32 v56, v17;
	v58 =	vmul.f32 v37, v18  }
0x2d1: {  	v60 =	vmul.f32 v38, v19;
	v44 =	vadd.f32 v21, v20;
	v40 =	vadd.f32 v25, v40;
	v21 =	vld [tilespmem:s4+$0x3B50]  }
0x2d2: {  	v49 =	vmul.f32 v38, v13;
	v24 =	vsub.f32 v22, v8;
	v59 =	vadd.f32 v58, v39  }
0x2d3: {  	v20 =	vld [tilespmem:s4+$0x3950];
	v25 =	vmov s2;
	v43 =	vmul.f32 v56, v11;
	v34 =	vmul.f32 v56, v14  }
0x2d4: {  	v62 =	vmul.f32 v37, v12;
	v41 =	vmul.f32 $6.553700000e+04, v24;
	v32 =	vadd.f32 v60, v59  }
0x2d5: {  	v37 =	vmul.f32 v37, v15;
	v61 =	vsub.f32 v23, v9;
	v42 =	vsub.f32 v27, v10  }
0x2d6: {  	v52 =	vsub.f32 v21, v9;
	v24 =	vsub.f32 v41, v24;
	v46 =	vpop (erf);
	(erf) = vrcp.f32 v32  }
0x2d7: {  	v63 =	vadd.f32 v62, v43;
	v34 =	vadd.f32 v37, v34;
	v45 =	vmul.f32 $6.553700000e+04, v61  }
0x2d8: {  	v48 =	vmul.f32 $6.553700000e+04, v42;
	v60 =	vsub.f32 v20, v8;
	v33 =	vsub.f32 v41, v24;
	v24 =	vld [tilespmem:s4+$0x3D50]  }
0x2d9: {  	v47 =	vld [tilespmem:s7+$0x4350];
	v63 =	vadd.f32 v49, v63;
	v39 =	vsub.f32 v45, v61;
	v61 =	vmul.f32 v38, v16  }
0x2da: {  	v51 =	vld [tilespmem:s7+$0x3F50];
	v42 =	vsub.f32 v48, v42;
	v54 =	vmul.f32 $6.553700000e+04, v60;
	v50 =	vmul.f32 v33, v17  }
0x2db: {  	v55 =	vld [tilespmem:s7+$0x4150];
	v38 =	vmul.f32 v33, v11;
	v37 =	vadd.f32 v61, v34;
	v40 =	vmul.f32 v46, v40  }
0x2dc: {  	v57 =	vld [tilespmem:s7+$0x4550];
	v34 =	vmul.f32 $6.553700000e+04, v52;
	v41 =	vmul.f32 v46, v44;
	v46 =	vsub.f32 v45, v39  }
0x2dd: {  	v53 =	vld [tilespmem:s7+$0x4750];
	v62 =	vsub.f32 v54, v60;
	v44 =	vmul.f32 v40, v36;
	v56 =	vsub.f32 v24, v10  }
0x2de: {  	v49 =	vld.idx.msk [tilespmem:v25+s7+$0x0 ss:$0x1], $0xffff;
	v40 =	vsub.f32 v48, v42;
	v48 =	vmul.f32 v41, v36;
	v59 =	vmul.f32 v46, v18  }
0x2df: {  	[tilespmem:s7+$0xD750] =	vst v51;
	v41 =	vsub.f32 v54, v62;
	v54 =	vld [tilespmem:s7+$0x4950];
	v42 =	vsub.f32 v34, v52;
	v43 =	vmul.f32 $6.553700000e+04, v56;
	v58 =	vpop (erf)  }
0x2e0: {  	[tilespmem:s7+$0xD950] =	vst v55;
	v50 =	vadd.f32 v59, v50;
	v52 =	vmul.f32 v40, v19;
	v51 =	vmul.f32 v58, v63  }
0x2e1: {  	s9 =	simm.s32 $0x100;
	[tilespmem:s7+$0xDD50] =	vst v57;
	v39 =	vsub.f32 v43, v56;
	v45 =	vmul.f32 v58, v37;
	v37 =	vmul.f32 v41, v17  }
.LBB2_15:
0x2e2: {  	s10 =	sshra.s32 s9, $0x2;
	p0 =	sne.s32 s9, $0x7C0;
	s9 =	sadd.s32 $0x40, s9;
	v55 =	vmul.f32 v46, v12;
	v51 =	vmul.f32 v51, v32;
	[tilespmem:s7+$0xDF50] =	vst v53;
	v56 =	vmovc v23;
	v23 =	vmov v21  }
0x2e3: {  	v58 =	vmul.f32 v33, v14;
	v46 =	vmul.f32 v46, v15;
	v53 =	vld [tilespmem:s10+$0x3950];
	v50 =	vadd.f32 v52, v50;
	[tilespmem:s7+$0xDB50] =	vst v47  }
0x2e4: {  	v47 =	vbroadcast v49, $0x2;
	v21 =	vld [tilespmem:s10+$0x3B50];
	v52 =	vadd.f32 v55, v38;
	v38 =	vmul.f32 v41, v11;
	[tilespmem:s7+$0xE150] =	vst v54;
	v54 =	vmovc v24  }
0x2e5: {  	v57 =	vmovc v43;
	v33 =	vmovc v41;
	v55 =	vadd.f32 v46, v58;
	v46 =	vbroadcast v49, $0x3;
	(erf) = vrcp.f32 v50  }
0x2e6: {  	v43 =	vbroadcast v49, $0x1;
	v41 =	vbroadcast v49, $0x0;
	v47 =	vsub.f32 v31, v47;
	v31 =	vmovc v29;
	v29 =	vmovc v27;
	v24 =	vld [tilespmem:s10+$0x3D50]  }
0x2e7: {  	v58 =	vbroadcast v49, $0x4;
	v49 =	vbroadcast v49, $0x5;
	v27 =	vmovc v54;
	v46 =	vsub.f32 v44, v46;
	v44 =	vmovc v51  }
0x2e8: {  	v35 =	vsub.f32 v35, v43;
	v51 =	vmul.f32 v40, v16;
	v41 =	vsub.f32 v30, v41;
	[tilespmem:s7+$0xCF50] =	vst v47  }
0x2e9: {  	v49 =	vsub.f32 v36, v49;
	v30 =	vmovc v26;
	v26 =	vmov v22;
	v43 =	vsub.f32 v53, v8;
	v47 =	vld [tilespmem:s6+$0x4350];
	[tilespmem:s7+$0xD150] =	vst v46  }
0x2ea: {  	v48 =	vsub.f32 v48, v58;
	v22 =	vmovc v20;
	v20 =	vmov v53;
	v59 =	vsub.f32 v21, v9;
	v54 =	vld [tilespmem:s6+$0x3F50];
	[tilespmem:s7+$0xCD50] =	vst v35  }
0x2eb: {  	v40 =	vmul.f32 v40, v13;
	v36 =	vmovc v32;
	v58 =	vmul.f32 $6.553700000e+04, v43;
	v60 =	vsub.f32 v24, v10;
	v61 =	vld [tilespmem:s6+$0x4150];
	[tilespmem:s7+$0xCB50] =	vst v41  }
0x2ec: {  	v32 =	vmovc v50;
	v55 =	vadd.f32 v51, v55;
	v46 =	vsub.f32 v34, v42;
	v34 =	vmul.f32 $6.553700000e+04, v59;
	v62 =	vld [tilespmem:s6+$0x4550];
	[tilespmem:s7+$0xD350] =	vst v48  }
.Ltmp12:
0x2ed: {  	v42 =	vadd.f32 v40, v52;
	v35 =	vmovc v28;
	v41 =	vsub.f32 v58, v43;
	v43 =	vmul.f32 $6.553700000e+04, v60;
	v53 =	vld [tilespmem:s6+$0x4750];
	[tilespmem:s7+$0xD550] =	vst v49;
	s7 =	smov.u32 s6;
	s6 =	smov.u32 s5;
	(pc) =	sbr.rel @p0 .LBB2_15-.Ltmp12, $4  }
0x2ee: {  	v40 =	vsub.f32 v57, v39;
	v28 =	vmov v56;
	v48 =	vmul.f32 v45, v36;
	s5 =	smov.u32 s4;
	s4 =	smov.u32 s10;
	v50 =	vpop (erf);
	v49 =	vld.idx.msk [tilespmem:v25+s7+$0x0 ss:$0x1], $0xffff  }
0x2ef: {  	v52 =	vmul.f32 v46, v18;
	v41 =	vsub.f32 v58, v41;
	v51 =	vmul.f32 v50, v42;
	[tilespmem:s7+$0xD750] =	vst v54;
	v54 =	vld [tilespmem:s7+$0x4950]  }
0x2f0: {  	v42 =	vsub.f32 v34, v59;
	v39 =	vsub.f32 v43, v60;
	v45 =	vmul.f32 v50, v55;
	[tilespmem:s7+$0xD950] =	vst v61  }
0x2f1: {  	v50 =	vadd.f32 v52, v37;
	v52 =	vmul.f32 v40, v19;
	v37 =	vmul.f32 v41, v17;
	[tilespmem:s7+$0xDD50] =	vst v62  }
0x2f2: {  	_ = 	snop  }
0x2f3: {  	v55 =	vbroadcast v49, $0x2  }
0x2f4: {  	[tilespmem:s7+$0xDF50] =	vst v53;
	v59 =	vbroadcast v49, $0x3  }
0x2f5: {  	[tilespmem:s7+$0xDB50] =	vst v47;
	v60 =	vbroadcast v49, $0x1;
	v31 =	vsub.f32 v31, v55  }
0x2f6: {  	v61 =	vbroadcast v49, $0x0;
	[tilespmem:s7+$0xE150] =	vst v54;
	v44 =	vsub.f32 v44, v59  }
0x2f7: {  	v62 =	vbroadcast v49, $0x4;
	v35 =	vsub.f32 v35, v60;
	[tilespmem:s7+$0xCF50] =	vst v31  }
0x2f8: {  	v63 =	vbroadcast v49, $0x5;
	v30 =	vsub.f32 v30, v61;
	v31 =	vld [tilespmem:s6+$0x4350];
	[tilespmem:s7+$0xD150] =	vst v44  }
0x2f9: {  	v48 =	vsub.f32 v48, v62;
	v44 =	vld [tilespmem:s6+$0x3F50];
	[tilespmem:s7+$0xCD50] =	vst v35  }
0x2fa: {  	v36 =	vsub.f32 v36, v63;
	v35 =	vld [tilespmem:s6+$0x4150];
	[tilespmem:s7+$0xCB50] =	vst v30  }
0x2fb: {  	v30 =	vld [tilespmem:s6+$0x4550];
	[tilespmem:s7+$0xD350] =	vst v48  }
0x2fc: {  	v48 =	vld [tilespmem:s6+$0x4750];
	[tilespmem:s7+$0xD550] =	vst v36  }
0x2fd: {  	v36 =	vld.idx.msk [tilespmem:v25+s6+$0x0 ss:$0x1], $0xffff;
	_ =	sdelay $0x2  }
0x2fe: {  	v49 =	vld [tilespmem:s6+$0x4950];
	[tilespmem:s6+$0xDB50] =	vst v31  }
0x2ff: {  	[tilespmem:s6+$0xD750] =	vst v44  }
0x300: {  	[tilespmem:s6+$0xD950] =	vst v35;
	v53 =	vbroadcast v36, $0x2  }
0x301: {  	v54 =	vmul.f32 v51, v32;
	[tilespmem:s6+$0xDD50] =	vst v30;
	v55 =	vbroadcast v36, $0x3  }
0x302: {  	v30 =	vadd.f32 v52, v50;
	[tilespmem:s6+$0xDF50] =	vst v48;
	v56 =	vbroadcast v36, $0x1;
	v29 =	vsub.f32 v29, v53  }
0x303: {  	v58 =	vmul.f32 v45, v32;
	[tilespmem:s6+$0xE150] =	vst v49;
	v57 =	vbroadcast v36, $0x0;
	v31 =	vsub.f32 v54, v55  }
0x304: {  	v59 =	vbroadcast v36, $0x4;
	(erf) = vrcp.f32 v30;
	v28 =	vsub.f32 v28, v56;
	[tilespmem:s6+$0xCF50] =	vst v29  }
0x305: {  	v60 =	vbroadcast v36, $0x5;
	v26 =	vsub.f32 v26, v57;
	v29 =	vld [tilespmem:s5+$0x4350];
	[tilespmem:s6+$0xD150] =	vst v31  }
0x306: {  	v61 =	vsub.f32 v58, v59;
	v31 =	vld [tilespmem:s5+$0x3F50];
	[tilespmem:s6+$0xCD50] =	vst v28  }
0x307: {  	v62 =	vsub.f32 v32, v60;
	v28 =	vld [tilespmem:s5+$0x4150];
	[tilespmem:s6+$0xCB50] =	vst v26  }
0x308: {  	v48 =	vmul.f32 v46, v12;
	v26 =	vld [tilespmem:s5+$0x4550];
	[tilespmem:s6+$0xD350] =	vst v61  }
0x309: {  	v63 =	vld [tilespmem:s5+$0x4750];
	[tilespmem:s6+$0xD550] =	vst v62  }
0x30a: {  	v49 =	vmul.f32 v40, v13;
	v36 =	vadd.f32 v48, v38;
	v32 =	vld.idx.msk [tilespmem:v25+s5+$0x0 ss:$0x1], $0xffff  }
0x30b: {  	v33 =	vmul.f32 v33, v14;
	v52 =	vmul.f32 v46, v15  }
0x30c: {  	v34 =	vsub.f32 v34, v42;
	v50 =	vadd.f32 v49, v36  }
0x30d: {  	v56 =	vadd.f32 v52, v33;
	v57 =	vmul.f32 v40, v16;
	v53 =	vpop (erf);
	v51 =	vld [tilespmem:s5+$0x4950];
	[tilespmem:s5+$0xDB50] =	vst v29  }
0x30e: {  	v60 =	vmul.f32 v34, v18;
	v54 =	vmul.f32 v53, v50;
	[tilespmem:s5+$0xD750] =	vst v31  }
0x30f: {  	v59 =	vsub.f32 v43, v39;
	v31 =	vadd.f32 v57, v56;
	[tilespmem:s5+$0xD950] =	vst v28;
	v55 =	vbroadcast v32, $0x2  }
0x310: {  	v62 =	vadd.f32 v60, v37;
	v28 =	vmul.f32 v54, v30;
	[tilespmem:s5+$0xDD50] =	vst v26;
	v58 =	vbroadcast v32, $0x3  }
0x311: {  	v31 =	vmul.f32 v53, v31;
	[tilespmem:s5+$0xDF50] =	vst v63;
	v61 =	vbroadcast v32, $0x1;
	v26 =	vsub.f32 v27, v55  }
0x312: {  	v63 =	vmul.f32 v59, v19;
	[tilespmem:s5+$0xE150] =	vst v51;
	v42 =	vbroadcast v32, $0x0;
	v28 =	vsub.f32 v28, v58  }
0x313: {  	v43 =	vmul.f32 v31, v30;
	v44 =	vbroadcast v32, $0x4;
	v23 =	vsub.f32 v23, v61;
	[tilespmem:s5+$0xCF50] =	vst v26  }
0x314: {  	v32 =	vbroadcast v32, $0x5;
	v22 =	vsub.f32 v22, v42;
	v26 =	vadd.f32 v63, v62;
	v40 =	vld [tilespmem:s4+$0x4350];
	[tilespmem:s5+$0xD150] =	vst v28  }
0x315: {  	v29 =	vsub.f32 v43, v44;
	v28 =	vld [tilespmem:s4+$0x3F50];
	[tilespmem:s5+$0xCD50] =	vst v23  }
0x316: {  	v30 =	vsub.f32 v30, v32;
	(erf) = vrcp.f32 v26;
	v23 =	vld [tilespmem:s4+$0x4150];
	[tilespmem:s5+$0xCB50] =	vst v22  }
0x317: {  	v22 =	vld [tilespmem:s4+$0x4550];
	[tilespmem:s5+$0xD350] =	vst v29  }
0x318: {  	v47 =	vld [tilespmem:s4+$0x4750];
	[tilespmem:s5+$0xD550] =	vst v30  }
0x319: {  	v49 =	vld.idx.msk [tilespmem:v25+s4+$0x0 ss:$0x1], $0xffff  }
0x31a: {  	v45 =	vmul.f32 v41, v11;
	v46 =	vmul.f32 v34, v12  }
0x31b: {  	v50 =	vmul.f32 v41, v14;
	v51 =	vmul.f32 v34, v15  }
0x31c: {  	v48 =	vmul.f32 v59, v13;
	v29 =	vadd.f32 v46, v45;
	v54 =	vld [tilespmem:s4+$0x4950];
	[tilespmem:s4+$0xDB50] =	vst v40  }
0x31d: {  	v52 =	vadd.f32 v51, v50;
	v27 =	vmul.f32 v59, v16;
	[tilespmem:s4+$0xD750] =	vst v28  }
0x31e: {  	v29 =	vadd.f32 v48, v29;
	[tilespmem:s4+$0xD950] =	vst v23;
	v56 =	vbroadcast v49, $0x2  }
0x31f: {  	v55 =	vadd.f32 v27, v52;
	[tilespmem:s4+$0xDD50] =	vst v22;
	v53 =	vpop (erf);
	v59 =	vbroadcast v49, $0x1  }
0x320: {  	[tilespmem:s4+$0xDF50] =	vst v47;
	v60 =	vbroadcast v49, $0x0;
	v29 =	vmul.f32 v53, v29;
	v22 =	vsub.f32 v24, v56  }
0x321: {  	[tilespmem:s4+$0xE150] =	vst v54;
	v62 =	vbroadcast v49, $0x5;
	v23 =	vmul.f32 v53, v55;
	v21 =	vsub.f32 v21, v59  }
0x322: {  	v58 =	vbroadcast v49, $0x3;
	v20 =	vsub.f32 v20, v60;
	v57 =	vmul.f32 v29, v26;
	[tilespmem:s4+$0xCF50] =	vst v22  }
0x323: {  	v61 =	vbroadcast v49, $0x4;
	v23 =	vmul.f32 v23, v26;
	[tilespmem:s4+$0xCD50] =	vst v21;
	v22 =	vsub.f32 v26, v62  }
0x324: {  	[tilespmem:s4+$0xCB50] =	vst v20;
	v27 =	vsub.f32 v57, v58  }
0x325: {  	s3 =	sadd.s32 s24, s3;
	v63 =	vsub.f32 v23, v61;
	[tilespmem:s4+$0xD550] =	vst v22  }
0x326: {  	s6 =	sshll.u32 s3, $0x3;
	[tilespmem:s4+$0xD150] =	vst v27  }
0x327: {  	s7 =	sadd.s32 s11, s6;
	[tilespmem:s4+$0xD350] =	vst v63  }
0x328: {  	[hbm4b:s7+s12] =	stream.linear.scatter [tilespmem:s26], [sflag:$0x2], $0x8000, $0x38;
	[tilespmem:$0xE350] =	vst v63  }
0x329: {  	_ =	swait.ge [sflag:s25], $0x8000  }
0x32a: {  	s3 =	sshrl.u32 s3, $0x3;
	[sflag:s25] =	ssyncset.done $0x0  }
0x32b: {  	s10 =	simm.s32 $0xCB50;
	s9 =	sadd.s32 s23, s3;
	[sflag:s25] =	ssyncadd.s32 $0xFFFF8000  }
0x32c: {  	[hbm4b:s9+s12] =	stream.linear.scatter [tilespmem:s10], [sflag:$0x2], $0x200, $0x38;
	[tilespmem:$0xE350] =	vst v63  }
0x32d: {  	_ =	swait.ge [sflag:s25], $0x200  }
0x32e: {  	s6 =	sor.u32 $0x2000, s3;
	[sflag:s25] =	ssyncset.done $0x0  }
0x32f: {  	s4 =	sadd.s32 s23, s6;
	s7 =	simm.s32 $0xCD50;
	[sflag:s25] =	ssyncadd.s32 $0xFFFFFE00  }
0x330: {  	[hbm4b:s4+s12] =	stream.linear.scatter [tilespmem:s7], [sflag:$0x2], $0x200, $0x38;
	[tilespmem:$0xE350] =	vst v63  }
0x331: {  	_ =	swait.ge [sflag:s25], $0x200  }
0x332: {  	s9 =	sor.u32 $0x4000, s3;
	[sflag:s25] =	ssyncset.done $0x0  }
0x333: {  	s10 =	simm.s32 $0xCF50;
	s4 =	sadd.s32 s23, s9;
	[sflag:s25] =	ssyncadd.s32 $0xFFFFFE00  }
0x334: {  	[hbm4b:s4+s12] =	stream.linear.scatter [tilespmem:s10], [sflag:$0x2], $0x200, $0x38;
	[tilespmem:$0xE350] =	vst v63  }
0x335: {  	_ =	swait.ge [sflag:s25], $0x200  }
0x336: {  	s6 =	sor.u32 $0x6000, s3;
	[sflag:s25] =	ssyncset.done $0x0  }
0x337: {  	s7 =	simm.s32 $0xD150;
	s4 =	sadd.s32 s23, s6;
	[sflag:s25] =	ssyncadd.s32 $0xFFFFFE00  }
0x338: {  	[hbm4b:s4+s12] =	stream.linear.scatter [tilespmem:s7], [sflag:$0x2], $0x200, $0x38;
	[tilespmem:$0xE350] =	vst v63  }
0x339: {  	_ =	swait.ge [sflag:s25], $0x200  }
0x33a: {  	s9 =	sor.u32 $0x8000, s3;
	[sflag:s25] =	ssyncset.done $0x0  }
0x33b: {  	s10 =	simm.s32 $0xD350;
	s4 =	sadd.s32 s23, s9;
	[sflag:s25] =	ssyncadd.s32 $0xFFFFFE00  }
0x33c: {  	[hbm4b:s4+s12] =	stream.linear.scatter [tilespmem:s10], [sflag:$0x2], $0x200, $0x38;
	[tilespmem:$0xE350] =	vst v63  }
0x33d: {  	_ =	swait.ge [sflag:s25], $0x200  }
0x33e: {  	s6 =	sor.u32 $0xA000, s3;
	[sflag:s25] =	ssyncset.done $0x0  }
0x33f: {  	s7 =	simm.s32 $0xD550;
	s4 =	sadd.s32 s23, s6;
	[sflag:s25] =	ssyncadd.s32 $0xFFFFFE00  }
0x340: {  	[hbm4b:s4+s12] =	stream.linear.scatter [tilespmem:s7], [sflag:$0x2], $0x200, $0x38;
	[tilespmem:$0xE350] =	vst v63  }
0x341: {  	_ =	swait.ge [sflag:s25], $0x200  }
0x342: {  	s9 =	sor.u32 $0xC000, s3;
	[sflag:s25] =	ssyncset.done $0x0  }
0x343: {  	s10 =	simm.s32 $0xD750;
	s4 =	sadd.s32 s23, s9;
	[sflag:s25] =	ssyncadd.s32 $0xFFFFFE00  }
0x344: {  	[hbm4b:s4+s12] =	stream.linear.scatter [tilespmem:s10], [sflag:$0x2], $0x200, $0x38;
	[tilespmem:$0xE350] =	vst v63  }
0x345: {  	_ =	swait.ge [sflag:s25], $0x200  }
0x346: {  	s6 =	sor.u32 $0xE000, s3;
	[sflag:s25] =	ssyncset.done $0x0  }
0x347: {  	s7 =	simm.s32 $0xD950;
	s4 =	sadd.s32 s23, s6;
	[sflag:s25] =	ssyncadd.s32 $0xFFFFFE00  }
0x348: {  	[hbm4b:s4+s12] =	stream.linear.scatter [tilespmem:s7], [sflag:$0x2], $0x200, $0x38;
	[tilespmem:$0xE350] =	vst v63  }
0x349: {  	_ =	swait.ge [sflag:s25], $0x200  }
0x34a: {  	s9 =	sor.u32 $0x10000, s3;
	[sflag:s25] =	ssyncset.done $0x0  }
0x34b: {  	s10 =	simm.s32 $0xDB50;
	s4 =	sadd.s32 s23, s9;
	[sflag:s25] =	ssyncadd.s32 $0xFFFFFE00  }
0x34c: {  	[hbm4b:s4+s12] =	stream.linear.scatter [tilespmem:s10], [sflag:$0x2], $0x200, $0x38;
	[tilespmem:$0xE350] =	vst v63  }
0x34d: {  	_ =	swait.ge [sflag:s25], $0x200  }
0x34e: {  	s5 =	sor.u32 $0x12000, s3;
	[sflag:s25] =	ssyncset.done $0x0  }
0x34f: {  	s6 =	simm.s32 $0xDD50;
	s4 =	sadd.s32 s23, s5;
	[sflag:s25] =	ssyncadd.s32 $0xFFFFFE00  }
0x350: {  	[hbm4b:s4+s12] =	stream.linear.scatter [tilespmem:s6], [sflag:$0x2], $0x200, $0x38;
	[tilespmem:$0xE350] =	vst v63  }
0x351: {  	_ =	swait.ge [sflag:s25], $0x200  }
0x352: {  	s7 =	sor.u32 $0x14000, s3;
	[sflag:s25] =	ssyncset.done $0x0  }
0x353: {  	s9 =	simm.s32 $0xDF50;
	s4 =	sadd.s32 s23, s7;
	[sflag:s25] =	ssyncadd.s32 $0xFFFFFE00  }
0x354: {  	[hbm4b:s4+s12] =	stream.linear.scatter [tilespmem:s9], [sflag:$0x2], $0x200, $0x38;
	[tilespmem:$0xE350] =	vst v63  }
0x355: {  	s1 =	sadd.s32 $0x1, s1;
	s3 =	sor.u32 $0x16000, s3;
	_ =	swait.ge [sflag:s25], $0x200  }
0x356: {  	p0 =	sne.s32 s1, $0x4;
	s3 =	sadd.s32 s23, s3;
	[sflag:s25] =	ssyncset.done $0x0  }
.Ltmp13:
0x357: {  	s10 =	simm.s32 $0xE150;
	[sflag:s25] =	ssyncadd.s32 $0xFFFFFE00;
	(pc) =	sbr.rel @p0 .LBB2_14-.Ltmp13, $4  }
0x358: {  	[hbm4b:s3+s12] =	stream.linear.scatter [tilespmem:s10], [sflag:$0x2], $0x200, $0x38;
	[tilespmem:$0xE350] =	vst v63  }
0x359: {  	_ =	swait.ge [sflag:s25], $0x200  }
0x35a: {  	[sflag:s25] =	ssyncset.done $0x0  }
0x35b: {  	s2 =	sadd.s32 $0x200, s2;
	[sflag:s25] =	ssyncadd.s32 $0xFFFFFE00  }
0x35c: {  	s2 =	rddreg [dreg:$0x16]  }
0x35d: {  	s1 =	rddreg [dreg:$0x15];
	s2 =	sadd.s32 $0x1, s2  }
0x35e: {  	p0 =	sne.s32 s2, s1  }
.Ltmp14:
0x35f: {  	_ = 	snop;
	(pc) =	sbr.rel @p0 .LBB2_1-.Ltmp14, $1  }
0x360: {  	_ =	sdelay $0x3  }
0x361: {  	_ =	sfence.sel $0x180000  }
0x362: {  	[bflag:$0x0] =	sbarrier.arrive $0xFFFF  }
0x363: {  	_ =	strace $0x90000047  }
0x364: {  	s0 =	stileid.u32;
	[bflag:$0x2] =	sbarrier.arrive $0xFFFF  }
0x365: {  	p0 =	sne.s32 s0, $0x0;
	s0 =	rddreg [dreg:$0x2]  }
0x366: {  	s0 =	sadd.s32 @!p0 $0x100000, s0  }
0x367: {  	[sflag:s0] =	ssyncadd.tile.s32 @!p0 $0x1;
	_ =	shalt  }
.Lfunc_end2:
_tile_overlayer_lowered:
.L_overlay_start_2:
0x368: {  	(tag) =	ssettag $0x2  }
0x369: {  	s0 =	rddreg [dreg:$0x0];
	s2 =	stileid.u32  }
0x36a: {  	s1 =	rddreg [dreg:$0x1];
	p0 =	sne.s32 s2, $0x0  }
0x36b: {  	s3 =	rddreg [dreg:$0x2];
	[bflag:$0x3] =	sbarrier.arrive $0xFFFF;
	s2 =	simm.s32 @!p0 $0x1C02  }
0x36c: {  	[timem:s3], [sflag:s2] =	dma.local @!p0 [hbm:s0], s1  }
0x36d: {  	s0 =	simm.s32 @!p0 $0x2  }
0x36e: {  	_ =	swait.ge @!p0 [sflag:s0], s1  }
0x36f: {  	s1 =	ssub.s32 @!p0 $0x0, s1;
	[sflag:s0] =	ssyncset.done @!p0 $0x0  }
0x370: {  	[sflag:s0] =	ssyncadd.s32 @!p0 s1  }
0x371: {  	[bflag:$0x3] =	sbarrier.arrive $0xFFFF  }
0x372: {  	_ =	shalt  }

</sc_bundles>
